<compile_context>
chip_gen: v7x
topology: tpu7x:2x2x1
jax: 0.10.2.dev20260603
libtpu: 0.0.44.dev20260713+nightly
codegen_flags: <defaults>
</compile_context>

<pallas_src>
import functools

import jax
import jax.numpy as jnp
import numpy as np
from jax import lax
from jax.experimental import pallas as pl
from jax.experimental.pallas import tpu as pltpu
from jax.experimental.pallas import tpu_sc as plsc

_N = 10000
_D = 128
_H = 16
_C = 40
_E = 320000
_W1 = 32

_NC = 2
_NS = 16
_NW = _NC * _NS
_M = 128
_R = 80
_EP = _NW * _R * _M
_NPAD = 10112
_STRIPE = _NPAD // _NS
_K = 8


def _tc_pre_body(x_ref, ws_ref, wn4_ref, b1_ref, c14_ref, xs_ref, xnf_ref):
    x = x_ref[...]
    xs_ref[...] = jnp.dot(x, ws_ref[...], preferred_element_type=jnp.float32) + b1_ref[...]
    y = jnp.dot(x, wn4_ref[...], preferred_element_type=jnp.float32) + c14_ref[...]
    grp = lax.broadcasted_iota(jnp.int32, (4, _M), 0)
    lane = lax.broadcasted_iota(jnp.int32, (4, _M), 1) // _W1
    mask = (grp == lane).astype(jnp.float32)
    y3 = y.reshape(_N // 4, 4, _M) * mask[None]
    xnf_ref[...] = y3[:, 0, :] + y3[:, 1, :] + y3[:, 2, :] + y3[:, 3, :]


def _tc_pre(x, wsT, wnT, b1r, c1r):
    return pl.pallas_call(
        _tc_pre_body,
        out_shape=[
            jax.ShapeDtypeStruct((_N, _H), jnp.float32),
            jax.ShapeDtypeStruct((_N * _W1 // _M, _M), jnp.float32),
        ],
    )(x, wsT, jnp.tile(wnT, (1, 4)), b1r, jnp.tile(c1r, (1, 4)))


def _sc_agg(table, src_rows, dst_rows, zeros, width):

    @functools.partial(
        pl.kernel,
        out_type=jax.ShapeDtypeStruct((_NC, _NPAD, width), jnp.float32),
        mesh=plsc.VectorSubcoreMesh(core_axis_name="c", subcore_axis_name="s"),
        compiler_params=pltpu.CompilerParams(use_tc_tiling_on_sc=False),
        scratch_types=[
            pltpu.VMEM((_R, _M), jnp.int32),
            pltpu.VMEM((_R, _M), jnp.int32),
            pltpu.VMEM((_K, _M, width), jnp.float32),
            pltpu.VMEM((_STRIPE, width), jnp.float32),
            pltpu.VMEM_SHARED((_NPAD, width), jnp.float32),
            [pltpu.SemaphoreType.DMA] * _K,
            [pltpu.SemaphoreType.DMA] * _K,
        ],
    )
    def agg(table_hbm, src_hbm, dst_hbm, z_hbm, out_hbm,
            src_v, dst_v, rows_v, strip_v, acc_sh, gsems, ssems):
        c = lax.axis_index("c")
        s = lax.axis_index("s")
        pltpu.sync_copy(z_hbm.at[pl.ds(s * _STRIPE, _STRIPE)], strip_v)
        pltpu.sync_copy(strip_v, acc_sh.at[pl.ds(s * _STRIPE, _STRIPE)])
        plsc.subcore_barrier()
        wid = s * _NC + c
        pltpu.sync_copy(src_hbm.at[pl.ds(wid * _R, _R)], src_v)
        pltpu.sync_copy(dst_hbm.at[pl.ds(wid * _R, _R)], dst_v)

        for b in range(_K):
            pltpu.async_copy(table_hbm.at[src_v.at[b]], rows_v.at[b], gsems[b])

        def pipe(g, carry):
            base = g * _K
            for b in range(_K):
                j = base + b
                pltpu.make_async_copy(
                    table_hbm.at[src_v.at[j]], rows_v.at[b], gsems[b]).wait()
                pltpu.async_copy(
                    rows_v.at[b], acc_sh.at[dst_v.at[j]], ssems[b], add=True)
            for b in range(_K):
                j = base + b
                pltpu.make_async_copy(
                    rows_v.at[b], acc_sh.at[dst_v.at[j]], ssems[b]).wait()
                pltpu.async_copy(
                    table_hbm.at[src_v.at[j + _K]], rows_v.at[b], gsems[b])
            return carry

        lax.fori_loop(0, _R // _K - 1, pipe, 0)
        base = _R - _K
        for b in range(_K):
            j = base + b
            pltpu.make_async_copy(
                table_hbm.at[src_v.at[j]], rows_v.at[b], gsems[b]).wait()
            pltpu.async_copy(
                rows_v.at[b], acc_sh.at[dst_v.at[j]], ssems[b], add=True)
        for b in range(_K):
            j = base + b
            pltpu.make_async_copy(
                rows_v.at[b], acc_sh.at[dst_v.at[j]], ssems[b]).wait()
        plsc.subcore_barrier()
        pltpu.sync_copy(acc_sh.at[pl.ds(s * _STRIPE, _STRIPE)], strip_v)
        pltpu.sync_copy(strip_v, out_hbm.at[c, pl.ds(s * _STRIPE, _STRIPE)])

    return agg(table, src_rows, dst_rows, zeros)


def _unpack_ym(pf, width):
    g = _M // width
    half = _NPAD * width // _M
    sf = pf[:half] + pf[half:]
    y = jnp.broadcast_to(sf[:, None, :], (half, g, _M)).reshape(_NPAD, _M)
    rowg = lax.broadcasted_iota(jnp.int32, (_NPAD, _M), 0) % g
    laneg = lax.broadcasted_iota(jnp.int32, (_NPAD, _M), 1) // width
    return jnp.where(rowg == laneg, y, 0.0)


def _coll(width):
    return (lax.broadcasted_iota(jnp.int32, (_M, width), 0) % width
            == lax.broadcasted_iota(jnp.int32, (_M, width), 1)).astype(jnp.float32)


def _tc_mid_body(xs_ref, p_ref, w2s_ref, b2t_ref, r8_ref, hf_ref, hst_ref):
    p = jnp.dot(_unpack_ym(p_ref[...], _W1), _coll(_W1),
                preferred_element_type=jnp.float32)[:_N]
    den = jnp.maximum(p[:, _H:_H + 1], 1.0)
    h = jnp.maximum(xs_ref[...] + p[:, :_H] / den, 0.0)
    y = jnp.dot(h, r8_ref[...], preferred_element_type=jnp.float32)
    grp = lax.broadcasted_iota(jnp.int32, (8, _M), 0)
    lane = lax.broadcasted_iota(jnp.int32, (8, _M), 1) // _H
    mask = (grp == lane).astype(jnp.float32)
    y3 = y.reshape(_N // 8, 8, _M) * mask[None]
    hf = y3[:, 0, :]
    for k in range(1, 8):
        hf = hf + y3[:, k, :]
    hf_ref[...] = hf
    hst_ref[...] = lax.dot_general(
        w2s_ref[...], h, (((1,), (1,)), ((), ())),
        preferred_element_type=jnp.float32) + b2t_ref[...]


def _tc_mid(xs, p32f, w2s, b2t, r8):
    return pl.pallas_call(
        _tc_mid_body,
        out_shape=[
            jax.ShapeDtypeStruct((_N * _H // _M, _M), jnp.float32),
            jax.ShapeDtypeStruct((_C, _N), jnp.float32),
        ],
    )(xs, p32f, w2s, b2t, r8)


def _tc_out_body(hst_ref, q_ref, p_ref, w2n_ref, sel_ref, o_ref):
    ymp = _unpack_ym(p_ref[...], _W1)
    cntt = lax.dot_general(sel_ref[...], ymp, (((1,), (1,)), ((), ())),
                           preferred_element_type=jnp.float32)[:, :_N]
    dent = jnp.maximum(cntt, 1.0)
    ymq = _unpack_ym(q_ref[...], _H)
    aggt = lax.dot_general(_coll(_H), ymq, (((0,), (1,)), ((), ())),
                           preferred_element_type=jnp.float32)[:, :_N]
    o_ref[...] = hst_ref[...] + jnp.dot(
        w2n_ref[...], aggt, preferred_element_type=jnp.float32) / dent


def _tc_out(hst, q16f, p32f, w2n, sel):
    return pl.pallas_call(
        _tc_out_body,
        out_shape=jax.ShapeDtypeStruct((_C, _N), jnp.float32),
    )(hst, q16f, p32f, w2n, sel)


_PAD_AR = np.arange(_EP - _E, dtype=np.int32)
_PAD_SRC = ((_PAD_AR * 127) % _N).reshape(-1, _M)
_PAD_DST = (_N + _PAD_AR % (_NPAD - _N)).reshape(-1, _M)


def kernel(x, edge_index, W1_self, W1_neigh, b1, W2_self, W2_neigh, b2):
    ei = edge_index.astype(jnp.int32)
    src_rows = jnp.concatenate([ei[0].reshape(_E // _M, _M), jnp.asarray(_PAD_SRC)])
    dst_rows = jnp.concatenate([ei[1].reshape(_E // _M, _M), jnp.asarray(_PAD_DST)])
    wsT = W1_self.T
    wnT = jnp.zeros((_D, _W1), jnp.float32).at[:, :_H].set(W1_neigh.T)
    c1 = jnp.zeros((1, _W1), jnp.float32).at[0, _H].set(1.0)
    z32 = jnp.zeros((_NPAD, _W1), jnp.float32)
    z16 = jnp.zeros((_NPAD, _H), jnp.float32)

    r8 = jnp.tile(jnp.eye(_H, dtype=jnp.float32), (1, _M // _H))
    sel = jnp.zeros((1, _M), jnp.float32).at[0, _H::_W1].set(1.0)

    xs, xnf = _tc_pre(x, wsT, wnT, b1.reshape(1, _H), c1)
    p32 = _sc_agg(xnf.reshape(_N, _W1), src_rows, dst_rows, z32, _W1)
    p32f = p32.reshape(_NC * _NPAD * _W1 // _M, _M)
    hf, hst = _tc_mid(xs, p32f, W2_self, b2.reshape(_C, 1), r8)
    q16 = _sc_agg(hf.reshape(_N, _H), src_rows, dst_rows, z16, _H)
    q16f = q16.reshape(_NC * _NPAD * _H // _M, _M)
    outt = _tc_out(hst, q16f, p32f, W2_neigh, sel)
    return outt.T

# --- scband reference (transcript-rebuilt; emitter-appended) ---
"""Pipeline reference for scband-graph-sagenet-69097433858679 (READ-ONLY COPY).

The authoritative reference and input builder live on the scoring server;
editing this copy changes nothing except your own understanding.
"""

import jax, jax.numpy as jnp
import numpy as np

N_NODES = 10000
D_FEAT = 128
HIDDEN = 16
N_CLASSES = 40
N_EDGES = 320000


def setup_inputs(seed: int = 0) -> dict:
    key = jax.random.key(seed)
    ks = jax.random.split(key, 8)
    x = jax.random.normal(ks[0], (N_NODES, D_FEAT), dtype=jnp.float32)
    edge_index = jax.random.randint(ks[1], (2, N_EDGES), 0, N_NODES, dtype=jnp.int64)
    # DGL SAGEConv('mean') parameters: fc_self (no bias), fc_neigh (no bias), shared bias
    s1 = 1.0 / np.sqrt(D_FEAT)
    W1_self = jax.random.uniform(ks[2], (HIDDEN, D_FEAT), dtype=jnp.float32, minval=-s1, maxval=s1)
    W1_neigh = jax.random.uniform(ks[3], (HIDDEN, D_FEAT), dtype=jnp.float32, minval=-s1, maxval=s1)
    b1 = jnp.zeros((HIDDEN,), dtype=jnp.float32)
    s2 = 1.0 / np.sqrt(HIDDEN)
    W2_self = jax.random.uniform(ks[4], (N_CLASSES, HIDDEN), dtype=jnp.float32, minval=-s2, maxval=s2)
    W2_neigh = jax.random.uniform(ks[5], (N_CLASSES, HIDDEN), dtype=jnp.float32, minval=-s2, maxval=s2)
    b2 = jnp.zeros((N_CLASSES,), dtype=jnp.float32)
    return {"x": x, "edge_index": edge_index, "W1_self": W1_self, "W1_neigh": W1_neigh, "b1": b1, "W2_self": W2_self, "W2_neigh": W2_neigh, "b2": b2}


def _sage_mean_layer(x, src, dst, W_self, W_neigh, b):
    # message: copy source features along edges (gather)
    msg = jnp.take(x, src, axis=0)
    # aggregate: mean over incoming edges per destination node (scatter-add)
    agg = jax.ops.segment_sum(msg, dst, num_segments=N_NODES)
    cnt = jax.ops.segment_sum(jnp.ones((src.shape[0],), dtype=x.dtype), dst, num_segments=N_NODES)
    denom = jnp.maximum(cnt, 1.0)[:, None]
    h_neigh = agg / denom  # isolated nodes get 0, matching DGL mean reducer
    return x @ W_self.T + h_neigh @ W_neigh.T + b


def reference(x, edge_index, W1_self, W1_neigh, b1, W2_self, W2_neigh, b2):
    src = edge_index[0]
    dst = edge_index[1]
    h = _sage_mean_layer(x, src, dst, W1_self, W1_neigh, b1)
    h = jax.nn.relu(h)
    # dropout is identity in eval mode
    out = _sage_mean_layer(h, src, dst, W2_self, W2_neigh, b2)
    return out

if __name__ == "__main__":
    import jax
    _d = setup_inputs()
    print(jax.jit(kernel)(*tuple(_d.values())))

</pallas_src>

<mosaic_0001>
#map = affine_map<(d0, d1) -> (0, 0)>
#map1 = affine_map<(d0, d1) -> (0, 0, 0)>
module attributes {stable_mosaic.version = 14 : i64} {
  func.func @agg(%arg0: i32, %arg1: i32, %arg2: memref<10000x32xf32, #tpu.memory_space<hbm>>, %arg3: memref<2560x128xi32, #tpu.memory_space<hbm>>, %arg4: memref<2560x128xi32, #tpu.memory_space<hbm>>, %arg5: memref<10112x32xf32, #tpu.memory_space<hbm>>, %arg6: memref<2x10112x32xf32, #tpu.memory_space<hbm>>, %arg7: memref<80x128xi32, #tpu.memory_space<vmem>>, %arg8: memref<80x128xi32, #tpu.memory_space<vmem>>, %arg9: memref<8x128x32xf32, #tpu.memory_space<vmem>>, %arg10: memref<632x32xf32, #tpu.memory_space<vmem>>, %arg11: memref<10112x32xf32, #tpu.memory_space<vmem_shared>>, %arg12: memref<!tpu.dma_semaphore, #tpu.memory_space<semaphore_mem>>, %arg13: memref<!tpu.dma_semaphore, #tpu.memory_space<semaphore_mem>>, %arg14: memref<!tpu.dma_semaphore, #tpu.memory_space<semaphore_mem>>, %arg15: memref<!tpu.dma_semaphore, #tpu.memory_space<semaphore_mem>>, %arg16: memref<!tpu.dma_semaphore, #tpu.memory_space<semaphore_mem>>, %arg17: memref<!tpu.dma_semaphore, #tpu.memory_space<semaphore_mem>>, %arg18: memref<!tpu.dma_semaphore, #tpu.memory_space<semaphore_mem>>, %arg19: memref<!tpu.dma_semaphore, #tpu.memory_space<semaphore_mem>>, %arg20: memref<!tpu.dma_semaphore, #tpu.memory_space<semaphore_mem>>, %arg21: memref<!tpu.dma_semaphore, #tpu.memory_space<semaphore_mem>>, %arg22: memref<!tpu.dma_semaphore, #tpu.memory_space<semaphore_mem>>, %arg23: memref<!tpu.dma_semaphore, #tpu.memory_space<semaphore_mem>>, %arg24: memref<!tpu.dma_semaphore, #tpu.memory_space<semaphore_mem>>, %arg25: memref<!tpu.dma_semaphore, #tpu.memory_space<semaphore_mem>>, %arg26: memref<!tpu.dma_semaphore, #tpu.memory_space<semaphore_mem>>, %arg27: memref<!tpu.dma_semaphore, #tpu.memory_space<semaphore_mem>>) attributes {dimension_semantics = [#tpu.dimension_semantics<core_parallel>, #tpu.dimension_semantics<subcore_parallel>], iteration_bounds = array<i64: 2, 16>, scalar_prefetch = 0 : i64, scratch_operands = 21 : i64, tpu.core_type = #tpu.core_type<sc_vector_subcore>, window_params = [{transform_indices = #map}, {transform_indices = #map}, {transform_indices = #map}, {transform_indices = #map}, {transform_indices = #map1}]} {
    %mul3A = arith.constant 632 : i32
    %mul3A_0 = arith.muli %arg1, %mul3A : i32
    "tpu.region"() ({
      %run_scoped3A = tpu.sem_alloc : memref<!tpu.dma_semaphore, #tpu.memory_space<semaphore_mem>>
      %dma_start3A_401 = arith.constant 0 : i32
      %dma_start3A_402 = tpu.memref_slice %arg5[%mul3A_0, %dma_start3A_401] : memref<10112x32xf32, #tpu.memory_space<hbm>> -> memref<632x32xf32, #tpu.memory_space<hbm>>
      %dma_start3A_403 = arith.constant 0 : i32
      %dma_start3A_404 = tpu.memref_slice %arg5[%mul3A_0, %dma_start3A_403] : memref<10112x32xf32, #tpu.memory_space<hbm>> -> memref<632x32xf32, #tpu.memory_space<hbm>>
      tpu.enqueue_dma source(%dma_start3A_404 : memref<632x32xf32, #tpu.memory_space<hbm>>) target(%arg10 : memref<632x32xf32, #tpu.memory_space<vmem>>) target_semaphore(%run_scoped3A : memref<!tpu.dma_semaphore, #tpu.memory_space<semaphore_mem>>)
      %dma_wait3A_405 = arith.constant 0 : i32
      %dma_wait3A_406 = tpu.memref_slice %arg5[%mul3A_0, %dma_wait3A_405] : memref<10112x32xf32, #tpu.memory_space<hbm>> -> memref<632x32xf32, #tpu.memory_space<hbm>>
      %dma_wait3A_407 = arith.constant 0 : i32
      %dma_wait3A_408 = tpu.memref_slice %arg5[%mul3A_0, %dma_wait3A_407] : memref<10112x32xf32, #tpu.memory_space<hbm>> -> memref<632x32xf32, #tpu.memory_space<hbm>>
      tpu.wait_dma2 semaphore(%run_scoped3A : memref<!tpu.dma_semaphore, #tpu.memory_space<semaphore_mem>>) src(%dma_wait3A_408 : memref<632x32xf32, #tpu.memory_space<hbm>>) dst(%arg10 : memref<632x32xf32, #tpu.memory_space<vmem>>)
      tpu.yield
    }) : () -> ()
    %mul3A_1 = arith.constant 632 : i32
    %mul3A_2 = arith.muli %arg1, %mul3A_1 : i32
    "tpu.region"() ({
      %run_scoped3A = tpu.sem_alloc : memref<!tpu.dma_semaphore, #tpu.memory_space<semaphore_mem>>
      %dma_start3A_401 = arith.constant 0 : i32
      %dma_start3A_402 = tpu.memref_slice %arg11[%mul3A_2, %dma_start3A_401] : memref<10112x32xf32, #tpu.memory_space<vmem_shared>> -> memref<632x32xf32, #tpu.memory_space<vmem_shared>>
      %dma_start3A_403 = arith.constant 0 : i32
      %dma_start3A_404 = tpu.memref_slice %arg11[%mul3A_2, %dma_start3A_403] : memref<10112x32xf32, #tpu.memory_space<vmem_shared>> -> memref<632x32xf32, #tpu.memory_space<vmem_shared>>
      tpu.enqueue_dma source(%arg10 : memref<632x32xf32, #tpu.memory_space<vmem>>) target(%dma_start3A_404 : memref<632x32xf32, #tpu.memory_space<vmem_shared>>) target_semaphore(%run_scoped3A : memref<!tpu.dma_semaphore, #tpu.memory_space<semaphore_mem>>)
      %dma_wait3A_405 = arith.constant 0 : i32
      %dma_wait3A_406 = tpu.memref_slice %arg11[%mul3A_2, %dma_wait3A_405] : memref<10112x32xf32, #tpu.memory_space<vmem_shared>> -> memref<632x32xf32, #tpu.memory_space<vmem_shared>>
      %dma_wait3A_407 = arith.constant 0 : i32
      %dma_wait3A_408 = tpu.memref_slice %arg11[%mul3A_2, %dma_wait3A_407] : memref<10112x32xf32, #tpu.memory_space<vmem_shared>> -> memref<632x32xf32, #tpu.memory_space<vmem_shared>>
      tpu.wait_dma2 semaphore(%run_scoped3A : memref<!tpu.dma_semaphore, #tpu.memory_space<semaphore_mem>>) src(%arg10 : memref<632x32xf32, #tpu.memory_space<vmem>>) dst(%dma_wait3A_408 : memref<632x32xf32, #tpu.memory_space<vmem_shared>>)
      tpu.yield
    }) : () -> ()
    %barrier3A = arith.constant 0 : index
    tpu.barrier barrier_id(%barrier3A)
    %mul3A_3 = arith.constant 2 : i32
    %mul3A_4 = arith.muli %arg1, %mul3A_3 : i32
    %add3A = arith.addi %mul3A_4, %arg0 : i32
    %mul3A_5 = arith.constant 80 : i32
    %mul3A_6 = arith.muli %add3A, %mul3A_5 : i32
    "tpu.region"() ({
      %run_scoped3A = tpu.sem_alloc : memref<!tpu.dma_semaphore, #tpu.memory_space<semaphore_mem>>
      %dma_start3A_401 = arith.constant 0 : i32
      %dma_start3A_402 = tpu.memref_slice %arg3[%mul3A_6, %dma_start3A_401] : memref<2560x128xi32, #tpu.memory_space<hbm>> -> memref<80x128xi32, #tpu.memory_space<hbm>>
      %dma_start3A_403 = arith.constant 0 : i32
      %dma_start3A_404 = tpu.memref_slice %arg3[%mul3A_6, %dma_start3A_403] : memref<2560x128xi32, #tpu.memory_space<hbm>> -> memref<80x128xi32, #tpu.memory_space<hbm>>
      tpu.enqueue_dma source(%dma_start3A_404 : memref<80x128xi32, #tpu.memory_space<hbm>>) target(%arg7 : memref<80x128xi32, #tpu.memory_space<vmem>>) target_semaphore(%run_scoped3A : memref<!tpu.dma_semaphore, #tpu.memory_space<semaphore_mem>>)
      %dma_wait3A_405 = arith.constant 0 : i32
      %dma_wait3A_406 = tpu.memref_slice %arg3[%mul3A_6, %dma_wait3A_405] : memref<2560x128xi32, #tpu.memory_space<hbm>> -> memref<80x128xi32, #tpu.memory_space<hbm>>
      %dma_wait3A_407 = arith.constant 0 : i32
      %dma_wait3A_408 = tpu.memref_slice %arg3[%mul3A_6, %dma_wait3A_407] : memref<2560x128xi32, #tpu.memory_space<hbm>> -> memref<80x128xi32, #tpu.memory_space<hbm>>
      tpu.wait_dma2 semaphore(%run_scoped3A : memref<!tpu.dma_semaphore, #tpu.memory_space<semaphore_mem>>) src(%dma_wait3A_408 : memref<80x128xi32, #tpu.memory_space<hbm>>) dst(%arg7 : memref<80x128xi32, #tpu.memory_space<vmem>>)
      tpu.yield
    }) : () -> ()
    %mul3A_7 = arith.constant 80 : i32
    %mul3A_8 = arith.muli %add3A, %mul3A_7 : i32
    "tpu.region"() ({
      %run_scoped3A = tpu.sem_alloc : memref<!tpu.dma_semaphore, #tpu.memory_space<semaphore_mem>>
      %dma_start3A_401 = arith.constant 0 : i32
      %dma_start3A_402 = tpu.memref_slice %arg4[%mul3A_8, %dma_start3A_401] : memref<2560x128xi32, #tpu.memory_space<hbm>> -> memref<80x128xi32, #tpu.memory_space<hbm>>
      %dma_start3A_403 = arith.constant 0 : i32
      %dma_start3A_404 = tpu.memref_slice %arg4[%mul3A_8, %dma_start3A_403] : memref<2560x128xi32, #tpu.memory_space<hbm>> -> memref<80x128xi32, #tpu.memory_space<hbm>>
      tpu.enqueue_dma source(%dma_start3A_404 : memref<80x128xi32, #tpu.memory_space<hbm>>) target(%arg8 : memref<80x128xi32, #tpu.memory_space<vmem>>) target_semaphore(%run_scoped3A : memref<!tpu.dma_semaphore, #tpu.memory_space<semaphore_mem>>)
      %dma_wait3A_405 = arith.constant 0 : i32
      %dma_wait3A_406 = tpu.memref_slice %arg4[%mul3A_8, %dma_wait3A_405] : memref<2560x128xi32, #tpu.memory_space<hbm>> -> memref<80x128xi32, #tpu.memory_space<hbm>>
      %dma_wait3A_407 = arith.constant 0 : i32
      %dma_wait3A_408 = tpu.memref_slice %arg4[%mul3A_8, %dma_wait3A_407] : memref<2560x128xi32, #tpu.memory_space<hbm>> -> memref<80x128xi32, #tpu.memory_space<hbm>>
      tpu.wait_dma2 semaphore(%run_scoped3A : memref<!tpu.dma_semaphore, #tpu.memory_space<semaphore_mem>>) src(%dma_wait3A_408 : memref<80x128xi32, #tpu.memory_space<hbm>>) dst(%arg8 : memref<80x128xi32, #tpu.memory_space<vmem>>)
      tpu.yield
    }) : () -> ()
    %dma_start3A = arith.constant 0 : i32
    %dma_start3A_9 = arith.constant 0 : i32
    %dma_start3A_10 = arith.constant 0 : i32
    %dma_start3A_11 = arith.constant 0 : i32
    %dma_start3A_12 = tpu.memref_slice %arg9[%dma_start3A_9, %dma_start3A_10, %dma_start3A_11] : memref<8x128x32xf32, #tpu.memory_space<vmem>> -> memref<1x128x32xf32, #tpu.memory_space<vmem>>
    %dma_start3A_13 = tpu.memref_squeeze %dma_start3A_12 : memref<1x128x32xf32, #tpu.memory_space<vmem>> -> memref<128x32xf32, #tpu.memory_space<vmem>>
    %dma_start3A_14 = arith.constant 0 : i32
    %dma_start3A_15 = tpu.memref_slice %arg7[%dma_start3A, %dma_start3A_14] : memref<80x128xi32, #tpu.memory_space<vmem>> -> memref<1x128xi32, #tpu.memory_space<vmem>>
    %dma_start3A_16 = tpu.memref_squeeze %dma_start3A_15 : memref<1x128xi32, #tpu.memory_space<vmem>> -> memref<128xi32, #tpu.memory_space<vmem>>
    %dma_start3A_17 = arith.constant 0 : i32
    %dma_start3A_18 = arith.constant 0 : i32
    %dma_start3A_19 = tpu.memref_slice %arg2[%dma_start3A_17, %dma_start3A_18] : memref<10000x32xf32, #tpu.memory_space<hbm>> -> memref<10000x32xf32, #tpu.memory_space<hbm>>
    tpu.enqueue_indirect_dma source(%dma_start3A_19 : memref<10000x32xf32, #tpu.memory_space<hbm>>) target(%dma_start3A_13 : memref<128x32xf32, #tpu.memory_space<vmem>>) offsets(%dma_start3A_16 : memref<128xi32, #tpu.memory_space<vmem>>) semaphore(%arg12 : memref<!tpu.dma_semaphore, #tpu.memory_space<semaphore_mem>>)
    %dma_start3A_20 = arith.constant 1 : i32
    %dma_start3A_21 = arith.constant 1 : i32
    %dma_start3A_22 = arith.constant 0 : i32
    %dma_start3A_23 = arith.constant 0 : i32
    %dma_start3A_24 = tpu.memref_slice %arg9[%dma_start3A_21, %dma_start3A_22, %dma_start3A_23] : memref<8x128x32xf32, #tpu.memory_space<vmem>> -> memref<1x128x32xf32, #tpu.memory_space<vmem>>
    %dma_start3A_25 = tpu.memref_squeeze %dma_start3A_24 : memref<1x128x32xf32, #tpu.memory_space<vmem>> -> memref<128x32xf32, #tpu.memory_space<vmem>>
    %dma_start3A_26 = arith.constant 0 : i32
    %dma_start3A_27 = tpu.memref_slice %arg7[%dma_start3A_20, %dma_start3A_26] : memref<80x128xi32, #tpu.memory_space<vmem>> -> memref<1x128xi32, #tpu.memory_space<vmem>>
    %dma_start3A_28 = tpu.memref_squeeze %dma_start3A_27 : memref<1x128xi32, #tpu.memory_space<vmem>> -> memref<128xi32, #tpu.memory_space<vmem>>
    %dma_start3A_29 = arith.constant 0 : i32
    %dma_start3A_30 = arith.constant 0 : i32
    %dma_start3A_31 = tpu.memref_slice %arg2[%dma_start3A_29, %dma_start3A_30] : memref<10000x32xf32, #tpu.memory_space<hbm>> -> memref<10000x32xf32, #tpu.memory_space<hbm>>
    tpu.enqueue_indirect_dma source(%dma_start3A_31 : memref<10000x32xf32, #tpu.memory_space<hbm>>) target(%dma_start3A_25 : memref<128x32xf32, #tpu.memory_space<vmem>>) offsets(%dma_start3A_28 : memref<128xi32, #tpu.memory_space<vmem>>) semaphore(%arg13 : memref<!tpu.dma_semaphore, #tpu.memory_space<semaphore_mem>>)
    %dma_start3A_32 = arith.constant 2 : i32
    %dma_start3A_33 = arith.constant 2 : i32
    %dma_start3A_34 = arith.constant 0 : i32
    %dma_start3A_35 = arith.constant 0 : i32
    %dma_start3A_36 = tpu.memref_slice %arg9[%dma_start3A_33, %dma_start3A_34, %dma_start3A_35] : memref<8x128x32xf32, #tpu.memory_space<vmem>> -> memref<1x128x32xf32, #tpu.memory_space<vmem>>
    %dma_start3A_37 = tpu.memref_squeeze %dma_start3A_36 : memref<1x128x32xf32, #tpu.memory_space<vmem>> -> memref<128x32xf32, #tpu.memory_space<vmem>>
    %dma_start3A_38 = arith.constant 0 : i32
    %dma_start3A_39 = tpu.memref_slice %arg7[%dma_start3A_32, %dma_start3A_38] : memref<80x128xi32, #tpu.memory_space<vmem>> -> memref<1x128xi32, #tpu.memory_space<vmem>>
    %dma_start3A_40 = tpu.memref_squeeze %dma_start3A_39 : memref<1x128xi32, #tpu.memory_space<vmem>> -> memref<128xi32, #tpu.memory_space<vmem>>
    %dma_start3A_41 = arith.constant 0 : i32
    %dma_start3A_42 = arith.constant 0 : i32
    %dma_start3A_43 = tpu.memref_slice %arg2[%dma_start3A_41, %dma_start3A_42] : memref<10000x32xf32, #tpu.memory_space<hbm>> -> memref<10000x32xf32, #tpu.memory_space<hbm>>
    tpu.enqueue_indirect_dma source(%dma_start3A_43 : memref<10000x32xf32, #tpu.memory_space<hbm>>) target(%dma_start3A_37 : memref<128x32xf32, #tpu.memory_space<vmem>>) offsets(%dma_start3A_40 : memref<128xi32, #tpu.memory_space<vmem>>) semaphore(%arg14 : memref<!tpu.dma_semaphore, #tpu.memory_space<semaphore_mem>>)
    %dma_start3A_44 = arith.constant 3 : i32
    %dma_start3A_45 = arith.constant 3 : i32
    %dma_start3A_46 = arith.constant 0 : i32
    %dma_start3A_47 = arith.constant 0 : i32
    %dma_start3A_48 = tpu.memref_slice %arg9[%dma_start3A_45, %dma_start3A_46, %dma_start3A_47] : memref<8x128x32xf32, #tpu.memory_space<vmem>> -> memref<1x128x32xf32, #tpu.memory_space<vmem>>
    %dma_start3A_49 = tpu.memref_squeeze %dma_start3A_48 : memref<1x128x32xf32, #tpu.memory_space<vmem>> -> memref<128x32xf32, #tpu.memory_space<vmem>>
    %dma_start3A_50 = arith.constant 0 : i32
    %dma_start3A_51 = tpu.memref_slice %arg7[%dma_start3A_44, %dma_start3A_50] : memref<80x128xi32, #tpu.memory_space<vmem>> -> memref<1x128xi32, #tpu.memory_space<vmem>>
    %dma_start3A_52 = tpu.memref_squeeze %dma_start3A_51 : memref<1x128xi32, #tpu.memory_space<vmem>> -> memref<128xi32, #tpu.memory_space<vmem>>
    %dma_start3A_53 = arith.constant 0 : i32
    %dma_start3A_54 = arith.constant 0 : i32
    %dma_start3A_55 = tpu.memref_slice %arg2[%dma_start3A_53, %dma_start3A_54] : memref<10000x32xf32, #tpu.memory_space<hbm>> -> memref<10000x32xf32, #tpu.memory_space<hbm>>
    tpu.enqueue_indirect_dma source(%dma_start3A_55 : memref<10000x32xf32, #tpu.memory_space<hbm>>) target(%dma_start3A_49 : memref<128x32xf32, #tpu.memory_space<vmem>>) offsets(%dma_start3A_52 : memref<128xi32, #tpu.memory_space<vmem>>) semaphore(%arg15 : memref<!tpu.dma_semaphore, #tpu.memory_space<semaphore_mem>>)
    %dma_start3A_56 = arith.constant 4 : i32
    %dma_start3A_57 = arith.constant 4 : i32
    %dma_start3A_58 = arith.constant 0 : i32
    %dma_start3A_59 = arith.constant 0 : i32
    %dma_start3A_60 = tpu.memref_slice %arg9[%dma_start3A_57, %dma_start3A_58, %dma_start3A_59] : memref<8x128x32xf32, #tpu.memory_space<vmem>> -> memref<1x128x32xf32, #tpu.memory_space<vmem>>
    %dma_start3A_61 = tpu.memref_squeeze %dma_start3A_60 : memref<1x128x32xf32, #tpu.memory_space<vmem>> -> memref<128x32xf32, #tpu.memory_space<vmem>>
    %dma_start3A_62 = arith.constant 0 : i32
    %dma_start3A_63 = tpu.memref_slice %arg7[%dma_start3A_56, %dma_start3A_62] : memref<80x128xi32, #tpu.memory_space<vmem>> -> memref<1x128xi32, #tpu.memory_space<vmem>>
    %dma_start3A_64 = tpu.memref_squeeze %dma_start3A_63 : memref<1x128xi32, #tpu.memory_space<vmem>> -> memref<128xi32, #tpu.memory_space<vmem>>
    %dma_start3A_65 = arith.constant 0 : i32
    %dma_start3A_66 = arith.constant 0 : i32
    %dma_start3A_67 = tpu.memref_slice %arg2[%dma_start3A_65, %dma_start3A_66] : memref<10000x32xf32, #tpu.memory_space<hbm>> -> memref<10000x32xf32, #tpu.memory_space<hbm>>
    tpu.enqueue_indirect_dma source(%dma_start3A_67 : memref<10000x32xf32, #tpu.memory_space<hbm>>) target(%dma_start3A_61 : memref<128x32xf32, #tpu.memory_space<vmem>>) offsets(%dma_start3A_64 : memref<128xi32, #tpu.memory_space<vmem>>) semaphore(%arg16 : memref<!tpu.dma_semaphore, #tpu.memory_space<semaphore_mem>>)
    %dma_start3A_68 = arith.constant 5 : i32
    %dma_start3A_69 = arith.constant 5 : i32
    %dma_start3A_70 = arith.constant 0 : i32
    %dma_start3A_71 = arith.constant 0 : i32
    %dma_start3A_72 = tpu.memref_slice %arg9[%dma_start3A_69, %dma_start3A_70, %dma_start3A_71] : memref<8x128x32xf32, #tpu.memory_space<vmem>> -> memref<1x128x32xf32, #tpu.memory_space<vmem>>
    %dma_start3A_73 = tpu.memref_squeeze %dma_start3A_72 : memref<1x128x32xf32, #tpu.memory_space<vmem>> -> memref<128x32xf32, #tpu.memory_space<vmem>>
    %dma_start3A_74 = arith.constant 0 : i32
    %dma_start3A_75 = tpu.memref_slice %arg7[%dma_start3A_68, %dma_start3A_74] : memref<80x128xi32, #tpu.memory_space<vmem>> -> memref<1x128xi32, #tpu.memory_space<vmem>>
    %dma_start3A_76 = tpu.memref_squeeze %dma_start3A_75 : memref<1x128xi32, #tpu.memory_space<vmem>> -> memref<128xi32, #tpu.memory_space<vmem>>
    %dma_start3A_77 = arith.constant 0 : i32
    %dma_start3A_78 = arith.constant 0 : i32
    %dma_start3A_79 = tpu.memref_slice %arg2[%dma_start3A_77, %dma_start3A_78] : memref<10000x32xf32, #tpu.memory_space<hbm>> -> memref<10000x32xf32, #tpu.memory_space<hbm>>
    tpu.enqueue_indirect_dma source(%dma_start3A_79 : memref<10000x32xf32, #tpu.memory_space<hbm>>) target(%dma_start3A_73 : memref<128x32xf32, #tpu.memory_space<vmem>>) offsets(%dma_start3A_76 : memref<128xi32, #tpu.memory_space<vmem>>) semaphore(%arg17 : memref<!tpu.dma_semaphore, #tpu.memory_space<semaphore_mem>>)
    %dma_start3A_80 = arith.constant 6 : i32
    %dma_start3A_81 = arith.constant 6 : i32
    %dma_start3A_82 = arith.constant 0 : i32
    %dma_start3A_83 = arith.constant 0 : i32
    %dma_start3A_84 = tpu.memref_slice %arg9[%dma_start3A_81, %dma_start3A_82, %dma_start3A_83] : memref<8x128x32xf32, #tpu.memory_space<vmem>> -> memref<1x128x32xf32, #tpu.memory_space<vmem>>
    %dma_start3A_85 = tpu.memref_squeeze %dma_start3A_84 : memref<1x128x32xf32, #tpu.memory_space<vmem>> -> memref<128x32xf32, #tpu.memory_space<vmem>>
    %dma_start3A_86 = arith.constant 0 : i32
    %dma_start3A_87 = tpu.memref_slice %arg7[%dma_start3A_80, %dma_start3A_86] : memref<80x128xi32, #tpu.memory_space<vmem>> -> memref<1x128xi32, #tpu.memory_space<vmem>>
    %dma_start3A_88 = tpu.memref_squeeze %dma_start3A_87 : memref<1x128xi32, #tpu.memory_space<vmem>> -> memref<128xi32, #tpu.memory_space<vmem>>
    %dma_start3A_89 = arith.constant 0 : i32
    %dma_start3A_90 = arith.constant 0 : i32
    %dma_start3A_91 = tpu.memref_slice %arg2[%dma_start3A_89, %dma_start3A_90] : memref<10000x32xf32, #tpu.memory_space<hbm>> -> memref<10000x32xf32, #tpu.memory_space<hbm>>
    tpu.enqueue_indirect_dma source(%dma_start3A_91 : memref<10000x32xf32, #tpu.memory_space<hbm>>) target(%dma_start3A_85 : memref<128x32xf32, #tpu.memory_space<vmem>>) offsets(%dma_start3A_88 : memref<128xi32, #tpu.memory_space<vmem>>) semaphore(%arg18 : memref<!tpu.dma_semaphore, #tpu.memory_space<semaphore_mem>>)
    %dma_start3A_92 = arith.constant 7 : i32
    %dma_start3A_93 = arith.constant 7 : i32
    %dma_start3A_94 = arith.constant 0 : i32
    %dma_start3A_95 = arith.constant 0 : i32
    %dma_start3A_96 = tpu.memref_slice %arg9[%dma_start3A_93, %dma_start3A_94, %dma_start3A_95] : memref<8x128x32xf32, #tpu.memory_space<vmem>> -> memref<1x128x32xf32, #tpu.memory_space<vmem>>
    %dma_start3A_97 = tpu.memref_squeeze %dma_start3A_96 : memref<1x128x32xf32, #tpu.memory_space<vmem>> -> memref<128x32xf32, #tpu.memory_space<vmem>>
    %dma_start3A_98 = arith.constant 0 : i32
    %dma_start3A_99 = tpu.memref_slice %arg7[%dma_start3A_92, %dma_start3A_98] : memref<80x128xi32, #tpu.memory_space<vmem>> -> memref<1x128xi32, #tpu.memory_space<vmem>>
    %dma_start3A_100 = tpu.memref_squeeze %dma_start3A_99 : memref<1x128xi32, #tpu.memory_space<vmem>> -> memref<128xi32, #tpu.memory_space<vmem>>
    %dma_start3A_101 = arith.constant 0 : i32
    %dma_start3A_102 = arith.constant 0 : i32
    %dma_start3A_103 = tpu.memref_slice %arg2[%dma_start3A_101, %dma_start3A_102] : memref<10000x32xf32, #tpu.memory_space<hbm>> -> memref<10000x32xf32, #tpu.memory_space<hbm>>
    tpu.enqueue_indirect_dma source(%dma_start3A_103 : memref<10000x32xf32, #tpu.memory_space<hbm>>) target(%dma_start3A_97 : memref<128x32xf32, #tpu.memory_space<vmem>>) offsets(%dma_start3A_100 : memref<128xi32, #tpu.memory_space<vmem>>) semaphore(%arg19 : memref<!tpu.dma_semaphore, #tpu.memory_space<semaphore_mem>>)
    %scan3A = arith.constant 0 : i32
    %scan3A_104 = arith.constant 0 : i32
    %scan3A_105 = arith.constant 9 : i32
    %scan3A_106 = arith.addi %scan3A_104, %scan3A_105 : i32
    %scan3A_107 = arith.constant 1 : i32
    scf.for %scan3A_401 = %scan3A_104 to %scan3A_106 step %scan3A_107  : i32 {
      %mul3A_402 = arith.constant 8 : i32
      %mul3A_403 = arith.muli %scan3A_401, %mul3A_402 : i32
      %add3A_404 = arith.constant 0 : i32
      %add3A_405 = arith.addi %mul3A_403, %add3A_404 : i32
      %dma_wait3A_406 = arith.constant 0 : i32
      %dma_wait3A_407 = arith.constant 0 : i32
      %dma_wait3A_408 = arith.constant 0 : i32
      %dma_wait3A_409 = tpu.memref_slice %arg9[%dma_wait3A_406, %dma_wait3A_407, %dma_wait3A_408] : memref<8x128x32xf32, #tpu.memory_space<vmem>> -> memref<1x128x32xf32, #tpu.memory_space<vmem>>
      %dma_wait3A_410 = tpu.memref_squeeze %dma_wait3A_409 : memref<1x128x32xf32, #tpu.memory_space<vmem>> -> memref<128x32xf32, #tpu.memory_space<vmem>>
      %dma_wait3A_411 = arith.constant 0 : i32
      %dma_wait3A_412 = tpu.memref_slice %arg7[%add3A_405, %dma_wait3A_411] : memref<80x128xi32, #tpu.memory_space<vmem>> -> memref<1x128xi32, #tpu.memory_space<vmem>>
      %dma_wait3A_413 = tpu.memref_squeeze %dma_wait3A_412 : memref<1x128xi32, #tpu.memory_space<vmem>> -> memref<128xi32, #tpu.memory_space<vmem>>
      %dma_wait3A_414 = arith.constant 0 : i32
      %dma_wait3A_415 = arith.constant 0 : i32
      %dma_wait3A_416 = tpu.memref_slice %arg2[%dma_wait3A_414, %dma_wait3A_415] : memref<10000x32xf32, #tpu.memory_space<hbm>> -> memref<10000x32xf32, #tpu.memory_space<hbm>>
      tpu.wait_indirect_dma semaphore(%arg12 : memref<!tpu.dma_semaphore, #tpu.memory_space<semaphore_mem>>) src(%dma_wait3A_416 : memref<10000x32xf32, #tpu.memory_space<hbm>>) dst(%dma_wait3A_410 : memref<128x32xf32, #tpu.memory_space<vmem>>)
      %dma_start3A_417 = arith.constant 0 : i32
      %dma_start3A_418 = arith.constant 0 : i32
      %dma_start3A_419 = arith.constant 0 : i32
      %dma_start3A_420 = tpu.memref_slice %arg9[%dma_start3A_417, %dma_start3A_418, %dma_start3A_419] : memref<8x128x32xf32, #tpu.memory_space<vmem>> -> memref<1x128x32xf32, #tpu.memory_space<vmem>>
      %dma_start3A_421 = tpu.memref_squeeze %dma_start3A_420 : memref<1x128x32xf32, #tpu.memory_space<vmem>> -> memref<128x32xf32, #tpu.memory_space<vmem>>
      %dma_start3A_422 = arith.constant 0 : i32
      %dma_start3A_423 = tpu.memref_slice %arg8[%add3A_405, %dma_start3A_422] : memref<80x128xi32, #tpu.memory_space<vmem>> -> memref<1x128xi32, #tpu.memory_space<vmem>>
      %dma_start3A_424 = tpu.memref_squeeze %dma_start3A_423 : memref<1x128xi32, #tpu.memory_space<vmem>> -> memref<128xi32, #tpu.memory_space<vmem>>
      %dma_start3A_425 = arith.constant 0 : i32
      %dma_start3A_426 = arith.constant 0 : i32
      %dma_start3A_427 = tpu.memref_slice %arg11[%dma_start3A_425, %dma_start3A_426] : memref<10112x32xf32, #tpu.memory_space<vmem_shared>> -> memref<10112x32xf32, #tpu.memory_space<vmem_shared>>
      tpu.enqueue_indirect_dma source(%dma_start3A_421 : memref<128x32xf32, #tpu.memory_space<vmem>>) target(%dma_start3A_427 : memref<10112x32xf32, #tpu.memory_space<vmem_shared>>) offsets(%dma_start3A_424 : memref<128xi32, #tpu.memory_space<vmem>>) semaphore(%arg20 : memref<!tpu.dma_semaphore, #tpu.memory_space<semaphore_mem>>) {add = true}
      %add3A_428 = arith.constant 1 : i32
      %add3A_429 = arith.addi %mul3A_403, %add3A_428 : i32
      %dma_wait3A_430 = arith.constant 1 : i32
      %dma_wait3A_431 = arith.constant 0 : i32
      %dma_wait3A_432 = arith.constant 0 : i32
      %dma_wait3A_433 = tpu.memref_slice %arg9[%dma_wait3A_430, %dma_wait3A_431, %dma_wait3A_432] : memref<8x128x32xf32, #tpu.memory_space<vmem>> -> memref<1x128x32xf32, #tpu.memory_space<vmem>>
      %dma_wait3A_434 = tpu.memref_squeeze %dma_wait3A_433 : memref<1x128x32xf32, #tpu.memory_space<vmem>> -> memref<128x32xf32, #tpu.memory_space<vmem>>
      %dma_wait3A_435 = arith.constant 0 : i32
      %dma_wait3A_436 = tpu.memref_slice %arg7[%add3A_429, %dma_wait3A_435] : memref<80x128xi32, #tpu.memory_space<vmem>> -> memref<1x128xi32, #tpu.memory_space<vmem>>
      %dma_wait3A_437 = tpu.memref_squeeze %dma_wait3A_436 : memref<1x128xi32, #tpu.memory_space<vmem>> -> memref<128xi32, #tpu.memory_space<vmem>>
      %dma_wait3A_438 = arith.constant 0 : i32
      %dma_wait3A_439 = arith.constant 0 : i32
      %dma_wait3A_440 = tpu.memref_slice %arg2[%dma_wait3A_438, %dma_wait3A_439] : memref<10000x32xf32, #tpu.memory_space<hbm>> -> memref<10000x32xf32, #tpu.memory_space<hbm>>
      tpu.wait_indirect_dma semaphore(%arg13 : memref<!tpu.dma_semaphore, #tpu.memory_space<semaphore_mem>>) src(%dma_wait3A_440 : memref<10000x32xf32, #tpu.memory_space<hbm>>) dst(%dma_wait3A_434 : memref<128x32xf32, #tpu.memory_space<vmem>>)
      %dma_start3A_441 = arith.constant 1 : i32
      %dma_start3A_442 = arith.constant 0 : i32
      %dma_start3A_443 = arith.constant 0 : i32
      %dma_start3A_444 = tpu.memref_slice %arg9[%dma_start3A_441, %dma_start3A_442, %dma_start3A_443] : memref<8x128x32xf32, #tpu.memory_space<vmem>> -> memref<1x128x32xf32, #tpu.memory_space<vmem>>
      %dma_start3A_445 = tpu.memref_squeeze %dma_start3A_444 : memref<1x128x32xf32, #tpu.memory_space<vmem>> -> memref<128x32xf32, #tpu.memory_space<vmem>>
      %dma_start3A_446 = arith.constant 0 : i32
      %dma_start3A_447 = tpu.memref_slice %arg8[%add3A_429, %dma_start3A_446] : memref<80x128xi32, #tpu.memory_space<vmem>> -> memref<1x128xi32, #tpu.memory_space<vmem>>
      %dma_start3A_448 = tpu.memref_squeeze %dma_start3A_447 : memref<1x128xi32, #tpu.memory_space<vmem>> -> memref<128xi32, #tpu.memory_space<vmem>>
      %dma_start3A_449 = arith.constant 0 : i32
      %dma_start3A_450 = arith.constant 0 : i32
      %dma_start3A_451 = tpu.memref_slice %arg11[%dma_start3A_449, %dma_start3A_450] : memref<10112x32xf32, #tpu.memory_space<vmem_shared>> -> memref<10112x32xf32, #tpu.memory_space<vmem_shared>>
      tpu.enqueue_indirect_dma source(%dma_start3A_445 : memref<128x32xf32, #tpu.memory_space<vmem>>) target(%dma_start3A_451 : memref<10112x32xf32, #tpu.memory_space<vmem_shared>>) offsets(%dma_start3A_448 : memref<128xi32, #tpu.memory_space<vmem>>) semaphore(%arg21 : memref<!tpu.dma_semaphore, #tpu.memory_space<semaphore_mem>>) {add = true}
      %add3A_452 = arith.constant 2 : i32
      %add3A_453 = arith.addi %mul3A_403, %add3A_452 : i32
      %dma_wait3A_454 = arith.constant 2 : i32
      %dma_wait3A_455 = arith.constant 0 : i32
      %dma_wait3A_456 = arith.constant 0 : i32
      %dma_wait3A_457 = tpu.memref_slice %arg9[%dma_wait3A_454, %dma_wait3A_455, %dma_wait3A_456] : memref<8x128x32xf32, #tpu.memory_space<vmem>> -> memref<1x128x32xf32, #tpu.memory_space<vmem>>
      %dma_wait3A_458 = tpu.memref_squeeze %dma_wait3A_457 : memref<1x128x32xf32, #tpu.memory_space<vmem>> -> memref<128x32xf32, #tpu.memory_space<vmem>>
      %dma_wait3A_459 = arith.constant 0 : i32
      %dma_wait3A_460 = tpu.memref_slice %arg7[%add3A_453, %dma_wait3A_459] : memref<80x128xi32, #tpu.memory_space<vmem>> -> memref<1x128xi32, #tpu.memory_space<vmem>>
      %dma_wait3A_461 = tpu.memref_squeeze %dma_wait3A_460 : memref<1x128xi32, #tpu.memory_space<vmem>> -> memref<128xi32, #tpu.memory_space<vmem>>
      %dma_wait3A_462 = arith.constant 0 : i32
      %dma_wait3A_463 = arith.constant 0 : i32
      %dma_wait3A_464 = tpu.memref_slice %arg2[%dma_wait3A_462, %dma_wait3A_463] : memref<10000x32xf32, #tpu.memory_space<hbm>> -> memref<10000x32xf32, #tpu.memory_space<hbm>>
      tpu.wait_indirect_dma semaphore(%arg14 : memref<!tpu.dma_semaphore, #tpu.memory_space<semaphore_mem>>) src(%dma_wait3A_464 : memref<10000x32xf32, #tpu.memory_space<hbm>>) dst(%dma_wait3A_458 : memref<128x32xf32, #tpu.memory_space<vmem>>)
      %dma_start3A_465 = arith.constant 2 : i32
      %dma_start3A_466 = arith.constant 0 : i32
      %dma_start3A_467 = arith.constant 0 : i32
      %dma_start3A_468 = tpu.memref_slice %arg9[%dma_start3A_465, %dma_start3A_466, %dma_start3A_467] : memref<8x128x32xf32, #tpu.memory_space<vmem>> -> memref<1x128x32xf32, #tpu.memory_space<vmem>>
      %dma_start3A_469 = tpu.memref_squeeze %dma_start3A_468 : memref<1x128x32xf32, #tpu.memory_space<vmem>> -> memref<128x32xf32, #tpu.memory_space<vmem>>
      %dma_start3A_470 = arith.constant 0 : i32
      %dma_start3A_471 = tpu.memref_slice %arg8[%add3A_453, %dma_start3A_470] : memref<80x128xi32, #tpu.memory_space<vmem>> -> memref<1x128xi32, #tpu.memory_space<vmem>>
      %dma_start3A_472 = tpu.memref_squeeze %dma_start3A_471 : memref<1x128xi32, #tpu.memory_space<vmem>> -> memref<128xi32, #tpu.memory_space<vmem>>
      %dma_start3A_473 = arith.constant 0 : i32
      %dma_start3A_474 = arith.constant 0 : i32
      %dma_start3A_475 = tpu.memref_slice %arg11[%dma_start3A_473, %dma_start3A_474] : memref<10112x32xf32, #tpu.memory_space<vmem_shared>> -> memref<10112x32xf32, #tpu.memory_space<vmem_shared>>
      tpu.enqueue_indirect_dma source(%dma_start3A_469 : memref<128x32xf32, #tpu.memory_space<vmem>>) target(%dma_start3A_475 : memref<10112x32xf32, #tpu.memory_space<vmem_shared>>) offsets(%dma_start3A_472 : memref<128xi32, #tpu.memory_space<vmem>>) semaphore(%arg22 : memref<!tpu.dma_semaphore, #tpu.memory_space<semaphore_mem>>) {add = true}
      %add3A_476 = arith.constant 3 : i32
      %add3A_477 = arith.addi %mul3A_403, %add3A_476 : i32
      %dma_wait3A_478 = arith.constant 3 : i32
      %dma_wait3A_479 = arith.constant 0 : i32
      %dma_wait3A_480 = arith.constant 0 : i32
      %dma_wait3A_481 = tpu.memref_slice %arg9[%dma_wait3A_478, %dma_wait3A_479, %dma_wait3A_480] : memref<8x128x32xf32, #tpu.memory_space<vmem>> -> memref<1x128x32xf32, #tpu.memory_space<vmem>>
      %dma_wait3A_482 = tpu.memref_squeeze %dma_wait3A_481 : memref<1x128x32xf32, #tpu.memory_space<vmem>> -> memref<128x32xf32, #tpu.memory_space<vmem>>
      %dma_wait3A_483 = arith.constant 0 : i32
      %dma_wait3A_484 = tpu.memref_slice %arg7[%add3A_477, %dma_wait3A_483] : memref<80x128xi32, #tpu.memory_space<vmem>> -> memref<1x128xi32, #tpu.memory_space<vmem>>
      %dma_wait3A_485 = tpu.memref_squeeze %dma_wait3A_484 : memref<1x128xi32, #tpu.memory_space<vmem>> -> memref<128xi32, #tpu.memory_space<vmem>>
      %dma_wait3A_486 = arith.constant 0 : i32
      %dma_wait3A_487 = arith.constant 0 : i32
      %dma_wait3A_488 = tpu.memref_slice %arg2[%dma_wait3A_486, %dma_wait3A_487] : memref<10000x32xf32, #tpu.memory_space<hbm>> -> memref<10000x32xf32, #tpu.memory_space<hbm>>
      tpu.wait_indirect_dma semaphore(%arg15 : memref<!tpu.dma_semaphore, #tpu.memory_space<semaphore_mem>>) src(%dma_wait3A_488 : memref<10000x32xf32, #tpu.memory_space<hbm>>) dst(%dma_wait3A_482 : memref<128x32xf32, #tpu.memory_space<vmem>>)
      %dma_start3A_489 = arith.constant 3 : i32
      %dma_start3A_490 = arith.constant 0 : i32
      %dma_start3A_491 = arith.constant 0 : i32
      %dma_start3A_492 = tpu.memref_slice %arg9[%dma_start3A_489, %dma_start3A_490, %dma_start3A_491] : memref<8x128x32xf32, #tpu.memory_space<vmem>> -> memref<1x128x32xf32, #tpu.memory_space<vmem>>
      %dma_start3A_493 = tpu.memref_squeeze %dma_start3A_492 : memref<1x128x32xf32, #tpu.memory_space<vmem>> -> memref<128x32xf32, #tpu.memory_space<vmem>>
      %dma_start3A_494 = arith.constant 0 : i32
      %dma_start3A_495 = tpu.memref_slice %arg8[%add3A_477, %dma_start3A_494] : memref<80x128xi32, #tpu.memory_space<vmem>> -> memref<1x128xi32, #tpu.memory_space<vmem>>
      %dma_start3A_496 = tpu.memref_squeeze %dma_start3A_495 : memref<1x128xi32, #tpu.memory_space<vmem>> -> memref<128xi32, #tpu.memory_space<vmem>>
      %dma_start3A_497 = arith.constant 0 : i32
      %dma_start3A_498 = arith.constant 0 : i32
      %dma_start3A_499 = tpu.memref_slice %arg11[%dma_start3A_497, %dma_start3A_498] : memref<10112x32xf32, #tpu.memory_space<vmem_shared>> -> memref<10112x32xf32, #tpu.memory_space<vmem_shared>>
      tpu.enqueue_indirect_dma source(%dma_start3A_493 : memref<128x32xf32, #tpu.memory_space<vmem>>) target(%dma_start3A_499 : memref<10112x32xf32, #tpu.memory_space<vmem_shared>>) offsets(%dma_start3A_496 : memref<128xi32, #tpu.memory_space<vmem>>) semaphore(%arg23 : memref<!tpu.dma_semaphore, #tpu.memory_space<semaphore_mem>>) {add = true}
      %add3A_500 = arith.constant 4 : i32
      %add3A_501 = arith.addi %mul3A_403, %add3A_500 : i32
      %dma_wait3A_502 = arith.constant 4 : i32
      %dma_wait3A_503 = arith.constant 0 : i32
      %dma_wait3A_504 = arith.constant 0 : i32
      %dma_wait3A_505 = tpu.memref_slice %arg9[%dma_wait3A_502, %dma_wait3A_503, %dma_wait3A_504] : memref<8x128x32xf32, #tpu.memory_space<vmem>> -> memref<1x128x32xf32, #tpu.memory_space<vmem>>
      %dma_wait3A_506 = tpu.memref_squeeze %dma_wait3A_505 : memref<1x128x32xf32, #tpu.memory_space<vmem>> -> memref<128x32xf32, #tpu.memory_space<vmem>>
      %dma_wait3A_507 = arith.constant 0 : i32
      %dma_wait3A_508 = tpu.memref_slice %arg7[%add3A_501, %dma_wait3A_507] : memref<80x128xi32, #tpu.memory_space<vmem>> -> memref<1x128xi32, #tpu.memory_space<vmem>>
      %dma_wait3A_509 = tpu.memref_squeeze %dma_wait3A_508 : memref<1x128xi32, #tpu.memory_space<vmem>> -> memref<128xi32, #tpu.memory_space<vmem>>
      %dma_wait3A_510 = arith.constant 0 : i32
      %dma_wait3A_511 = arith.constant 0 : i32
      %dma_wait3A_512 = tpu.memref_slice %arg2[%dma_wait3A_510, %dma_wait3A_511] : memref<10000x32xf32, #tpu.memory_space<hbm>> -> memref<10000x32xf32, #tpu.memory_space<hbm>>
      tpu.wait_indirect_dma semaphore(%arg16 : memref<!tpu.dma_semaphore, #tpu.memory_space<semaphore_mem>>) src(%dma_wait3A_512 : memref<10000x32xf32, #tpu.memory_space<hbm>>) dst(%dma_wait3A_506 : memref<128x32xf32, #tpu.memory_space<vmem>>)
      %dma_start3A_513 = arith.constant 4 : i32
      %dma_start3A_514 = arith.constant 0 : i32
      %dma_start3A_515 = arith.constant 0 : i32
      %dma_start3A_516 = tpu.memref_slice %arg9[%dma_start3A_513, %dma_start3A_514, %dma_start3A_515] : memref<8x128x32xf32, #tpu.memory_space<vmem>> -> memref<1x128x32xf32, #tpu.memory_space<vmem>>
      %dma_start3A_517 = tpu.memref_squeeze %dma_start3A_516 : memref<1x128x32xf32, #tpu.memory_space<vmem>> -> memref<128x32xf32, #tpu.memory_space<vmem>>
      %dma_start3A_518 = arith.constant 0 : i32
      %dma_start3A_519 = tpu.memref_slice %arg8[%add3A_501, %dma_start3A_518] : memref<80x128xi32, #tpu.memory_space<vmem>> -> memref<1x128xi32, #tpu.memory_space<vmem>>
      %dma_start3A_520 = tpu.memref_squeeze %dma_start3A_519 : memref<1x128xi32, #tpu.memory_space<vmem>> -> memref<128xi32, #tpu.memory_space<vmem>>
      %dma_start3A_521 = arith.constant 0 : i32
      %dma_start3A_522 = arith.constant 0 : i32
      %dma_start3A_523 = tpu.memref_slice %arg11[%dma_start3A_521, %dma_start3A_522] : memref<10112x32xf32, #tpu.memory_space<vmem_shared>> -> memref<10112x32xf32, #tpu.memory_space<vmem_shared>>
      tpu.enqueue_indirect_dma source(%dma_start3A_517 : memref<128x32xf32, #tpu.memory_space<vmem>>) target(%dma_start3A_523 : memref<10112x32xf32, #tpu.memory_space<vmem_shared>>) offsets(%dma_start3A_520 : memref<128xi32, #tpu.memory_space<vmem>>) semaphore(%arg24 : memref<!tpu.dma_semaphore, #tpu.memory_space<semaphore_mem>>) {add = true}
      %add3A_524 = arith.constant 5 : i32
      %add3A_525 = arith.addi %mul3A_403, %add3A_524 : i32
      %dma_wait3A_526 = arith.constant 5 : i32
      %dma_wait3A_527 = arith.constant 0 : i32
      %dma_wait3A_528 = arith.constant 0 : i32
      %dma_wait3A_529 = tpu.memref_slice %arg9[%dma_wait3A_526, %dma_wait3A_527, %dma_wait3A_528] : memref<8x128x32xf32, #tpu.memory_space<vmem>> -> memref<1x128x32xf32, #tpu.memory_space<vmem>>
      %dma_wait3A_530 = tpu.memref_squeeze %dma_wait3A_529 : memref<1x128x32xf32, #tpu.memory_space<vmem>> -> memref<128x32xf32, #tpu.memory_space<vmem>>
      %dma_wait3A_531 = arith.constant 0 : i32
      %dma_wait3A_532 = tpu.memref_slice %arg7[%add3A_525, %dma_wait3A_531] : memref<80x128xi32, #tpu.memory_space<vmem>> -> memref<1x128xi32, #tpu.memory_space<vmem>>
      %dma_wait3A_533 = tpu.memref_squeeze %dma_wait3A_532 : memref<1x128xi32, #tpu.memory_space<vmem>> -> memref<128xi32, #tpu.memory_space<vmem>>
      %dma_wait3A_534 = arith.constant 0 : i32
      %dma_wait3A_535 = arith.constant 0 : i32
      %dma_wait3A_536 = tpu.memref_slice %arg2[%dma_wait3A_534, %dma_wait3A_535] : memref<10000x32xf32, #tpu.memory_space<hbm>> -> memref<10000x32xf32, #tpu.memory_space<hbm>>
      tpu.wait_indirect_dma semaphore(%arg17 : memref<!tpu.dma_semaphore, #tpu.memory_space<semaphore_mem>>) src(%dma_wait3A_536 : memref<10000x32xf32, #tpu.memory_space<hbm>>) dst(%dma_wait3A_530 : memref<128x32xf32, #tpu.memory_space<vmem>>)
      %dma_start3A_537 = arith.constant 5 : i32
      %dma_start3A_538 = arith.constant 0 : i32
      %dma_start3A_539 = arith.constant 0 : i32
      %dma_start3A_540 = tpu.memref_slice %arg9[%dma_start3A_537, %dma_start3A_538, %dma_start3A_539] : memref<8x128x32xf32, #tpu.memory_space<vmem>> -> memref<1x128x32xf32, #tpu.memory_space<vmem>>
      %dma_start3A_541 = tpu.memref_squeeze %dma_start3A_540 : memref<1x128x32xf32, #tpu.memory_space<vmem>> -> memref<128x32xf32, #tpu.memory_space<vmem>>
      %dma_start3A_542 = arith.constant 0 : i32
      %dma_start3A_543 = tpu.memref_slice %arg8[%add3A_525, %dma_start3A_542] : memref<80x128xi32, #tpu.memory_space<vmem>> -> memref<1x128xi32, #tpu.memory_space<vmem>>
      %dma_start3A_544 = tpu.memref_squeeze %dma_start3A_543 : memref<1x128xi32, #tpu.memory_space<vmem>> -> memref<128xi32, #tpu.memory_space<vmem>>
      %dma_start3A_545 = arith.constant 0 : i32
      %dma_start3A_546 = arith.constant 0 : i32
      %dma_start3A_547 = tpu.memref_slice %arg11[%dma_start3A_545, %dma_start3A_546] : memref<10112x32xf32, #tpu.memory_space<vmem_shared>> -> memref<10112x32xf32, #tpu.memory_space<vmem_shared>>
      tpu.enqueue_indirect_dma source(%dma_start3A_541 : memref<128x32xf32, #tpu.memory_space<vmem>>) target(%dma_start3A_547 : memref<10112x32xf32, #tpu.memory_space<vmem_shared>>) offsets(%dma_start3A_544 : memref<128xi32, #tpu.memory_space<vmem>>) semaphore(%arg25 : memref<!tpu.dma_semaphore, #tpu.memory_space<semaphore_mem>>) {add = true}
      %add3A_548 = arith.constant 6 : i32
      %add3A_549 = arith.addi %mul3A_403, %add3A_548 : i32
      %dma_wait3A_550 = arith.constant 6 : i32
      %dma_wait3A_551 = arith.constant 0 : i32
      %dma_wait3A_552 = arith.constant 0 : i32
      %dma_wait3A_553 = tpu.memref_slice %arg9[%dma_wait3A_550, %dma_wait3A_551, %dma_wait3A_552] : memref<8x128x32xf32, #tpu.memory_space<vmem>> -> memref<1x128x32xf32, #tpu.memory_space<vmem>>
      %dma_wait3A_554 = tpu.memref_squeeze %dma_wait3A_553 : memref<1x128x32xf32, #tpu.memory_space<vmem>> -> memref<128x32xf32, #tpu.memory_space<vmem>>
      %dma_wait3A_555 = arith.constant 0 : i32
      %dma_wait3A_556 = tpu.memref_slice %arg7[%add3A_549, %dma_wait3A_555] : memref<80x128xi32, #tpu.memory_space<vmem>> -> memref<1x128xi32, #tpu.memory_space<vmem>>
      %dma_wait3A_557 = tpu.memref_squeeze %dma_wait3A_556 : memref<1x128xi32, #tpu.memory_space<vmem>> -> memref<128xi32, #tpu.memory_space<vmem>>
      %dma_wait3A_558 = arith.constant 0 : i32
      %dma_wait3A_559 = arith.constant 0 : i32
      %dma_wait3A_560 = tpu.memref_slice %arg2[%dma_wait3A_558, %dma_wait3A_559] : memref<10000x32xf32, #tpu.memory_space<hbm>> -> memref<10000x32xf32, #tpu.memory_space<hbm>>
      tpu.wait_indirect_dma semaphore(%arg18 : memref<!tpu.dma_semaphore, #tpu.memory_space<semaphore_mem>>) src(%dma_wait3A_560 : memref<10000x32xf32, #tpu.memory_space<hbm>>) dst(%dma_wait3A_554 : memref<128x32xf32, #tpu.memory_space<vmem>>)
      %dma_start3A_561 = arith.constant 6 : i32
      %dma_start3A_562 = arith.constant 0 : i32
      %dma_start3A_563 = arith.constant 0 : i32
      %dma_start3A_564 = tpu.memref_slice %arg9[%dma_start3A_561, %dma_start3A_562, %dma_start3A_563] : memref<8x128x32xf32, #tpu.memory_space<vmem>> -> memref<1x128x32xf32, #tpu.memory_space<vmem>>
      %dma_start3A_565 = tpu.memref_squeeze %dma_start3A_564 : memref<1x128x32xf32, #tpu.memory_space<vmem>> -> memref<128x32xf32, #tpu.memory_space<vmem>>
      %dma_start3A_566 = arith.constant 0 : i32
      %dma_start3A_567 = tpu.memref_slice %arg8[%add3A_549, %dma_start3A_566] : memref<80x128xi32, #tpu.memory_space<vmem>> -> memref<1x128xi32, #tpu.memory_space<vmem>>
      %dma_start3A_568 = tpu.memref_squeeze %dma_start3A_567 : memref<1x128xi32, #tpu.memory_space<vmem>> -> memref<128xi32, #tpu.memory_space<vmem>>
      %dma_start3A_569 = arith.constant 0 : i32
      %dma_start3A_570 = arith.constant 0 : i32
      %dma_start3A_571 = tpu.memref_slice %arg11[%dma_start3A_569, %dma_start3A_570] : memref<10112x32xf32, #tpu.memory_space<vmem_shared>> -> memref<10112x32xf32, #tpu.memory_space<vmem_shared>>
      tpu.enqueue_indirect_dma source(%dma_start3A_565 : memref<128x32xf32, #tpu.memory_space<vmem>>) target(%dma_start3A_571 : memref<10112x32xf32, #tpu.memory_space<vmem_shared>>) offsets(%dma_start3A_568 : memref<128xi32, #tpu.memory_space<vmem>>) semaphore(%arg26 : memref<!tpu.dma_semaphore, #tpu.memory_space<semaphore_mem>>) {add = true}
      %add3A_572 = arith.constant 7 : i32
      %add3A_573 = arith.addi %mul3A_403, %add3A_572 : i32
      %dma_wait3A_574 = arith.constant 7 : i32
      %dma_wait3A_575 = arith.constant 0 : i32
      %dma_wait3A_576 = arith.constant 0 : i32
      %dma_wait3A_577 = tpu.memref_slice %arg9[%dma_wait3A_574, %dma_wait3A_575, %dma_wait3A_576] : memref<8x128x32xf32, #tpu.memory_space<vmem>> -> memref<1x128x32xf32, #tpu.memory_space<vmem>>
      %dma_wait3A_578 = tpu.memref_squeeze %dma_wait3A_577 : memref<1x128x32xf32, #tpu.memory_space<vmem>> -> memref<128x32xf32, #tpu.memory_space<vmem>>
      %dma_wait3A_579 = arith.constant 0 : i32
      %dma_wait3A_580 = tpu.memref_slice %arg7[%add3A_573, %dma_wait3A_579] : memref<80x128xi32, #tpu.memory_space<vmem>> -> memref<1x128xi32, #tpu.memory_space<vmem>>
      %dma_wait3A_581 = tpu.memref_squeeze %dma_wait3A_580 : memref<1x128xi32, #tpu.memory_space<vmem>> -> memref<128xi32, #tpu.memory_space<vmem>>
      %dma_wait3A_582 = arith.constant 0 : i32
      %dma_wait3A_583 = arith.constant 0 : i32
      %dma_wait3A_584 = tpu.memref_slice %arg2[%dma_wait3A_582, %dma_wait3A_583] : memref<10000x32xf32, #tpu.memory_space<hbm>> -> memref<10000x32xf32, #tpu.memory_space<hbm>>
      tpu.wait_indirect_dma semaphore(%arg19 : memref<!tpu.dma_semaphore, #tpu.memory_space<semaphore_mem>>) src(%dma_wait3A_584 : memref<10000x32xf32, #tpu.memory_space<hbm>>) dst(%dma_wait3A_578 : memref<128x32xf32, #tpu.memory_space<vmem>>)
      %dma_start3A_585 = arith.constant 7 : i32
      %dma_start3A_586 = arith.constant 0 : i32
      %dma_start3A_587 = arith.constant 0 : i32
      %dma_start3A_588 = tpu.memref_slice %arg9[%dma_start3A_585, %dma_start3A_586, %dma_start3A_587] : memref<8x128x32xf32, #tpu.memory_space<vmem>> -> memref<1x128x32xf32, #tpu.memory_space<vmem>>
      %dma_start3A_589 = tpu.memref_squeeze %dma_start3A_588 : memref<1x128x32xf32, #tpu.memory_space<vmem>> -> memref<128x32xf32, #tpu.memory_space<vmem>>
      %dma_start3A_590 = arith.constant 0 : i32
      %dma_start3A_591 = tpu.memref_slice %arg8[%add3A_573, %dma_start3A_590] : memref<80x128xi32, #tpu.memory_space<vmem>> -> memref<1x128xi32, #tpu.memory_space<vmem>>
      %dma_start3A_592 = tpu.memref_squeeze %dma_start3A_591 : memref<1x128xi32, #tpu.memory_space<vmem>> -> memref<128xi32, #tpu.memory_space<vmem>>
      %dma_start3A_593 = arith.constant 0 : i32
      %dma_start3A_594 = arith.constant 0 : i32
      %dma_start3A_595 = tpu.memref_slice %arg11[%dma_start3A_593, %dma_start3A_594] : memref<10112x32xf32, #tpu.memory_space<vmem_shared>> -> memref<10112x32xf32, #tpu.memory_space<vmem_shared>>
      tpu.enqueue_indirect_dma source(%dma_start3A_589 : memref<128x32xf32, #tpu.memory_space<vmem>>) target(%dma_start3A_595 : memref<10112x32xf32, #tpu.memory_space<vmem_shared>>) offsets(%dma_start3A_592 : memref<128xi32, #tpu.memory_space<vmem>>) semaphore(%arg27 : memref<!tpu.dma_semaphore, #tpu.memory_space<semaphore_mem>>) {add = true}
      %add3A_596 = arith.constant 0 : i32
      %add3A_597 = arith.addi %mul3A_403, %add3A_596 : i32
      %dma_wait3A_598 = arith.constant 0 : i32
      %dma_wait3A_599 = arith.constant 0 : i32
      %dma_wait3A_600 = arith.constant 0 : i32
      %dma_wait3A_601 = tpu.memref_slice %arg9[%dma_wait3A_598, %dma_wait3A_599, %dma_wait3A_600] : memref<8x128x32xf32, #tpu.memory_space<vmem>> -> memref<1x128x32xf32, #tpu.memory_space<vmem>>
      %dma_wait3A_602 = tpu.memref_squeeze %dma_wait3A_601 : memref<1x128x32xf32, #tpu.memory_space<vmem>> -> memref<128x32xf32, #tpu.memory_space<vmem>>
      %dma_wait3A_603 = arith.constant 0 : i32
      %dma_wait3A_604 = tpu.memref_slice %arg8[%add3A_597, %dma_wait3A_603] : memref<80x128xi32, #tpu.memory_space<vmem>> -> memref<1x128xi32, #tpu.memory_space<vmem>>
      %dma_wait3A_605 = tpu.memref_squeeze %dma_wait3A_604 : memref<1x128xi32, #tpu.memory_space<vmem>> -> memref<128xi32, #tpu.memory_space<vmem>>
      %dma_wait3A_606 = arith.constant 0 : i32
      %dma_wait3A_607 = arith.constant 0 : i32
      %dma_wait3A_608 = tpu.memref_slice %arg11[%dma_wait3A_606, %dma_wait3A_607] : memref<10112x32xf32, #tpu.memory_space<vmem_shared>> -> memref<10112x32xf32, #tpu.memory_space<vmem_shared>>
      tpu.wait_indirect_dma semaphore(%arg20 : memref<!tpu.dma_semaphore, #tpu.memory_space<semaphore_mem>>) src(%dma_wait3A_602 : memref<128x32xf32, #tpu.memory_space<vmem>>) dst(%dma_wait3A_608 : memref<10112x32xf32, #tpu.memory_space<vmem_shared>>)
      %add3A_609 = arith.constant 8 : i32
      %add3A_610 = arith.addi %add3A_597, %add3A_609 : i32
      %dma_start3A_611 = arith.constant 0 : i32
      %dma_start3A_612 = arith.constant 0 : i32
      %dma_start3A_613 = arith.constant 0 : i32
      %dma_start3A_614 = tpu.memref_slice %arg9[%dma_start3A_611, %dma_start3A_612, %dma_start3A_613] : memref<8x128x32xf32, #tpu.memory_space<vmem>> -> memref<1x128x32xf32, #tpu.memory_space<vmem>>
      %dma_start3A_615 = tpu.memref_squeeze %dma_start3A_614 : memref<1x128x32xf32, #tpu.memory_space<vmem>> -> memref<128x32xf32, #tpu.memory_space<vmem>>
      %dma_start3A_616 = arith.constant 0 : i32
      %dma_start3A_617 = tpu.memref_slice %arg7[%add3A_610, %dma_start3A_616] : memref<80x128xi32, #tpu.memory_space<vmem>> -> memref<1x128xi32, #tpu.memory_space<vmem>>
      %dma_start3A_618 = tpu.memref_squeeze %dma_start3A_617 : memref<1x128xi32, #tpu.memory_space<vmem>> -> memref<128xi32, #tpu.memory_space<vmem>>
      %dma_start3A_619 = arith.constant 0 : i32
      %dma_start3A_620 = arith.constant 0 : i32
      %dma_start3A_621 = tpu.memref_slice %arg2[%dma_start3A_619, %dma_start3A_620] : memref<10000x32xf32, #tpu.memory_space<hbm>> -> memref<10000x32xf32, #tpu.memory_space<hbm>>
      tpu.enqueue_indirect_dma source(%dma_start3A_621 : memref<10000x32xf32, #tpu.memory_space<hbm>>) target(%dma_start3A_615 : memref<128x32xf32, #tpu.memory_space<vmem>>) offsets(%dma_start3A_618 : memref<128xi32, #tpu.memory_space<vmem>>) semaphore(%arg12 : memref<!tpu.dma_semaphore, #tpu.memory_space<semaphore_mem>>)
      %add3A_622 = arith.constant 1 : i32
      %add3A_623 = arith.addi %mul3A_403, %add3A_622 : i32
      %dma_wait3A_624 = arith.constant 1 : i32
      %dma_wait3A_625 = arith.constant 0 : i32
      %dma_wait3A_626 = arith.constant 0 : i32
      %dma_wait3A_627 = tpu.memref_slice %arg9[%dma_wait3A_624, %dma_wait3A_625, %dma_wait3A_626] : memref<8x128x32xf32, #tpu.memory_space<vmem>> -> memref<1x128x32xf32, #tpu.memory_space<vmem>>
      %dma_wait3A_628 = tpu.memref_squeeze %dma_wait3A_627 : memref<1x128x32xf32, #tpu.memory_space<vmem>> -> memref<128x32xf32, #tpu.memory_space<vmem>>
      %dma_wait3A_629 = arith.constant 0 : i32
      %dma_wait3A_630 = tpu.memref_slice %arg8[%add3A_623, %dma_wait3A_629] : memref<80x128xi32, #tpu.memory_space<vmem>> -> memref<1x128xi32, #tpu.memory_space<vmem>>
      %dma_wait3A_631 = tpu.memref_squeeze %dma_wait3A_630 : memref<1x128xi32, #tpu.memory_space<vmem>> -> memref<128xi32, #tpu.memory_space<vmem>>
      %dma_wait3A_632 = arith.constant 0 : i32
      %dma_wait3A_633 = arith.constant 0 : i32
      %dma_wait3A_634 = tpu.memref_slice %arg11[%dma_wait3A_632, %dma_wait3A_633] : memref<10112x32xf32, #tpu.memory_space<vmem_shared>> -> memref<10112x32xf32, #tpu.memory_space<vmem_shared>>
      tpu.wait_indirect_dma semaphore(%arg21 : memref<!tpu.dma_semaphore, #tpu.memory_space<semaphore_mem>>) src(%dma_wait3A_628 : memref<128x32xf32, #tpu.memory_space<vmem>>) dst(%dma_wait3A_634 : memref<10112x32xf32, #tpu.memory_space<vmem_shared>>)
      %add3A_635 = arith.constant 8 : i32
      %add3A_636 = arith.addi %add3A_623, %add3A_635 : i32
      %dma_start3A_637 = arith.constant 1 : i32
      %dma_start3A_638 = arith.constant 0 : i32
      %dma_start3A_639 = arith.constant 0 : i32
      %dma_start3A_640 = tpu.memref_slice %arg9[%dma_start3A_637, %dma_start3A_638, %dma_start3A_639] : memref<8x128x32xf32, #tpu.memory_space<vmem>> -> memref<1x128x32xf32, #tpu.memory_space<vmem>>
      %dma_start3A_641 = tpu.memref_squeeze %dma_start3A_640 : memref<1x128x32xf32, #tpu.memory_space<vmem>> -> memref<128x32xf32, #tpu.memory_space<vmem>>
      %dma_start3A_642 = arith.constant 0 : i32
      %dma_start3A_643 = tpu.memref_slice %arg7[%add3A_636, %dma_start3A_642] : memref<80x128xi32, #tpu.memory_space<vmem>> -> memref<1x128xi32, #tpu.memory_space<vmem>>
      %dma_start3A_644 = tpu.memref_squeeze %dma_start3A_643 : memref<1x128xi32, #tpu.memory_space<vmem>> -> memref<128xi32, #tpu.memory_space<vmem>>
      %dma_start3A_645 = arith.constant 0 : i32
      %dma_start3A_646 = arith.constant 0 : i32
      %dma_start3A_647 = tpu.memref_slice %arg2[%dma_start3A_645, %dma_start3A_646] : memref<10000x32xf32, #tpu.memory_space<hbm>> -> memref<10000x32xf32, #tpu.memory_space<hbm>>
      tpu.enqueue_indirect_dma source(%dma_start3A_647 : memref<10000x32xf32, #tpu.memory_space<hbm>>) target(%dma_start3A_641 : memref<128x32xf32, #tpu.memory_space<vmem>>) offsets(%dma_start3A_644 : memref<128xi32, #tpu.memory_space<vmem>>) semaphore(%arg13 : memref<!tpu.dma_semaphore, #tpu.memory_space<semaphore_mem>>)
      %add3A_648 = arith.constant 2 : i32
      %add3A_649 = arith.addi %mul3A_403, %add3A_648 : i32
      %dma_wait3A_650 = arith.constant 2 : i32
      %dma_wait3A_651 = arith.constant 0 : i32
      %dma_wait3A_652 = arith.constant 0 : i32
      %dma_wait3A_653 = tpu.memref_slice %arg9[%dma_wait3A_650, %dma_wait3A_651, %dma_wait3A_652] : memref<8x128x32xf32, #tpu.memory_space<vmem>> -> memref<1x128x32xf32, #tpu.memory_space<vmem>>
      %dma_wait3A_654 = tpu.memref_squeeze %dma_wait3A_653 : memref<1x128x32xf32, #tpu.memory_space<vmem>> -> memref<128x32xf32, #tpu.memory_space<vmem>>
      %dma_wait3A_655 = arith.constant 0 : i32
      %dma_wait3A_656 = tpu.memref_slice %arg8[%add3A_649, %dma_wait3A_655] : memref<80x128xi32, #tpu.memory_space<vmem>> -> memref<1x128xi32, #tpu.memory_space<vmem>>
      %dma_wait3A_657 = tpu.memref_squeeze %dma_wait3A_656 : memref<1x128xi32, #tpu.memory_space<vmem>> -> memref<128xi32, #tpu.memory_space<vmem>>
      %dma_wait3A_658 = arith.constant 0 : i32
      %dma_wait3A_659 = arith.constant 0 : i32
      %dma_wait3A_660 = tpu.memref_slice %arg11[%dma_wait3A_658, %dma_wait3A_659] : memref<10112x32xf32, #tpu.memory_space<vmem_shared>> -> memref<10112x32xf32, #tpu.memory_space<vmem_shared>>
      tpu.wait_indirect_dma semaphore(%arg22 : memref<!tpu.dma_semaphore, #tpu.memory_space<semaphore_mem>>) src(%dma_wait3A_654 : memref<128x32xf32, #tpu.memory_space<vmem>>) dst(%dma_wait3A_660 : memref<10112x32xf32, #tpu.memory_space<vmem_shared>>)
      %add3A_661 = arith.constant 8 : i32
      %add3A_662 = arith.addi %add3A_649, %add3A_661 : i32
      %dma_start3A_663 = arith.constant 2 : i32
      %dma_start3A_664 = arith.constant 0 : i32
      %dma_start3A_665 = arith.constant 0 : i32
      %dma_start3A_666 = tpu.memref_slice %arg9[%dma_start3A_663, %dma_start3A_664, %dma_start3A_665] : memref<8x128x32xf32, #tpu.memory_space<vmem>> -> memref<1x128x32xf32, #tpu.memory_space<vmem>>
      %dma_start3A_667 = tpu.memref_squeeze %dma_start3A_666 : memref<1x128x32xf32, #tpu.memory_space<vmem>> -> memref<128x32xf32, #tpu.memory_space<vmem>>
      %dma_start3A_668 = arith.constant 0 : i32
      %dma_start3A_669 = tpu.memref_slice %arg7[%add3A_662, %dma_start3A_668] : memref<80x128xi32, #tpu.memory_space<vmem>> -> memref<1x128xi32, #tpu.memory_space<vmem>>
      %dma_start3A_670 = tpu.memref_squeeze %dma_start3A_669 : memref<1x128xi32, #tpu.memory_space<vmem>> -> memref<128xi32, #tpu.memory_space<vmem>>
      %dma_start3A_671 = arith.constant 0 : i32
      %dma_start3A_672 = arith.constant 0 : i32
      %dma_start3A_673 = tpu.memref_slice %arg2[%dma_start3A_671, %dma_start3A_672] : memref<10000x32xf32, #tpu.memory_space<hbm>> -> memref<10000x32xf32, #tpu.memory_space<hbm>>
      tpu.enqueue_indirect_dma source(%dma_start3A_673 : memref<10000x32xf32, #tpu.memory_space<hbm>>) target(%dma_start3A_667 : memref<128x32xf32, #tpu.memory_space<vmem>>) offsets(%dma_start3A_670 : memref<128xi32, #tpu.memory_space<vmem>>) semaphore(%arg14 : memref<!tpu.dma_semaphore, #tpu.memory_space<semaphore_mem>>)
      %add3A_674 = arith.constant 3 : i32
      %add3A_675 = arith.addi %mul3A_403, %add3A_674 : i32
      %dma_wait3A_676 = arith.constant 3 : i32
      %dma_wait3A_677 = arith.constant 0 : i32
      %dma_wait3A_678 = arith.constant 0 : i32
      %dma_wait3A_679 = tpu.memref_slice %arg9[%dma_wait3A_676, %dma_wait3A_677, %dma_wait3A_678] : memref<8x128x32xf32, #tpu.memory_space<vmem>> -> memref<1x128x32xf32, #tpu.memory_space<vmem>>
      %dma_wait3A_680 = tpu.memref_squeeze %dma_wait3A_679 : memref<1x128x32xf32, #tpu.memory_space<vmem>> -> memref<128x32xf32, #tpu.memory_space<vmem>>
      %dma_wait3A_681 = arith.constant 0 : i32
      %dma_wait3A_682 = tpu.memref_slice %arg8[%add3A_675, %dma_wait3A_681] : memref<80x128xi32, #tpu.memory_space<vmem>> -> memref<1x128xi32, #tpu.memory_space<vmem>>
      %dma_wait3A_683 = tpu.memref_squeeze %dma_wait3A_682 : memref<1x128xi32, #tpu.memory_space<vmem>> -> memref<128xi32, #tpu.memory_space<vmem>>
      %dma_wait3A_684 = arith.constant 0 : i32
      %dma_wait3A_685 = arith.constant 0 : i32
      %dma_wait3A_686 = tpu.memref_slice %arg11[%dma_wait3A_684, %dma_wait3A_685] : memref<10112x32xf32, #tpu.memory_space<vmem_shared>> -> memref<10112x32xf32, #tpu.memory_space<vmem_shared>>
      tpu.wait_indirect_dma semaphore(%arg23 : memref<!tpu.dma_semaphore, #tpu.memory_space<semaphore_mem>>) src(%dma_wait3A_680 : memref<128x32xf32, #tpu.memory_space<vmem>>) dst(%dma_wait3A_686 : memref<10112x32xf32, #tpu.memory_space<vmem_shared>>)
      %add3A_687 = arith.constant 8 : i32
      %add3A_688 = arith.addi %add3A_675, %add3A_687 : i32
      %dma_start3A_689 = arith.constant 3 : i32
      %dma_start3A_690 = arith.constant 0 : i32
      %dma_start3A_691 = arith.constant 0 : i32
      %dma_start3A_692 = tpu.memref_slice %arg9[%dma_start3A_689, %dma_start3A_690, %dma_start3A_691] : memref<8x128x32xf32, #tpu.memory_space<vmem>> -> memref<1x128x32xf32, #tpu.memory_space<vmem>>
      %dma_start3A_693 = tpu.memref_squeeze %dma_start3A_692 : memref<1x128x32xf32, #tpu.memory_space<vmem>> -> memref<128x32xf32, #tpu.memory_space<vmem>>
      %dma_start3A_694 = arith.constant 0 : i32
      %dma_start3A_695 = tpu.memref_slice %arg7[%add3A_688, %dma_start3A_694] : memref<80x128xi32, #tpu.memory_space<vmem>> -> memref<1x128xi32, #tpu.memory_space<vmem>>
      %dma_start3A_696 = tpu.memref_squeeze %dma_start3A_695 : memref<1x128xi32, #tpu.memory_space<vmem>> -> memref<128xi32, #tpu.memory_space<vmem>>
      %dma_start3A_697 = arith.constant 0 : i32
      %dma_start3A_698 = arith.constant 0 : i32
      %dma_start3A_699 = tpu.memref_slice %arg2[%dma_start3A_697, %dma_start3A_698] : memref<10000x32xf32, #tpu.memory_space<hbm>> -> memref<10000x32xf32, #tpu.memory_space<hbm>>
      tpu.enqueue_indirect_dma source(%dma_start3A_699 : memref<10000x32xf32, #tpu.memory_space<hbm>>) target(%dma_start3A_693 : memref<128x32xf32, #tpu.memory_space<vmem>>) offsets(%dma_start3A_696 : memref<128xi32, #tpu.memory_space<vmem>>) semaphore(%arg15 : memref<!tpu.dma_semaphore, #tpu.memory_space<semaphore_mem>>)
      %add3A_700 = arith.constant 4 : i32
      %add3A_701 = arith.addi %mul3A_403, %add3A_700 : i32
      %dma_wait3A_702 = arith.constant 4 : i32
      %dma_wait3A_703 = arith.constant 0 : i32
      %dma_wait3A_704 = arith.constant 0 : i32
      %dma_wait3A_705 = tpu.memref_slice %arg9[%dma_wait3A_702, %dma_wait3A_703, %dma_wait3A_704] : memref<8x128x32xf32, #tpu.memory_space<vmem>> -> memref<1x128x32xf32, #tpu.memory_space<vmem>>
      %dma_wait3A_706 = tpu.memref_squeeze %dma_wait3A_705 : memref<1x128x32xf32, #tpu.memory_space<vmem>> -> memref<128x32xf32, #tpu.memory_space<vmem>>
      %dma_wait3A_707 = arith.constant 0 : i32
      %dma_wait3A_708 = tpu.memref_slice %arg8[%add3A_701, %dma_wait3A_707] : memref<80x128xi32, #tpu.memory_space<vmem>> -> memref<1x128xi32, #tpu.memory_space<vmem>>
      %dma_wait3A_709 = tpu.memref_squeeze %dma_wait3A_708 : memref<1x128xi32, #tpu.memory_space<vmem>> -> memref<128xi32, #tpu.memory_space<vmem>>
      %dma_wait3A_710 = arith.constant 0 : i32
      %dma_wait3A_711 = arith.constant 0 : i32
      %dma_wait3A_712 = tpu.memref_slice %arg11[%dma_wait3A_710, %dma_wait3A_711] : memref<10112x32xf32, #tpu.memory_space<vmem_shared>> -> memref<10112x32xf32, #tpu.memory_space<vmem_shared>>
      tpu.wait_indirect_dma semaphore(%arg24 : memref<!tpu.dma_semaphore, #tpu.memory_space<semaphore_mem>>) src(%dma_wait3A_706 : memref<128x32xf32, #tpu.memory_space<vmem>>) dst(%dma_wait3A_712 : memref<10112x32xf32, #tpu.memory_space<vmem_shared>>)
      %add3A_713 = arith.constant 8 : i32
      %add3A_714 = arith.addi %add3A_701, %add3A_713 : i32
      %dma_start3A_715 = arith.constant 4 : i32
      %dma_start3A_716 = arith.constant 0 : i32
      %dma_start3A_717 = arith.constant 0 : i32
      %dma_start3A_718 = tpu.memref_slice %arg9[%dma_start3A_715, %dma_start3A_716, %dma_start3A_717] : memref<8x128x32xf32, #tpu.memory_space<vmem>> -> memref<1x128x32xf32, #tpu.memory_space<vmem>>
      %dma_start3A_719 = tpu.memref_squeeze %dma_start3A_718 : memref<1x128x32xf32, #tpu.memory_space<vmem>> -> memref<128x32xf32, #tpu.memory_space<vmem>>
      %dma_start3A_720 = arith.constant 0 : i32
      %dma_start3A_721 = tpu.memref_slice %arg7[%add3A_714, %dma_start3A_720] : memref<80x128xi32, #tpu.memory_space<vmem>> -> memref<1x128xi32, #tpu.memory_space<vmem>>
      %dma_start3A_722 = tpu.memref_squeeze %dma_start3A_721 : memref<1x128xi32, #tpu.memory_space<vmem>> -> memref<128xi32, #tpu.memory_space<vmem>>
      %dma_start3A_723 = arith.constant 0 : i32
      %dma_start3A_724 = arith.constant 0 : i32
      %dma_start3A_725 = tpu.memref_slice %arg2[%dma_start3A_723, %dma_start3A_724] : memref<10000x32xf32, #tpu.memory_space<hbm>> -> memref<10000x32xf32, #tpu.memory_space<hbm>>
      tpu.enqueue_indirect_dma source(%dma_start3A_725 : memref<10000x32xf32, #tpu.memory_space<hbm>>) target(%dma_start3A_719 : memref<128x32xf32, #tpu.memory_space<vmem>>) offsets(%dma_start3A_722 : memref<128xi32, #tpu.memory_space<vmem>>) semaphore(%arg16 : memref<!tpu.dma_semaphore, #tpu.memory_space<semaphore_mem>>)
      %add3A_726 = arith.constant 5 : i32
      %add3A_727 = arith.addi %mul3A_403, %add3A_726 : i32
      %dma_wait3A_728 = arith.constant 5 : i32
      %dma_wait3A_729 = arith.constant 0 : i32
      %dma_wait3A_730 = arith.constant 0 : i32
      %dma_wait3A_731 = tpu.memref_slice %arg9[%dma_wait3A_728, %dma_wait3A_729, %dma_wait3A_730] : memref<8x128x32xf32, #tpu.memory_space<vmem>> -> memref<1x128x32xf32, #tpu.memory_space<vmem>>
      %dma_wait3A_732 = tpu.memref_squeeze %dma_wait3A_731 : memref<1x128x32xf32, #tpu.memory_space<vmem>> -> memref<128x32xf32, #tpu.memory_space<vmem>>
      %dma_wait3A_733 = arith.constant 0 : i32
      %dma_wait3A_734 = tpu.memref_slice %arg8[%add3A_727, %dma_wait3A_733] : memref<80x128xi32, #tpu.memory_space<vmem>> -> memref<1x128xi32, #tpu.memory_space<vmem>>
      %dma_wait3A_735 = tpu.memref_squeeze %dma_wait3A_734 : memref<1x128xi32, #tpu.memory_space<vmem>> -> memref<128xi32, #tpu.memory_space<vmem>>
      %dma_wait3A_736 = arith.constant 0 : i32
      %dma_wait3A_737 = arith.constant 0 : i32
      %dma_wait3A_738 = tpu.memref_slice %arg11[%dma_wait3A_736, %dma_wait3A_737] : memref<10112x32xf32, #tpu.memory_space<vmem_shared>> -> memref<10112x32xf32, #tpu.memory_space<vmem_shared>>
      tpu.wait_indirect_dma semaphore(%arg25 : memref<!tpu.dma_semaphore, #tpu.memory_space<semaphore_mem>>) src(%dma_wait3A_732 : memref<128x32xf32, #tpu.memory_space<vmem>>) dst(%dma_wait3A_738 : memref<10112x32xf32, #tpu.memory_space<vmem_shared>>)
      %add3A_739 = arith.constant 8 : i32
      %add3A_740 = arith.addi %add3A_727, %add3A_739 : i32
      %dma_start3A_741 = arith.constant 5 : i32
      %dma_start3A_742 = arith.constant 0 : i32
      %dma_start3A_743 = arith.constant 0 : i32
      %dma_start3A_744 = tpu.memref_slice %arg9[%dma_start3A_741, %dma_start3A_742, %dma_start3A_743] : memref<8x128x32xf32, #tpu.memory_space<vmem>> -> memref<1x128x32xf32, #tpu.memory_space<vmem>>
      %dma_start3A_745 = tpu.memref_squeeze %dma_start3A_744 : memref<1x128x32xf32, #tpu.memory_space<vmem>> -> memref<128x32xf32, #tpu.memory_space<vmem>>
      %dma_start3A_746 = arith.constant 0 : i32
      %dma_start3A_747 = tpu.memref_slice %arg7[%add3A_740, %dma_start3A_746] : memref<80x128xi32, #tpu.memory_space<vmem>> -> memref<1x128xi32, #tpu.memory_space<vmem>>
      %dma_start3A_748 = tpu.memref_squeeze %dma_start3A_747 : memref<1x128xi32, #tpu.memory_space<vmem>> -> memref<128xi32, #tpu.memory_space<vmem>>
      %dma_start3A_749 = arith.constant 0 : i32
      %dma_start3A_750 = arith.constant 0 : i32
      %dma_start3A_751 = tpu.memref_slice %arg2[%dma_start3A_749, %dma_start3A_750] : memref<10000x32xf32, #tpu.memory_space<hbm>> -> memref<10000x32xf32, #tpu.memory_space<hbm>>
      tpu.enqueue_indirect_dma source(%dma_start3A_751 : memref<10000x32xf32, #tpu.memory_space<hbm>>) target(%dma_start3A_745 : memref<128x32xf32, #tpu.memory_space<vmem>>) offsets(%dma_start3A_748 : memref<128xi32, #tpu.memory_space<vmem>>) semaphore(%arg17 : memref<!tpu.dma_semaphore, #tpu.memory_space<semaphore_mem>>)
      %add3A_752 = arith.constant 6 : i32
      %add3A_753 = arith.addi %mul3A_403, %add3A_752 : i32
      %dma_wait3A_754 = arith.constant 6 : i32
      %dma_wait3A_755 = arith.constant 0 : i32
      %dma_wait3A_756 = arith.constant 0 : i32
      %dma_wait3A_757 = tpu.memref_slice %arg9[%dma_wait3A_754, %dma_wait3A_755, %dma_wait3A_756] : memref<8x128x32xf32, #tpu.memory_space<vmem>> -> memref<1x128x32xf32, #tpu.memory_space<vmem>>
      %dma_wait3A_758 = tpu.memref_squeeze %dma_wait3A_757 : memref<1x128x32xf32, #tpu.memory_space<vmem>> -> memref<128x32xf32, #tpu.memory_space<vmem>>
      %dma_wait3A_759 = arith.constant 0 : i32
      %dma_wait3A_760 = tpu.memref_slice %arg8[%add3A_753, %dma_wait3A_759] : memref<80x128xi32, #tpu.memory_space<vmem>> -> memref<1x128xi32, #tpu.memory_space<vmem>>
      %dma_wait3A_761 = tpu.memref_squeeze %dma_wait3A_760 : memref<1x128xi32, #tpu.memory_space<vmem>> -> memref<128xi32, #tpu.memory_space<vmem>>
      %dma_wait3A_762 = arith.constant 0 : i32
      %dma_wait3A_763 = arith.constant 0 : i32
      %dma_wait3A_764 = tpu.memref_slice %arg11[%dma_wait3A_762, %dma_wait3A_763] : memref<10112x32xf32, #tpu.memory_space<vmem_shared>> -> memref<10112x32xf32, #tpu.memory_space<vmem_shared>>
      tpu.wait_indirect_dma semaphore(%arg26 : memref<!tpu.dma_semaphore, #tpu.memory_space<semaphore_mem>>) src(%dma_wait3A_758 : memref<128x32xf32, #tpu.memory_space<vmem>>) dst(%dma_wait3A_764 : memref<10112x32xf32, #tpu.memory_space<vmem_shared>>)
      %add3A_765 = arith.constant 8 : i32
      %add3A_766 = arith.addi %add3A_753, %add3A_765 : i32
      %dma_start3A_767 = arith.constant 6 : i32
      %dma_start3A_768 = arith.constant 0 : i32
      %dma_start3A_769 = arith.constant 0 : i32
      %dma_start3A_770 = tpu.memref_slice %arg9[%dma_start3A_767, %dma_start3A_768, %dma_start3A_769] : memref<8x128x32xf32, #tpu.memory_space<vmem>> -> memref<1x128x32xf32, #tpu.memory_space<vmem>>
      %dma_start3A_771 = tpu.memref_squeeze %dma_start3A_770 : memref<1x128x32xf32, #tpu.memory_space<vmem>> -> memref<128x32xf32, #tpu.memory_space<vmem>>
      %dma_start3A_772 = arith.constant 0 : i32
      %dma_start3A_773 = tpu.memref_slice %arg7[%add3A_766, %dma_start3A_772] : memref<80x128xi32, #tpu.memory_space<vmem>> -> memref<1x128xi32, #tpu.memory_space<vmem>>
      %dma_start3A_774 = tpu.memref_squeeze %dma_start3A_773 : memref<1x128xi32, #tpu.memory_space<vmem>> -> memref<128xi32, #tpu.memory_space<vmem>>
      %dma_start3A_775 = arith.constant 0 : i32
      %dma_start3A_776 = arith.constant 0 : i32
      %dma_start3A_777 = tpu.memref_slice %arg2[%dma_start3A_775, %dma_start3A_776] : memref<10000x32xf32, #tpu.memory_space<hbm>> -> memref<10000x32xf32, #tpu.memory_space<hbm>>
      tpu.enqueue_indirect_dma source(%dma_start3A_777 : memref<10000x32xf32, #tpu.memory_space<hbm>>) target(%dma_start3A_771 : memref<128x32xf32, #tpu.memory_space<vmem>>) offsets(%dma_start3A_774 : memref<128xi32, #tpu.memory_space<vmem>>) semaphore(%arg18 : memref<!tpu.dma_semaphore, #tpu.memory_space<semaphore_mem>>)
      %add3A_778 = arith.constant 7 : i32
      %add3A_779 = arith.addi %mul3A_403, %add3A_778 : i32
      %dma_wait3A_780 = arith.constant 7 : i32
      %dma_wait3A_781 = arith.constant 0 : i32
      %dma_wait3A_782 = arith.constant 0 : i32
      %dma_wait3A_783 = tpu.memref_slice %arg9[%dma_wait3A_780, %dma_wait3A_781, %dma_wait3A_782] : memref<8x128x32xf32, #tpu.memory_space<vmem>> -> memref<1x128x32xf32, #tpu.memory_space<vmem>>
      %dma_wait3A_784 = tpu.memref_squeeze %dma_wait3A_783 : memref<1x128x32xf32, #tpu.memory_space<vmem>> -> memref<128x32xf32, #tpu.memory_space<vmem>>
      %dma_wait3A_785 = arith.constant 0 : i32
      %dma_wait3A_786 = tpu.memref_slice %arg8[%add3A_779, %dma_wait3A_785] : memref<80x128xi32, #tpu.memory_space<vmem>> -> memref<1x128xi32, #tpu.memory_space<vmem>>
      %dma_wait3A_787 = tpu.memref_squeeze %dma_wait3A_786 : memref<1x128xi32, #tpu.memory_space<vmem>> -> memref<128xi32, #tpu.memory_space<vmem>>
      %dma_wait3A_788 = arith.constant 0 : i32
      %dma_wait3A_789 = arith.constant 0 : i32
      %dma_wait3A_790 = tpu.memref_slice %arg11[%dma_wait3A_788, %dma_wait3A_789] : memref<10112x32xf32, #tpu.memory_space<vmem_shared>> -> memref<10112x32xf32, #tpu.memory_space<vmem_shared>>
      tpu.wait_indirect_dma semaphore(%arg27 : memref<!tpu.dma_semaphore, #tpu.memory_space<semaphore_mem>>) src(%dma_wait3A_784 : memref<128x32xf32, #tpu.memory_space<vmem>>) dst(%dma_wait3A_790 : memref<10112x32xf32, #tpu.memory_space<vmem_shared>>)
      %add3A_791 = arith.constant 8 : i32
      %add3A_792 = arith.addi %add3A_779, %add3A_791 : i32
      %dma_start3A_793 = arith.constant 7 : i32
      %dma_start3A_794 = arith.constant 0 : i32
      %dma_start3A_795 = arith.constant 0 : i32
      %dma_start3A_796 = tpu.memref_slice %arg9[%dma_start3A_793, %dma_start3A_794, %dma_start3A_795] : memref<8x128x32xf32, #tpu.memory_space<vmem>> -> memref<1x128x32xf32, #tpu.memory_space<vmem>>
      %dma_start3A_797 = tpu.memref_squeeze %dma_start3A_796 : memref<1x128x32xf32, #tpu.memory_space<vmem>> -> memref<128x32xf32, #tpu.memory_space<vmem>>
      %dma_start3A_798 = arith.constant 0 : i32
      %dma_start3A_799 = tpu.memref_slice %arg7[%add3A_792, %dma_start3A_798] : memref<80x128xi32, #tpu.memory_space<vmem>> -> memref<1x128xi32, #tpu.memory_space<vmem>>
      %dma_start3A_800 = tpu.memref_squeeze %dma_start3A_799 : memref<1x128xi32, #tpu.memory_space<vmem>> -> memref<128xi32, #tpu.memory_space<vmem>>
      %dma_start3A_801 = arith.constant 0 : i32
      %dma_start3A_802 = arith.constant 0 : i32
      %dma_start3A_803 = tpu.memref_slice %arg2[%dma_start3A_801, %dma_start3A_802] : memref<10000x32xf32, #tpu.memory_space<hbm>> -> memref<10000x32xf32, #tpu.memory_space<hbm>>
      tpu.enqueue_indirect_dma source(%dma_start3A_803 : memref<10000x32xf32, #tpu.memory_space<hbm>>) target(%dma_start3A_797 : memref<128x32xf32, #tpu.memory_space<vmem>>) offsets(%dma_start3A_800 : memref<128xi32, #tpu.memory_space<vmem>>) semaphore(%arg19 : memref<!tpu.dma_semaphore, #tpu.memory_space<semaphore_mem>>)
    }
    %scan3A_108 = arith.constant 9 : i32
    %dma_wait3A = arith.constant 72 : i32
    %dma_wait3A_109 = arith.constant 0 : i32
    %dma_wait3A_110 = arith.constant 0 : i32
    %dma_wait3A_111 = arith.constant 0 : i32
    %dma_wait3A_112 = tpu.memref_slice %arg9[%dma_wait3A_109, %dma_wait3A_110, %dma_wait3A_111] : memref<8x128x32xf32, #tpu.memory_space<vmem>> -> memref<1x128x32xf32, #tpu.memory_space<vmem>>
    %dma_wait3A_113 = tpu.memref_squeeze %dma_wait3A_112 : memref<1x128x32xf32, #tpu.memory_space<vmem>> -> memref<128x32xf32, #tpu.memory_space<vmem>>
    %dma_wait3A_114 = arith.constant 0 : i32
    %dma_wait3A_115 = tpu.memref_slice %arg7[%dma_wait3A, %dma_wait3A_114] : memref<80x128xi32, #tpu.memory_space<vmem>> -> memref<1x128xi32, #tpu.memory_space<vmem>>
    %dma_wait3A_116 = tpu.memref_squeeze %dma_wait3A_115 : memref<1x128xi32, #tpu.memory_space<vmem>> -> memref<128xi32, #tpu.memory_space<vmem>>
    %dma_wait3A_117 = arith.constant 0 : i32
    %dma_wait3A_118 = arith.constant 0 : i32
    %dma_wait3A_119 = tpu.memref_slice %arg2[%dma_wait3A_117, %dma_wait3A_118] : memref<10000x32xf32, #tpu.memory_space<hbm>> -> memref<10000x32xf32, #tpu.memory_space<hbm>>
    tpu.wait_indirect_dma semaphore(%arg12 : memref<!tpu.dma_semaphore, #tpu.memory_space<semaphore_mem>>) src(%dma_wait3A_119 : memref<10000x32xf32, #tpu.memory_space<hbm>>) dst(%dma_wait3A_113 : memref<128x32xf32, #tpu.memory_space<vmem>>)
    %dma_start3A_120 = arith.constant 0 : i32
    %dma_start3A_121 = arith.constant 72 : i32
    %dma_start3A_122 = arith.constant 0 : i32
    %dma_start3A_123 = arith.constant 0 : i32
    %dma_start3A_124 = tpu.memref_slice %arg9[%dma_start3A_120, %dma_start3A_122, %dma_start3A_123] : memref<8x128x32xf32, #tpu.memory_space<vmem>> -> memref<1x128x32xf32, #tpu.memory_space<vmem>>
    %dma_start3A_125 = tpu.memref_squeeze %dma_start3A_124 : memref<1x128x32xf32, #tpu.memory_space<vmem>> -> memref<128x32xf32, #tpu.memory_space<vmem>>
    %dma_start3A_126 = arith.constant 0 : i32
    %dma_start3A_127 = tpu.memref_slice %arg8[%dma_start3A_121, %dma_start3A_126] : memref<80x128xi32, #tpu.memory_space<vmem>> -> memref<1x128xi32, #tpu.memory_space<vmem>>
    %dma_start3A_128 = tpu.memref_squeeze %dma_start3A_127 : memref<1x128xi32, #tpu.memory_space<vmem>> -> memref<128xi32, #tpu.memory_space<vmem>>
    %dma_start3A_129 = arith.constant 0 : i32
    %dma_start3A_130 = arith.constant 0 : i32
    %dma_start3A_131 = tpu.memref_slice %arg11[%dma_start3A_129, %dma_start3A_130] : memref<10112x32xf32, #tpu.memory_space<vmem_shared>> -> memref<10112x32xf32, #tpu.memory_space<vmem_shared>>
    tpu.enqueue_indirect_dma source(%dma_start3A_125 : memref<128x32xf32, #tpu.memory_space<vmem>>) target(%dma_start3A_131 : memref<10112x32xf32, #tpu.memory_space<vmem_shared>>) offsets(%dma_start3A_128 : memref<128xi32, #tpu.memory_space<vmem>>) semaphore(%arg20 : memref<!tpu.dma_semaphore, #tpu.memory_space<semaphore_mem>>) {add = true}
    %dma_wait3A_132 = arith.constant 73 : i32
    %dma_wait3A_133 = arith.constant 1 : i32
    %dma_wait3A_134 = arith.constant 0 : i32
    %dma_wait3A_135 = arith.constant 0 : i32
    %dma_wait3A_136 = tpu.memref_slice %arg9[%dma_wait3A_133, %dma_wait3A_134, %dma_wait3A_135] : memref<8x128x32xf32, #tpu.memory_space<vmem>> -> memref<1x128x32xf32, #tpu.memory_space<vmem>>
    %dma_wait3A_137 = tpu.memref_squeeze %dma_wait3A_136 : memref<1x128x32xf32, #tpu.memory_space<vmem>> -> memref<128x32xf32, #tpu.memory_space<vmem>>
    %dma_wait3A_138 = arith.constant 0 : i32
    %dma_wait3A_139 = tpu.memref_slice %arg7[%dma_wait3A_132, %dma_wait3A_138] : memref<80x128xi32, #tpu.memory_space<vmem>> -> memref<1x128xi32, #tpu.memory_space<vmem>>
    %dma_wait3A_140 = tpu.memref_squeeze %dma_wait3A_139 : memref<1x128xi32, #tpu.memory_space<vmem>> -> memref<128xi32, #tpu.memory_space<vmem>>
    %dma_wait3A_141 = arith.constant 0 : i32
    %dma_wait3A_142 = arith.constant 0 : i32
    %dma_wait3A_143 = tpu.memref_slice %arg2[%dma_wait3A_141, %dma_wait3A_142] : memref<10000x32xf32, #tpu.memory_space<hbm>> -> memref<10000x32xf32, #tpu.memory_space<hbm>>
    tpu.wait_indirect_dma semaphore(%arg13 : memref<!tpu.dma_semaphore, #tpu.memory_space<semaphore_mem>>) src(%dma_wait3A_143 : memref<10000x32xf32, #tpu.memory_space<hbm>>) dst(%dma_wait3A_137 : memref<128x32xf32, #tpu.memory_space<vmem>>)
    %dma_start3A_144 = arith.constant 1 : i32
    %dma_start3A_145 = arith.constant 73 : i32
    %dma_start3A_146 = arith.constant 0 : i32
    %dma_start3A_147 = arith.constant 0 : i32
    %dma_start3A_148 = tpu.memref_slice %arg9[%dma_start3A_144, %dma_start3A_146, %dma_start3A_147] : memref<8x128x32xf32, #tpu.memory_space<vmem>> -> memref<1x128x32xf32, #tpu.memory_space<vmem>>
    %dma_start3A_149 = tpu.memref_squeeze %dma_start3A_148 : memref<1x128x32xf32, #tpu.memory_space<vmem>> -> memref<128x32xf32, #tpu.memory_space<vmem>>
    %dma_start3A_150 = arith.constant 0 : i32
    %dma_start3A_151 = tpu.memref_slice %arg8[%dma_start3A_145, %dma_start3A_150] : memref<80x128xi32, #tpu.memory_space<vmem>> -> memref<1x128xi32, #tpu.memory_space<vmem>>
    %dma_start3A_152 = tpu.memref_squeeze %dma_start3A_151 : memref<1x128xi32, #tpu.memory_space<vmem>> -> memref<128xi32, #tpu.memory_space<vmem>>
    %dma_start3A_153 = arith.constant 0 : i32
    %dma_start3A_154 = arith.constant 0 : i32
    %dma_start3A_155 = tpu.memref_slice %arg11[%dma_start3A_153, %dma_start3A_154] : memref<10112x32xf32, #tpu.memory_space<vmem_shared>> -> memref<10112x32xf32, #tpu.memory_space<vmem_shared>>
    tpu.enqueue_indirect_dma source(%dma_start3A_149 : memref<128x32xf32, #tpu.memory_space<vmem>>) target(%dma_start3A_155 : memref<10112x32xf32, #tpu.memory_space<vmem_shared>>) offsets(%dma_start3A_152 : memref<128xi32, #tpu.memory_space<vmem>>) semaphore(%arg21 : memref<!tpu.dma_semaphore, #tpu.memory_space<semaphore_mem>>) {add = true}
    %dma_wait3A_156 = arith.constant 74 : i32
    %dma_wait3A_157 = arith.constant 2 : i32
    %dma_wait3A_158 = arith.constant 0 : i32
    %dma_wait3A_159 = arith.constant 0 : i32
    %dma_wait3A_160 = tpu.memref_slice %arg9[%dma_wait3A_157, %dma_wait3A_158, %dma_wait3A_159] : memref<8x128x32xf32, #tpu.memory_space<vmem>> -> memref<1x128x32xf32, #tpu.memory_space<vmem>>
    %dma_wait3A_161 = tpu.memref_squeeze %dma_wait3A_160 : memref<1x128x32xf32, #tpu.memory_space<vmem>> -> memref<128x32xf32, #tpu.memory_space<vmem>>
    %dma_wait3A_162 = arith.constant 0 : i32
    %dma_wait3A_163 = tpu.memref_slice %arg7[%dma_wait3A_156, %dma_wait3A_162] : memref<80x128xi32, #tpu.memory_space<vmem>> -> memref<1x128xi32, #tpu.memory_space<vmem>>
    %dma_wait3A_164 = tpu.memref_squeeze %dma_wait3A_163 : memref<1x128xi32, #tpu.memory_space<vmem>> -> memref<128xi32, #tpu.memory_space<vmem>>
    %dma_wait3A_165 = arith.constant 0 : i32
    %dma_wait3A_166 = arith.constant 0 : i32
    %dma_wait3A_167 = tpu.memref_slice %arg2[%dma_wait3A_165, %dma_wait3A_166] : memref<10000x32xf32, #tpu.memory_space<hbm>> -> memref<10000x32xf32, #tpu.memory_space<hbm>>
    tpu.wait_indirect_dma semaphore(%arg14 : memref<!tpu.dma_semaphore, #tpu.memory_space<semaphore_mem>>) src(%dma_wait3A_167 : memref<10000x32xf32, #tpu.memory_space<hbm>>) dst(%dma_wait3A_161 : memref<128x32xf32, #tpu.memory_space<vmem>>)
    %dma_start3A_168 = arith.constant 2 : i32
    %dma_start3A_169 = arith.constant 74 : i32
    %dma_start3A_170 = arith.constant 0 : i32
    %dma_start3A_171 = arith.constant 0 : i32
    %dma_start3A_172 = tpu.memref_slice %arg9[%dma_start3A_168, %dma_start3A_170, %dma_start3A_171] : memref<8x128x32xf32, #tpu.memory_space<vmem>> -> memref<1x128x32xf32, #tpu.memory_space<vmem>>
    %dma_start3A_173 = tpu.memref_squeeze %dma_start3A_172 : memref<1x128x32xf32, #tpu.memory_space<vmem>> -> memref<128x32xf32, #tpu.memory_space<vmem>>
    %dma_start3A_174 = arith.constant 0 : i32
    %dma_start3A_175 = tpu.memref_slice %arg8[%dma_start3A_169, %dma_start3A_174] : memref<80x128xi32, #tpu.memory_space<vmem>> -> memref<1x128xi32, #tpu.memory_space<vmem>>
    %dma_start3A_176 = tpu.memref_squeeze %dma_start3A_175 : memref<1x128xi32, #tpu.memory_space<vmem>> -> memref<128xi32, #tpu.memory_space<vmem>>
    %dma_start3A_177 = arith.constant 0 : i32
    %dma_start3A_178 = arith.constant 0 : i32
    %dma_start3A_179 = tpu.memref_slice %arg11[%dma_start3A_177, %dma_start3A_178] : memref<10112x32xf32, #tpu.memory_space<vmem_shared>> -> memref<10112x32xf32, #tpu.memory_space<vmem_shared>>
    tpu.enqueue_indirect_dma source(%dma_start3A_173 : memref<128x32xf32, #tpu.memory_space<vmem>>) target(%dma_start3A_179 : memref<10112x32xf32, #tpu.memory_space<vmem_shared>>) offsets(%dma_start3A_176 : memref<128xi32, #tpu.memory_space<vmem>>) semaphore(%arg22 : memref<!tpu.dma_semaphore, #tpu.memory_space<semaphore_mem>>) {add = true}
    %dma_wait3A_180 = arith.constant 75 : i32
    %dma_wait3A_181 = arith.constant 3 : i32
    %dma_wait3A_182 = arith.constant 0 : i32
    %dma_wait3A_183 = arith.constant 0 : i32
    %dma_wait3A_184 = tpu.memref_slice %arg9[%dma_wait3A_181, %dma_wait3A_182, %dma_wait3A_183] : memref<8x128x32xf32, #tpu.memory_space<vmem>> -> memref<1x128x32xf32, #tpu.memory_space<vmem>>
    %dma_wait3A_185 = tpu.memref_squeeze %dma_wait3A_184 : memref<1x128x32xf32, #tpu.memory_space<vmem>> -> memref<128x32xf32, #tpu.memory_space<vmem>>
    %dma_wait3A_186 = arith.constant 0 : i32
    %dma_wait3A_187 = tpu.memref_slice %arg7[%dma_wait3A_180, %dma_wait3A_186] : memref<80x128xi32, #tpu.memory_space<vmem>> -> memref<1x128xi32, #tpu.memory_space<vmem>>
    %dma_wait3A_188 = tpu.memref_squeeze %dma_wait3A_187 : memref<1x128xi32, #tpu.memory_space<vmem>> -> memref<128xi32, #tpu.memory_space<vmem>>
    %dma_wait3A_189 = arith.constant 0 : i32
    %dma_wait3A_190 = arith.constant 0 : i32
    %dma_wait3A_191 = tpu.memref_slice %arg2[%dma_wait3A_189, %dma_wait3A_190] : memref<10000x32xf32, #tpu.memory_space<hbm>> -> memref<10000x32xf32, #tpu.memory_space<hbm>>
    tpu.wait_indirect_dma semaphore(%arg15 : memref<!tpu.dma_semaphore, #tpu.memory_space<semaphore_mem>>) src(%dma_wait3A_191 : memref<10000x32xf32, #tpu.memory_space<hbm>>) dst(%dma_wait3A_185 : memref<128x32xf32, #tpu.memory_space<vmem>>)
    %dma_start3A_192 = arith.constant 3 : i32
    %dma_start3A_193 = arith.constant 75 : i32
    %dma_start3A_194 = arith.constant 0 : i32
    %dma_start3A_195 = arith.constant 0 : i32
    %dma_start3A_196 = tpu.memref_slice %arg9[%dma_start3A_192, %dma_start3A_194, %dma_start3A_195] : memref<8x128x32xf32, #tpu.memory_space<vmem>> -> memref<1x128x32xf32, #tpu.memory_space<vmem>>
    %dma_start3A_197 = tpu.memref_squeeze %dma_start3A_196 : memref<1x128x32xf32, #tpu.memory_space<vmem>> -> memref<128x32xf32, #tpu.memory_space<vmem>>
    %dma_start3A_198 = arith.constant 0 : i32
    %dma_start3A_199 = tpu.memref_slice %arg8[%dma_start3A_193, %dma_start3A_198] : memref<80x128xi32, #tpu.memory_space<vmem>> -> memref<1x128xi32, #tpu.memory_space<vmem>>
    %dma_start3A_200 = tpu.memref_squeeze %dma_start3A_199 : memref<1x128xi32, #tpu.memory_space<vmem>> -> memref<128xi32, #tpu.memory_space<vmem>>
    %dma_start3A_201 = arith.constant 0 : i32
    %dma_start3A_202 = arith.constant 0 : i32
    %dma_start3A_203 = tpu.memref_slice %arg11[%dma_start3A_201, %dma_start3A_202] : memref<10112x32xf32, #tpu.memory_space<vmem_shared>> -> memref<10112x32xf32, #tpu.memory_space<vmem_shared>>
    tpu.enqueue_indirect_dma source(%dma_start3A_197 : memref<128x32xf32, #tpu.memory_space<vmem>>) target(%dma_start3A_203 : memref<10112x32xf32, #tpu.memory_space<vmem_shared>>) offsets(%dma_start3A_200 : memref<128xi32, #tpu.memory_space<vmem>>) semaphore(%arg23 : memref<!tpu.dma_semaphore, #tpu.memory_space<semaphore_mem>>) {add = true}
    %dma_wait3A_204 = arith.constant 76 : i32
    %dma_wait3A_205 = arith.constant 4 : i32
    %dma_wait3A_206 = arith.constant 0 : i32
    %dma_wait3A_207 = arith.constant 0 : i32
    %dma_wait3A_208 = tpu.memref_slice %arg9[%dma_wait3A_205, %dma_wait3A_206, %dma_wait3A_207] : memref<8x128x32xf32, #tpu.memory_space<vmem>> -> memref<1x128x32xf32, #tpu.memory_space<vmem>>
    %dma_wait3A_209 = tpu.memref_squeeze %dma_wait3A_208 : memref<1x128x32xf32, #tpu.memory_space<vmem>> -> memref<128x32xf32, #tpu.memory_space<vmem>>
    %dma_wait3A_210 = arith.constant 0 : i32
    %dma_wait3A_211 = tpu.memref_slice %arg7[%dma_wait3A_204, %dma_wait3A_210] : memref<80x128xi32, #tpu.memory_space<vmem>> -> memref<1x128xi32, #tpu.memory_space<vmem>>
    %dma_wait3A_212 = tpu.memref_squeeze %dma_wait3A_211 : memref<1x128xi32, #tpu.memory_space<vmem>> -> memref<128xi32, #tpu.memory_space<vmem>>
    %dma_wait3A_213 = arith.constant 0 : i32
    %dma_wait3A_214 = arith.constant 0 : i32
    %dma_wait3A_215 = tpu.memref_slice %arg2[%dma_wait3A_213, %dma_wait3A_214] : memref<10000x32xf32, #tpu.memory_space<hbm>> -> memref<10000x32xf32, #tpu.memory_space<hbm>>
    tpu.wait_indirect_dma semaphore(%arg16 : memref<!tpu.dma_semaphore, #tpu.memory_space<semaphore_mem>>) src(%dma_wait3A_215 : memref<10000x32xf32, #tpu.memory_space<hbm>>) dst(%dma_wait3A_209 : memref<128x32xf32, #tpu.memory_space<vmem>>)
    %dma_start3A_216 = arith.constant 4 : i32
    %dma_start3A_217 = arith.constant 76 : i32
    %dma_start3A_218 = arith.constant 0 : i32
    %dma_start3A_219 = arith.constant 0 : i32
    %dma_start3A_220 = tpu.memref_slice %arg9[%dma_start3A_216, %dma_start3A_218, %dma_start3A_219] : memref<8x128x32xf32, #tpu.memory_space<vmem>> -> memref<1x128x32xf32, #tpu.memory_space<vmem>>
    %dma_start3A_221 = tpu.memref_squeeze %dma_start3A_220 : memref<1x128x32xf32, #tpu.memory_space<vmem>> -> memref<128x32xf32, #tpu.memory_space<vmem>>
    %dma_start3A_222 = arith.constant 0 : i32
    %dma_start3A_223 = tpu.memref_slice %arg8[%dma_start3A_217, %dma_start3A_222] : memref<80x128xi32, #tpu.memory_space<vmem>> -> memref<1x128xi32, #tpu.memory_space<vmem>>
    %dma_start3A_224 = tpu.memref_squeeze %dma_start3A_223 : memref<1x128xi32, #tpu.memory_space<vmem>> -> memref<128xi32, #tpu.memory_space<vmem>>
    %dma_start3A_225 = arith.constant 0 : i32
    %dma_start3A_226 = arith.constant 0 : i32
    %dma_start3A_227 = tpu.memref_slice %arg11[%dma_start3A_225, %dma_start3A_226] : memref<10112x32xf32, #tpu.memory_space<vmem_shared>> -> memref<10112x32xf32, #tpu.memory_space<vmem_shared>>
    tpu.enqueue_indirect_dma source(%dma_start3A_221 : memref<128x32xf32, #tpu.memory_space<vmem>>) target(%dma_start3A_227 : memref<10112x32xf32, #tpu.memory_space<vmem_shared>>) offsets(%dma_start3A_224 : memref<128xi32, #tpu.memory_space<vmem>>) semaphore(%arg24 : memref<!tpu.dma_semaphore, #tpu.memory_space<semaphore_mem>>) {add = true}
    %dma_wait3A_228 = arith.constant 77 : i32
    %dma_wait3A_229 = arith.constant 5 : i32
    %dma_wait3A_230 = arith.constant 0 : i32
    %dma_wait3A_231 = arith.constant 0 : i32
    %dma_wait3A_232 = tpu.memref_slice %arg9[%dma_wait3A_229, %dma_wait3A_230, %dma_wait3A_231] : memref<8x128x32xf32, #tpu.memory_space<vmem>> -> memref<1x128x32xf32, #tpu.memory_space<vmem>>
    %dma_wait3A_233 = tpu.memref_squeeze %dma_wait3A_232 : memref<1x128x32xf32, #tpu.memory_space<vmem>> -> memref<128x32xf32, #tpu.memory_space<vmem>>
    %dma_wait3A_234 = arith.constant 0 : i32
    %dma_wait3A_235 = tpu.memref_slice %arg7[%dma_wait3A_228, %dma_wait3A_234] : memref<80x128xi32, #tpu.memory_space<vmem>> -> memref<1x128xi32, #tpu.memory_space<vmem>>
    %dma_wait3A_236 = tpu.memref_squeeze %dma_wait3A_235 : memref<1x128xi32, #tpu.memory_space<vmem>> -> memref<128xi32, #tpu.memory_space<vmem>>
    %dma_wait3A_237 = arith.constant 0 : i32
    %dma_wait3A_238 = arith.constant 0 : i32
    %dma_wait3A_239 = tpu.memref_slice %arg2[%dma_wait3A_237, %dma_wait3A_238] : memref<10000x32xf32, #tpu.memory_space<hbm>> -> memref<10000x32xf32, #tpu.memory_space<hbm>>
    tpu.wait_indirect_dma semaphore(%arg17 : memref<!tpu.dma_semaphore, #tpu.memory_space<semaphore_mem>>) src(%dma_wait3A_239 : memref<10000x32xf32, #tpu.memory_space<hbm>>) dst(%dma_wait3A_233 : memref<128x32xf32, #tpu.memory_space<vmem>>)
    %dma_start3A_240 = arith.constant 5 : i32
    %dma_start3A_241 = arith.constant 77 : i32
    %dma_start3A_242 = arith.constant 0 : i32
    %dma_start3A_243 = arith.constant 0 : i32
    %dma_start3A_244 = tpu.memref_slice %arg9[%dma_start3A_240, %dma_start3A_242, %dma_start3A_243] : memref<8x128x32xf32, #tpu.memory_space<vmem>> -> memref<1x128x32xf32, #tpu.memory_space<vmem>>
    %dma_start3A_245 = tpu.memref_squeeze %dma_start3A_244 : memref<1x128x32xf32, #tpu.memory_space<vmem>> -> memref<128x32xf32, #tpu.memory_space<vmem>>
    %dma_start3A_246 = arith.constant 0 : i32
    %dma_start3A_247 = tpu.memref_slice %arg8[%dma_start3A_241, %dma_start3A_246] : memref<80x128xi32, #tpu.memory_space<vmem>> -> memref<1x128xi32, #tpu.memory_space<vmem>>
    %dma_start3A_248 = tpu.memref_squeeze %dma_start3A_247 : memref<1x128xi32, #tpu.memory_space<vmem>> -> memref<128xi32, #tpu.memory_space<vmem>>
    %dma_start3A_249 = arith.constant 0 : i32
    %dma_start3A_250 = arith.constant 0 : i32
    %dma_start3A_251 = tpu.memref_slice %arg11[%dma_start3A_249, %dma_start3A_250] : memref<10112x32xf32, #tpu.memory_space<vmem_shared>> -> memref<10112x32xf32, #tpu.memory_space<vmem_shared>>
    tpu.enqueue_indirect_dma source(%dma_start3A_245 : memref<128x32xf32, #tpu.memory_space<vmem>>) target(%dma_start3A_251 : memref<10112x32xf32, #tpu.memory_space<vmem_shared>>) offsets(%dma_start3A_248 : memref<128xi32, #tpu.memory_space<vmem>>) semaphore(%arg25 : memref<!tpu.dma_semaphore, #tpu.memory_space<semaphore_mem>>) {add = true}
    %dma_wait3A_252 = arith.constant 78 : i32
    %dma_wait3A_253 = arith.constant 6 : i32
    %dma_wait3A_254 = arith.constant 0 : i32
    %dma_wait3A_255 = arith.constant 0 : i32
    %dma_wait3A_256 = tpu.memref_slice %arg9[%dma_wait3A_253, %dma_wait3A_254, %dma_wait3A_255] : memref<8x128x32xf32, #tpu.memory_space<vmem>> -> memref<1x128x32xf32, #tpu.memory_space<vmem>>
    %dma_wait3A_257 = tpu.memref_squeeze %dma_wait3A_256 : memref<1x128x32xf32, #tpu.memory_space<vmem>> -> memref<128x32xf32, #tpu.memory_space<vmem>>
    %dma_wait3A_258 = arith.constant 0 : i32
    %dma_wait3A_259 = tpu.memref_slice %arg7[%dma_wait3A_252, %dma_wait3A_258] : memref<80x128xi32, #tpu.memory_space<vmem>> -> memref<1x128xi32, #tpu.memory_space<vmem>>
    %dma_wait3A_260 = tpu.memref_squeeze %dma_wait3A_259 : memref<1x128xi32, #tpu.memory_space<vmem>> -> memref<128xi32, #tpu.memory_space<vmem>>
    %dma_wait3A_261 = arith.constant 0 : i32
    %dma_wait3A_262 = arith.constant 0 : i32
    %dma_wait3A_263 = tpu.memref_slice %arg2[%dma_wait3A_261, %dma_wait3A_262] : memref<10000x32xf32, #tpu.memory_space<hbm>> -> memref<10000x32xf32, #tpu.memory_space<hbm>>
    tpu.wait_indirect_dma semaphore(%arg18 : memref<!tpu.dma_semaphore, #tpu.memory_space<semaphore_mem>>) src(%dma_wait3A_263 : memref<10000x32xf32, #tpu.memory_space<hbm>>) dst(%dma_wait3A_257 : memref<128x32xf32, #tpu.memory_space<vmem>>)
    %dma_start3A_264 = arith.constant 6 : i32
    %dma_start3A_265 = arith.constant 78 : i32
    %dma_start3A_266 = arith.constant 0 : i32
    %dma_start3A_267 = arith.constant 0 : i32
    %dma_start3A_268 = tpu.memref_slice %arg9[%dma_start3A_264, %dma_start3A_266, %dma_start3A_267] : memref<8x128x32xf32, #tpu.memory_space<vmem>> -> memref<1x128x32xf32, #tpu.memory_space<vmem>>
    %dma_start3A_269 = tpu.memref_squeeze %dma_start3A_268 : memref<1x128x32xf32, #tpu.memory_space<vmem>> -> memref<128x32xf32, #tpu.memory_space<vmem>>
    %dma_start3A_270 = arith.constant 0 : i32
    %dma_start3A_271 = tpu.memref_slice %arg8[%dma_start3A_265, %dma_start3A_270] : memref<80x128xi32, #tpu.memory_space<vmem>> -> memref<1x128xi32, #tpu.memory_space<vmem>>
    %dma_start3A_272 = tpu.memref_squeeze %dma_start3A_271 : memref<1x128xi32, #tpu.memory_space<vmem>> -> memref<128xi32, #tpu.memory_space<vmem>>
    %dma_start3A_273 = arith.constant 0 : i32
    %dma_start3A_274 = arith.constant 0 : i32
    %dma_start3A_275 = tpu.memref_slice %arg11[%dma_start3A_273, %dma_start3A_274] : memref<10112x32xf32, #tpu.memory_space<vmem_shared>> -> memref<10112x32xf32, #tpu.memory_space<vmem_shared>>
    tpu.enqueue_indirect_dma source(%dma_start3A_269 : memref<128x32xf32, #tpu.memory_space<vmem>>) target(%dma_start3A_275 : memref<10112x32xf32, #tpu.memory_space<vmem_shared>>) offsets(%dma_start3A_272 : memref<128xi32, #tpu.memory_space<vmem>>) semaphore(%arg26 : memref<!tpu.dma_semaphore, #tpu.memory_space<semaphore_mem>>) {add = true}
    %dma_wait3A_276 = arith.constant 79 : i32
    %dma_wait3A_277 = arith.constant 7 : i32
    %dma_wait3A_278 = arith.constant 0 : i32
    %dma_wait3A_279 = arith.constant 0 : i32
    %dma_wait3A_280 = tpu.memref_slice %arg9[%dma_wait3A_277, %dma_wait3A_278, %dma_wait3A_279] : memref<8x128x32xf32, #tpu.memory_space<vmem>> -> memref<1x128x32xf32, #tpu.memory_space<vmem>>
    %dma_wait3A_281 = tpu.memref_squeeze %dma_wait3A_280 : memref<1x128x32xf32, #tpu.memory_space<vmem>> -> memref<128x32xf32, #tpu.memory_space<vmem>>
    %dma_wait3A_282 = arith.constant 0 : i32
    %dma_wait3A_283 = tpu.memref_slice %arg7[%dma_wait3A_276, %dma_wait3A_282] : memref<80x128xi32, #tpu.memory_space<vmem>> -> memref<1x128xi32, #tpu.memory_space<vmem>>
    %dma_wait3A_284 = tpu.memref_squeeze %dma_wait3A_283 : memref<1x128xi32, #tpu.memory_space<vmem>> -> memref<128xi32, #tpu.memory_space<vmem>>
    %dma_wait3A_285 = arith.constant 0 : i32
    %dma_wait3A_286 = arith.constant 0 : i32
    %dma_wait3A_287 = tpu.memref_slice %arg2[%dma_wait3A_285, %dma_wait3A_286] : memref<10000x32xf32, #tpu.memory_space<hbm>> -> memref<10000x32xf32, #tpu.memory_space<hbm>>
    tpu.wait_indirect_dma semaphore(%arg19 : memref<!tpu.dma_semaphore, #tpu.memory_space<semaphore_mem>>) src(%dma_wait3A_287 : memref<10000x32xf32, #tpu.memory_space<hbm>>) dst(%dma_wait3A_281 : memref<128x32xf32, #tpu.memory_space<vmem>>)
    %dma_start3A_288 = arith.constant 7 : i32
    %dma_start3A_289 = arith.constant 79 : i32
    %dma_start3A_290 = arith.constant 0 : i32
    %dma_start3A_291 = arith.constant 0 : i32
    %dma_start3A_292 = tpu.memref_slice %arg9[%dma_start3A_288, %dma_start3A_290, %dma_start3A_291] : memref<8x128x32xf32, #tpu.memory_space<vmem>> -> memref<1x128x32xf32, #tpu.memory_space<vmem>>
    %dma_start3A_293 = tpu.memref_squeeze %dma_start3A_292 : memref<1x128x32xf32, #tpu.memory_space<vmem>> -> memref<128x32xf32, #tpu.memory_space<vmem>>
    %dma_start3A_294 = arith.constant 0 : i32
    %dma_start3A_295 = tpu.memref_slice %arg8[%dma_start3A_289, %dma_start3A_294] : memref<80x128xi32, #tpu.memory_space<vmem>> -> memref<1x128xi32, #tpu.memory_space<vmem>>
    %dma_start3A_296 = tpu.memref_squeeze %dma_start3A_295 : memref<1x128xi32, #tpu.memory_space<vmem>> -> memref<128xi32, #tpu.memory_space<vmem>>
    %dma_start3A_297 = arith.constant 0 : i32
    %dma_start3A_298 = arith.constant 0 : i32
    %dma_start3A_299 = tpu.memref_slice %arg11[%dma_start3A_297, %dma_start3A_298] : memref<10112x32xf32, #tpu.memory_space<vmem_shared>> -> memref<10112x32xf32, #tpu.memory_space<vmem_shared>>
    tpu.enqueue_indirect_dma source(%dma_start3A_293 : memref<128x32xf32, #tpu.memory_space<vmem>>) target(%dma_start3A_299 : memref<10112x32xf32, #tpu.memory_space<vmem_shared>>) offsets(%dma_start3A_296 : memref<128xi32, #tpu.memory_space<vmem>>) semaphore(%arg27 : memref<!tpu.dma_semaphore, #tpu.memory_space<semaphore_mem>>) {add = true}
    %dma_wait3A_300 = arith.constant 0 : i32
    %dma_wait3A_301 = arith.constant 72 : i32
    %dma_wait3A_302 = arith.constant 0 : i32
    %dma_wait3A_303 = arith.constant 0 : i32
    %dma_wait3A_304 = tpu.memref_slice %arg9[%dma_wait3A_300, %dma_wait3A_302, %dma_wait3A_303] : memref<8x128x32xf32, #tpu.memory_space<vmem>> -> memref<1x128x32xf32, #tpu.memory_space<vmem>>
    %dma_wait3A_305 = tpu.memref_squeeze %dma_wait3A_304 : memref<1x128x32xf32, #tpu.memory_space<vmem>> -> memref<128x32xf32, #tpu.memory_space<vmem>>
    %dma_wait3A_306 = arith.constant 0 : i32
    %dma_wait3A_307 = tpu.memref_slice %arg8[%dma_wait3A_301, %dma_wait3A_306] : memref<80x128xi32, #tpu.memory_space<vmem>> -> memref<1x128xi32, #tpu.memory_space<vmem>>
    %dma_wait3A_308 = tpu.memref_squeeze %dma_wait3A_307 : memref<1x128xi32, #tpu.memory_space<vmem>> -> memref<128xi32, #tpu.memory_space<vmem>>
    %dma_wait3A_309 = arith.constant 0 : i32
    %dma_wait3A_310 = arith.constant 0 : i32
    %dma_wait3A_311 = tpu.memref_slice %arg11[%dma_wait3A_309, %dma_wait3A_310] : memref<10112x32xf32, #tpu.memory_space<vmem_shared>> -> memref<10112x32xf32, #tpu.memory_space<vmem_shared>>
    tpu.wait_indirect_dma semaphore(%arg20 : memref<!tpu.dma_semaphore, #tpu.memory_space<semaphore_mem>>) src(%dma_wait3A_305 : memref<128x32xf32, #tpu.memory_space<vmem>>) dst(%dma_wait3A_311 : memref<10112x32xf32, #tpu.memory_space<vmem_shared>>)
    %dma_wait3A_312 = arith.constant 1 : i32
    %dma_wait3A_313 = arith.constant 73 : i32
    %dma_wait3A_314 = arith.constant 0 : i32
    %dma_wait3A_315 = arith.constant 0 : i32
    %dma_wait3A_316 = tpu.memref_slice %arg9[%dma_wait3A_312, %dma_wait3A_314, %dma_wait3A_315] : memref<8x128x32xf32, #tpu.memory_space<vmem>> -> memref<1x128x32xf32, #tpu.memory_space<vmem>>
    %dma_wait3A_317 = tpu.memref_squeeze %dma_wait3A_316 : memref<1x128x32xf32, #tpu.memory_space<vmem>> -> memref<128x32xf32, #tpu.memory_space<vmem>>
    %dma_wait3A_318 = arith.constant 0 : i32
    %dma_wait3A_319 = tpu.memref_slice %arg8[%dma_wait3A_313, %dma_wait3A_318] : memref<80x128xi32, #tpu.memory_space<vmem>> -> memref<1x128xi32, #tpu.memory_space<vmem>>
    %dma_wait3A_320 = tpu.memref_squeeze %dma_wait3A_319 : memref<1x128xi32, #tpu.memory_space<vmem>> -> memref<128xi32, #tpu.memory_space<vmem>>
    %dma_wait3A_321 = arith.constant 0 : i32
    %dma_wait3A_322 = arith.constant 0 : i32
    %dma_wait3A_323 = tpu.memref_slice %arg11[%dma_wait3A_321, %dma_wait3A_322] : memref<10112x32xf32, #tpu.memory_space<vmem_shared>> -> memref<10112x32xf32, #tpu.memory_space<vmem_shared>>
    tpu.wait_indirect_dma semaphore(%arg21 : memref<!tpu.dma_semaphore, #tpu.memory_space<semaphore_mem>>) src(%dma_wait3A_317 : memref<128x32xf32, #tpu.memory_space<vmem>>) dst(%dma_wait3A_323 : memref<10112x32xf32, #tpu.memory_space<vmem_shared>>)
    %dma_wait3A_324 = arith.constant 2 : i32
    %dma_wait3A_325 = arith.constant 74 : i32
    %dma_wait3A_326 = arith.constant 0 : i32
    %dma_wait3A_327 = arith.constant 0 : i32
    %dma_wait3A_328 = tpu.memref_slice %arg9[%dma_wait3A_324, %dma_wait3A_326, %dma_wait3A_327] : memref<8x128x32xf32, #tpu.memory_space<vmem>> -> memref<1x128x32xf32, #tpu.memory_space<vmem>>
    %dma_wait3A_329 = tpu.memref_squeeze %dma_wait3A_328 : memref<1x128x32xf32, #tpu.memory_space<vmem>> -> memref<128x32xf32, #tpu.memory_space<vmem>>
    %dma_wait3A_330 = arith.constant 0 : i32
    %dma_wait3A_331 = tpu.memref_slice %arg8[%dma_wait3A_325, %dma_wait3A_330] : memref<80x128xi32, #tpu.memory_space<vmem>> -> memref<1x128xi32, #tpu.memory_space<vmem>>
    %dma_wait3A_332 = tpu.memref_squeeze %dma_wait3A_331 : memref<1x128xi32, #tpu.memory_space<vmem>> -> memref<128xi32, #tpu.memory_space<vmem>>
    %dma_wait3A_333 = arith.constant 0 : i32
    %dma_wait3A_334 = arith.constant 0 : i32
    %dma_wait3A_335 = tpu.memref_slice %arg11[%dma_wait3A_333, %dma_wait3A_334] : memref<10112x32xf32, #tpu.memory_space<vmem_shared>> -> memref<10112x32xf32, #tpu.memory_space<vmem_shared>>
    tpu.wait_indirect_dma semaphore(%arg22 : memref<!tpu.dma_semaphore, #tpu.memory_space<semaphore_mem>>) src(%dma_wait3A_329 : memref<128x32xf32, #tpu.memory_space<vmem>>) dst(%dma_wait3A_335 : memref<10112x32xf32, #tpu.memory_space<vmem_shared>>)
    %dma_wait3A_336 = arith.constant 3 : i32
    %dma_wait3A_337 = arith.constant 75 : i32
    %dma_wait3A_338 = arith.constant 0 : i32
    %dma_wait3A_339 = arith.constant 0 : i32
    %dma_wait3A_340 = tpu.memref_slice %arg9[%dma_wait3A_336, %dma_wait3A_338, %dma_wait3A_339] : memref<8x128x32xf32, #tpu.memory_space<vmem>> -> memref<1x128x32xf32, #tpu.memory_space<vmem>>
    %dma_wait3A_341 = tpu.memref_squeeze %dma_wait3A_340 : memref<1x128x32xf32, #tpu.memory_space<vmem>> -> memref<128x32xf32, #tpu.memory_space<vmem>>
    %dma_wait3A_342 = arith.constant 0 : i32
    %dma_wait3A_343 = tpu.memref_slice %arg8[%dma_wait3A_337, %dma_wait3A_342] : memref<80x128xi32, #tpu.memory_space<vmem>> -> memref<1x128xi32, #tpu.memory_space<vmem>>
    %dma_wait3A_344 = tpu.memref_squeeze %dma_wait3A_343 : memref<1x128xi32, #tpu.memory_space<vmem>> -> memref<128xi32, #tpu.memory_space<vmem>>
    %dma_wait3A_345 = arith.constant 0 : i32
    %dma_wait3A_346 = arith.constant 0 : i32
    %dma_wait3A_347 = tpu.memref_slice %arg11[%dma_wait3A_345, %dma_wait3A_346] : memref<10112x32xf32, #tpu.memory_space<vmem_shared>> -> memref<10112x32xf32, #tpu.memory_space<vmem_shared>>
    tpu.wait_indirect_dma semaphore(%arg23 : memref<!tpu.dma_semaphore, #tpu.memory_space<semaphore_mem>>) src(%dma_wait3A_341 : memref<128x32xf32, #tpu.memory_space<vmem>>) dst(%dma_wait3A_347 : memref<10112x32xf32, #tpu.memory_space<vmem_shared>>)
    %dma_wait3A_348 = arith.constant 4 : i32
    %dma_wait3A_349 = arith.constant 76 : i32
    %dma_wait3A_350 = arith.constant 0 : i32
    %dma_wait3A_351 = arith.constant 0 : i32
    %dma_wait3A_352 = tpu.memref_slice %arg9[%dma_wait3A_348, %dma_wait3A_350, %dma_wait3A_351] : memref<8x128x32xf32, #tpu.memory_space<vmem>> -> memref<1x128x32xf32, #tpu.memory_space<vmem>>
    %dma_wait3A_353 = tpu.memref_squeeze %dma_wait3A_352 : memref<1x128x32xf32, #tpu.memory_space<vmem>> -> memref<128x32xf32, #tpu.memory_space<vmem>>
    %dma_wait3A_354 = arith.constant 0 : i32
    %dma_wait3A_355 = tpu.memref_slice %arg8[%dma_wait3A_349, %dma_wait3A_354] : memref<80x128xi32, #tpu.memory_space<vmem>> -> memref<1x128xi32, #tpu.memory_space<vmem>>
    %dma_wait3A_356 = tpu.memref_squeeze %dma_wait3A_355 : memref<1x128xi32, #tpu.memory_space<vmem>> -> memref<128xi32, #tpu.memory_space<vmem>>
    %dma_wait3A_357 = arith.constant 0 : i32
    %dma_wait3A_358 = arith.constant 0 : i32
    %dma_wait3A_359 = tpu.memref_slice %arg11[%dma_wait3A_357, %dma_wait3A_358] : memref<10112x32xf32, #tpu.memory_space<vmem_shared>> -> memref<10112x32xf32, #tpu.memory_space<vmem_shared>>
    tpu.wait_indirect_dma semaphore(%arg24 : memref<!tpu.dma_semaphore, #tpu.memory_space<semaphore_mem>>) src(%dma_wait3A_353 : memref<128x32xf32, #tpu.memory_space<vmem>>) dst(%dma_wait3A_359 : memref<10112x32xf32, #tpu.memory_space<vmem_shared>>)
    %dma_wait3A_360 = arith.constant 5 : i32
    %dma_wait3A_361 = arith.constant 77 : i32
    %dma_wait3A_362 = arith.constant 0 : i32
    %dma_wait3A_363 = arith.constant 0 : i32
    %dma_wait3A_364 = tpu.memref_slice %arg9[%dma_wait3A_360, %dma_wait3A_362, %dma_wait3A_363] : memref<8x128x32xf32, #tpu.memory_space<vmem>> -> memref<1x128x32xf32, #tpu.memory_space<vmem>>
    %dma_wait3A_365 = tpu.memref_squeeze %dma_wait3A_364 : memref<1x128x32xf32, #tpu.memory_space<vmem>> -> memref<128x32xf32, #tpu.memory_space<vmem>>
    %dma_wait3A_366 = arith.constant 0 : i32
    %dma_wait3A_367 = tpu.memref_slice %arg8[%dma_wait3A_361, %dma_wait3A_366] : memref<80x128xi32, #tpu.memory_space<vmem>> -> memref<1x128xi32, #tpu.memory_space<vmem>>
    %dma_wait3A_368 = tpu.memref_squeeze %dma_wait3A_367 : memref<1x128xi32, #tpu.memory_space<vmem>> -> memref<128xi32, #tpu.memory_space<vmem>>
    %dma_wait3A_369 = arith.constant 0 : i32
    %dma_wait3A_370 = arith.constant 0 : i32
    %dma_wait3A_371 = tpu.memref_slice %arg11[%dma_wait3A_369, %dma_wait3A_370] : memref<10112x32xf32, #tpu.memory_space<vmem_shared>> -> memref<10112x32xf32, #tpu.memory_space<vmem_shared>>
    tpu.wait_indirect_dma semaphore(%arg25 : memref<!tpu.dma_semaphore, #tpu.memory_space<semaphore_mem>>) src(%dma_wait3A_365 : memref<128x32xf32, #tpu.memory_space<vmem>>) dst(%dma_wait3A_371 : memref<10112x32xf32, #tpu.memory_space<vmem_shared>>)
    %dma_wait3A_372 = arith.constant 6 : i32
    %dma_wait3A_373 = arith.constant 78 : i32
    %dma_wait3A_374 = arith.constant 0 : i32
    %dma_wait3A_375 = arith.constant 0 : i32
    %dma_wait3A_376 = tpu.memref_slice %arg9[%dma_wait3A_372, %dma_wait3A_374, %dma_wait3A_375] : memref<8x128x32xf32, #tpu.memory_space<vmem>> -> memref<1x128x32xf32, #tpu.memory_space<vmem>>
    %dma_wait3A_377 = tpu.memref_squeeze %dma_wait3A_376 : memref<1x128x32xf32, #tpu.memory_space<vmem>> -> memref<128x32xf32, #tpu.memory_space<vmem>>
    %dma_wait3A_378 = arith.constant 0 : i32
    %dma_wait3A_379 = tpu.memref_slice %arg8[%dma_wait3A_373, %dma_wait3A_378] : memref<80x128xi32, #tpu.memory_space<vmem>> -> memref<1x128xi32, #tpu.memory_space<vmem>>
    %dma_wait3A_380 = tpu.memref_squeeze %dma_wait3A_379 : memref<1x128xi32, #tpu.memory_space<vmem>> -> memref<128xi32, #tpu.memory_space<vmem>>
    %dma_wait3A_381 = arith.constant 0 : i32
    %dma_wait3A_382 = arith.constant 0 : i32
    %dma_wait3A_383 = tpu.memref_slice %arg11[%dma_wait3A_381, %dma_wait3A_382] : memref<10112x32xf32, #tpu.memory_space<vmem_shared>> -> memref<10112x32xf32, #tpu.memory_space<vmem_shared>>
    tpu.wait_indirect_dma semaphore(%arg26 : memref<!tpu.dma_semaphore, #tpu.memory_space<semaphore_mem>>) src(%dma_wait3A_377 : memref<128x32xf32, #tpu.memory_space<vmem>>) dst(%dma_wait3A_383 : memref<10112x32xf32, #tpu.memory_space<vmem_shared>>)
    %dma_wait3A_384 = arith.constant 7 : i32
    %dma_wait3A_385 = arith.constant 79 : i32
    %dma_wait3A_386 = arith.constant 0 : i32
    %dma_wait3A_387 = arith.constant 0 : i32
    %dma_wait3A_388 = tpu.memref_slice %arg9[%dma_wait3A_384, %dma_wait3A_386, %dma_wait3A_387] : memref<8x128x32xf32, #tpu.memory_space<vmem>> -> memref<1x128x32xf32, #tpu.memory_space<vmem>>
    %dma_wait3A_389 = tpu.memref_squeeze %dma_wait3A_388 : memref<1x128x32xf32, #tpu.memory_space<vmem>> -> memref<128x32xf32, #tpu.memory_space<vmem>>
    %dma_wait3A_390 = arith.constant 0 : i32
    %dma_wait3A_391 = tpu.memref_slice %arg8[%dma_wait3A_385, %dma_wait3A_390] : memref<80x128xi32, #tpu.memory_space<vmem>> -> memref<1x128xi32, #tpu.memory_space<vmem>>
    %dma_wait3A_392 = tpu.memref_squeeze %dma_wait3A_391 : memref<1x128xi32, #tpu.memory_space<vmem>> -> memref<128xi32, #tpu.memory_space<vmem>>
    %dma_wait3A_393 = arith.constant 0 : i32
    %dma_wait3A_394 = arith.constant 0 : i32
    %dma_wait3A_395 = tpu.memref_slice %arg11[%dma_wait3A_393, %dma_wait3A_394] : memref<10112x32xf32, #tpu.memory_space<vmem_shared>> -> memref<10112x32xf32, #tpu.memory_space<vmem_shared>>
    tpu.wait_indirect_dma semaphore(%arg27 : memref<!tpu.dma_semaphore, #tpu.memory_space<semaphore_mem>>) src(%dma_wait3A_389 : memref<128x32xf32, #tpu.memory_space<vmem>>) dst(%dma_wait3A_395 : memref<10112x32xf32, #tpu.memory_space<vmem_shared>>)
    %barrier3A_396 = arith.constant 0 : index
    tpu.barrier barrier_id(%barrier3A_396)
    %mul3A_397 = arith.constant 632 : i32
    %mul3A_398 = arith.muli %arg1, %mul3A_397 : i32
    "tpu.region"() ({
      %run_scoped3A = tpu.sem_alloc : memref<!tpu.dma_semaphore, #tpu.memory_space<semaphore_mem>>
      %dma_start3A_401 = arith.constant 0 : i32
      %dma_start3A_402 = tpu.memref_slice %arg11[%mul3A_398, %dma_start3A_401] : memref<10112x32xf32, #tpu.memory_space<vmem_shared>> -> memref<632x32xf32, #tpu.memory_space<vmem_shared>>
      %dma_start3A_403 = arith.constant 0 : i32
      %dma_start3A_404 = tpu.memref_slice %arg11[%mul3A_398, %dma_start3A_403] : memref<10112x32xf32, #tpu.memory_space<vmem_shared>> -> memref<632x32xf32, #tpu.memory_space<vmem_shared>>
      tpu.enqueue_dma source(%dma_start3A_404 : memref<632x32xf32, #tpu.memory_space<vmem_shared>>) target(%arg10 : memref<632x32xf32, #tpu.memory_space<vmem>>) target_semaphore(%run_scoped3A : memref<!tpu.dma_semaphore, #tpu.memory_space<semaphore_mem>>)
      %dma_wait3A_405 = arith.constant 0 : i32
      %dma_wait3A_406 = tpu.memref_slice %arg11[%mul3A_398, %dma_wait3A_405] : memref<10112x32xf32, #tpu.memory_space<vmem_shared>> -> memref<632x32xf32, #tpu.memory_space<vmem_shared>>
      %dma_wait3A_407 = arith.constant 0 : i32
      %dma_wait3A_408 = tpu.memref_slice %arg11[%mul3A_398, %dma_wait3A_407] : memref<10112x32xf32, #tpu.memory_space<vmem_shared>> -> memref<632x32xf32, #tpu.memory_space<vmem_shared>>
      tpu.wait_dma2 semaphore(%run_scoped3A : memref<!tpu.dma_semaphore, #tpu.memory_space<semaphore_mem>>) src(%dma_wait3A_408 : memref<632x32xf32, #tpu.memory_space<vmem_shared>>) dst(%arg10 : memref<632x32xf32, #tpu.memory_space<vmem>>)
      tpu.yield
    }) : () -> ()
    %mul3A_399 = arith.constant 632 : i32
    %mul3A_400 = arith.muli %arg1, %mul3A_399 : i32
    "tpu.region"() ({
      %run_scoped3A = tpu.sem_alloc : memref<!tpu.dma_semaphore, #tpu.memory_space<semaphore_mem>>
      %dma_start3A_401 = arith.constant 0 : i32
      %dma_start3A_402 = tpu.memref_slice %arg6[%arg0, %mul3A_400, %dma_start3A_401] : memref<2x10112x32xf32, #tpu.memory_space<hbm>> -> memref<1x632x32xf32, #tpu.memory_space<hbm>>
      %dma_start3A_403 = tpu.memref_squeeze %dma_start3A_402 : memref<1x632x32xf32, #tpu.memory_space<hbm>> -> memref<632x32xf32, #tpu.memory_space<hbm>>
      %dma_start3A_404 = arith.constant 0 : i32
      %dma_start3A_405 = tpu.memref_slice %arg6[%arg0, %mul3A_400, %dma_start3A_404] : memref<2x10112x32xf32, #tpu.memory_space<hbm>> -> memref<1x632x32xf32, #tpu.memory_space<hbm>>
      %dma_start3A_406 = tpu.memref_squeeze %dma_start3A_405 : memref<1x632x32xf32, #tpu.memory_space<hbm>> -> memref<632x32xf32, #tpu.memory_space<hbm>>
      tpu.enqueue_dma source(%arg10 : memref<632x32xf32, #tpu.memory_space<vmem>>) target(%dma_start3A_406 : memref<632x32xf32, #tpu.memory_space<hbm>>) target_semaphore(%run_scoped3A : memref<!tpu.dma_semaphore, #tpu.memory_space<semaphore_mem>>)
      %dma_wait3A_407 = arith.constant 0 : i32
      %dma_wait3A_408 = tpu.memref_slice %arg6[%arg0, %mul3A_400, %dma_wait3A_407] : memref<2x10112x32xf32, #tpu.memory_space<hbm>> -> memref<1x632x32xf32, #tpu.memory_space<hbm>>
      %dma_wait3A_409 = tpu.memref_squeeze %dma_wait3A_408 : memref<1x632x32xf32, #tpu.memory_space<hbm>> -> memref<632x32xf32, #tpu.memory_space<hbm>>
      %dma_wait3A_410 = arith.constant 0 : i32
      %dma_wait3A_411 = tpu.memref_slice %arg6[%arg0, %mul3A_400, %dma_wait3A_410] : memref<2x10112x32xf32, #tpu.memory_space<hbm>> -> memref<1x632x32xf32, #tpu.memory_space<hbm>>
      %dma_wait3A_412 = tpu.memref_squeeze %dma_wait3A_411 : memref<1x632x32xf32, #tpu.memory_space<hbm>> -> memref<632x32xf32, #tpu.memory_space<hbm>>
      tpu.wait_dma2 semaphore(%run_scoped3A : memref<!tpu.dma_semaphore, #tpu.memory_space<semaphore_mem>>) src(%arg10 : memref<632x32xf32, #tpu.memory_space<vmem>>) dst(%dma_wait3A_412 : memref<632x32xf32, #tpu.memory_space<hbm>>)
      tpu.yield
    }) : () -> ()
    return
  }
}

#map = affine_map<(d0, d1) -> (0, 0)>
#map1 = affine_map<(d0, d1) -> (0, 0, 0)>
module attributes {stable_mosaic.version = 14 : i64} {
  func.func @agg(%arg0: i32, %arg1: i32, %arg2: memref<10000x16xf32, #tpu.memory_space<hbm>>, %arg3: memref<2560x128xi32, #tpu.memory_space<hbm>>, %arg4: memref<2560x128xi32, #tpu.memory_space<hbm>>, %arg5: memref<10112x16xf32, #tpu.memory_space<hbm>>, %arg6: memref<2x10112x16xf32, #tpu.memory_space<hbm>>, %arg7: memref<80x128xi32, #tpu.memory_space<vmem>>, %arg8: memref<80x128xi32, #tpu.memory_space<vmem>>, %arg9: memref<8x128x16xf32, #tpu.memory_space<vmem>>, %arg10: memref<632x16xf32, #tpu.memory_space<vmem>>, %arg11: memref<10112x16xf32, #tpu.memory_space<vmem_shared>>, %arg12: memref<!tpu.dma_semaphore, #tpu.memory_space<semaphore_mem>>, %arg13: memref<!tpu.dma_semaphore, #tpu.memory_space<semaphore_mem>>, %arg14: memref<!tpu.dma_semaphore, #tpu.memory_space<semaphore_mem>>, %arg15: memref<!tpu.dma_semaphore, #tpu.memory_space<semaphore_mem>>, %arg16: memref<!tpu.dma_semaphore, #tpu.memory_space<semaphore_mem>>, %arg17: memref<!tpu.dma_semaphore, #tpu.memory_space<semaphore_mem>>, %arg18: memref<!tpu.dma_semaphore, #tpu.memory_space<semaphore_mem>>, %arg19: memref<!tpu.dma_semaphore, #tpu.memory_space<semaphore_mem>>, %arg20: memref<!tpu.dma_semaphore, #tpu.memory_space<semaphore_mem>>, %arg21: memref<!tpu.dma_semaphore, #tpu.memory_space<semaphore_mem>>, %arg22: memref<!tpu.dma_semaphore, #tpu.memory_space<semaphore_mem>>, %arg23: memref<!tpu.dma_semaphore, #tpu.memory_space<semaphore_mem>>, %arg24: memref<!tpu.dma_semaphore, #tpu.memory_space<semaphore_mem>>, %arg25: memref<!tpu.dma_semaphore, #tpu.memory_space<semaphore_mem>>, %arg26: memref<!tpu.dma_semaphore, #tpu.memory_space<semaphore_mem>>, %arg27: memref<!tpu.dma_semaphore, #tpu.memory_space<semaphore_mem>>) attributes {dimension_semantics = [#tpu.dimension_semantics<core_parallel>, #tpu.dimension_semantics<subcore_parallel>], iteration_bounds = array<i64: 2, 16>, scalar_prefetch = 0 : i64, scratch_operands = 21 : i64, tpu.core_type = #tpu.core_type<sc_vector_subcore>, window_params = [{transform_indices = #map}, {transform_indices = #map}, {transform_indices = #map}, {transform_indices = #map}, {transform_indices = #map1}]} {
    %mul3A = arith.constant 632 : i32
    %mul3A_0 = arith.muli %arg1, %mul3A : i32
    "tpu.region"() ({
      %run_scoped3A = tpu.sem_alloc : memref<!tpu.dma_semaphore, #tpu.memory_space<semaphore_mem>>
      %dma_start3A_401 = arith.constant 0 : i32
      %dma_start3A_402 = tpu.memref_slice %arg5[%mul3A_0, %dma_start3A_401] : memref<10112x16xf32, #tpu.memory_space<hbm>> -> memref<632x16xf32, #tpu.memory_space<hbm>>
      %dma_start3A_403 = arith.constant 0 : i32
      %dma_start3A_404 = tpu.memref_slice %arg5[%mul3A_0, %dma_start3A_403] : memref<10112x16xf32, #tpu.memory_space<hbm>> -> memref<632x16xf32, #tpu.memory_space<hbm>>
      tpu.enqueue_dma source(%dma_start3A_404 : memref<632x16xf32, #tpu.memory_space<hbm>>) target(%arg10 : memref<632x16xf32, #tpu.memory_space<vmem>>) target_semaphore(%run_scoped3A : memref<!tpu.dma_semaphore, #tpu.memory_space<semaphore_mem>>)
      %dma_wait3A_405 = arith.constant 0 : i32
      %dma_wait3A_406 = tpu.memref_slice %arg5[%mul3A_0, %dma_wait3A_405] : memref<10112x16xf32, #tpu.memory_space<hbm>> -> memref<632x16xf32, #tpu.memory_space<hbm>>
      %dma_wait3A_407 = arith.constant 0 : i32
      %dma_wait3A_408 = tpu.memref_slice %arg5[%mul3A_0, %dma_wait3A_407] : memref<10112x16xf32, #tpu.memory_space<hbm>> -> memref<632x16xf32, #tpu.memory_space<hbm>>
      tpu.wait_dma2 semaphore(%run_scoped3A : memref<!tpu.dma_semaphore, #tpu.memory_space<semaphore_mem>>) src(%dma_wait3A_408 : memref<632x16xf32, #tpu.memory_space<hbm>>) dst(%arg10 : memref<632x16xf32, #tpu.memory_space<vmem>>)
      tpu.yield
    }) : () -> ()
    %mul3A_1 = arith.constant 632 : i32
    %mul3A_2 = arith.muli %arg1, %mul3A_1 : i32
    "tpu.region"() ({
      %run_scoped3A = tpu.sem_alloc : memref<!tpu.dma_semaphore, #tpu.memory_space<semaphore_mem>>
      %dma_start3A_401 = arith.constant 0 : i32
      %dma_start3A_402 = tpu.memref_slice %arg11[%mul3A_2, %dma_start3A_401] : memref<10112x16xf32, #tpu.memory_space<vmem_shared>> -> memref<632x16xf32, #tpu.memory_space<vmem_shared>>
      %dma_start3A_403 = arith.constant 0 : i32
      %dma_start3A_404 = tpu.memref_slice %arg11[%mul3A_2, %dma_start3A_403] : memref<10112x16xf32, #tpu.memory_space<vmem_shared>> -> memref<632x16xf32, #tpu.memory_space<vmem_shared>>
      tpu.enqueue_dma source(%arg10 : memref<632x16xf32, #tpu.memory_space<vmem>>) target(%dma_start3A_404 : memref<632x16xf32, #tpu.memory_space<vmem_shared>>) target_semaphore(%run_scoped3A : memref<!tpu.dma_semaphore, #tpu.memory_space<semaphore_mem>>)
      %dma_wait3A_405 = arith.constant 0 : i32
      %dma_wait3A_406 = tpu.memref_slice %arg11[%mul3A_2, %dma_wait3A_405] : memref<10112x16xf32, #tpu.memory_space<vmem_shared>> -> memref<632x16xf32, #tpu.memory_space<vmem_shared>>
      %dma_wait3A_407 = arith.constant 0 : i32
      %dma_wait3A_408 = tpu.memref_slice %arg11[%mul3A_2, %dma_wait3A_407] : memref<10112x16xf32, #tpu.memory_space<vmem_shared>> -> memref<632x16xf32, #tpu.memory_space<vmem_shared>>
      tpu.wait_dma2 semaphore(%run_scoped3A : memref<!tpu.dma_semaphore, #tpu.memory_space<semaphore_mem>>) src(%arg10 : memref<632x16xf32, #tpu.memory_space<vmem>>) dst(%dma_wait3A_408 : memref<632x16xf32, #tpu.memory_space<vmem_shared>>)
      tpu.yield
    }) : () -> ()
    %barrier3A = arith.constant 0 : index
    tpu.barrier barrier_id(%barrier3A)
    %mul3A_3 = arith.constant 2 : i32
    %mul3A_4 = arith.muli %arg1, %mul3A_3 : i32
    %add3A = arith.addi %mul3A_4, %arg0 : i32
    %mul3A_5 = arith.constant 80 : i32
    %mul3A_6 = arith.muli %add3A, %mul3A_5 : i32
    "tpu.region"() ({
      %run_scoped3A = tpu.sem_alloc : memref<!tpu.dma_semaphore, #tpu.memory_space<semaphore_mem>>
      %dma_start3A_401 = arith.constant 0 : i32
      %dma_start3A_402 = tpu.memref_slice %arg3[%mul3A_6, %dma_start3A_401] : memref<2560x128xi32, #tpu.memory_space<hbm>> -> memref<80x128xi32, #tpu.memory_space<hbm>>
      %dma_start3A_403 = arith.constant 0 : i32
      %dma_start3A_404 = tpu.memref_slice %arg3[%mul3A_6, %dma_start3A_403] : memref<2560x128xi32, #tpu.memory_space<hbm>> -> memref<80x128xi32, #tpu.memory_space<hbm>>
      tpu.enqueue_dma source(%dma_start3A_404 : memref<80x128xi32, #tpu.memory_space<hbm>>) target(%arg7 : memref<80x128xi32, #tpu.memory_space<vmem>>) target_semaphore(%run_scoped3A : memref<!tpu.dma_semaphore, #tpu.memory_space<semaphore_mem>>)
      %dma_wait3A_405 = arith.constant 0 : i32
      %dma_wait3A_406 = tpu.memref_slice %arg3[%mul3A_6, %dma_wait3A_405] : memref<2560x128xi32, #tpu.memory_space<hbm>> -> memref<80x128xi32, #tpu.memory_space<hbm>>
      %dma_wait3A_407 = arith.constant 0 : i32
      %dma_wait3A_408 = tpu.memref_slice %arg3[%mul3A_6, %dma_wait3A_407] : memref<2560x128xi32, #tpu.memory_space<hbm>> -> memref<80x128xi32, #tpu.memory_space<hbm>>
      tpu.wait_dma2 semaphore(%run_scoped3A : memref<!tpu.dma_semaphore, #tpu.memory_space<semaphore_mem>>) src(%dma_wait3A_408 : memref<80x128xi32, #tpu.memory_space<hbm>>) dst(%arg7 : memref<80x128xi32, #tpu.memory_space<vmem>>)
      tpu.yield
    }) : () -> ()
    %mul3A_7 = arith.constant 80 : i32
    %mul3A_8 = arith.muli %add3A, %mul3A_7 : i32
    "tpu.region"() ({
      %run_scoped3A = tpu.sem_alloc : memref<!tpu.dma_semaphore, #tpu.memory_space<semaphore_mem>>
      %dma_start3A_401 = arith.constant 0 : i32
      %dma_start3A_402 = tpu.memref_slice %arg4[%mul3A_8, %dma_start3A_401] : memref<2560x128xi32, #tpu.memory_space<hbm>> -> memref<80x128xi32, #tpu.memory_space<hbm>>
      %dma_start3A_403 = arith.constant 0 : i32
      %dma_start3A_404 = tpu.memref_slice %arg4[%mul3A_8, %dma_start3A_403] : memref<2560x128xi32, #tpu.memory_space<hbm>> -> memref<80x128xi32, #tpu.memory_space<hbm>>
      tpu.enqueue_dma source(%dma_start3A_404 : memref<80x128xi32, #tpu.memory_space<hbm>>) target(%arg8 : memref<80x128xi32, #tpu.memory_space<vmem>>) target_semaphore(%run_scoped3A : memref<!tpu.dma_semaphore, #tpu.memory_space<semaphore_mem>>)
      %dma_wait3A_405 = arith.constant 0 : i32
      %dma_wait3A_406 = tpu.memref_slice %arg4[%mul3A_8, %dma_wait3A_405] : memref<2560x128xi32, #tpu.memory_space<hbm>> -> memref<80x128xi32, #tpu.memory_space<hbm>>
      %dma_wait3A_407 = arith.constant 0 : i32
      %dma_wait3A_408 = tpu.memref_slice %arg4[%mul3A_8, %dma_wait3A_407] : memref<2560x128xi32, #tpu.memory_space<hbm>> -> memref<80x128xi32, #tpu.memory_space<hbm>>
      tpu.wait_dma2 semaphore(%run_scoped3A : memref<!tpu.dma_semaphore, #tpu.memory_space<semaphore_mem>>) src(%dma_wait3A_408 : memref<80x128xi32, #tpu.memory_space<hbm>>) dst(%arg8 : memref<80x128xi32, #tpu.memory_space<vmem>>)
      tpu.yield
    }) : () -> ()
    %dma_start3A = arith.constant 0 : i32
    %dma_start3A_9 = arith.constant 0 : i32
    %dma_start3A_10 = arith.constant 0 : i32
    %dma_start3A_11 = arith.constant 0 : i32
    %dma_start3A_12 = tpu.memref_slice %arg9[%dma_start3A_9, %dma_start3A_10, %dma_start3A_11] : memref<8x128x16xf32, #tpu.memory_space<vmem>> -> memref<1x128x16xf32, #tpu.memory_space<vmem>>
    %dma_start3A_13 = tpu.memref_squeeze %dma_start3A_12 : memref<1x128x16xf32, #tpu.memory_space<vmem>> -> memref<128x16xf32, #tpu.memory_space<vmem>>
    %dma_start3A_14 = arith.constant 0 : i32
    %dma_start3A_15 = tpu.memref_slice %arg7[%dma_start3A, %dma_start3A_14] : memref<80x128xi32, #tpu.memory_space<vmem>> -> memref<1x128xi32, #tpu.memory_space<vmem>>
    %dma_start3A_16 = tpu.memref_squeeze %dma_start3A_15 : memref<1x128xi32, #tpu.memory_space<vmem>> -> memref<128xi32, #tpu.memory_space<vmem>>
    %dma_start3A_17 = arith.constant 0 : i32
    %dma_start3A_18 = arith.constant 0 : i32
    %dma_start3A_19 = tpu.memref_slice %arg2[%dma_start3A_17, %dma_start3A_18] : memref<10000x16xf32, #tpu.memory_space<hbm>> -> memref<10000x16xf32, #tpu.memory_space<hbm>>
    tpu.enqueue_indirect_dma source(%dma_start3A_19 : memref<10000x16xf32, #tpu.memory_space<hbm>>) target(%dma_start3A_13 : memref<128x16xf32, #tpu.memory_space<vmem>>) offsets(%dma_start3A_16 : memref<128xi32, #tpu.memory_space<vmem>>) semaphore(%arg12 : memref<!tpu.dma_semaphore, #tpu.memory_space<semaphore_mem>>)
    %dma_start3A_20 = arith.constant 1 : i32
    %dma_start3A_21 = arith.constant 1 : i32
    %dma_start3A_22 = arith.constant 0 : i32
    %dma_start3A_23 = arith.constant 0 : i32
    %dma_start3A_24 = tpu.memref_slice %arg9[%dma_start3A_21, %dma_start3A_22, %dma_start3A_23] : memref<8x128x16xf32, #tpu.memory_space<vmem>> -> memref<1x128x16xf32, #tpu.memory_space<vmem>>
    %dma_start3A_25 = tpu.memref_squeeze %dma_start3A_24 : memref<1x128x16xf32, #tpu.memory_space<vmem>> -> memref<128x16xf32, #tpu.memory_space<vmem>>
    %dma_start3A_26 = arith.constant 0 : i32
    %dma_start3A_27 = tpu.memref_slice %arg7[%dma_start3A_20, %dma_start3A_26] : memref<80x128xi32, #tpu.memory_space<vmem>> -> memref<1x128xi32, #tpu.memory_space<vmem>>
    %dma_start3A_28 = tpu.memref_squeeze %dma_start3A_27 : memref<1x128xi32, #tpu.memory_space<vmem>> -> memref<128xi32, #tpu.memory_space<vmem>>
    %dma_start3A_29 = arith.constant 0 : i32
    %dma_start3A_30 = arith.constant 0 : i32
    %dma_start3A_31 = tpu.memref_slice %arg2[%dma_start3A_29, %dma_start3A_30] : memref<10000x16xf32, #tpu.memory_space<hbm>> -> memref<10000x16xf32, #tpu.memory_space<hbm>>
    tpu.enqueue_indirect_dma source(%dma_start3A_31 : memref<10000x16xf32, #tpu.memory_space<hbm>>) target(%dma_start3A_25 : memref<128x16xf32, #tpu.memory_space<vmem>>) offsets(%dma_start3A_28 : memref<128xi32, #tpu.memory_space<vmem>>) semaphore(%arg13 : memref<!tpu.dma_semaphore, #tpu.memory_space<semaphore_mem>>)
    %dma_start3A_32 = arith.constant 2 : i32
    %dma_start3A_33 = arith.constant 2 : i32
    %dma_start3A_34 = arith.constant 0 : i32
    %dma_start3A_35 = arith.constant 0 : i32
    %dma_start3A_36 = tpu.memref_slice %arg9[%dma_start3A_33, %dma_start3A_34, %dma_start3A_35] : memref<8x128x16xf32, #tpu.memory_space<vmem>> -> memref<1x128x16xf32, #tpu.memory_space<vmem>>
    %dma_start3A_37 = tpu.memref_squeeze %dma_start3A_36 : memref<1x128x16xf32, #tpu.memory_space<vmem>> -> memref<128x16xf32, #tpu.memory_space<vmem>>
    %dma_start3A_38 = arith.constant 0 : i32
    %dma_start3A_39 = tpu.memref_slice %arg7[%dma_start3A_32, %dma_start3A_38] : memref<80x128xi32, #tpu.memory_space<vmem>> -> memref<1x128xi32, #tpu.memory_space<vmem>>
    %dma_start3A_40 = tpu.memref_squeeze %dma_start3A_39 : memref<1x128xi32, #tpu.memory_space<vmem>> -> memref<128xi32, #tpu.memory_space<vmem>>
    %dma_start3A_41 = arith.constant 0 : i32
    %dma_start3A_42 = arith.constant 0 : i32
    %dma_start3A_43 = tpu.memref_slice %arg2[%dma_start3A_41, %dma_start3A_42] : memref<10000x16xf32, #tpu.memory_space<hbm>> -> memref<10000x16xf32, #tpu.memory_space<hbm>>
    tpu.enqueue_indirect_dma source(%dma_start3A_43 : memref<10000x16xf32, #tpu.memory_space<hbm>>) target(%dma_start3A_37 : memref<128x16xf32, #tpu.memory_space<vmem>>) offsets(%dma_start3A_40 : memref<128xi32, #tpu.memory_space<vmem>>) semaphore(%arg14 : memref<!tpu.dma_semaphore, #tpu.memory_space<semaphore_mem>>)
    %dma_start3A_44 = arith.constant 3 : i32
    %dma_start3A_45 = arith.constant 3 : i32
    %dma_start3A_46 = arith.constant 0 : i32
    %dma_start3A_47 = arith.constant 0 : i32
    %dma_start3A_48 = tpu.memref_slice %arg9[%dma_start3A_45, %dma_start3A_46, %dma_start3A_47] : memref<8x128x16xf32, #tpu.memory_space<vmem>> -> memref<1x128x16xf32, #tpu.memory_space<vmem>>
    %dma_start3A_49 = tpu.memref_squeeze %dma_start3A_48 : memref<1x128x16xf32, #tpu.memory_space<vmem>> -> memref<128x16xf32, #tpu.memory_space<vmem>>
    %dma_start3A_50 = arith.constant 0 : i32
    %dma_start3A_51 = tpu.memref_slice %arg7[%dma_start3A_44, %dma_start3A_50] : memref<80x128xi32, #tpu.memory_space<vmem>> -> memref<1x128xi32, #tpu.memory_space<vmem>>
    %dma_start3A_52 = tpu.memref_squeeze %dma_start3A_51 : memref<1x128xi32, #tpu.memory_space<vmem>> -> memref<128xi32, #tpu.memory_space<vmem>>
    %dma_start3A_53 = arith.constant 0 : i32
    %dma_start3A_54 = arith.constant 0 : i32
    %dma_start3A_55 = tpu.memref_slice %arg2[%dma_start3A_53, %dma_start3A_54] : memref<10000x16xf32, #tpu.memory_space<hbm>> -> memref<10000x16xf32, #tpu.memory_space<hbm>>
    tpu.enqueue_indirect_dma source(%dma_start3A_55 : memref<10000x16xf32, #tpu.memory_space<hbm>>) target(%dma_start3A_49 : memref<128x16xf32, #tpu.memory_space<vmem>>) offsets(%dma_start3A_52 : memref<128xi32, #tpu.memory_space<vmem>>) semaphore(%arg15 : memref<!tpu.dma_semaphore, #tpu.memory_space<semaphore_mem>>)
    %dma_start3A_56 = arith.constant 4 : i32
    %dma_start3A_57 = arith.constant 4 : i32
    %dma_start3A_58 = arith.constant 0 : i32
    %dma_start3A_59 = arith.constant 0 : i32
    %dma_start3A_60 = tpu.memref_slice %arg9[%dma_start3A_57, %dma_start3A_58, %dma_start3A_59] : memref<8x128x16xf32, #tpu.memory_space<vmem>> -> memref<1x128x16xf32, #tpu.memory_space<vmem>>
    %dma_start3A_61 = tpu.memref_squeeze %dma_start3A_60 : memref<1x128x16xf32, #tpu.memory_space<vmem>> -> memref<128x16xf32, #tpu.memory_space<vmem>>
    %dma_start3A_62 = arith.constant 0 : i32
    %dma_start3A_63 = tpu.memref_slice %arg7[%dma_start3A_56, %dma_start3A_62] : memref<80x128xi32, #tpu.memory_space<vmem>> -> memref<1x128xi32, #tpu.memory_space<vmem>>
    %dma_start3A_64 = tpu.memref_squeeze %dma_start3A_63 : memref<1x128xi32, #tpu.memory_space<vmem>> -> memref<128xi32, #tpu.memory_space<vmem>>
    %dma_start3A_65 = arith.constant 0 : i32
    %dma_start3A_66 = arith.constant 0 : i32
    %dma_start3A_67 = tpu.memref_slice %arg2[%dma_start3A_65, %dma_start3A_66] : memref<10000x16xf32, #tpu.memory_space<hbm>> -> memref<10000x16xf32, #tpu.memory_space<hbm>>
    tpu.enqueue_indirect_dma source(%dma_start3A_67 : memref<10000x16xf32, #tpu.memory_space<hbm>>) target(%dma_start3A_61 : memref<128x16xf32, #tpu.memory_space<vmem>>) offsets(%dma_start3A_64 : memref<128xi32, #tpu.memory_space<vmem>>) semaphore(%arg16 : memref<!tpu.dma_semaphore, #tpu.memory_space<semaphore_mem>>)
    %dma_start3A_68 = arith.constant 5 : i32
    %dma_start3A_69 = arith.constant 5 : i32
    %dma_start3A_70 = arith.constant 0 : i32
    %dma_start3A_71 = arith.constant 0 : i32
    %dma_start3A_72 = tpu.memref_slice %arg9[%dma_start3A_69, %dma_start3A_70, %dma_start3A_71] : memref<8x128x16xf32, #tpu.memory_space<vmem>> -> memref<1x128x16xf32, #tpu.memory_space<vmem>>
    %dma_start3A_73 = tpu.memref_squeeze %dma_start3A_72 : memref<1x128x16xf32, #tpu.memory_space<vmem>> -> memref<128x16xf32, #tpu.memory_space<vmem>>
    %dma_start3A_74 = arith.constant 0 : i32
    %dma_start3A_75 = tpu.memref_slice %arg7[%dma_start3A_68, %dma_start3A_74] : memref<80x128xi32, #tpu.memory_space<vmem>> -> memref<1x128xi32, #tpu.memory_space<vmem>>
    %dma_start3A_76 = tpu.memref_squeeze %dma_start3A_75 : memref<1x128xi32, #tpu.memory_space<vmem>> -> memref<128xi32, #tpu.memory_space<vmem>>
    %dma_start3A_77 = arith.constant 0 : i32
    %dma_start3A_78 = arith.constant 0 : i32
    %dma_start3A_79 = tpu.memref_slice %arg2[%dma_start3A_77, %dma_start3A_78] : memref<10000x16xf32, #tpu.memory_space<hbm>> -> memref<10000x16xf32, #tpu.memory_space<hbm>>
    tpu.enqueue_indirect_dma source(%dma_start3A_79 : memref<10000x16xf32, #tpu.memory_space<hbm>>) target(%dma_start3A_73 : memref<128x16xf32, #tpu.memory_space<vmem>>) offsets(%dma_start3A_76 : memref<128xi32, #tpu.memory_space<vmem>>) semaphore(%arg17 : memref<!tpu.dma_semaphore, #tpu.memory_space<semaphore_mem>>)
    %dma_start3A_80 = arith.constant 6 : i32
    %dma_start3A_81 = arith.constant 6 : i32
    %dma_start3A_82 = arith.constant 0 : i32
    %dma_start3A_83 = arith.constant 0 : i32
    %dma_start3A_84 = tpu.memref_slice %arg9[%dma_start3A_81, %dma_start3A_82, %dma_start3A_83] : memref<8x128x16xf32, #tpu.memory_space<vmem>> -> memref<1x128x16xf32, #tpu.memory_space<vmem>>
    %dma_start3A_85 = tpu.memref_squeeze %dma_start3A_84 : memref<1x128x16xf32, #tpu.memory_space<vmem>> -> memref<128x16xf32, #tpu.memory_space<vmem>>
    %dma_start3A_86 = arith.constant 0 : i32
    %dma_start3A_87 = tpu.memref_slice %arg7[%dma_start3A_80, %dma_start3A_86] : memref<80x128xi32, #tpu.memory_space<vmem>> -> memref<1x128xi32, #tpu.memory_space<vmem>>
    %dma_start3A_88 = tpu.memref_squeeze %dma_start3A_87 : memref<1x128xi32, #tpu.memory_space<vmem>> -> memref<128xi32, #tpu.memory_space<vmem>>
    %dma_start3A_89 = arith.constant 0 : i32
    %dma_start3A_90 = arith.constant 0 : i32
    %dma_start3A_91 = tpu.memref_slice %arg2[%dma_start3A_89, %dma_start3A_90] : memref<10000x16xf32, #tpu.memory_space<hbm>> -> memref<10000x16xf32, #tpu.memory_space<hbm>>
    tpu.enqueue_indirect_dma source(%dma_start3A_91 : memref<10000x16xf32, #tpu.memory_space<hbm>>) target(%dma_start3A_85 : memref<128x16xf32, #tpu.memory_space<vmem>>) offsets(%dma_start3A_88 : memref<128xi32, #tpu.memory_space<vmem>>) semaphore(%arg18 : memref<!tpu.dma_semaphore, #tpu.memory_space<semaphore_mem>>)
    %dma_start3A_92 = arith.constant 7 : i32
    %dma_start3A_93 = arith.constant 7 : i32
    %dma_start3A_94 = arith.constant 0 : i32
    %dma_start3A_95 = arith.constant 0 : i32
    %dma_start3A_96 = tpu.memref_slice %arg9[%dma_start3A_93, %dma_start3A_94, %dma_start3A_95] : memref<8x128x16xf32, #tpu.memory_space<vmem>> -> memref<1x128x16xf32, #tpu.memory_space<vmem>>
    %dma_start3A_97 = tpu.memref_squeeze %dma_start3A_96 : memref<1x128x16xf32, #tpu.memory_space<vmem>> -> memref<128x16xf32, #tpu.memory_space<vmem>>
    %dma_start3A_98 = arith.constant 0 : i32
    %dma_start3A_99 = tpu.memref_slice %arg7[%dma_start3A_92, %dma_start3A_98] : memref<80x128xi32, #tpu.memory_space<vmem>> -> memref<1x128xi32, #tpu.memory_space<vmem>>
    %dma_start3A_100 = tpu.memref_squeeze %dma_start3A_99 : memref<1x128xi32, #tpu.memory_space<vmem>> -> memref<128xi32, #tpu.memory_space<vmem>>
    %dma_start3A_101 = arith.constant 0 : i32
    %dma_start3A_102 = arith.constant 0 : i32
    %dma_start3A_103 = tpu.memref_slice %arg2[%dma_start3A_101, %dma_start3A_102] : memref<10000x16xf32, #tpu.memory_space<hbm>> -> memref<10000x16xf32, #tpu.memory_space<hbm>>
    tpu.enqueue_indirect_dma source(%dma_start3A_103 : memref<10000x16xf32, #tpu.memory_space<hbm>>) target(%dma_start3A_97 : memref<128x16xf32, #tpu.memory_space<vmem>>) offsets(%dma_start3A_100 : memref<128xi32, #tpu.memory_space<vmem>>) semaphore(%arg19 : memref<!tpu.dma_semaphore, #tpu.memory_space<semaphore_mem>>)
    %scan3A = arith.constant 0 : i32
    %scan3A_104 = arith.constant 0 : i32
    %scan3A_105 = arith.constant 9 : i32
    %scan3A_106 = arith.addi %scan3A_104, %scan3A_105 : i32
    %scan3A_107 = arith.constant 1 : i32
    scf.for %scan3A_401 = %scan3A_104 to %scan3A_106 step %scan3A_107  : i32 {
      %mul3A_402 = arith.constant 8 : i32
      %mul3A_403 = arith.muli %scan3A_401, %mul3A_402 : i32
      %add3A_404 = arith.constant 0 : i32
      %add3A_405 = arith.addi %mul3A_403, %add3A_404 : i32
      %dma_wait3A_406 = arith.constant 0 : i32
      %dma_wait3A_407 = arith.constant 0 : i32
      %dma_wait3A_408 = arith.constant 0 : i32
      %dma_wait3A_409 = tpu.memref_slice %arg9[%dma_wait3A_406, %dma_wait3A_407, %dma_wait3A_408] : memref<8x128x16xf32, #tpu.memory_space<vmem>> -> memref<1x128x16xf32, #tpu.memory_space<vmem>>
      %dma_wait3A_410 = tpu.memref_squeeze %dma_wait3A_409 : memref<1x128x16xf32, #tpu.memory_space<vmem>> -> memref<128x16xf32, #tpu.memory_space<vmem>>
      %dma_wait3A_411 = arith.constant 0 : i32
      %dma_wait3A_412 = tpu.memref_slice %arg7[%add3A_405, %dma_wait3A_411] : memref<80x128xi32, #tpu.memory_space<vmem>> -> memref<1x128xi32, #tpu.memory_space<vmem>>
      %dma_wait3A_413 = tpu.memref_squeeze %dma_wait3A_412 : memref<1x128xi32, #tpu.memory_space<vmem>> -> memref<128xi32, #tpu.memory_space<vmem>>
      %dma_wait3A_414 = arith.constant 0 : i32
      %dma_wait3A_415 = arith.constant 0 : i32
      %dma_wait3A_416 = tpu.memref_slice %arg2[%dma_wait3A_414, %dma_wait3A_415] : memref<10000x16xf32, #tpu.memory_space<hbm>> -> memref<10000x16xf32, #tpu.memory_space<hbm>>
      tpu.wait_indirect_dma semaphore(%arg12 : memref<!tpu.dma_semaphore, #tpu.memory_space<semaphore_mem>>) src(%dma_wait3A_416 : memref<10000x16xf32, #tpu.memory_space<hbm>>) dst(%dma_wait3A_410 : memref<128x16xf32, #tpu.memory_space<vmem>>)
      %dma_start3A_417 = arith.constant 0 : i32
      %dma_start3A_418 = arith.constant 0 : i32
      %dma_start3A_419 = arith.constant 0 : i32
      %dma_start3A_420 = tpu.memref_slice %arg9[%dma_start3A_417, %dma_start3A_418, %dma_start3A_419] : memref<8x128x16xf32, #tpu.memory_space<vmem>> -> memref<1x128x16xf32, #tpu.memory_space<vmem>>
      %dma_start3A_421 = tpu.memref_squeeze %dma_start3A_420 : memref<1x128x16xf32, #tpu.memory_space<vmem>> -> memref<128x16xf32, #tpu.memory_space<vmem>>
      %dma_start3A_422 = arith.constant 0 : i32
      %dma_start3A_423 = tpu.memref_slice %arg8[%add3A_405, %dma_start3A_422] : memref<80x128xi32, #tpu.memory_space<vmem>> -> memref<1x128xi32, #tpu.memory_space<vmem>>
      %dma_start3A_424 = tpu.memref_squeeze %dma_start3A_423 : memref<1x128xi32, #tpu.memory_space<vmem>> -> memref<128xi32, #tpu.memory_space<vmem>>
      %dma_start3A_425 = arith.constant 0 : i32
      %dma_start3A_426 = arith.constant 0 : i32
      %dma_start3A_427 = tpu.memref_slice %arg11[%dma_start3A_425, %dma_start3A_426] : memref<10112x16xf32, #tpu.memory_space<vmem_shared>> -> memref<10112x16xf32, #tpu.memory_space<vmem_shared>>
      tpu.enqueue_indirect_dma source(%dma_start3A_421 : memref<128x16xf32, #tpu.memory_space<vmem>>) target(%dma_start3A_427 : memref<10112x16xf32, #tpu.memory_space<vmem_shared>>) offsets(%dma_start3A_424 : memref<128xi32, #tpu.memory_space<vmem>>) semaphore(%arg20 : memref<!tpu.dma_semaphore, #tpu.memory_space<semaphore_mem>>) {add = true}
      %add3A_428 = arith.constant 1 : i32
      %add3A_429 = arith.addi %mul3A_403, %add3A_428 : i32
      %dma_wait3A_430 = arith.constant 1 : i32
      %dma_wait3A_431 = arith.constant 0 : i32
      %dma_wait3A_432 = arith.constant 0 : i32
      %dma_wait3A_433 = tpu.memref_slice %arg9[%dma_wait3A_430, %dma_wait3A_431, %dma_wait3A_432] : memref<8x128x16xf32, #tpu.memory_space<vmem>> -> memref<1x128x16xf32, #tpu.memory_space<vmem>>
      %dma_wait3A_434 = tpu.memref_squeeze %dma_wait3A_433 : memref<1x128x16xf32, #tpu.memory_space<vmem>> -> memref<128x16xf32, #tpu.memory_space<vmem>>
      %dma_wait3A_435 = arith.constant 0 : i32
      %dma_wait3A_436 = tpu.memref_slice %arg7[%add3A_429, %dma_wait3A_435] : memref<80x128xi32, #tpu.memory_space<vmem>> -> memref<1x128xi32, #tpu.memory_space<vmem>>
      %dma_wait3A_437 = tpu.memref_squeeze %dma_wait3A_436 : memref<1x128xi32, #tpu.memory_space<vmem>> -> memref<128xi32, #tpu.memory_space<vmem>>
      %dma_wait3A_438 = arith.constant 0 : i32
      %dma_wait3A_439 = arith.constant 0 : i32
      %dma_wait3A_440 = tpu.memref_slice %arg2[%dma_wait3A_438, %dma_wait3A_439] : memref<10000x16xf32, #tpu.memory_space<hbm>> -> memref<10000x16xf32, #tpu.memory_space<hbm>>
      tpu.wait_indirect_dma semaphore(%arg13 : memref<!tpu.dma_semaphore, #tpu.memory_space<semaphore_mem>>) src(%dma_wait3A_440 : memref<10000x16xf32, #tpu.memory_space<hbm>>) dst(%dma_wait3A_434 : memref<128x16xf32, #tpu.memory_space<vmem>>)
      %dma_start3A_441 = arith.constant 1 : i32
      %dma_start3A_442 = arith.constant 0 : i32
      %dma_start3A_443 = arith.constant 0 : i32
      %dma_start3A_444 = tpu.memref_slice %arg9[%dma_start3A_441, %dma_start3A_442, %dma_start3A_443] : memref<8x128x16xf32, #tpu.memory_space<vmem>> -> memref<1x128x16xf32, #tpu.memory_space<vmem>>
      %dma_start3A_445 = tpu.memref_squeeze %dma_start3A_444 : memref<1x128x16xf32, #tpu.memory_space<vmem>> -> memref<128x16xf32, #tpu.memory_space<vmem>>
      %dma_start3A_446 = arith.constant 0 : i32
      %dma_start3A_447 = tpu.memref_slice %arg8[%add3A_429, %dma_start3A_446] : memref<80x128xi32, #tpu.memory_space<vmem>> -> memref<1x128xi32, #tpu.memory_space<vmem>>
      %dma_start3A_448 = tpu.memref_squeeze %dma_start3A_447 : memref<1x128xi32, #tpu.memory_space<vmem>> -> memref<128xi32, #tpu.memory_space<vmem>>
      %dma_start3A_449 = arith.constant 0 : i32
      %dma_start3A_450 = arith.constant 0 : i32
      %dma_start3A_451 = tpu.memref_slice %arg11[%dma_start3A_449, %dma_start3A_450] : memref<10112x16xf32, #tpu.memory_space<vmem_shared>> -> memref<10112x16xf32, #tpu.memory_space<vmem_shared>>
      tpu.enqueue_indirect_dma source(%dma_start3A_445 : memref<128x16xf32, #tpu.memory_space<vmem>>) target(%dma_start3A_451 : memref<10112x16xf32, #tpu.memory_space<vmem_shared>>) offsets(%dma_start3A_448 : memref<128xi32, #tpu.memory_space<vmem>>) semaphore(%arg21 : memref<!tpu.dma_semaphore, #tpu.memory_space<semaphore_mem>>) {add = true}
      %add3A_452 = arith.constant 2 : i32
      %add3A_453 = arith.addi %mul3A_403, %add3A_452 : i32
      %dma_wait3A_454 = arith.constant 2 : i32
      %dma_wait3A_455 = arith.constant 0 : i32
      %dma_wait3A_456 = arith.constant 0 : i32
      %dma_wait3A_457 = tpu.memref_slice %arg9[%dma_wait3A_454, %dma_wait3A_455, %dma_wait3A_456] : memref<8x128x16xf32, #tpu.memory_space<vmem>> -> memref<1x128x16xf32, #tpu.memory_space<vmem>>
      %dma_wait3A_458 = tpu.memref_squeeze %dma_wait3A_457 : memref<1x128x16xf32, #tpu.memory_space<vmem>> -> memref<128x16xf32, #tpu.memory_space<vmem>>
      %dma_wait3A_459 = arith.constant 0 : i32
      %dma_wait3A_460 = tpu.memref_slice %arg7[%add3A_453, %dma_wait3A_459] : memref<80x128xi32, #tpu.memory_space<vmem>> -> memref<1x128xi32, #tpu.memory_space<vmem>>
      %dma_wait3A_461 = tpu.memref_squeeze %dma_wait3A_460 : memref<1x128xi32, #tpu.memory_space<vmem>> -> memref<128xi32, #tpu.memory_space<vmem>>
      %dma_wait3A_462 = arith.constant 0 : i32
      %dma_wait3A_463 = arith.constant 0 : i32
      %dma_wait3A_464 = tpu.memref_slice %arg2[%dma_wait3A_462, %dma_wait3A_463] : memref<10000x16xf32, #tpu.memory_space<hbm>> -> memref<10000x16xf32, #tpu.memory_space<hbm>>
      tpu.wait_indirect_dma semaphore(%arg14 : memref<!tpu.dma_semaphore, #tpu.memory_space<semaphore_mem>>) src(%dma_wait3A_464 : memref<10000x16xf32, #tpu.memory_space<hbm>>) dst(%dma_wait3A_458 : memref<128x16xf32, #tpu.memory_space<vmem>>)
      %dma_start3A_465 = arith.constant 2 : i32
      %dma_start3A_466 = arith.constant 0 : i32
      %dma_start3A_467 = arith.constant 0 : i32
      %dma_start3A_468 = tpu.memref_slice %arg9[%dma_start3A_465, %dma_start3A_466, %dma_start3A_467] : memref<8x128x16xf32, #tpu.memory_space<vmem>> -> memref<1x128x16xf32, #tpu.memory_space<vmem>>
      %dma_start3A_469 = tpu.memref_squeeze %dma_start3A_468 : memref<1x128x16xf32, #tpu.memory_space<vmem>> -> memref<128x16xf32, #tpu.memory_space<vmem>>
      %dma_start3A_470 = arith.constant 0 : i32
      %dma_start3A_471 = tpu.memref_slice %arg8[%add3A_453, %dma_start3A_470] : memref<80x128xi32, #tpu.memory_space<vmem>> -> memref<1x128xi32, #tpu.memory_space<vmem>>
      %dma_start3A_472 = tpu.memref_squeeze %dma_start3A_471 : memref<1x128xi32, #tpu.memory_space<vmem>> -> memref<128xi32, #tpu.memory_space<vmem>>
      %dma_start3A_473 = arith.constant 0 : i32
      %dma_start3A_474 = arith.constant 0 : i32
      %dma_start3A_475 = tpu.memref_slice %arg11[%dma_start3A_473, %dma_start3A_474] : memref<10112x16xf32, #tpu.memory_space<vmem_shared>> -> memref<10112x16xf32, #tpu.memory_space<vmem_shared>>
      tpu.enqueue_indirect_dma source(%dma_start3A_469 : memref<128x16xf32, #tpu.memory_space<vmem>>) target(%dma_start3A_475 : memref<10112x16xf32, #tpu.memory_space<vmem_shared>>) offsets(%dma_start3A_472 : memref<128xi32, #tpu.memory_space<vmem>>) semaphore(%arg22 : memref<!tpu.dma_semaphore, #tpu.memory_space<semaphore_mem>>) {add = true}
      %add3A_476 = arith.constant 3 : i32
      %add3A_477 = arith.addi %mul3A_403, %add3A_476 : i32
      %dma_wait3A_478 = arith.constant 3 : i32
      %dma_wait3A_479 = arith.constant 0 : i32
      %dma_wait3A_480 = arith.constant 0 : i32
      %dma_wait3A_481 = tpu.memref_slice %arg9[%dma_wait3A_478, %dma_wait3A_479, %dma_wait3A_480] : memref<8x128x16xf32, #tpu.memory_space<vmem>> -> memref<1x128x16xf32, #tpu.memory_space<vmem>>
      %dma_wait3A_482 = tpu.memref_squeeze %dma_wait3A_481 : memref<1x128x16xf32, #tpu.memory_space<vmem>> -> memref<128x16xf32, #tpu.memory_space<vmem>>
      %dma_wait3A_483 = arith.constant 0 : i32
      %dma_wait3A_484 = tpu.memref_slice %arg7[%add3A_477, %dma_wait3A_483] : memref<80x128xi32, #tpu.memory_space<vmem>> -> memref<1x128xi32, #tpu.memory_space<vmem>>
      %dma_wait3A_485 = tpu.memref_squeeze %dma_wait3A_484 : memref<1x128xi32, #tpu.memory_space<vmem>> -> memref<128xi32, #tpu.memory_space<vmem>>
      %dma_wait3A_486 = arith.constant 0 : i32
      %dma_wait3A_487 = arith.constant 0 : i32
      %dma_wait3A_488 = tpu.memref_slice %arg2[%dma_wait3A_486, %dma_wait3A_487] : memref<10000x16xf32, #tpu.memory_space<hbm>> -> memref<10000x16xf32, #tpu.memory_space<hbm>>
      tpu.wait_indirect_dma semaphore(%arg15 : memref<!tpu.dma_semaphore, #tpu.memory_space<semaphore_mem>>) src(%dma_wait3A_488 : memref<10000x16xf32, #tpu.memory_space<hbm>>) dst(%dma_wait3A_482 : memref<128x16xf32, #tpu.memory_space<vmem>>)
      %dma_start3A_489 = arith.constant 3 : i32
      %dma_start3A_490 = arith.constant 0 : i32
      %dma_start3A_491 = arith.constant 0 : i32
      %dma_start3A_492 = tpu.memref_slice %arg9[%dma_start3A_489, %dma_start3A_490, %dma_start3A_491] : memref<8x128x16xf32, #tpu.memory_space<vmem>> -> memref<1x128x16xf32, #tpu.memory_space<vmem>>
      %dma_start3A_493 = tpu.memref_squeeze %dma_start3A_492 : memref<1x128x16xf32, #tpu.memory_space<vmem>> -> memref<128x16xf32, #tpu.memory_space<vmem>>
      %dma_start3A_494 = arith.constant 0 : i32
      %dma_start3A_495 = tpu.memref_slice %arg8[%add3A_477, %dma_start3A_494] : memref<80x128xi32, #tpu.memory_space<vmem>> -> memref<1x128xi32, #tpu.memory_space<vmem>>
      %dma_start3A_496 = tpu.memref_squeeze %dma_start3A_495 : memref<1x128xi32, #tpu.memory_space<vmem>> -> memref<128xi32, #tpu.memory_space<vmem>>
      %dma_start3A_497 = arith.constant 0 : i32
      %dma_start3A_498 = arith.constant 0 : i32
      %dma_start3A_499 = tpu.memref_slice %arg11[%dma_start3A_497, %dma_start3A_498] : memref<10112x16xf32, #tpu.memory_space<vmem_shared>> -> memref<10112x16xf32, #tpu.memory_space<vmem_shared>>
      tpu.enqueue_indirect_dma source(%dma_start3A_493 : memref<128x16xf32, #tpu.memory_space<vmem>>) target(%dma_start3A_499 : memref<10112x16xf32, #tpu.memory_space<vmem_shared>>) offsets(%dma_start3A_496 : memref<128xi32, #tpu.memory_space<vmem>>) semaphore(%arg23 : memref<!tpu.dma_semaphore, #tpu.memory_space<semaphore_mem>>) {add = true}
      %add3A_500 = arith.constant 4 : i32
      %add3A_501 = arith.addi %mul3A_403, %add3A_500 : i32
      %dma_wait3A_502 = arith.constant 4 : i32
      %dma_wait3A_503 = arith.constant 0 : i32
      %dma_wait3A_504 = arith.constant 0 : i32
      %dma_wait3A_505 = tpu.memref_slice %arg9[%dma_wait3A_502, %dma_wait3A_503, %dma_wait3A_504] : memref<8x128x16xf32, #tpu.memory_space<vmem>> -> memref<1x128x16xf32, #tpu.memory_space<vmem>>
      %dma_wait3A_506 = tpu.memref_squeeze %dma_wait3A_505 : memref<1x128x16xf32, #tpu.memory_space<vmem>> -> memref<128x16xf32, #tpu.memory_space<vmem>>
      %dma_wait3A_507 = arith.constant 0 : i32
      %dma_wait3A_508 = tpu.memref_slice %arg7[%add3A_501, %dma_wait3A_507] : memref<80x128xi32, #tpu.memory_space<vmem>> -> memref<1x128xi32, #tpu.memory_space<vmem>>
      %dma_wait3A_509 = tpu.memref_squeeze %dma_wait3A_508 : memref<1x128xi32, #tpu.memory_space<vmem>> -> memref<128xi32, #tpu.memory_space<vmem>>
      %dma_wait3A_510 = arith.constant 0 : i32
      %dma_wait3A_511 = arith.constant 0 : i32
      %dma_wait3A_512 = tpu.memref_slice %arg2[%dma_wait3A_510, %dma_wait3A_511] : memref<10000x16xf32, #tpu.memory_space<hbm>> -> memref<10000x16xf32, #tpu.memory_space<hbm>>
      tpu.wait_indirect_dma semaphore(%arg16 : memref<!tpu.dma_semaphore, #tpu.memory_space<semaphore_mem>>) src(%dma_wait3A_512 : memref<10000x16xf32, #tpu.memory_space<hbm>>) dst(%dma_wait3A_506 : memref<128x16xf32, #tpu.memory_space<vmem>>)
      %dma_start3A_513 = arith.constant 4 : i32
      %dma_start3A_514 = arith.constant 0 : i32
      %dma_start3A_515 = arith.constant 0 : i32
      %dma_start3A_516 = tpu.memref_slice %arg9[%dma_start3A_513, %dma_start3A_514, %dma_start3A_515] : memref<8x128x16xf32, #tpu.memory_space<vmem>> -> memref<1x128x16xf32, #tpu.memory_space<vmem>>
      %dma_start3A_517 = tpu.memref_squeeze %dma_start3A_516 : memref<1x128x16xf32, #tpu.memory_space<vmem>> -> memref<128x16xf32, #tpu.memory_space<vmem>>
      %dma_start3A_518 = arith.constant 0 : i32
      %dma_start3A_519 = tpu.memref_slice %arg8[%add3A_501, %dma_start3A_518] : memref<80x128xi32, #tpu.memory_space<vmem>> -> memref<1x128xi32, #tpu.memory_space<vmem>>
      %dma_start3A_520 = tpu.memref_squeeze %dma_start3A_519 : memref<1x128xi32, #tpu.memory_space<vmem>> -> memref<128xi32, #tpu.memory_space<vmem>>
      %dma_start3A_521 = arith.constant 0 : i32
      %dma_start3A_522 = arith.constant 0 : i32
      %dma_start3A_523 = tpu.memref_slice %arg11[%dma_start3A_521, %dma_start3A_522] : memref<10112x16xf32, #tpu.memory_space<vmem_shared>> -> memref<10112x16xf32, #tpu.memory_space<vmem_shared>>
      tpu.enqueue_indirect_dma source(%dma_start3A_517 : memref<128x16xf32, #tpu.memory_space<vmem>>) target(%dma_start3A_523 : memref<10112x16xf32, #tpu.memory_space<vmem_shared>>) offsets(%dma_start3A_520 : memref<128xi32, #tpu.memory_space<vmem>>) semaphore(%arg24 : memref<!tpu.dma_semaphore, #tpu.memory_space<semaphore_mem>>) {add = true}
      %add3A_524 = arith.constant 5 : i32
      %add3A_525 = arith.addi %mul3A_403, %add3A_524 : i32
      %dma_wait3A_526 = arith.constant 5 : i32
      %dma_wait3A_527 = arith.constant 0 : i32
      %dma_wait3A_528 = arith.constant 0 : i32
      %dma_wait3A_529 = tpu.memref_slice %arg9[%dma_wait3A_526, %dma_wait3A_527, %dma_wait3A_528] : memref<8x128x16xf32, #tpu.memory_space<vmem>> -> memref<1x128x16xf32, #tpu.memory_space<vmem>>
      %dma_wait3A_530 = tpu.memref_squeeze %dma_wait3A_529 : memref<1x128x16xf32, #tpu.memory_space<vmem>> -> memref<128x16xf32, #tpu.memory_space<vmem>>
      %dma_wait3A_531 = arith.constant 0 : i32
      %dma_wait3A_532 = tpu.memref_slice %arg7[%add3A_525, %dma_wait3A_531] : memref<80x128xi32, #tpu.memory_space<vmem>> -> memref<1x128xi32, #tpu.memory_space<vmem>>
      %dma_wait3A_533 = tpu.memref_squeeze %dma_wait3A_532 : memref<1x128xi32, #tpu.memory_space<vmem>> -> memref<128xi32, #tpu.memory_space<vmem>>
      %dma_wait3A_534 = arith.constant 0 : i32
      %dma_wait3A_535 = arith.constant 0 : i32
      %dma_wait3A_536 = tpu.memref_slice %arg2[%dma_wait3A_534, %dma_wait3A_535] : memref<10000x16xf32, #tpu.memory_space<hbm>> -> memref<10000x16xf32, #tpu.memory_space<hbm>>
      tpu.wait_indirect_dma semaphore(%arg17 : memref<!tpu.dma_semaphore, #tpu.memory_space<semaphore_mem>>) src(%dma_wait3A_536 : memref<10000x16xf32, #tpu.memory_space<hbm>>) dst(%dma_wait3A_530 : memref<128x16xf32, #tpu.memory_space<vmem>>)
      %dma_start3A_537 = arith.constant 5 : i32
      %dma_start3A_538 = arith.constant 0 : i32
      %dma_start3A_539 = arith.constant 0 : i32
      %dma_start3A_540 = tpu.memref_slice %arg9[%dma_start3A_537, %dma_start3A_538, %dma_start3A_539] : memref<8x128x16xf32, #tpu.memory_space<vmem>> -> memref<1x128x16xf32, #tpu.memory_space<vmem>>
      %dma_start3A_541 = tpu.memref_squeeze %dma_start3A_540 : memref<1x128x16xf32, #tpu.memory_space<vmem>> -> memref<128x16xf32, #tpu.memory_space<vmem>>
      %dma_start3A_542 = arith.constant 0 : i32
      %dma_start3A_543 = tpu.memref_slice %arg8[%add3A_525, %dma_start3A_542] : memref<80x128xi32, #tpu.memory_space<vmem>> -> memref<1x128xi32, #tpu.memory_space<vmem>>
      %dma_start3A_544 = tpu.memref_squeeze %dma_start3A_543 : memref<1x128xi32, #tpu.memory_space<vmem>> -> memref<128xi32, #tpu.memory_space<vmem>>
      %dma_start3A_545 = arith.constant 0 : i32
      %dma_start3A_546 = arith.constant 0 : i32
      %dma_start3A_547 = tpu.memref_slice %arg11[%dma_start3A_545, %dma_start3A_546] : memref<10112x16xf32, #tpu.memory_space<vmem_shared>> -> memref<10112x16xf32, #tpu.memory_space<vmem_shared>>
      tpu.enqueue_indirect_dma source(%dma_start3A_541 : memref<128x16xf32, #tpu.memory_space<vmem>>) target(%dma_start3A_547 : memref<10112x16xf32, #tpu.memory_space<vmem_shared>>) offsets(%dma_start3A_544 : memref<128xi32, #tpu.memory_space<vmem>>) semaphore(%arg25 : memref<!tpu.dma_semaphore, #tpu.memory_space<semaphore_mem>>) {add = true}
      %add3A_548 = arith.constant 6 : i32
      %add3A_549 = arith.addi %mul3A_403, %add3A_548 : i32
      %dma_wait3A_550 = arith.constant 6 : i32
      %dma_wait3A_551 = arith.constant 0 : i32
      %dma_wait3A_552 = arith.constant 0 : i32
      %dma_wait3A_553 = tpu.memref_slice %arg9[%dma_wait3A_550, %dma_wait3A_551, %dma_wait3A_552] : memref<8x128x16xf32, #tpu.memory_space<vmem>> -> memref<1x128x16xf32, #tpu.memory_space<vmem>>
      %dma_wait3A_554 = tpu.memref_squeeze %dma_wait3A_553 : memref<1x128x16xf32, #tpu.memory_space<vmem>> -> memref<128x16xf32, #tpu.memory_space<vmem>>
      %dma_wait3A_555 = arith.constant 0 : i32
      %dma_wait3A_556 = tpu.memref_slice %arg7[%add3A_549, %dma_wait3A_555] : memref<80x128xi32, #tpu.memory_space<vmem>> -> memref<1x128xi32, #tpu.memory_space<vmem>>
      %dma_wait3A_557 = tpu.memref_squeeze %dma_wait3A_556 : memref<1x128xi32, #tpu.memory_space<vmem>> -> memref<128xi32, #tpu.memory_space<vmem>>
      %dma_wait3A_558 = arith.constant 0 : i32
      %dma_wait3A_559 = arith.constant 0 : i32
      %dma_wait3A_560 = tpu.memref_slice %arg2[%dma_wait3A_558, %dma_wait3A_559] : memref<10000x16xf32, #tpu.memory_space<hbm>> -> memref<10000x16xf32, #tpu.memory_space<hbm>>
      tpu.wait_indirect_dma semaphore(%arg18 : memref<!tpu.dma_semaphore, #tpu.memory_space<semaphore_mem>>) src(%dma_wait3A_560 : memref<10000x16xf32, #tpu.memory_space<hbm>>) dst(%dma_wait3A_554 : memref<128x16xf32, #tpu.memory_space<vmem>>)
      %dma_start3A_561 = arith.constant 6 : i32
      %dma_start3A_562 = arith.constant 0 : i32
      %dma_start3A_563 = arith.constant 0 : i32
      %dma_start3A_564 = tpu.memref_slice %arg9[%dma_start3A_561, %dma_start3A_562, %dma_start3A_563] : memref<8x128x16xf32, #tpu.memory_space<vmem>> -> memref<1x128x16xf32, #tpu.memory_space<vmem>>
      %dma_start3A_565 = tpu.memref_squeeze %dma_start3A_564 : memref<1x128x16xf32, #tpu.memory_space<vmem>> -> memref<128x16xf32, #tpu.memory_space<vmem>>
      %dma_start3A_566 = arith.constant 0 : i32
      %dma_start3A_567 = tpu.memref_slice %arg8[%add3A_549, %dma_start3A_566] : memref<80x128xi32, #tpu.memory_space<vmem>> -> memref<1x128xi32, #tpu.memory_space<vmem>>
      %dma_start3A_568 = tpu.memref_squeeze %dma_start3A_567 : memref<1x128xi32, #tpu.memory_space<vmem>> -> memref<128xi32, #tpu.memory_space<vmem>>
      %dma_start3A_569 = arith.constant 0 : i32
      %dma_start3A_570 = arith.constant 0 : i32
      %dma_start3A_571 = tpu.memref_slice %arg11[%dma_start3A_569, %dma_start3A_570] : memref<10112x16xf32, #tpu.memory_space<vmem_shared>> -> memref<10112x16xf32, #tpu.memory_space<vmem_shared>>
      tpu.enqueue_indirect_dma source(%dma_start3A_565 : memref<128x16xf32, #tpu.memory_space<vmem>>) target(%dma_start3A_571 : memref<10112x16xf32, #tpu.memory_space<vmem_shared>>) offsets(%dma_start3A_568 : memref<128xi32, #tpu.memory_space<vmem>>) semaphore(%arg26 : memref<!tpu.dma_semaphore, #tpu.memory_space<semaphore_mem>>) {add = true}
      %add3A_572 = arith.constant 7 : i32
      %add3A_573 = arith.addi %mul3A_403, %add3A_572 : i32
      %dma_wait3A_574 = arith.constant 7 : i32
      %dma_wait3A_575 = arith.constant 0 : i32
      %dma_wait3A_576 = arith.constant 0 : i32
      %dma_wait3A_577 = tpu.memref_slice %arg9[%dma_wait3A_574, %dma_wait3A_575, %dma_wait3A_576] : memref<8x128x16xf32, #tpu.memory_space<vmem>> -> memref<1x128x16xf32, #tpu.memory_space<vmem>>
      %dma_wait3A_578 = tpu.memref_squeeze %dma_wait3A_577 : memref<1x128x16xf32, #tpu.memory_space<vmem>> -> memref<128x16xf32, #tpu.memory_space<vmem>>
      %dma_wait3A_579 = arith.constant 0 : i32
      %dma_wait3A_580 = tpu.memref_slice %arg7[%add3A_573, %dma_wait3A_579] : memref<80x128xi32, #tpu.memory_space<vmem>> -> memref<1x128xi32, #tpu.memory_space<vmem>>
      %dma_wait3A_581 = tpu.memref_squeeze %dma_wait3A_580 : memref<1x128xi32, #tpu.memory_space<vmem>> -> memref<128xi32, #tpu.memory_space<vmem>>
      %dma_wait3A_582 = arith.constant 0 : i32
      %dma_wait3A_583 = arith.constant 0 : i32
      %dma_wait3A_584 = tpu.memref_slice %arg2[%dma_wait3A_582, %dma_wait3A_583] : memref<10000x16xf32, #tpu.memory_space<hbm>> -> memref<10000x16xf32, #tpu.memory_space<hbm>>
      tpu.wait_indirect_dma semaphore(%arg19 : memref<!tpu.dma_semaphore, #tpu.memory_space<semaphore_mem>>) src(%dma_wait3A_584 : memref<10000x16xf32, #tpu.memory_space<hbm>>) dst(%dma_wait3A_578 : memref<128x16xf32, #tpu.memory_space<vmem>>)
      %dma_start3A_585 = arith.constant 7 : i32
      %dma_start3A_586 = arith.constant 0 : i32
      %dma_start3A_587 = arith.constant 0 : i32
      %dma_start3A_588 = tpu.memref_slice %arg9[%dma_start3A_585, %dma_start3A_586, %dma_start3A_587] : memref<8x128x16xf32, #tpu.memory_space<vmem>> -> memref<1x128x16xf32, #tpu.memory_space<vmem>>
      %dma_start3A_589 = tpu.memref_squeeze %dma_start3A_588 : memref<1x128x16xf32, #tpu.memory_space<vmem>> -> memref<128x16xf32, #tpu.memory_space<vmem>>
      %dma_start3A_590 = arith.constant 0 : i32
      %dma_start3A_591 = tpu.memref_slice %arg8[%add3A_573, %dma_start3A_590] : memref<80x128xi32, #tpu.memory_space<vmem>> -> memref<1x128xi32, #tpu.memory_space<vmem>>
      %dma_start3A_592 = tpu.memref_squeeze %dma_start3A_591 : memref<1x128xi32, #tpu.memory_space<vmem>> -> memref<128xi32, #tpu.memory_space<vmem>>
      %dma_start3A_593 = arith.constant 0 : i32
      %dma_start3A_594 = arith.constant 0 : i32
      %dma_start3A_595 = tpu.memref_slice %arg11[%dma_start3A_593, %dma_start3A_594] : memref<10112x16xf32, #tpu.memory_space<vmem_shared>> -> memref<10112x16xf32, #tpu.memory_space<vmem_shared>>
      tpu.enqueue_indirect_dma source(%dma_start3A_589 : memref<128x16xf32, #tpu.memory_space<vmem>>) target(%dma_start3A_595 : memref<10112x16xf32, #tpu.memory_space<vmem_shared>>) offsets(%dma_start3A_592 : memref<128xi32, #tpu.memory_space<vmem>>) semaphore(%arg27 : memref<!tpu.dma_semaphore, #tpu.memory_space<semaphore_mem>>) {add = true}
      %add3A_596 = arith.constant 0 : i32
      %add3A_597 = arith.addi %mul3A_403, %add3A_596 : i32
      %dma_wait3A_598 = arith.constant 0 : i32
      %dma_wait3A_599 = arith.constant 0 : i32
      %dma_wait3A_600 = arith.constant 0 : i32
      %dma_wait3A_601 = tpu.memref_slice %arg9[%dma_wait3A_598, %dma_wait3A_599, %dma_wait3A_600] : memref<8x128x16xf32, #tpu.memory_space<vmem>> -> memref<1x128x16xf32, #tpu.memory_space<vmem>>
      %dma_wait3A_602 = tpu.memref_squeeze %dma_wait3A_601 : memref<1x128x16xf32, #tpu.memory_space<vmem>> -> memref<128x16xf32, #tpu.memory_space<vmem>>
      %dma_wait3A_603 = arith.constant 0 : i32
      %dma_wait3A_604 = tpu.memref_slice %arg8[%add3A_597, %dma_wait3A_603] : memref<80x128xi32, #tpu.memory_space<vmem>> -> memref<1x128xi32, #tpu.memory_space<vmem>>
      %dma_wait3A_605 = tpu.memref_squeeze %dma_wait3A_604 : memref<1x128xi32, #tpu.memory_space<vmem>> -> memref<128xi32, #tpu.memory_space<vmem>>
      %dma_wait3A_606 = arith.constant 0 : i32
      %dma_wait3A_607 = arith.constant 0 : i32
      %dma_wait3A_608 = tpu.memref_slice %arg11[%dma_wait3A_606, %dma_wait3A_607] : memref<10112x16xf32, #tpu.memory_space<vmem_shared>> -> memref<10112x16xf32, #tpu.memory_space<vmem_shared>>
      tpu.wait_indirect_dma semaphore(%arg20 : memref<!tpu.dma_semaphore, #tpu.memory_space<semaphore_mem>>) src(%dma_wait3A_602 : memref<128x16xf32, #tpu.memory_space<vmem>>) dst(%dma_wait3A_608 : memref<10112x16xf32, #tpu.memory_space<vmem_shared>>)
      %add3A_609 = arith.constant 8 : i32
      %add3A_610 = arith.addi %add3A_597, %add3A_609 : i32
      %dma_start3A_611 = arith.constant 0 : i32
      %dma_start3A_612 = arith.constant 0 : i32
      %dma_start3A_613 = arith.constant 0 : i32
      %dma_start3A_614 = tpu.memref_slice %arg9[%dma_start3A_611, %dma_start3A_612, %dma_start3A_613] : memref<8x128x16xf32, #tpu.memory_space<vmem>> -> memref<1x128x16xf32, #tpu.memory_space<vmem>>
      %dma_start3A_615 = tpu.memref_squeeze %dma_start3A_614 : memref<1x128x16xf32, #tpu.memory_space<vmem>> -> memref<128x16xf32, #tpu.memory_space<vmem>>
      %dma_start3A_616 = arith.constant 0 : i32
      %dma_start3A_617 = tpu.memref_slice %arg7[%add3A_610, %dma_start3A_616] : memref<80x128xi32, #tpu.memory_space<vmem>> -> memref<1x128xi32, #tpu.memory_space<vmem>>
      %dma_start3A_618 = tpu.memref_squeeze %dma_start3A_617 : memref<1x128xi32, #tpu.memory_space<vmem>> -> memref<128xi32, #tpu.memory_space<vmem>>
      %dma_start3A_619 = arith.constant 0 : i32
      %dma_start3A_620 = arith.constant 0 : i32
      %dma_start3A_621 = tpu.memref_slice %arg2[%dma_start3A_619, %dma_start3A_620] : memref<10000x16xf32, #tpu.memory_space<hbm>> -> memref<10000x16xf32, #tpu.memory_space<hbm>>
      tpu.enqueue_indirect_dma source(%dma_start3A_621 : memref<10000x16xf32, #tpu.memory_space<hbm>>) target(%dma_start3A_615 : memref<128x16xf32, #tpu.memory_space<vmem>>) offsets(%dma_start3A_618 : memref<128xi32, #tpu.memory_space<vmem>>) semaphore(%arg12 : memref<!tpu.dma_semaphore, #tpu.memory_space<semaphore_mem>>)
      %add3A_622 = arith.constant 1 : i32
      %add3A_623 = arith.addi %mul3A_403, %add3A_622 : i32
      %dma_wait3A_624 = arith.constant 1 : i32
      %dma_wait3A_625 = arith.constant 0 : i32
      %dma_wait3A_626 = arith.constant 0 : i32
      %dma_wait3A_627 = tpu.memref_slice %arg9[%dma_wait3A_624, %dma_wait3A_625, %dma_wait3A_626] : memref<8x128x16xf32, #tpu.memory_space<vmem>> -> memref<1x128x16xf32, #tpu.memory_space<vmem>>
      %dma_wait3A_628 = tpu.memref_squeeze %dma_wait3A_627 : memref<1x128x16xf32, #tpu.memory_space<vmem>> -> memref<128x16xf32, #tpu.memory_space<vmem>>
      %dma_wait3A_629 = arith.constant 0 : i32
      %dma_wait3A_630 = tpu.memref_slice %arg8[%add3A_623, %dma_wait3A_629] : memref<80x128xi32, #tpu.memory_space<vmem>> -> memref<1x128xi32, #tpu.memory_space<vmem>>
      %dma_wait3A_631 = tpu.memref_squeeze %dma_wait3A_630 : memref<1x128xi32, #tpu.memory_space<vmem>> -> memref<128xi32, #tpu.memory_space<vmem>>
      %dma_wait3A_632 = arith.constant 0 : i32
      %dma_wait3A_633 = arith.constant 0 : i32
      %dma_wait3A_634 = tpu.memref_slice %arg11[%dma_wait3A_632, %dma_wait3A_633] : memref<10112x16xf32, #tpu.memory_space<vmem_shared>> -> memref<10112x16xf32, #tpu.memory_space<vmem_shared>>
      tpu.wait_indirect_dma semaphore(%arg21 : memref<!tpu.dma_semaphore, #tpu.memory_space<semaphore_mem>>) src(%dma_wait3A_628 : memref<128x16xf32, #tpu.memory_space<vmem>>) dst(%dma_wait3A_634 : memref<10112x16xf32, #tpu.memory_space<vmem_shared>>)
      %add3A_635 = arith.constant 8 : i32
      %add3A_636 = arith.addi %add3A_623, %add3A_635 : i32
      %dma_start3A_637 = arith.constant 1 : i32
      %dma_start3A_638 = arith.constant 0 : i32
      %dma_start3A_639 = arith.constant 0 : i32
      %dma_start3A_640 = tpu.memref_slice %arg9[%dma_start3A_637, %dma_start3A_638, %dma_start3A_639] : memref<8x128x16xf32, #tpu.memory_space<vmem>> -> memref<1x128x16xf32, #tpu.memory_space<vmem>>
      %dma_start3A_641 = tpu.memref_squeeze %dma_start3A_640 : memref<1x128x16xf32, #tpu.memory_space<vmem>> -> memref<128x16xf32, #tpu.memory_space<vmem>>
      %dma_start3A_642 = arith.constant 0 : i32
      %dma_start3A_643 = tpu.memref_slice %arg7[%add3A_636, %dma_start3A_642] : memref<80x128xi32, #tpu.memory_space<vmem>> -> memref<1x128xi32, #tpu.memory_space<vmem>>
      %dma_start3A_644 = tpu.memref_squeeze %dma_start3A_643 : memref<1x128xi32, #tpu.memory_space<vmem>> -> memref<128xi32, #tpu.memory_space<vmem>>
      %dma_start3A_645 = arith.constant 0 : i32
      %dma_start3A_646 = arith.constant 0 : i32
      %dma_start3A_647 = tpu.memref_slice %arg2[%dma_start3A_645, %dma_start3A_646] : memref<10000x16xf32, #tpu.memory_space<hbm>> -> memref<10000x16xf32, #tpu.memory_space<hbm>>
      tpu.enqueue_indirect_dma source(%dma_start3A_647 : memref<10000x16xf32, #tpu.memory_space<hbm>>) target(%dma_start3A_641 : memref<128x16xf32, #tpu.memory_space<vmem>>) offsets(%dma_start3A_644 : memref<128xi32, #tpu.memory_space<vmem>>) semaphore(%arg13 : memref<!tpu.dma_semaphore, #tpu.memory_space<semaphore_mem>>)
      %add3A_648 = arith.constant 2 : i32
      %add3A_649 = arith.addi %mul3A_403, %add3A_648 : i32
      %dma_wait3A_650 = arith.constant 2 : i32
      %dma_wait3A_651 = arith.constant 0 : i32
      %dma_wait3A_652 = arith.constant 0 : i32
      %dma_wait3A_653 = tpu.memref_slice %arg9[%dma_wait3A_650, %dma_wait3A_651, %dma_wait3A_652] : memref<8x128x16xf32, #tpu.memory_space<vmem>> -> memref<1x128x16xf32, #tpu.memory_space<vmem>>
      %dma_wait3A_654 = tpu.memref_squeeze %dma_wait3A_653 : memref<1x128x16xf32, #tpu.memory_space<vmem>> -> memref<128x16xf32, #tpu.memory_space<vmem>>
      %dma_wait3A_655 = arith.constant 0 : i32
      %dma_wait3A_656 = tpu.memref_slice %arg8[%add3A_649, %dma_wait3A_655] : memref<80x128xi32, #tpu.memory_space<vmem>> -> memref<1x128xi32, #tpu.memory_space<vmem>>
      %dma_wait3A_657 = tpu.memref_squeeze %dma_wait3A_656 : memref<1x128xi32, #tpu.memory_space<vmem>> -> memref<128xi32, #tpu.memory_space<vmem>>
      %dma_wait3A_658 = arith.constant 0 : i32
      %dma_wait3A_659 = arith.constant 0 : i32
      %dma_wait3A_660 = tpu.memref_slice %arg11[%dma_wait3A_658, %dma_wait3A_659] : memref<10112x16xf32, #tpu.memory_space<vmem_shared>> -> memref<10112x16xf32, #tpu.memory_space<vmem_shared>>
      tpu.wait_indirect_dma semaphore(%arg22 : memref<!tpu.dma_semaphore, #tpu.memory_space<semaphore_mem>>) src(%dma_wait3A_654 : memref<128x16xf32, #tpu.memory_space<vmem>>) dst(%dma_wait3A_660 : memref<10112x16xf32, #tpu.memory_space<vmem_shared>>)
      %add3A_661 = arith.constant 8 : i32
      %add3A_662 = arith.addi %add3A_649, %add3A_661 : i32
      %dma_start3A_663 = arith.constant 2 : i32
      %dma_start3A_664 = arith.constant 0 : i32
      %dma_start3A_665 = arith.constant 0 : i32
      %dma_start3A_666 = tpu.memref_slice %arg9[%dma_start3A_663, %dma_start3A_664, %dma_start3A_665] : memref<8x128x16xf32, #tpu.memory_space<vmem>> -> memref<1x128x16xf32, #tpu.memory_space<vmem>>
      %dma_start3A_667 = tpu.memref_squeeze %dma_start3A_666 : memref<1x128x16xf32, #tpu.memory_space<vmem>> -> memref<128x16xf32, #tpu.memory_space<vmem>>
      %dma_start3A_668 = arith.constant 0 : i32
      %dma_start3A_669 = tpu.memref_slice %arg7[%add3A_662, %dma_start3A_668] : memref<80x128xi32, #tpu.memory_space<vmem>> -> memref<1x128xi32, #tpu.memory_space<vmem>>
      %dma_start3A_670 = tpu.memref_squeeze %dma_start3A_669 : memref<1x128xi32, #tpu.memory_space<vmem>> -> memref<128xi32, #tpu.memory_space<vmem>>
      %dma_start3A_671 = arith.constant 0 : i32
      %dma_start3A_672 = arith.constant 0 : i32
      %dma_start3A_673 = tpu.memref_slice %arg2[%dma_start3A_671, %dma_start3A_672] : memref<10000x16xf32, #tpu.memory_space<hbm>> -> memref<10000x16xf32, #tpu.memory_space<hbm>>
      tpu.enqueue_indirect_dma source(%dma_start3A_673 : memref<10000x16xf32, #tpu.memory_space<hbm>>) target(%dma_start3A_667 : memref<128x16xf32, #tpu.memory_space<vmem>>) offsets(%dma_start3A_670 : memref<128xi32, #tpu.memory_space<vmem>>) semaphore(%arg14 : memref<!tpu.dma_semaphore, #tpu.memory_space<semaphore_mem>>)
      %add3A_674 = arith.constant 3 : i32
      %add3A_675 = arith.addi %mul3A_403, %add3A_674 : i32
      %dma_wait3A_676 = arith.constant 3 : i32
      %dma_wait3A_677 = arith.constant 0 : i32
      %dma_wait3A_678 = arith.constant 0 : i32
      %dma_wait3A_679 = tpu.memref_slice %arg9[%dma_wait3A_676, %dma_wait3A_677, %dma_wait3A_678] : memref<8x128x16xf32, #tpu.memory_space<vmem>> -> memref<1x128x16xf32, #tpu.memory_space<vmem>>
      %dma_wait3A_680 = tpu.memref_squeeze %dma_wait3A_679 : memref<1x128x16xf32, #tpu.memory_space<vmem>> -> memref<128x16xf32, #tpu.memory_space<vmem>>
      %dma_wait3A_681 = arith.constant 0 : i32
      %dma_wait3A_682 = tpu.memref_slice %arg8[%add3A_675, %dma_wait3A_681] : memref<80x128xi32, #tpu.memory_space<vmem>> -> memref<1x128xi32, #tpu.memory_space<vmem>>
      %dma_wait3A_683 = tpu.memref_squeeze %dma_wait3A_682 : memref<1x128xi32, #tpu.memory_space<vmem>> -> memref<128xi32, #tpu.memory_space<vmem>>
      %dma_wait3A_684 = arith.constant 0 : i32
      %dma_wait3A_685 = arith.constant 0 : i32
      %dma_wait3A_686 = tpu.memref_slice %arg11[%dma_wait3A_684, %dma_wait3A_685] : memref<10112x16xf32, #tpu.memory_space<vmem_shared>> -> memref<10112x16xf32, #tpu.memory_space<vmem_shared>>
      tpu.wait_indirect_dma semaphore(%arg23 : memref<!tpu.dma_semaphore, #tpu.memory_space<semaphore_mem>>) src(%dma_wait3A_680 : memref<128x16xf32, #tpu.memory_space<vmem>>) dst(%dma_wait3A_686 : memref<10112x16xf32, #tpu.memory_space<vmem_shared>>)
      %add3A_687 = arith.constant 8 : i32
      %add3A_688 = arith.addi %add3A_675, %add3A_687 : i32
      %dma_start3A_689 = arith.constant 3 : i32
      %dma_start3A_690 = arith.constant 0 : i32
      %dma_start3A_691 = arith.constant 0 : i32
      %dma_start3A_692 = tpu.memref_slice %arg9[%dma_start3A_689, %dma_start3A_690, %dma_start3A_691] : memref<8x128x16xf32, #tpu.memory_space<vmem>> -> memref<1x128x16xf32, #tpu.memory_space<vmem>>
      %dma_start3A_693 = tpu.memref_squeeze %dma_start3A_692 : memref<1x128x16xf32, #tpu.memory_space<vmem>> -> memref<128x16xf32, #tpu.memory_space<vmem>>
      %dma_start3A_694 = arith.constant 0 : i32
      %dma_start3A_695 = tpu.memref_slice %arg7[%add3A_688, %dma_start3A_694] : memref<80x128xi32, #tpu.memory_space<vmem>> -> memref<1x128xi32, #tpu.memory_space<vmem>>
      %dma_start3A_696 = tpu.memref_squeeze %dma_start3A_695 : memref<1x128xi32, #tpu.memory_space<vmem>> -> memref<128xi32, #tpu.memory_space<vmem>>
      %dma_start3A_697 = arith.constant 0 : i32
      %dma_start3A_698 = arith.constant 0 : i32
      %dma_start3A_699 = tpu.memref_slice %arg2[%dma_start3A_697, %dma_start3A_698] : memref<10000x16xf32, #tpu.memory_space<hbm>> -> memref<10000x16xf32, #tpu.memory_space<hbm>>
      tpu.enqueue_indirect_dma source(%dma_start3A_699 : memref<10000x16xf32, #tpu.memory_space<hbm>>) target(%dma_start3A_693 : memref<128x16xf32, #tpu.memory_space<vmem>>) offsets(%dma_start3A_696 : memref<128xi32, #tpu.memory_space<vmem>>) semaphore(%arg15 : memref<!tpu.dma_semaphore, #tpu.memory_space<semaphore_mem>>)
      %add3A_700 = arith.constant 4 : i32
      %add3A_701 = arith.addi %mul3A_403, %add3A_700 : i32
      %dma_wait3A_702 = arith.constant 4 : i32
      %dma_wait3A_703 = arith.constant 0 : i32
      %dma_wait3A_704 = arith.constant 0 : i32
      %dma_wait3A_705 = tpu.memref_slice %arg9[%dma_wait3A_702, %dma_wait3A_703, %dma_wait3A_704] : memref<8x128x16xf32, #tpu.memory_space<vmem>> -> memref<1x128x16xf32, #tpu.memory_space<vmem>>
      %dma_wait3A_706 = tpu.memref_squeeze %dma_wait3A_705 : memref<1x128x16xf32, #tpu.memory_space<vmem>> -> memref<128x16xf32, #tpu.memory_space<vmem>>
      %dma_wait3A_707 = arith.constant 0 : i32
      %dma_wait3A_708 = tpu.memref_slice %arg8[%add3A_701, %dma_wait3A_707] : memref<80x128xi32, #tpu.memory_space<vmem>> -> memref<1x128xi32, #tpu.memory_space<vmem>>
      %dma_wait3A_709 = tpu.memref_squeeze %dma_wait3A_708 : memref<1x128xi32, #tpu.memory_space<vmem>> -> memref<128xi32, #tpu.memory_space<vmem>>
      %dma_wait3A_710 = arith.constant 0 : i32
      %dma_wait3A_711 = arith.constant 0 : i32
      %dma_wait3A_712 = tpu.memref_slice %arg11[%dma_wait3A_710, %dma_wait3A_711] : memref<10112x16xf32, #tpu.memory_space<vmem_shared>> -> memref<10112x16xf32, #tpu.memory_space<vmem_shared>>
      tpu.wait_indirect_dma semaphore(%arg24 : memref<!tpu.dma_semaphore, #tpu.memory_space<semaphore_mem>>) src(%dma_wait3A_706 : memref<128x16xf32, #tpu.memory_space<vmem>>) dst(%dma_wait3A_712 : memref<10112x16xf32, #tpu.memory_space<vmem_shared>>)
      %add3A_713 = arith.constant 8 : i32
      %add3A_714 = arith.addi %add3A_701, %add3A_713 : i32
      %dma_start3A_715 = arith.constant 4 : i32
      %dma_start3A_716 = arith.constant 0 : i32
      %dma_start3A_717 = arith.constant 0 : i32
      %dma_start3A_718 = tpu.memref_slice %arg9[%dma_start3A_715, %dma_start3A_716, %dma_start3A_717] : memref<8x128x16xf32, #tpu.memory_space<vmem>> -> memref<1x128x16xf32, #tpu.memory_space<vmem>>
      %dma_start3A_719 = tpu.memref_squeeze %dma_start3A_718 : memref<1x128x16xf32, #tpu.memory_space<vmem>> -> memref<128x16xf32, #tpu.memory_space<vmem>>
      %dma_start3A_720 = arith.constant 0 : i32
      %dma_start3A_721 = tpu.memref_slice %arg7[%add3A_714, %dma_start3A_720] : memref<80x128xi32, #tpu.memory_space<vmem>> -> memref<1x128xi32, #tpu.memory_space<vmem>>
      %dma_start3A_722 = tpu.memref_squeeze %dma_start3A_721 : memref<1x128xi32, #tpu.memory_space<vmem>> -> memref<128xi32, #tpu.memory_space<vmem>>
      %dma_start3A_723 = arith.constant 0 : i32
      %dma_start3A_724 = arith.constant 0 : i32
      %dma_start3A_725 = tpu.memref_slice %arg2[%dma_start3A_723, %dma_start3A_724] : memref<10000x16xf32, #tpu.memory_space<hbm>> -> memref<10000x16xf32, #tpu.memory_space<hbm>>
      tpu.enqueue_indirect_dma source(%dma_start3A_725 : memref<10000x16xf32, #tpu.memory_space<hbm>>) target(%dma_start3A_719 : memref<128x16xf32, #tpu.memory_space<vmem>>) offsets(%dma_start3A_722 : memref<128xi32, #tpu.memory_space<vmem>>) semaphore(%arg16 : memref<!tpu.dma_semaphore, #tpu.memory_space<semaphore_mem>>)
      %add3A_726 = arith.constant 5 : i32
      %add3A_727 = arith.addi %mul3A_403, %add3A_726 : i32
      %dma_wait3A_728 = arith.constant 5 : i32
      %dma_wait3A_729 = arith.constant 0 : i32
      %dma_wait3A_730 = arith.constant 0 : i32
      %dma_wait3A_731 = tpu.memref_slice %arg9[%dma_wait3A_728, %dma_wait3A_729, %dma_wait3A_730] : memref<8x128x16xf32, #tpu.memory_space<vmem>> -> memref<1x128x16xf32, #tpu.memory_space<vmem>>
      %dma_wait3A_732 = tpu.memref_squeeze %dma_wait3A_731 : memref<1x128x16xf32, #tpu.memory_space<vmem>> -> memref<128x16xf32, #tpu.memory_space<vmem>>
      %dma_wait3A_733 = arith.constant 0 : i32
      %dma_wait3A_734 = tpu.memref_slice %arg8[%add3A_727, %dma_wait3A_733] : memref<80x128xi32, #tpu.memory_space<vmem>> -> memref<1x128xi32, #tpu.memory_space<vmem>>
      %dma_wait3A_735 = tpu.memref_squeeze %dma_wait3A_734 : memref<1x128xi32, #tpu.memory_space<vmem>> -> memref<128xi32, #tpu.memory_space<vmem>>
      %dma_wait3A_736 = arith.constant 0 : i32
      %dma_wait3A_737 = arith.constant 0 : i32
      %dma_wait3A_738 = tpu.memref_slice %arg11[%dma_wait3A_736, %dma_wait3A_737] : memref<10112x16xf32, #tpu.memory_space<vmem_shared>> -> memref<10112x16xf32, #tpu.memory_space<vmem_shared>>
      tpu.wait_indirect_dma semaphore(%arg25 : memref<!tpu.dma_semaphore, #tpu.memory_space<semaphore_mem>>) src(%dma_wait3A_732 : memref<128x16xf32, #tpu.memory_space<vmem>>) dst(%dma_wait3A_738 : memref<10112x16xf32, #tpu.memory_space<vmem_shared>>)
      %add3A_739 = arith.constant 8 : i32
      %add3A_740 = arith.addi %add3A_727, %add3A_739 : i32
      %dma_start3A_741 = arith.constant 5 : i32
      %dma_start3A_742 = arith.constant 0 : i32
      %dma_start3A_743 = arith.constant 0 : i32
      %dma_start3A_744 = tpu.memref_slice %arg9[%dma_start3A_741, %dma_start3A_742, %dma_start3A_743] : memref<8x128x16xf32, #tpu.memory_space<vmem>> -> memref<1x128x16xf32, #tpu.memory_space<vmem>>
      %dma_start3A_745 = tpu.memref_squeeze %dma_start3A_744 : memref<1x128x16xf32, #tpu.memory_space<vmem>> -> memref<128x16xf32, #tpu.memory_space<vmem>>
      %dma_start3A_746 = arith.constant 0 : i32
      %dma_start3A_747 = tpu.memref_slice %arg7[%add3A_740, %dma_start3A_746] : memref<80x128xi32, #tpu.memory_space<vmem>> -> memref<1x128xi32, #tpu.memory_space<vmem>>
      %dma_start3A_748 = tpu.memref_squeeze %dma_start3A_747 : memref<1x128xi32, #tpu.memory_space<vmem>> -> memref<128xi32, #tpu.memory_space<vmem>>
      %dma_start3A_749 = arith.constant 0 : i32
      %dma_start3A_750 = arith.constant 0 : i32
      %dma_start3A_751 = tpu.memref_slice %arg2[%dma_start3A_749, %dma_start3A_750] : memref<10000x16xf32, #tpu.memory_space<hbm>> -> memref<10000x16xf32, #tpu.memory_space<hbm>>
      tpu.enqueue_indirect_dma source(%dma_start3A_751 : memref<10000x16xf32, #tpu.memory_space<hbm>>) target(%dma_start3A_745 : memref<128x16xf32, #tpu.memory_space<vmem>>) offsets(%dma_start3A_748 : memref<128xi32, #tpu.memory_space<vmem>>) semaphore(%arg17 : memref<!tpu.dma_semaphore, #tpu.memory_space<semaphore_mem>>)
      %add3A_752 = arith.constant 6 : i32
      %add3A_753 = arith.addi %mul3A_403, %add3A_752 : i32
      %dma_wait3A_754 = arith.constant 6 : i32
      %dma_wait3A_755 = arith.constant 0 : i32
      %dma_wait3A_756 = arith.constant 0 : i32
      %dma_wait3A_757 = tpu.memref_slice %arg9[%dma_wait3A_754, %dma_wait3A_755, %dma_wait3A_756] : memref<8x128x16xf32, #tpu.memory_space<vmem>> -> memref<1x128x16xf32, #tpu.memory_space<vmem>>
      %dma_wait3A_758 = tpu.memref_squeeze %dma_wait3A_757 : memref<1x128x16xf32, #tpu.memory_space<vmem>> -> memref<128x16xf32, #tpu.memory_space<vmem>>
      %dma_wait3A_759 = arith.constant 0 : i32
      %dma_wait3A_760 = tpu.memref_slice %arg8[%add3A_753, %dma_wait3A_759] : memref<80x128xi32, #tpu.memory_space<vmem>> -> memref<1x128xi32, #tpu.memory_space<vmem>>
      %dma_wait3A_761 = tpu.memref_squeeze %dma_wait3A_760 : memref<1x128xi32, #tpu.memory_space<vmem>> -> memref<128xi32, #tpu.memory_space<vmem>>
      %dma_wait3A_762 = arith.constant 0 : i32
      %dma_wait3A_763 = arith.constant 0 : i32
      %dma_wait3A_764 = tpu.memref_slice %arg11[%dma_wait3A_762, %dma_wait3A_763] : memref<10112x16xf32, #tpu.memory_space<vmem_shared>> -> memref<10112x16xf32, #tpu.memory_space<vmem_shared>>
      tpu.wait_indirect_dma semaphore(%arg26 : memref<!tpu.dma_semaphore, #tpu.memory_space<semaphore_mem>>) src(%dma_wait3A_758 : memref<128x16xf32, #tpu.memory_space<vmem>>) dst(%dma_wait3A_764 : memref<10112x16xf32, #tpu.memory_space<vmem_shared>>)
      %add3A_765 = arith.constant 8 : i32
      %add3A_766 = arith.addi %add3A_753, %add3A_765 : i32
      %dma_start3A_767 = arith.constant 6 : i32
      %dma_start3A_768 = arith.constant 0 : i32
      %dma_start3A_769 = arith.constant 0 : i32
      %dma_start3A_770 = tpu.memref_slice %arg9[%dma_start3A_767, %dma_start3A_768, %dma_start3A_769] : memref<8x128x16xf32, #tpu.memory_space<vmem>> -> memref<1x128x16xf32, #tpu.memory_space<vmem>>
      %dma_start3A_771 = tpu.memref_squeeze %dma_start3A_770 : memref<1x128x16xf32, #tpu.memory_space<vmem>> -> memref<128x16xf32, #tpu.memory_space<vmem>>
      %dma_start3A_772 = arith.constant 0 : i32
      %dma_start3A_773 = tpu.memref_slice %arg7[%add3A_766, %dma_start3A_772] : memref<80x128xi32, #tpu.memory_space<vmem>> -> memref<1x128xi32, #tpu.memory_space<vmem>>
      %dma_start3A_774 = tpu.memref_squeeze %dma_start3A_773 : memref<1x128xi32, #tpu.memory_space<vmem>> -> memref<128xi32, #tpu.memory_space<vmem>>
      %dma_start3A_775 = arith.constant 0 : i32
      %dma_start3A_776 = arith.constant 0 : i32
      %dma_start3A_777 = tpu.memref_slice %arg2[%dma_start3A_775, %dma_start3A_776] : memref<10000x16xf32, #tpu.memory_space<hbm>> -> memref<10000x16xf32, #tpu.memory_space<hbm>>
      tpu.enqueue_indirect_dma source(%dma_start3A_777 : memref<10000x16xf32, #tpu.memory_space<hbm>>) target(%dma_start3A_771 : memref<128x16xf32, #tpu.memory_space<vmem>>) offsets(%dma_start3A_774 : memref<128xi32, #tpu.memory_space<vmem>>) semaphore(%arg18 : memref<!tpu.dma_semaphore, #tpu.memory_space<semaphore_mem>>)
      %add3A_778 = arith.constant 7 : i32
      %add3A_779 = arith.addi %mul3A_403, %add3A_778 : i32
      %dma_wait3A_780 = arith.constant 7 : i32
      %dma_wait3A_781 = arith.constant 0 : i32
      %dma_wait3A_782 = arith.constant 0 : i32
      %dma_wait3A_783 = tpu.memref_slice %arg9[%dma_wait3A_780, %dma_wait3A_781, %dma_wait3A_782] : memref<8x128x16xf32, #tpu.memory_space<vmem>> -> memref<1x128x16xf32, #tpu.memory_space<vmem>>
      %dma_wait3A_784 = tpu.memref_squeeze %dma_wait3A_783 : memref<1x128x16xf32, #tpu.memory_space<vmem>> -> memref<128x16xf32, #tpu.memory_space<vmem>>
      %dma_wait3A_785 = arith.constant 0 : i32
      %dma_wait3A_786 = tpu.memref_slice %arg8[%add3A_779, %dma_wait3A_785] : memref<80x128xi32, #tpu.memory_space<vmem>> -> memref<1x128xi32, #tpu.memory_space<vmem>>
      %dma_wait3A_787 = tpu.memref_squeeze %dma_wait3A_786 : memref<1x128xi32, #tpu.memory_space<vmem>> -> memref<128xi32, #tpu.memory_space<vmem>>
      %dma_wait3A_788 = arith.constant 0 : i32
      %dma_wait3A_789 = arith.constant 0 : i32
      %dma_wait3A_790 = tpu.memref_slice %arg11[%dma_wait3A_788, %dma_wait3A_789] : memref<10112x16xf32, #tpu.memory_space<vmem_shared>> -> memref<10112x16xf32, #tpu.memory_space<vmem_shared>>
      tpu.wait_indirect_dma semaphore(%arg27 : memref<!tpu.dma_semaphore, #tpu.memory_space<semaphore_mem>>) src(%dma_wait3A_784 : memref<128x16xf32, #tpu.memory_space<vmem>>) dst(%dma_wait3A_790 : memref<10112x16xf32, #tpu.memory_space<vmem_shared>>)
      %add3A_791 = arith.constant 8 : i32
      %add3A_792 = arith.addi %add3A_779, %add3A_791 : i32
      %dma_start3A_793 = arith.constant 7 : i32
      %dma_start3A_794 = arith.constant 0 : i32
      %dma_start3A_795 = arith.constant 0 : i32
      %dma_start3A_796 = tpu.memref_slice %arg9[%dma_start3A_793, %dma_start3A_794, %dma_start3A_795] : memref<8x128x16xf32, #tpu.memory_space<vmem>> -> memref<1x128x16xf32, #tpu.memory_space<vmem>>
      %dma_start3A_797 = tpu.memref_squeeze %dma_start3A_796 : memref<1x128x16xf32, #tpu.memory_space<vmem>> -> memref<128x16xf32, #tpu.memory_space<vmem>>
      %dma_start3A_798 = arith.constant 0 : i32
      %dma_start3A_799 = tpu.memref_slice %arg7[%add3A_792, %dma_start3A_798] : memref<80x128xi32, #tpu.memory_space<vmem>> -> memref<1x128xi32, #tpu.memory_space<vmem>>
      %dma_start3A_800 = tpu.memref_squeeze %dma_start3A_799 : memref<1x128xi32, #tpu.memory_space<vmem>> -> memref<128xi32, #tpu.memory_space<vmem>>
      %dma_start3A_801 = arith.constant 0 : i32
      %dma_start3A_802 = arith.constant 0 : i32
      %dma_start3A_803 = tpu.memref_slice %arg2[%dma_start3A_801, %dma_start3A_802] : memref<10000x16xf32, #tpu.memory_space<hbm>> -> memref<10000x16xf32, #tpu.memory_space<hbm>>
      tpu.enqueue_indirect_dma source(%dma_start3A_803 : memref<10000x16xf32, #tpu.memory_space<hbm>>) target(%dma_start3A_797 : memref<128x16xf32, #tpu.memory_space<vmem>>) offsets(%dma_start3A_800 : memref<128xi32, #tpu.memory_space<vmem>>) semaphore(%arg19 : memref<!tpu.dma_semaphore, #tpu.memory_space<semaphore_mem>>)
    }
    %scan3A_108 = arith.constant 9 : i32
    %dma_wait3A = arith.constant 72 : i32
    %dma_wait3A_109 = arith.constant 0 : i32
    %dma_wait3A_110 = arith.constant 0 : i32
    %dma_wait3A_111 = arith.constant 0 : i32
    %dma_wait3A_112 = tpu.memref_slice %arg9[%dma_wait3A_109, %dma_wait3A_110, %dma_wait3A_111] : memref<8x128x16xf32, #tpu.memory_space<vmem>> -> memref<1x128x16xf32, #tpu.memory_space<vmem>>
    %dma_wait3A_113 = tpu.memref_squeeze %dma_wait3A_112 : memref<1x128x16xf32, #tpu.memory_space<vmem>> -> memref<128x16xf32, #tpu.memory_space<vmem>>
    %dma_wait3A_114 = arith.constant 0 : i32
    %dma_wait3A_115 = tpu.memref_slice %arg7[%dma_wait3A, %dma_wait3A_114] : memref<80x128xi32, #tpu.memory_space<vmem>> -> memref<1x128xi32, #tpu.memory_space<vmem>>
    %dma_wait3A_116 = tpu.memref_squeeze %dma_wait3A_115 : memref<1x128xi32, #tpu.memory_space<vmem>> -> memref<128xi32, #tpu.memory_space<vmem>>
    %dma_wait3A_117 = arith.constant 0 : i32
    %dma_wait3A_118 = arith.constant 0 : i32
    %dma_wait3A_119 = tpu.memref_slice %arg2[%dma_wait3A_117, %dma_wait3A_118] : memref<10000x16xf32, #tpu.memory_space<hbm>> -> memref<10000x16xf32, #tpu.memory_space<hbm>>
    tpu.wait_indirect_dma semaphore(%arg12 : memref<!tpu.dma_semaphore, #tpu.memory_space<semaphore_mem>>) src(%dma_wait3A_119 : memref<10000x16xf32, #tpu.memory_space<hbm>>) dst(%dma_wait3A_113 : memref<128x16xf32, #tpu.memory_space<vmem>>)
    %dma_start3A_120 = arith.constant 0 : i32
    %dma_start3A_121 = arith.constant 72 : i32
    %dma_start3A_122 = arith.constant 0 : i32
    %dma_start3A_123 = arith.constant 0 : i32
    %dma_start3A_124 = tpu.memref_slice %arg9[%dma_start3A_120, %dma_start3A_122, %dma_start3A_123] : memref<8x128x16xf32, #tpu.memory_space<vmem>> -> memref<1x128x16xf32, #tpu.memory_space<vmem>>
    %dma_start3A_125 = tpu.memref_squeeze %dma_start3A_124 : memref<1x128x16xf32, #tpu.memory_space<vmem>> -> memref<128x16xf32, #tpu.memory_space<vmem>>
    %dma_start3A_126 = arith.constant 0 : i32
    %dma_start3A_127 = tpu.memref_slice %arg8[%dma_start3A_121, %dma_start3A_126] : memref<80x128xi32, #tpu.memory_space<vmem>> -> memref<1x128xi32, #tpu.memory_space<vmem>>
    %dma_start3A_128 = tpu.memref_squeeze %dma_start3A_127 : memref<1x128xi32, #tpu.memory_space<vmem>> -> memref<128xi32, #tpu.memory_space<vmem>>
    %dma_start3A_129 = arith.constant 0 : i32
    %dma_start3A_130 = arith.constant 0 : i32
    %dma_start3A_131 = tpu.memref_slice %arg11[%dma_start3A_129, %dma_start3A_130] : memref<10112x16xf32, #tpu.memory_space<vmem_shared>> -> memref<10112x16xf32, #tpu.memory_space<vmem_shared>>
    tpu.enqueue_indirect_dma source(%dma_start3A_125 : memref<128x16xf32, #tpu.memory_space<vmem>>) target(%dma_start3A_131 : memref<10112x16xf32, #tpu.memory_space<vmem_shared>>) offsets(%dma_start3A_128 : memref<128xi32, #tpu.memory_space<vmem>>) semaphore(%arg20 : memref<!tpu.dma_semaphore, #tpu.memory_space<semaphore_mem>>) {add = true}
    %dma_wait3A_132 = arith.constant 73 : i32
    %dma_wait3A_133 = arith.constant 1 : i32
    %dma_wait3A_134 = arith.constant 0 : i32
    %dma_wait3A_135 = arith.constant 0 : i32
    %dma_wait3A_136 = tpu.memref_slice %arg9[%dma_wait3A_133, %dma_wait3A_134, %dma_wait3A_135] : memref<8x128x16xf32, #tpu.memory_space<vmem>> -> memref<1x128x16xf32, #tpu.memory_space<vmem>>
    %dma_wait3A_137 = tpu.memref_squeeze %dma_wait3A_136 : memref<1x128x16xf32, #tpu.memory_space<vmem>> -> memref<128x16xf32, #tpu.memory_space<vmem>>
    %dma_wait3A_138 = arith.constant 0 : i32
    %dma_wait3A_139 = tpu.memref_slice %arg7[%dma_wait3A_132, %dma_wait3A_138] : memref<80x128xi32, #tpu.memory_space<vmem>> -> memref<1x128xi32, #tpu.memory_space<vmem>>
    %dma_wait3A_140 = tpu.memref_squeeze %dma_wait3A_139 : memref<1x128xi32, #tpu.memory_space<vmem>> -> memref<128xi32, #tpu.memory_space<vmem>>
    %dma_wait3A_141 = arith.constant 0 : i32
    %dma_wait3A_142 = arith.constant 0 : i32
    %dma_wait3A_143 = tpu.memref_slice %arg2[%dma_wait3A_141, %dma_wait3A_142] : memref<10000x16xf32, #tpu.memory_space<hbm>> -> memref<10000x16xf32, #tpu.memory_space<hbm>>
    tpu.wait_indirect_dma semaphore(%arg13 : memref<!tpu.dma_semaphore, #tpu.memory_space<semaphore_mem>>) src(%dma_wait3A_143 : memref<10000x16xf32, #tpu.memory_space<hbm>>) dst(%dma_wait3A_137 : memref<128x16xf32, #tpu.memory_space<vmem>>)
    %dma_start3A_144 = arith.constant 1 : i32
    %dma_start3A_145 = arith.constant 73 : i32
    %dma_start3A_146 = arith.constant 0 : i32
    %dma_start3A_147 = arith.constant 0 : i32
    %dma_start3A_148 = tpu.memref_slice %arg9[%dma_start3A_144, %dma_start3A_146, %dma_start3A_147] : memref<8x128x16xf32, #tpu.memory_space<vmem>> -> memref<1x128x16xf32, #tpu.memory_space<vmem>>
    %dma_start3A_149 = tpu.memref_squeeze %dma_start3A_148 : memref<1x128x16xf32, #tpu.memory_space<vmem>> -> memref<128x16xf32, #tpu.memory_space<vmem>>
    %dma_start3A_150 = arith.constant 0 : i32
    %dma_start3A_151 = tpu.memref_slice %arg8[%dma_start3A_145, %dma_start3A_150] : memref<80x128xi32, #tpu.memory_space<vmem>> -> memref<1x128xi32, #tpu.memory_space<vmem>>
    %dma_start3A_152 = tpu.memref_squeeze %dma_start3A_151 : memref<1x128xi32, #tpu.memory_space<vmem>> -> memref<128xi32, #tpu.memory_space<vmem>>
    %dma_start3A_153 = arith.constant 0 : i32
    %dma_start3A_154 = arith.constant 0 : i32
    %dma_start3A_155 = tpu.memref_slice %arg11[%dma_start3A_153, %dma_start3A_154] : memref<10112x16xf32, #tpu.memory_space<vmem_shared>> -> memref<10112x16xf32, #tpu.memory_space<vmem_shared>>
    tpu.enqueue_indirect_dma source(%dma_start3A_149 : memref<128x16xf32, #tpu.memory_space<vmem>>) target(%dma_start3A_155 : memref<10112x16xf32, #tpu.memory_space<vmem_shared>>) offsets(%dma_start3A_152 : memref<128xi32, #tpu.memory_space<vmem>>) semaphore(%arg21 : memref<!tpu.dma_semaphore, #tpu.memory_space<semaphore_mem>>) {add = true}
    %dma_wait3A_156 = arith.constant 74 : i32
    %dma_wait3A_157 = arith.constant 2 : i32
    %dma_wait3A_158 = arith.constant 0 : i32
    %dma_wait3A_159 = arith.constant 0 : i32
    %dma_wait3A_160 = tpu.memref_slice %arg9[%dma_wait3A_157, %dma_wait3A_158, %dma_wait3A_159] : memref<8x128x16xf32, #tpu.memory_space<vmem>> -> memref<1x128x16xf32, #tpu.memory_space<vmem>>
    %dma_wait3A_161 = tpu.memref_squeeze %dma_wait3A_160 : memref<1x128x16xf32, #tpu.memory_space<vmem>> -> memref<128x16xf32, #tpu.memory_space<vmem>>
    %dma_wait3A_162 = arith.constant 0 : i32
    %dma_wait3A_163 = tpu.memref_slice %arg7[%dma_wait3A_156, %dma_wait3A_162] : memref<80x128xi32, #tpu.memory_space<vmem>> -> memref<1x128xi32, #tpu.memory_space<vmem>>
    %dma_wait3A_164 = tpu.memref_squeeze %dma_wait3A_163 : memref<1x128xi32, #tpu.memory_space<vmem>> -> memref<128xi32, #tpu.memory_space<vmem>>
    %dma_wait3A_165 = arith.constant 0 : i32
    %dma_wait3A_166 = arith.constant 0 : i32
    %dma_wait3A_167 = tpu.memref_slice %arg2[%dma_wait3A_165, %dma_wait3A_166] : memref<10000x16xf32, #tpu.memory_space<hbm>> -> memref<10000x16xf32, #tpu.memory_space<hbm>>
    tpu.wait_indirect_dma semaphore(%arg14 : memref<!tpu.dma_semaphore, #tpu.memory_space<semaphore_mem>>) src(%dma_wait3A_167 : memref<10000x16xf32, #tpu.memory_space<hbm>>) dst(%dma_wait3A_161 : memref<128x16xf32, #tpu.memory_space<vmem>>)
    %dma_start3A_168 = arith.constant 2 : i32
    %dma_start3A_169 = arith.constant 74 : i32
    %dma_start3A_170 = arith.constant 0 : i32
    %dma_start3A_171 = arith.constant 0 : i32
    %dma_start3A_172 = tpu.memref_slice %arg9[%dma_start3A_168, %dma_start3A_170, %dma_start3A_171] : memref<8x128x16xf32, #tpu.memory_space<vmem>> -> memref<1x128x16xf32, #tpu.memory_space<vmem>>
    %dma_start3A_173 = tpu.memref_squeeze %dma_start3A_172 : memref<1x128x16xf32, #tpu.memory_space<vmem>> -> memref<128x16xf32, #tpu.memory_space<vmem>>
    %dma_start3A_174 = arith.constant 0 : i32
    %dma_start3A_175 = tpu.memref_slice %arg8[%dma_start3A_169, %dma_start3A_174] : memref<80x128xi32, #tpu.memory_space<vmem>> -> memref<1x128xi32, #tpu.memory_space<vmem>>
    %dma_start3A_176 = tpu.memref_squeeze %dma_start3A_175 : memref<1x128xi32, #tpu.memory_space<vmem>> -> memref<128xi32, #tpu.memory_space<vmem>>
    %dma_start3A_177 = arith.constant 0 : i32
    %dma_start3A_178 = arith.constant 0 : i32
    %dma_start3A_179 = tpu.memref_slice %arg11[%dma_start3A_177, %dma_start3A_178] : memref<10112x16xf32, #tpu.memory_space<vmem_shared>> -> memref<10112x16xf32, #tpu.memory_space<vmem_shared>>
    tpu.enqueue_indirect_dma source(%dma_start3A_173 : memref<128x16xf32, #tpu.memory_space<vmem>>) target(%dma_start3A_179 : memref<10112x16xf32, #tpu.memory_space<vmem_shared>>) offsets(%dma_start3A_176 : memref<128xi32, #tpu.memory_space<vmem>>) semaphore(%arg22 : memref<!tpu.dma_semaphore, #tpu.memory_space<semaphore_mem>>) {add = true}
    %dma_wait3A_180 = arith.constant 75 : i32
    %dma_wait3A_181 = arith.constant 3 : i32
    %dma_wait3A_182 = arith.constant 0 : i32
    %dma_wait3A_183 = arith.constant 0 : i32
    %dma_wait3A_184 = tpu.memref_slice %arg9[%dma_wait3A_181, %dma_wait3A_182, %dma_wait3A_183] : memref<8x128x16xf32, #tpu.memory_space<vmem>> -> memref<1x128x16xf32, #tpu.memory_space<vmem>>
    %dma_wait3A_185 = tpu.memref_squeeze %dma_wait3A_184 : memref<1x128x16xf32, #tpu.memory_space<vmem>> -> memref<128x16xf32, #tpu.memory_space<vmem>>
    %dma_wait3A_186 = arith.constant 0 : i32
    %dma_wait3A_187 = tpu.memref_slice %arg7[%dma_wait3A_180, %dma_wait3A_186] : memref<80x128xi32, #tpu.memory_space<vmem>> -> memref<1x128xi32, #tpu.memory_space<vmem>>
    %dma_wait3A_188 = tpu.memref_squeeze %dma_wait3A_187 : memref<1x128xi32, #tpu.memory_space<vmem>> -> memref<128xi32, #tpu.memory_space<vmem>>
    %dma_wait3A_189 = arith.constant 0 : i32
    %dma_wait3A_190 = arith.constant 0 : i32
    %dma_wait3A_191 = tpu.memref_slice %arg2[%dma_wait3A_189, %dma_wait3A_190] : memref<10000x16xf32, #tpu.memory_space<hbm>> -> memref<10000x16xf32, #tpu.memory_space<hbm>>
    tpu.wait_indirect_dma semaphore(%arg15 : memref<!tpu.dma_semaphore, #tpu.memory_space<semaphore_mem>>) src(%dma_wait3A_191 : memref<10000x16xf32, #tpu.memory_space<hbm>>) dst(%dma_wait3A_185 : memref<128x16xf32, #tpu.memory_space<vmem>>)
    %dma_start3A_192 = arith.constant 3 : i32
    %dma_start3A_193 = arith.constant 75 : i32
    %dma_start3A_194 = arith.constant 0 : i32
    %dma_start3A_195 = arith.constant 0 : i32
    %dma_start3A_196 = tpu.memref_slice %arg9[%dma_start3A_192, %dma_start3A_194, %dma_start3A_195] : memref<8x128x16xf32, #tpu.memory_space<vmem>> -> memref<1x128x16xf32, #tpu.memory_space<vmem>>
    %dma_start3A_197 = tpu.memref_squeeze %dma_start3A_196 : memref<1x128x16xf32, #tpu.memory_space<vmem>> -> memref<128x16xf32, #tpu.memory_space<vmem>>
    %dma_start3A_198 = arith.constant 0 : i32
    %dma_start3A_199 = tpu.memref_slice %arg8[%dma_start3A_193, %dma_start3A_198] : memref<80x128xi32, #tpu.memory_space<vmem>> -> memref<1x128xi32, #tpu.memory_space<vmem>>
    %dma_start3A_200 = tpu.memref_squeeze %dma_start3A_199 : memref<1x128xi32, #tpu.memory_space<vmem>> -> memref<128xi32, #tpu.memory_space<vmem>>
    %dma_start3A_201 = arith.constant 0 : i32
    %dma_start3A_202 = arith.constant 0 : i32
    %dma_start3A_203 = tpu.memref_slice %arg11[%dma_start3A_201, %dma_start3A_202] : memref<10112x16xf32, #tpu.memory_space<vmem_shared>> -> memref<10112x16xf32, #tpu.memory_space<vmem_shared>>
    tpu.enqueue_indirect_dma source(%dma_start3A_197 : memref<128x16xf32, #tpu.memory_space<vmem>>) target(%dma_start3A_203 : memref<10112x16xf32, #tpu.memory_space<vmem_shared>>) offsets(%dma_start3A_200 : memref<128xi32, #tpu.memory_space<vmem>>) semaphore(%arg23 : memref<!tpu.dma_semaphore, #tpu.memory_space<semaphore_mem>>) {add = true}
    %dma_wait3A_204 = arith.constant 76 : i32
    %dma_wait3A_205 = arith.constant 4 : i32
    %dma_wait3A_206 = arith.constant 0 : i32
    %dma_wait3A_207 = arith.constant 0 : i32
    %dma_wait3A_208 = tpu.memref_slice %arg9[%dma_wait3A_205, %dma_wait3A_206, %dma_wait3A_207] : memref<8x128x16xf32, #tpu.memory_space<vmem>> -> memref<1x128x16xf32, #tpu.memory_space<vmem>>
    %dma_wait3A_209 = tpu.memref_squeeze %dma_wait3A_208 : memref<1x128x16xf32, #tpu.memory_space<vmem>> -> memref<128x16xf32, #tpu.memory_space<vmem>>
    %dma_wait3A_210 = arith.constant 0 : i32
    %dma_wait3A_211 = tpu.memref_slice %arg7[%dma_wait3A_204, %dma_wait3A_210] : memref<80x128xi32, #tpu.memory_space<vmem>> -> memref<1x128xi32, #tpu.memory_space<vmem>>
    %dma_wait3A_212 = tpu.memref_squeeze %dma_wait3A_211 : memref<1x128xi32, #tpu.memory_space<vmem>> -> memref<128xi32, #tpu.memory_space<vmem>>
    %dma_wait3A_213 = arith.constant 0 : i32
    %dma_wait3A_214 = arith.constant 0 : i32
    %dma_wait3A_215 = tpu.memref_slice %arg2[%dma_wait3A_213, %dma_wait3A_214] : memref<10000x16xf32, #tpu.memory_space<hbm>> -> memref<10000x16xf32, #tpu.memory_space<hbm>>
    tpu.wait_indirect_dma semaphore(%arg16 : memref<!tpu.dma_semaphore, #tpu.memory_space<semaphore_mem>>) src(%dma_wait3A_215 : memref<10000x16xf32, #tpu.memory_space<hbm>>) dst(%dma_wait3A_209 : memref<128x16xf32, #tpu.memory_space<vmem>>)
    %dma_start3A_216 = arith.constant 4 : i32
    %dma_start3A_217 = arith.constant 76 : i32
    %dma_start3A_218 = arith.constant 0 : i32
    %dma_start3A_219 = arith.constant 0 : i32
    %dma_start3A_220 = tpu.memref_slice %arg9[%dma_start3A_216, %dma_start3A_218, %dma_start3A_219] : memref<8x128x16xf32, #tpu.memory_space<vmem>> -> memref<1x128x16xf32, #tpu.memory_space<vmem>>
    %dma_start3A_221 = tpu.memref_squeeze %dma_start3A_220 : memref<1x128x16xf32, #tpu.memory_space<vmem>> -> memref<128x16xf32, #tpu.memory_space<vmem>>
    %dma_start3A_222 = arith.constant 0 : i32
    %dma_start3A_223 = tpu.memref_slice %arg8[%dma_start3A_217, %dma_start3A_222] : memref<80x128xi32, #tpu.memory_space<vmem>> -> memref<1x128xi32, #tpu.memory_space<vmem>>
    %dma_start3A_224 = tpu.memref_squeeze %dma_start3A_223 : memref<1x128xi32, #tpu.memory_space<vmem>> -> memref<128xi32, #tpu.memory_space<vmem>>
    %dma_start3A_225 = arith.constant 0 : i32
    %dma_start3A_226 = arith.constant 0 : i32
    %dma_start3A_227 = tpu.memref_slice %arg11[%dma_start3A_225, %dma_start3A_226] : memref<10112x16xf32, #tpu.memory_space<vmem_shared>> -> memref<10112x16xf32, #tpu.memory_space<vmem_shared>>
    tpu.enqueue_indirect_dma source(%dma_start3A_221 : memref<128x16xf32, #tpu.memory_space<vmem>>) target(%dma_start3A_227 : memref<10112x16xf32, #tpu.memory_space<vmem_shared>>) offsets(%dma_start3A_224 : memref<128xi32, #tpu.memory_space<vmem>>) semaphore(%arg24 : memref<!tpu.dma_semaphore, #tpu.memory_space<semaphore_mem>>) {add = true}
    %dma_wait3A_228 = arith.constant 77 : i32
    %dma_wait3A_229 = arith.constant 5 : i32
    %dma_wait3A_230 = arith.constant 0 : i32
    %dma_wait3A_231 = arith.constant 0 : i32
    %dma_wait3A_232 = tpu.memref_slice %arg9[%dma_wait3A_229, %dma_wait3A_230, %dma_wait3A_231] : memref<8x128x16xf32, #tpu.memory_space<vmem>> -> memref<1x128x16xf32, #tpu.memory_space<vmem>>
    %dma_wait3A_233 = tpu.memref_squeeze %dma_wait3A_232 : memref<1x128x16xf32, #tpu.memory_space<vmem>> -> memref<128x16xf32, #tpu.memory_space<vmem>>
    %dma_wait3A_234 = arith.constant 0 : i32
    %dma_wait3A_235 = tpu.memref_slice %arg7[%dma_wait3A_228, %dma_wait3A_234] : memref<80x128xi32, #tpu.memory_space<vmem>> -> memref<1x128xi32, #tpu.memory_space<vmem>>
    %dma_wait3A_236 = tpu.memref_squeeze %dma_wait3A_235 : memref<1x128xi32, #tpu.memory_space<vmem>> -> memref<128xi32, #tpu.memory_space<vmem>>
    %dma_wait3A_237 = arith.constant 0 : i32
    %dma_wait3A_238 = arith.constant 0 : i32
    %dma_wait3A_239 = tpu.memref_slice %arg2[%dma_wait3A_237, %dma_wait3A_238] : memref<10000x16xf32, #tpu.memory_space<hbm>> -> memref<10000x16xf32, #tpu.memory_space<hbm>>
    tpu.wait_indirect_dma semaphore(%arg17 : memref<!tpu.dma_semaphore, #tpu.memory_space<semaphore_mem>>) src(%dma_wait3A_239 : memref<10000x16xf32, #tpu.memory_space<hbm>>) dst(%dma_wait3A_233 : memref<128x16xf32, #tpu.memory_space<vmem>>)
    %dma_start3A_240 = arith.constant 5 : i32
    %dma_start3A_241 = arith.constant 77 : i32
    %dma_start3A_242 = arith.constant 0 : i32
    %dma_start3A_243 = arith.constant 0 : i32
    %dma_start3A_244 = tpu.memref_slice %arg9[%dma_start3A_240, %dma_start3A_242, %dma_start3A_243] : memref<8x128x16xf32, #tpu.memory_space<vmem>> -> memref<1x128x16xf32, #tpu.memory_space<vmem>>
    %dma_start3A_245 = tpu.memref_squeeze %dma_start3A_244 : memref<1x128x16xf32, #tpu.memory_space<vmem>> -> memref<128x16xf32, #tpu.memory_space<vmem>>
    %dma_start3A_246 = arith.constant 0 : i32
    %dma_start3A_247 = tpu.memref_slice %arg8[%dma_start3A_241, %dma_start3A_246] : memref<80x128xi32, #tpu.memory_space<vmem>> -> memref<1x128xi32, #tpu.memory_space<vmem>>
    %dma_start3A_248 = tpu.memref_squeeze %dma_start3A_247 : memref<1x128xi32, #tpu.memory_space<vmem>> -> memref<128xi32, #tpu.memory_space<vmem>>
    %dma_start3A_249 = arith.constant 0 : i32
    %dma_start3A_250 = arith.constant 0 : i32
    %dma_start3A_251 = tpu.memref_slice %arg11[%dma_start3A_249, %dma_start3A_250] : memref<10112x16xf32, #tpu.memory_space<vmem_shared>> -> memref<10112x16xf32, #tpu.memory_space<vmem_shared>>
    tpu.enqueue_indirect_dma source(%dma_start3A_245 : memref<128x16xf32, #tpu.memory_space<vmem>>) target(%dma_start3A_251 : memref<10112x16xf32, #tpu.memory_space<vmem_shared>>) offsets(%dma_start3A_248 : memref<128xi32, #tpu.memory_space<vmem>>) semaphore(%arg25 : memref<!tpu.dma_semaphore, #tpu.memory_space<semaphore_mem>>) {add = true}
    %dma_wait3A_252 = arith.constant 78 : i32
    %dma_wait3A_253 = arith.constant 6 : i32
    %dma_wait3A_254 = arith.constant 0 : i32
    %dma_wait3A_255 = arith.constant 0 : i32
    %dma_wait3A_256 = tpu.memref_slice %arg9[%dma_wait3A_253, %dma_wait3A_254, %dma_wait3A_255] : memref<8x128x16xf32, #tpu.memory_space<vmem>> -> memref<1x128x16xf32, #tpu.memory_space<vmem>>
    %dma_wait3A_257 = tpu.memref_squeeze %dma_wait3A_256 : memref<1x128x16xf32, #tpu.memory_space<vmem>> -> memref<128x16xf32, #tpu.memory_space<vmem>>
    %dma_wait3A_258 = arith.constant 0 : i32
    %dma_wait3A_259 = tpu.memref_slice %arg7[%dma_wait3A_252, %dma_wait3A_258] : memref<80x128xi32, #tpu.memory_space<vmem>> -> memref<1x128xi32, #tpu.memory_space<vmem>>
    %dma_wait3A_260 = tpu.memref_squeeze %dma_wait3A_259 : memref<1x128xi32, #tpu.memory_space<vmem>> -> memref<128xi32, #tpu.memory_space<vmem>>
    %dma_wait3A_261 = arith.constant 0 : i32
    %dma_wait3A_262 = arith.constant 0 : i32
    %dma_wait3A_263 = tpu.memref_slice %arg2[%dma_wait3A_261, %dma_wait3A_262] : memref<10000x16xf32, #tpu.memory_space<hbm>> -> memref<10000x16xf32, #tpu.memory_space<hbm>>
    tpu.wait_indirect_dma semaphore(%arg18 : memref<!tpu.dma_semaphore, #tpu.memory_space<semaphore_mem>>) src(%dma_wait3A_263 : memref<10000x16xf32, #tpu.memory_space<hbm>>) dst(%dma_wait3A_257 : memref<128x16xf32, #tpu.memory_space<vmem>>)
    %dma_start3A_264 = arith.constant 6 : i32
    %dma_start3A_265 = arith.constant 78 : i32
    %dma_start3A_266 = arith.constant 0 : i32
    %dma_start3A_267 = arith.constant 0 : i32
    %dma_start3A_268 = tpu.memref_slice %arg9[%dma_start3A_264, %dma_start3A_266, %dma_start3A_267] : memref<8x128x16xf32, #tpu.memory_space<vmem>> -> memref<1x128x16xf32, #tpu.memory_space<vmem>>
    %dma_start3A_269 = tpu.memref_squeeze %dma_start3A_268 : memref<1x128x16xf32, #tpu.memory_space<vmem>> -> memref<128x16xf32, #tpu.memory_space<vmem>>
    %dma_start3A_270 = arith.constant 0 : i32
    %dma_start3A_271 = tpu.memref_slice %arg8[%dma_start3A_265, %dma_start3A_270] : memref<80x128xi32, #tpu.memory_space<vmem>> -> memref<1x128xi32, #tpu.memory_space<vmem>>
    %dma_start3A_272 = tpu.memref_squeeze %dma_start3A_271 : memref<1x128xi32, #tpu.memory_space<vmem>> -> memref<128xi32, #tpu.memory_space<vmem>>
    %dma_start3A_273 = arith.constant 0 : i32
    %dma_start3A_274 = arith.constant 0 : i32
    %dma_start3A_275 = tpu.memref_slice %arg11[%dma_start3A_273, %dma_start3A_274] : memref<10112x16xf32, #tpu.memory_space<vmem_shared>> -> memref<10112x16xf32, #tpu.memory_space<vmem_shared>>
    tpu.enqueue_indirect_dma source(%dma_start3A_269 : memref<128x16xf32, #tpu.memory_space<vmem>>) target(%dma_start3A_275 : memref<10112x16xf32, #tpu.memory_space<vmem_shared>>) offsets(%dma_start3A_272 : memref<128xi32, #tpu.memory_space<vmem>>) semaphore(%arg26 : memref<!tpu.dma_semaphore, #tpu.memory_space<semaphore_mem>>) {add = true}
    %dma_wait3A_276 = arith.constant 79 : i32
    %dma_wait3A_277 = arith.constant 7 : i32
    %dma_wait3A_278 = arith.constant 0 : i32
    %dma_wait3A_279 = arith.constant 0 : i32
    %dma_wait3A_280 = tpu.memref_slice %arg9[%dma_wait3A_277, %dma_wait3A_278, %dma_wait3A_279] : memref<8x128x16xf32, #tpu.memory_space<vmem>> -> memref<1x128x16xf32, #tpu.memory_space<vmem>>
    %dma_wait3A_281 = tpu.memref_squeeze %dma_wait3A_280 : memref<1x128x16xf32, #tpu.memory_space<vmem>> -> memref<128x16xf32, #tpu.memory_space<vmem>>
    %dma_wait3A_282 = arith.constant 0 : i32
    %dma_wait3A_283 = tpu.memref_slice %arg7[%dma_wait3A_276, %dma_wait3A_282] : memref<80x128xi32, #tpu.memory_space<vmem>> -> memref<1x128xi32, #tpu.memory_space<vmem>>
    %dma_wait3A_284 = tpu.memref_squeeze %dma_wait3A_283 : memref<1x128xi32, #tpu.memory_space<vmem>> -> memref<128xi32, #tpu.memory_space<vmem>>
    %dma_wait3A_285 = arith.constant 0 : i32
    %dma_wait3A_286 = arith.constant 0 : i32
    %dma_wait3A_287 = tpu.memref_slice %arg2[%dma_wait3A_285, %dma_wait3A_286] : memref<10000x16xf32, #tpu.memory_space<hbm>> -> memref<10000x16xf32, #tpu.memory_space<hbm>>
    tpu.wait_indirect_dma semaphore(%arg19 : memref<!tpu.dma_semaphore, #tpu.memory_space<semaphore_mem>>) src(%dma_wait3A_287 : memref<10000x16xf32, #tpu.memory_space<hbm>>) dst(%dma_wait3A_281 : memref<128x16xf32, #tpu.memory_space<vmem>>)
    %dma_start3A_288 = arith.constant 7 : i32
    %dma_start3A_289 = arith.constant 79 : i32
    %dma_start3A_290 = arith.constant 0 : i32
    %dma_start3A_291 = arith.constant 0 : i32
    %dma_start3A_292 = tpu.memref_slice %arg9[%dma_start3A_288, %dma_start3A_290, %dma_start3A_291] : memref<8x128x16xf32, #tpu.memory_space<vmem>> -> memref<1x128x16xf32, #tpu.memory_space<vmem>>
    %dma_start3A_293 = tpu.memref_squeeze %dma_start3A_292 : memref<1x128x16xf32, #tpu.memory_space<vmem>> -> memref<128x16xf32, #tpu.memory_space<vmem>>
    %dma_start3A_294 = arith.constant 0 : i32
    %dma_start3A_295 = tpu.memref_slice %arg8[%dma_start3A_289, %dma_start3A_294] : memref<80x128xi32, #tpu.memory_space<vmem>> -> memref<1x128xi32, #tpu.memory_space<vmem>>
    %dma_start3A_296 = tpu.memref_squeeze %dma_start3A_295 : memref<1x128xi32, #tpu.memory_space<vmem>> -> memref<128xi32, #tpu.memory_space<vmem>>
    %dma_start3A_297 = arith.constant 0 : i32
    %dma_start3A_298 = arith.constant 0 : i32
    %dma_start3A_299 = tpu.memref_slice %arg11[%dma_start3A_297, %dma_start3A_298] : memref<10112x16xf32, #tpu.memory_space<vmem_shared>> -> memref<10112x16xf32, #tpu.memory_space<vmem_shared>>
    tpu.enqueue_indirect_dma source(%dma_start3A_293 : memref<128x16xf32, #tpu.memory_space<vmem>>) target(%dma_start3A_299 : memref<10112x16xf32, #tpu.memory_space<vmem_shared>>) offsets(%dma_start3A_296 : memref<128xi32, #tpu.memory_space<vmem>>) semaphore(%arg27 : memref<!tpu.dma_semaphore, #tpu.memory_space<semaphore_mem>>) {add = true}
    %dma_wait3A_300 = arith.constant 0 : i32
    %dma_wait3A_301 = arith.constant 72 : i32
    %dma_wait3A_302 = arith.constant 0 : i32
    %dma_wait3A_303 = arith.constant 0 : i32
    %dma_wait3A_304 = tpu.memref_slice %arg9[%dma_wait3A_300, %dma_wait3A_302, %dma_wait3A_303] : memref<8x128x16xf32, #tpu.memory_space<vmem>> -> memref<1x128x16xf32, #tpu.memory_space<vmem>>
    %dma_wait3A_305 = tpu.memref_squeeze %dma_wait3A_304 : memref<1x128x16xf32, #tpu.memory_space<vmem>> -> memref<128x16xf32, #tpu.memory_space<vmem>>
    %dma_wait3A_306 = arith.constant 0 : i32
    %dma_wait3A_307 = tpu.memref_slice %arg8[%dma_wait3A_301, %dma_wait3A_306] : memref<80x128xi32, #tpu.memory_space<vmem>> -> memref<1x128xi32, #tpu.memory_space<vmem>>
    %dma_wait3A_308 = tpu.memref_squeeze %dma_wait3A_307 : memref<1x128xi32, #tpu.memory_space<vmem>> -> memref<128xi32, #tpu.memory_space<vmem>>
    %dma_wait3A_309 = arith.constant 0 : i32
    %dma_wait3A_310 = arith.constant 0 : i32
    %dma_wait3A_311 = tpu.memref_slice %arg11[%dma_wait3A_309, %dma_wait3A_310] : memref<10112x16xf32, #tpu.memory_space<vmem_shared>> -> memref<10112x16xf32, #tpu.memory_space<vmem_shared>>
    tpu.wait_indirect_dma semaphore(%arg20 : memref<!tpu.dma_semaphore, #tpu.memory_space<semaphore_mem>>) src(%dma_wait3A_305 : memref<128x16xf32, #tpu.memory_space<vmem>>) dst(%dma_wait3A_311 : memref<10112x16xf32, #tpu.memory_space<vmem_shared>>)
    %dma_wait3A_312 = arith.constant 1 : i32
    %dma_wait3A_313 = arith.constant 73 : i32
    %dma_wait3A_314 = arith.constant 0 : i32
    %dma_wait3A_315 = arith.constant 0 : i32
    %dma_wait3A_316 = tpu.memref_slice %arg9[%dma_wait3A_312, %dma_wait3A_314, %dma_wait3A_315] : memref<8x128x16xf32, #tpu.memory_space<vmem>> -> memref<1x128x16xf32, #tpu.memory_space<vmem>>
    %dma_wait3A_317 = tpu.memref_squeeze %dma_wait3A_316 : memref<1x128x16xf32, #tpu.memory_space<vmem>> -> memref<128x16xf32, #tpu.memory_space<vmem>>
    %dma_wait3A_318 = arith.constant 0 : i32
    %dma_wait3A_319 = tpu.memref_slice %arg8[%dma_wait3A_313, %dma_wait3A_318] : memref<80x128xi32, #tpu.memory_space<vmem>> -> memref<1x128xi32, #tpu.memory_space<vmem>>
    %dma_wait3A_320 = tpu.memref_squeeze %dma_wait3A_319 : memref<1x128xi32, #tpu.memory_space<vmem>> -> memref<128xi32, #tpu.memory_space<vmem>>
    %dma_wait3A_321 = arith.constant 0 : i32
    %dma_wait3A_322 = arith.constant 0 : i32
    %dma_wait3A_323 = tpu.memref_slice %arg11[%dma_wait3A_321, %dma_wait3A_322] : memref<10112x16xf32, #tpu.memory_space<vmem_shared>> -> memref<10112x16xf32, #tpu.memory_space<vmem_shared>>
    tpu.wait_indirect_dma semaphore(%arg21 : memref<!tpu.dma_semaphore, #tpu.memory_space<semaphore_mem>>) src(%dma_wait3A_317 : memref<128x16xf32, #tpu.memory_space<vmem>>) dst(%dma_wait3A_323 : memref<10112x16xf32, #tpu.memory_space<vmem_shared>>)
    %dma_wait3A_324 = arith.constant 2 : i32
    %dma_wait3A_325 = arith.constant 74 : i32
    %dma_wait3A_326 = arith.constant 0 : i32
    %dma_wait3A_327 = arith.constant 0 : i32
    %dma_wait3A_328 = tpu.memref_slice %arg9[%dma_wait3A_324, %dma_wait3A_326, %dma_wait3A_327] : memref<8x128x16xf32, #tpu.memory_space<vmem>> -> memref<1x128x16xf32, #tpu.memory_space<vmem>>
    %dma_wait3A_329 = tpu.memref_squeeze %dma_wait3A_328 : memref<1x128x16xf32, #tpu.memory_space<vmem>> -> memref<128x16xf32, #tpu.memory_space<vmem>>
    %dma_wait3A_330 = arith.constant 0 : i32
    %dma_wait3A_331 = tpu.memref_slice %arg8[%dma_wait3A_325, %dma_wait3A_330] : memref<80x128xi32, #tpu.memory_space<vmem>> -> memref<1x128xi32, #tpu.memory_space<vmem>>
    %dma_wait3A_332 = tpu.memref_squeeze %dma_wait3A_331 : memref<1x128xi32, #tpu.memory_space<vmem>> -> memref<128xi32, #tpu.memory_space<vmem>>
    %dma_wait3A_333 = arith.constant 0 : i32
    %dma_wait3A_334 = arith.constant 0 : i32
    %dma_wait3A_335 = tpu.memref_slice %arg11[%dma_wait3A_333, %dma_wait3A_334] : memref<10112x16xf32, #tpu.memory_space<vmem_shared>> -> memref<10112x16xf32, #tpu.memory_space<vmem_shared>>
    tpu.wait_indirect_dma semaphore(%arg22 : memref<!tpu.dma_semaphore, #tpu.memory_space<semaphore_mem>>) src(%dma_wait3A_329 : memref<128x16xf32, #tpu.memory_space<vmem>>) dst(%dma_wait3A_335 : memref<10112x16xf32, #tpu.memory_space<vmem_shared>>)
    %dma_wait3A_336 = arith.constant 3 : i32
    %dma_wait3A_337 = arith.constant 75 : i32
    %dma_wait3A_338 = arith.constant 0 : i32
    %dma_wait3A_339 = arith.constant 0 : i32
    %dma_wait3A_340 = tpu.memref_slice %arg9[%dma_wait3A_336, %dma_wait3A_338, %dma_wait3A_339] : memref<8x128x16xf32, #tpu.memory_space<vmem>> -> memref<1x128x16xf32, #tpu.memory_space<vmem>>
    %dma_wait3A_341 = tpu.memref_squeeze %dma_wait3A_340 : memref<1x128x16xf32, #tpu.memory_space<vmem>> -> memref<128x16xf32, #tpu.memory_space<vmem>>
    %dma_wait3A_342 = arith.constant 0 : i32
    %dma_wait3A_343 = tpu.memref_slice %arg8[%dma_wait3A_337, %dma_wait3A_342] : memref<80x128xi32, #tpu.memory_space<vmem>> -> memref<1x128xi32, #tpu.memory_space<vmem>>
    %dma_wait3A_344 = tpu.memref_squeeze %dma_wait3A_343 : memref<1x128xi32, #tpu.memory_space<vmem>> -> memref<128xi32, #tpu.memory_space<vmem>>
    %dma_wait3A_345 = arith.constant 0 : i32
    %dma_wait3A_346 = arith.constant 0 : i32
    %dma_wait3A_347 = tpu.memref_slice %arg11[%dma_wait3A_345, %dma_wait3A_346] : memref<10112x16xf32, #tpu.memory_space<vmem_shared>> -> memref<10112x16xf32, #tpu.memory_space<vmem_shared>>
    tpu.wait_indirect_dma semaphore(%arg23 : memref<!tpu.dma_semaphore, #tpu.memory_space<semaphore_mem>>) src(%dma_wait3A_341 : memref<128x16xf32, #tpu.memory_space<vmem>>) dst(%dma_wait3A_347 : memref<10112x16xf32, #tpu.memory_space<vmem_shared>>)
    %dma_wait3A_348 = arith.constant 4 : i32
    %dma_wait3A_349 = arith.constant 76 : i32
    %dma_wait3A_350 = arith.constant 0 : i32
    %dma_wait3A_351 = arith.constant 0 : i32
    %dma_wait3A_352 = tpu.memref_slice %arg9[%dma_wait3A_348, %dma_wait3A_350, %dma_wait3A_351] : memref<8x128x16xf32, #tpu.memory_space<vmem>> -> memref<1x128x16xf32, #tpu.memory_space<vmem>>
    %dma_wait3A_353 = tpu.memref_squeeze %dma_wait3A_352 : memref<1x128x16xf32, #tpu.memory_space<vmem>> -> memref<128x16xf32, #tpu.memory_space<vmem>>
    %dma_wait3A_354 = arith.constant 0 : i32
    %dma_wait3A_355 = tpu.memref_slice %arg8[%dma_wait3A_349, %dma_wait3A_354] : memref<80x128xi32, #tpu.memory_space<vmem>> -> memref<1x128xi32, #tpu.memory_space<vmem>>
    %dma_wait3A_356 = tpu.memref_squeeze %dma_wait3A_355 : memref<1x128xi32, #tpu.memory_space<vmem>> -> memref<128xi32, #tpu.memory_space<vmem>>
    %dma_wait3A_357 = arith.constant 0 : i32
    %dma_wait3A_358 = arith.constant 0 : i32
    %dma_wait3A_359 = tpu.memref_slice %arg11[%dma_wait3A_357, %dma_wait3A_358] : memref<10112x16xf32, #tpu.memory_space<vmem_shared>> -> memref<10112x16xf32, #tpu.memory_space<vmem_shared>>
    tpu.wait_indirect_dma semaphore(%arg24 : memref<!tpu.dma_semaphore, #tpu.memory_space<semaphore_mem>>) src(%dma_wait3A_353 : memref<128x16xf32, #tpu.memory_space<vmem>>) dst(%dma_wait3A_359 : memref<10112x16xf32, #tpu.memory_space<vmem_shared>>)
    %dma_wait3A_360 = arith.constant 5 : i32
    %dma_wait3A_361 = arith.constant 77 : i32
    %dma_wait3A_362 = arith.constant 0 : i32
    %dma_wait3A_363 = arith.constant 0 : i32
    %dma_wait3A_364 = tpu.memref_slice %arg9[%dma_wait3A_360, %dma_wait3A_362, %dma_wait3A_363] : memref<8x128x16xf32, #tpu.memory_space<vmem>> -> memref<1x128x16xf32, #tpu.memory_space<vmem>>
    %dma_wait3A_365 = tpu.memref_squeeze %dma_wait3A_364 : memref<1x128x16xf32, #tpu.memory_space<vmem>> -> memref<128x16xf32, #tpu.memory_space<vmem>>
    %dma_wait3A_366 = arith.constant 0 : i32
    %dma_wait3A_367 = tpu.memref_slice %arg8[%dma_wait3A_361, %dma_wait3A_366] : memref<80x128xi32, #tpu.memory_space<vmem>> -> memref<1x128xi32, #tpu.memory_space<vmem>>
    %dma_wait3A_368 = tpu.memref_squeeze %dma_wait3A_367 : memref<1x128xi32, #tpu.memory_space<vmem>> -> memref<128xi32, #tpu.memory_space<vmem>>
    %dma_wait3A_369 = arith.constant 0 : i32
    %dma_wait3A_370 = arith.constant 0 : i32
    %dma_wait3A_371 = tpu.memref_slice %arg11[%dma_wait3A_369, %dma_wait3A_370] : memref<10112x16xf32, #tpu.memory_space<vmem_shared>> -> memref<10112x16xf32, #tpu.memory_space<vmem_shared>>
    tpu.wait_indirect_dma semaphore(%arg25 : memref<!tpu.dma_semaphore, #tpu.memory_space<semaphore_mem>>) src(%dma_wait3A_365 : memref<128x16xf32, #tpu.memory_space<vmem>>) dst(%dma_wait3A_371 : memref<10112x16xf32, #tpu.memory_space<vmem_shared>>)
    %dma_wait3A_372 = arith.constant 6 : i32
    %dma_wait3A_373 = arith.constant 78 : i32
    %dma_wait3A_374 = arith.constant 0 : i32
    %dma_wait3A_375 = arith.constant 0 : i32
    %dma_wait3A_376 = tpu.memref_slice %arg9[%dma_wait3A_372, %dma_wait3A_374, %dma_wait3A_375] : memref<8x128x16xf32, #tpu.memory_space<vmem>> -> memref<1x128x16xf32, #tpu.memory_space<vmem>>
    %dma_wait3A_377 = tpu.memref_squeeze %dma_wait3A_376 : memref<1x128x16xf32, #tpu.memory_space<vmem>> -> memref<128x16xf32, #tpu.memory_space<vmem>>
    %dma_wait3A_378 = arith.constant 0 : i32
    %dma_wait3A_379 = tpu.memref_slice %arg8[%dma_wait3A_373, %dma_wait3A_378] : memref<80x128xi32, #tpu.memory_space<vmem>> -> memref<1x128xi32, #tpu.memory_space<vmem>>
    %dma_wait3A_380 = tpu.memref_squeeze %dma_wait3A_379 : memref<1x128xi32, #tpu.memory_space<vmem>> -> memref<128xi32, #tpu.memory_space<vmem>>
    %dma_wait3A_381 = arith.constant 0 : i32
    %dma_wait3A_382 = arith.constant 0 : i32
    %dma_wait3A_383 = tpu.memref_slice %arg11[%dma_wait3A_381, %dma_wait3A_382] : memref<10112x16xf32, #tpu.memory_space<vmem_shared>> -> memref<10112x16xf32, #tpu.memory_space<vmem_shared>>
    tpu.wait_indirect_dma semaphore(%arg26 : memref<!tpu.dma_semaphore, #tpu.memory_space<semaphore_mem>>) src(%dma_wait3A_377 : memref<128x16xf32, #tpu.memory_space<vmem>>) dst(%dma_wait3A_383 : memref<10112x16xf32, #tpu.memory_space<vmem_shared>>)
    %dma_wait3A_384 = arith.constant 7 : i32
    %dma_wait3A_385 = arith.constant 79 : i32
    %dma_wait3A_386 = arith.constant 0 : i32
    %dma_wait3A_387 = arith.constant 0 : i32
    %dma_wait3A_388 = tpu.memref_slice %arg9[%dma_wait3A_384, %dma_wait3A_386, %dma_wait3A_387] : memref<8x128x16xf32, #tpu.memory_space<vmem>> -> memref<1x128x16xf32, #tpu.memory_space<vmem>>
    %dma_wait3A_389 = tpu.memref_squeeze %dma_wait3A_388 : memref<1x128x16xf32, #tpu.memory_space<vmem>> -> memref<128x16xf32, #tpu.memory_space<vmem>>
    %dma_wait3A_390 = arith.constant 0 : i32
    %dma_wait3A_391 = tpu.memref_slice %arg8[%dma_wait3A_385, %dma_wait3A_390] : memref<80x128xi32, #tpu.memory_space<vmem>> -> memref<1x128xi32, #tpu.memory_space<vmem>>
    %dma_wait3A_392 = tpu.memref_squeeze %dma_wait3A_391 : memref<1x128xi32, #tpu.memory_space<vmem>> -> memref<128xi32, #tpu.memory_space<vmem>>
    %dma_wait3A_393 = arith.constant 0 : i32
    %dma_wait3A_394 = arith.constant 0 : i32
    %dma_wait3A_395 = tpu.memref_slice %arg11[%dma_wait3A_393, %dma_wait3A_394] : memref<10112x16xf32, #tpu.memory_space<vmem_shared>> -> memref<10112x16xf32, #tpu.memory_space<vmem_shared>>
    tpu.wait_indirect_dma semaphore(%arg27 : memref<!tpu.dma_semaphore, #tpu.memory_space<semaphore_mem>>) src(%dma_wait3A_389 : memref<128x16xf32, #tpu.memory_space<vmem>>) dst(%dma_wait3A_395 : memref<10112x16xf32, #tpu.memory_space<vmem_shared>>)
    %barrier3A_396 = arith.constant 0 : index
    tpu.barrier barrier_id(%barrier3A_396)
    %mul3A_397 = arith.constant 632 : i32
    %mul3A_398 = arith.muli %arg1, %mul3A_397 : i32
    "tpu.region"() ({
      %run_scoped3A = tpu.sem_alloc : memref<!tpu.dma_semaphore, #tpu.memory_space<semaphore_mem>>
      %dma_start3A_401 = arith.constant 0 : i32
      %dma_start3A_402 = tpu.memref_slice %arg11[%mul3A_398, %dma_start3A_401] : memref<10112x16xf32, #tpu.memory_space<vmem_shared>> -> memref<632x16xf32, #tpu.memory_space<vmem_shared>>
      %dma_start3A_403 = arith.constant 0 : i32
      %dma_start3A_404 = tpu.memref_slice %arg11[%mul3A_398, %dma_start3A_403] : memref<10112x16xf32, #tpu.memory_space<vmem_shared>> -> memref<632x16xf32, #tpu.memory_space<vmem_shared>>
      tpu.enqueue_dma source(%dma_start3A_404 : memref<632x16xf32, #tpu.memory_space<vmem_shared>>) target(%arg10 : memref<632x16xf32, #tpu.memory_space<vmem>>) target_semaphore(%run_scoped3A : memref<!tpu.dma_semaphore, #tpu.memory_space<semaphore_mem>>)
      %dma_wait3A_405 = arith.constant 0 : i32
      %dma_wait3A_406 = tpu.memref_slice %arg11[%mul3A_398, %dma_wait3A_405] : memref<10112x16xf32, #tpu.memory_space<vmem_shared>> -> memref<632x16xf32, #tpu.memory_space<vmem_shared>>
      %dma_wait3A_407 = arith.constant 0 : i32
      %dma_wait3A_408 = tpu.memref_slice %arg11[%mul3A_398, %dma_wait3A_407] : memref<10112x16xf32, #tpu.memory_space<vmem_shared>> -> memref<632x16xf32, #tpu.memory_space<vmem_shared>>
      tpu.wait_dma2 semaphore(%run_scoped3A : memref<!tpu.dma_semaphore, #tpu.memory_space<semaphore_mem>>) src(%dma_wait3A_408 : memref<632x16xf32, #tpu.memory_space<vmem_shared>>) dst(%arg10 : memref<632x16xf32, #tpu.memory_space<vmem>>)
      tpu.yield
    }) : () -> ()
    %mul3A_399 = arith.constant 632 : i32
    %mul3A_400 = arith.muli %arg1, %mul3A_399 : i32
    "tpu.region"() ({
      %run_scoped3A = tpu.sem_alloc : memref<!tpu.dma_semaphore, #tpu.memory_space<semaphore_mem>>
      %dma_start3A_401 = arith.constant 0 : i32
      %dma_start3A_402 = tpu.memref_slice %arg6[%arg0, %mul3A_400, %dma_start3A_401] : memref<2x10112x16xf32, #tpu.memory_space<hbm>> -> memref<1x632x16xf32, #tpu.memory_space<hbm>>
      %dma_start3A_403 = tpu.memref_squeeze %dma_start3A_402 : memref<1x632x16xf32, #tpu.memory_space<hbm>> -> memref<632x16xf32, #tpu.memory_space<hbm>>
      %dma_start3A_404 = arith.constant 0 : i32
      %dma_start3A_405 = tpu.memref_slice %arg6[%arg0, %mul3A_400, %dma_start3A_404] : memref<2x10112x16xf32, #tpu.memory_space<hbm>> -> memref<1x632x16xf32, #tpu.memory_space<hbm>>
      %dma_start3A_406 = tpu.memref_squeeze %dma_start3A_405 : memref<1x632x16xf32, #tpu.memory_space<hbm>> -> memref<632x16xf32, #tpu.memory_space<hbm>>
      tpu.enqueue_dma source(%arg10 : memref<632x16xf32, #tpu.memory_space<vmem>>) target(%dma_start3A_406 : memref<632x16xf32, #tpu.memory_space<hbm>>) target_semaphore(%run_scoped3A : memref<!tpu.dma_semaphore, #tpu.memory_space<semaphore_mem>>)
      %dma_wait3A_407 = arith.constant 0 : i32
      %dma_wait3A_408 = tpu.memref_slice %arg6[%arg0, %mul3A_400, %dma_wait3A_407] : memref<2x10112x16xf32, #tpu.memory_space<hbm>> -> memref<1x632x16xf32, #tpu.memory_space<hbm>>
      %dma_wait3A_409 = tpu.memref_squeeze %dma_wait3A_408 : memref<1x632x16xf32, #tpu.memory_space<hbm>> -> memref<632x16xf32, #tpu.memory_space<hbm>>
      %dma_wait3A_410 = arith.constant 0 : i32
      %dma_wait3A_411 = tpu.memref_slice %arg6[%arg0, %mul3A_400, %dma_wait3A_410] : memref<2x10112x16xf32, #tpu.memory_space<hbm>> -> memref<1x632x16xf32, #tpu.memory_space<hbm>>
      %dma_wait3A_412 = tpu.memref_squeeze %dma_wait3A_411 : memref<1x632x16xf32, #tpu.memory_space<hbm>> -> memref<632x16xf32, #tpu.memory_space<hbm>>
      tpu.wait_dma2 semaphore(%run_scoped3A : memref<!tpu.dma_semaphore, #tpu.memory_space<semaphore_mem>>) src(%arg10 : memref<632x16xf32, #tpu.memory_space<vmem>>) dst(%dma_wait3A_412 : memref<632x16xf32, #tpu.memory_space<hbm>>)
      tpu.yield
    }) : () -> ()
    return
  }
}

module attributes {stable_mosaic.version = 14 : i64} {
  func.func @_tc_pre_body(%arg0: memref<10000x128xf32, #tpu.memory_space<vmem>>, %arg1: memref<128x16xf32, #tpu.memory_space<vmem>>, %arg2: memref<128x128xf32, #tpu.memory_space<vmem>>, %arg3: memref<1x16xf32, #tpu.memory_space<vmem>>, %arg4: memref<1x128xf32, #tpu.memory_space<vmem>>, %arg5: memref<10000x16xf32, #tpu.memory_space<vmem>>, %arg6: memref<2500x128xf32, #tpu.memory_space<vmem>>) attributes {dimension_semantics = [], scalar_prefetch = 0 : i64, scratch_operands = 0 : i64, tpu.core_type = #tpu.core_type<tc>} {
    %get3A = arith.constant 0 : index
    %get3A_0 = arith.constant 0 : index
    %get3A_1 = vector.load %arg0[%get3A, %get3A_0] : memref<10000x128xf32, #tpu.memory_space<vmem>>, vector<10000x128xf32>
    %get3A_2 = arith.constant 0 : index
    %get3A_3 = arith.constant 0 : index
    %get3A_4 = vector.load %arg1[%get3A_2, %get3A_3] : memref<128x16xf32, #tpu.memory_space<vmem>>, vector<128x16xf32>
    %dot_general3A = arith.constant dense<0.000000e+00> : vector<10000x16xf32>
    %dot_general3A_5 = tpu.matmul %get3A_1, %get3A_4, %dot_general3A {dimension_numbers = #tpu.dot_dimension_numbers<[1], [0], [0], [1], [0, 0, 1, 1], [], []>, transpose_lhs_hint = false} : vector<10000x128xf32>, vector<128x16xf32>, vector<10000x16xf32> -> vector<10000x16xf32>
    %get3A_6 = arith.constant 0 : index
    %get3A_7 = arith.constant 0 : index
    %get3A_8 = vector.load %arg3[%get3A_6, %get3A_7] : memref<1x16xf32, #tpu.memory_space<vmem>>, vector<1x16xf32>
    %add3A = vector.broadcast %get3A_8 : vector<1x16xf32> to vector<10000x16xf32>
    %add3A_9 = arith.addf %dot_general3A_5, %add3A : vector<10000x16xf32>
    %swap3A = arith.constant 0 : index
    %swap3A_10 = arith.constant 0 : index
    %swap3A_11 = vector.load %arg5[%swap3A, %swap3A_10] : memref<10000x16xf32, #tpu.memory_space<vmem>>, vector<10000x16xf32>
    tpu.vector_store %arg5[%swap3A, %swap3A_10], %add3A_9 {strides = array<i32>} : memref<10000x16xf32, #tpu.memory_space<vmem>>, vector<10000x16xf32>,
    %get3A_12 = arith.constant 0 : index
    %get3A_13 = arith.constant 0 : index
    %get3A_14 = vector.load %arg2[%get3A_12, %get3A_13] : memref<128x128xf32, #tpu.memory_space<vmem>>, vector<128x128xf32>
    %dot_general3A_15 = arith.constant dense<0.000000e+00> : vector<10000x128xf32>
    %dot_general3A_16 = tpu.matmul %get3A_1, %get3A_14, %dot_general3A_15 {dimension_numbers = #tpu.dot_dimension_numbers<[1], [0], [0], [1], [0, 0, 1, 1], [], []>, transpose_lhs_hint = false} : vector<10000x128xf32>, vector<128x128xf32>, vector<10000x128xf32> -> vector<10000x128xf32>
    %get3A_17 = arith.constant 0 : index
    %get3A_18 = arith.constant 0 : index
    %get3A_19 = vector.load %arg4[%get3A_17, %get3A_18] : memref<1x128xf32, #tpu.memory_space<vmem>>, vector<1x128xf32>
    %add3A_20 = vector.broadcast %get3A_19 : vector<1x128xf32> to vector<10000x128xf32>
    %add3A_21 = arith.addf %dot_general3A_16, %add3A_20 : vector<10000x128xf32>
    %iota3A = tpu.iota {dimensions = array<i32: 0>} : vector<4x128xi32>
    %iota3A_22 = tpu.iota {dimensions = array<i32: 1>} : vector<4x128xi32>
    %jit3A = arith.constant 32 : i32
    %div3A = vector.broadcast %jit3A : i32 to vector<4x128xi32>
    %div3A_23 = arith.divsi %iota3A_22, %div3A : vector<4x128xi32>
    %sign3A = arith.constant 0 : i32
    %sign3A_24 = vector.broadcast %sign3A : i32 to vector<4x128xi32>
    %sign3A_25 = arith.cmpi sgt, %iota3A_22, %sign3A_24 : vector<4x128xi32>
    %sign3A_26 = arith.extui %sign3A_25 : vector<4x128xi1> to vector<4x128xi32>
    %sign3A_27 = arith.constant 0 : i32
    %sign3A_28 = vector.broadcast %sign3A_27 : i32 to vector<4x128xi32>
    %sign3A_29 = arith.cmpi slt, %iota3A_22, %sign3A_28 : vector<4x128xi32>
    %sign3A_30 = arith.extui %sign3A_29 : vector<4x128xi1> to vector<4x128xi32>
    %sign3A_31 = arith.subi %sign3A_26, %sign3A_30 : vector<4x128xi32>
    %sign3A_32 = arith.constant 0 : i32
    %sign3A_33 = arith.cmpi sgt, %jit3A, %sign3A_32 : i32
    %sign3A_34 = arith.extui %sign3A_33 : i1 to i32
    %sign3A_35 = arith.constant 0 : i32
    %sign3A_36 = arith.cmpi slt, %jit3A, %sign3A_35 : i32
    %sign3A_37 = arith.extui %sign3A_36 : i1 to i32
    %sign3A_38 = arith.subi %sign3A_34, %sign3A_37 : i32
    %ne3A = vector.broadcast %sign3A_38 : i32 to vector<4x128xi32>
    %ne3A_39 = arith.cmpi ne, %sign3A_31, %ne3A : vector<4x128xi32>
    %rem3A = vector.broadcast %jit3A : i32 to vector<4x128xi32>
    %rem3A_40 = arith.remsi %iota3A_22, %rem3A : vector<4x128xi32>
    %ne3A_41 = arith.constant 0 : i32
    %ne3A_42 = vector.broadcast %ne3A_41 : i32 to vector<4x128xi32>
    %ne3A_43 = arith.cmpi ne, %rem3A_40, %ne3A_42 : vector<4x128xi32>
    %and3A = arith.andi %ne3A_39, %ne3A_43 : vector<4x128xi1>
    %sub3A = arith.constant 1 : i32
    %sub3A_44 = vector.broadcast %sub3A : i32 to vector<4x128xi32>
    %sub3A_45 = arith.subi %div3A_23, %sub3A_44 : vector<4x128xi32>
    %select_n3A = arith.select %and3A, %sub3A_45, %div3A_23 : vector<4x128xi1>, vector<4x128xi32>
    %eq3A = arith.cmpi eq, %iota3A, %select_n3A : vector<4x128xi32>
    %convert_element_type3A = arith.extui %eq3A : vector<4x128xi1> to vector<4x128xi32>
    %convert_element_type3A_46 = arith.sitofp %convert_element_type3A : vector<4x128xi32> to vector<4x128xf32>
    %reshape3A = vector.shape_cast %add3A_21 : vector<10000x128xf32> to vector<2500x4x128xf32>
    %broadcast_in_dim3A = vector.shape_cast %convert_element_type3A_46 : vector<4x128xf32> to vector<1x4x128xf32>
    %mul3A = vector.broadcast %broadcast_in_dim3A : vector<1x4x128xf32> to vector<2500x4x128xf32>
    %mul3A_47 = arith.mulf %reshape3A, %mul3A : vector<2500x4x128xf32>
    %slice3A = vector.extract_strided_slice %mul3A_47 {offsets = [0, 0, 0], sizes = [2500, 1, 128], strides = [1, 1, 1]} : vector<2500x4x128xf32> to vector<2500x1x128xf32>
    %squeeze3A = vector.shape_cast %slice3A : vector<2500x1x128xf32> to vector<2500x128xf32>
    %slice3A_48 = vector.extract_strided_slice %mul3A_47 {offsets = [0, 1, 0], sizes = [2500, 1, 128], strides = [1, 1, 1]} : vector<2500x4x128xf32> to vector<2500x1x128xf32>
    %squeeze3A_49 = vector.shape_cast %slice3A_48 : vector<2500x1x128xf32> to vector<2500x128xf32>
    %add3A_50 = arith.addf %squeeze3A, %squeeze3A_49 : vector<2500x128xf32>
    %slice3A_51 = vector.extract_strided_slice %mul3A_47 {offsets = [0, 2, 0], sizes = [2500, 1, 128], strides = [1, 1, 1]} : vector<2500x4x128xf32> to vector<2500x1x128xf32>
    %squeeze3A_52 = vector.shape_cast %slice3A_51 : vector<2500x1x128xf32> to vector<2500x128xf32>
    %add3A_53 = arith.addf %add3A_50, %squeeze3A_52 : vector<2500x128xf32>
    %slice3A_54 = vector.extract_strided_slice %mul3A_47 {offsets = [0, 3, 0], sizes = [2500, 1, 128], strides = [1, 1, 1]} : vector<2500x4x128xf32> to vector<2500x1x128xf32>
    %squeeze3A_55 = vector.shape_cast %slice3A_54 : vector<2500x1x128xf32> to vector<2500x128xf32>
    %add3A_56 = arith.addf %add3A_53, %squeeze3A_55 : vector<2500x128xf32>
    %swap3A_57 = arith.constant 0 : index
    %swap3A_58 = arith.constant 0 : index
    %swap3A_59 = vector.load %arg6[%swap3A_57, %swap3A_58] : memref<2500x128xf32, #tpu.memory_space<vmem>>, vector<2500x128xf32>
    tpu.vector_store %arg6[%swap3A_57, %swap3A_58], %add3A_56 {strides = array<i32>} : memref<2500x128xf32, #tpu.memory_space<vmem>>, vector<2500x128xf32>,
    return
  }
}

module attributes {stable_mosaic.version = 14 : i64} {
  func.func @_tc_mid_body(%arg0: memref<10000x16xf32, #tpu.memory_space<vmem>>, %arg1: memref<5056x128xf32, #tpu.memory_space<vmem>>, %arg2: memref<40x16xf32, #tpu.memory_space<vmem>>, %arg3: memref<40x1xf32, #tpu.memory_space<vmem>>, %arg4: memref<16x128xf32, #tpu.memory_space<vmem>>, %arg5: memref<1250x128xf32, #tpu.memory_space<vmem>>, %arg6: memref<40x10000xf32, #tpu.memory_space<vmem>>) attributes {dimension_semantics = [], scalar_prefetch = 0 : i64, scratch_operands = 0 : i64, tpu.core_type = #tpu.core_type<tc>} {
    %get3A = arith.constant 0 : index
    %get3A_0 = arith.constant 0 : index
    %get3A_1 = vector.load %arg1[%get3A, %get3A_0] : memref<5056x128xf32, #tpu.memory_space<vmem>>, vector<5056x128xf32>
    %slice3A = vector.extract_strided_slice %get3A_1 {offsets = [0, 0], sizes = [2528, 128], strides = [1, 1]} : vector<5056x128xf32> to vector<2528x128xf32>
    %slice3A_2 = vector.extract_strided_slice %get3A_1 {offsets = [2528, 0], sizes = [2528, 128], strides = [1, 1]} : vector<5056x128xf32> to vector<2528x128xf32>
    %add3A = arith.addf %slice3A, %slice3A_2 : vector<2528x128xf32>
    %broadcast_in_dim3A = vector.shape_cast %add3A : vector<2528x128xf32> to vector<2528x1x128xf32>
    %broadcast_in_dim3A_3 = vector.shape_cast %broadcast_in_dim3A : vector<2528x1x128xf32> to vector<2528x1x128xf32>
    %broadcast_in_dim3A_4 = vector.broadcast %broadcast_in_dim3A_3 : vector<2528x1x128xf32> to vector<2528x4x128xf32>
    %reshape3A = vector.shape_cast %broadcast_in_dim3A_4 : vector<2528x4x128xf32> to vector<10112x128xf32>
    %iota3A = tpu.iota {dimensions = array<i32: 0>} : vector<10112x128xi32>
    %jit3A = arith.constant 4 : i32
    %eq3A = arith.constant 0 : i32
    %eq3A_5 = arith.cmpi eq, %jit3A, %eq3A : i32
    %jit3A_6 = arith.constant 1 : i32
    %select_n3A = arith.select %eq3A_5, %jit3A_6, %jit3A : i32
    %rem3A = vector.broadcast %select_n3A : i32 to vector<10112x128xi32>
    %rem3A_7 = arith.remsi %iota3A, %rem3A : vector<10112x128xi32>
    %ne3A = arith.constant 0 : i32
    %ne3A_8 = vector.broadcast %ne3A : i32 to vector<10112x128xi32>
    %ne3A_9 = arith.cmpi ne, %rem3A_7, %ne3A_8 : vector<10112x128xi32>
    %lt3A = arith.constant 0 : i32
    %lt3A_10 = vector.broadcast %lt3A : i32 to vector<10112x128xi32>
    %lt3A_11 = arith.cmpi slt, %rem3A_7, %lt3A_10 : vector<10112x128xi32>
    %lt3A_12 = arith.constant 0 : i32
    %lt3A_13 = arith.cmpi slt, %select_n3A, %lt3A_12 : i32
    %ne3A_14 = vector.broadcast %lt3A_13 : i1 to vector<10112x128xi1>
    %ne3A_15 = vector.broadcast %ne3A_14 : vector<10112x128xi1> to vector<10112x128xi1>
    %ne3A_16 = arith.xori %lt3A_11, %ne3A_15 : vector<10112x128xi1>
    %and3A = arith.andi %ne3A_16, %ne3A_9 : vector<10112x128xi1>
    %add3A_17 = vector.broadcast %select_n3A : i32 to vector<10112x128xi32>
    %add3A_18 = arith.addi %rem3A_7, %add3A_17 : vector<10112x128xi32>
    %select_n3A_19 = arith.select %and3A, %add3A_18, %rem3A_7 : vector<10112x128xi1>, vector<10112x128xi32>
    %iota3A_20 = tpu.iota {dimensions = array<i32: 1>} : vector<10112x128xi32>
    %jit3A_21 = arith.constant 32 : i32
    %div3A = vector.broadcast %jit3A_21 : i32 to vector<10112x128xi32>
    %div3A_22 = arith.divsi %iota3A_20, %div3A : vector<10112x128xi32>
    %sign3A = arith.constant 0 : i32
    %sign3A_23 = vector.broadcast %sign3A : i32 to vector<10112x128xi32>
    %sign3A_24 = arith.cmpi sgt, %iota3A_20, %sign3A_23 : vector<10112x128xi32>
    %sign3A_25 = arith.extui %sign3A_24 : vector<10112x128xi1> to vector<10112x128xi32>
    %sign3A_26 = arith.constant 0 : i32
    %sign3A_27 = vector.broadcast %sign3A_26 : i32 to vector<10112x128xi32>
    %sign3A_28 = arith.cmpi slt, %iota3A_20, %sign3A_27 : vector<10112x128xi32>
    %sign3A_29 = arith.extui %sign3A_28 : vector<10112x128xi1> to vector<10112x128xi32>
    %sign3A_30 = arith.subi %sign3A_25, %sign3A_29 : vector<10112x128xi32>
    %sign3A_31 = arith.constant 0 : i32
    %sign3A_32 = arith.cmpi sgt, %jit3A_21, %sign3A_31 : i32
    %sign3A_33 = arith.extui %sign3A_32 : i1 to i32
    %sign3A_34 = arith.constant 0 : i32
    %sign3A_35 = arith.cmpi slt, %jit3A_21, %sign3A_34 : i32
    %sign3A_36 = arith.extui %sign3A_35 : i1 to i32
    %sign3A_37 = arith.subi %sign3A_33, %sign3A_36 : i32
    %ne3A_38 = vector.broadcast %sign3A_37 : i32 to vector<10112x128xi32>
    %ne3A_39 = arith.cmpi ne, %sign3A_30, %ne3A_38 : vector<10112x128xi32>
    %rem3A_40 = vector.broadcast %jit3A_21 : i32 to vector<10112x128xi32>
    %rem3A_41 = arith.remsi %iota3A_20, %rem3A_40 : vector<10112x128xi32>
    %ne3A_42 = arith.constant 0 : i32
    %ne3A_43 = vector.broadcast %ne3A_42 : i32 to vector<10112x128xi32>
    %ne3A_44 = arith.cmpi ne, %rem3A_41, %ne3A_43 : vector<10112x128xi32>
    %and3A_45 = arith.andi %ne3A_39, %ne3A_44 : vector<10112x128xi1>
    %sub3A = arith.constant 1 : i32
    %sub3A_46 = vector.broadcast %sub3A : i32 to vector<10112x128xi32>
    %sub3A_47 = arith.subi %div3A_22, %sub3A_46 : vector<10112x128xi32>
    %select_n3A_48 = arith.select %and3A_45, %sub3A_47, %div3A_22 : vector<10112x128xi1>, vector<10112x128xi32>
    %eq3A_49 = arith.cmpi eq, %select_n3A_19, %select_n3A_48 : vector<10112x128xi32>
    %jit3A_50 = arith.constant 0.000000e+00 : f32
    %broadcast_in_dim3A_51 = vector.broadcast %jit3A_50 : f32 to vector<10112x128xf32>
    %select_n3A_52 = arith.select %eq3A_49, %reshape3A, %broadcast_in_dim3A_51 : vector<10112x128xi1>, vector<10112x128xf32>
    %iota3A_53 = tpu.iota {dimensions = array<i32: 0>} : vector<128x32xi32>
    %jit3A_54 = arith.constant 32 : i32
    %eq3A_55 = arith.constant 0 : i32
    %eq3A_56 = arith.cmpi eq, %jit3A_54, %eq3A_55 : i32
    %jit3A_57 = arith.constant 1 : i32
    %select_n3A_58 = arith.select %eq3A_56, %jit3A_57, %jit3A_54 : i32
    %rem3A_59 = vector.broadcast %select_n3A_58 : i32 to vector<128x32xi32>
    %rem3A_60 = arith.remsi %iota3A_53, %rem3A_59 : vector<128x32xi32>
    %ne3A_61 = arith.constant 0 : i32
    %ne3A_62 = vector.broadcast %ne3A_61 : i32 to vector<128x32xi32>
    %ne3A_63 = arith.cmpi ne, %rem3A_60, %ne3A_62 : vector<128x32xi32>
    %lt3A_64 = arith.constant 0 : i32
    %lt3A_65 = vector.broadcast %lt3A_64 : i32 to vector<128x32xi32>
    %lt3A_66 = arith.cmpi slt, %rem3A_60, %lt3A_65 : vector<128x32xi32>
    %lt3A_67 = arith.constant 0 : i32
    %lt3A_68 = arith.cmpi slt, %select_n3A_58, %lt3A_67 : i32
    %ne3A_69 = vector.broadcast %lt3A_68 : i1 to vector<128x32xi1>
    %ne3A_70 = vector.broadcast %ne3A_69 : vector<128x32xi1> to vector<128x32xi1>
    %ne3A_71 = arith.xori %lt3A_66, %ne3A_70 : vector<128x32xi1>
    %and3A_72 = arith.andi %ne3A_71, %ne3A_63 : vector<128x32xi1>
    %add3A_73 = vector.broadcast %select_n3A_58 : i32 to vector<128x32xi32>
    %add3A_74 = arith.addi %rem3A_60, %add3A_73 : vector<128x32xi32>
    %select_n3A_75 = arith.select %and3A_72, %add3A_74, %rem3A_60 : vector<128x32xi1>, vector<128x32xi32>
    %iota3A_76 = tpu.iota {dimensions = array<i32: 1>} : vector<128x32xi32>
    %eq3A_77 = arith.cmpi eq, %select_n3A_75, %iota3A_76 : vector<128x32xi32>
    %convert_element_type3A = arith.extui %eq3A_77 : vector<128x32xi1> to vector<128x32xi32>
    %convert_element_type3A_78 = arith.sitofp %convert_element_type3A : vector<128x32xi32> to vector<128x32xf32>
    %dot_general3A = arith.constant dense<0.000000e+00> : vector<10112x32xf32>
    %dot_general3A_79 = tpu.matmul %select_n3A_52, %convert_element_type3A_78, %dot_general3A {dimension_numbers = #tpu.dot_dimension_numbers<[1], [0], [0], [1], [0, 0, 1, 1], [], []>, transpose_lhs_hint = false} : vector<10112x128xf32>, vector<128x32xf32>, vector<10112x32xf32> -> vector<10112x32xf32>
    %slice3A_80 = vector.extract_strided_slice %dot_general3A_79 {offsets = [0, 0], sizes = [10000, 32], strides = [1, 1]} : vector<10112x32xf32> to vector<10000x32xf32>
    %slice3A_81 = vector.extract_strided_slice %slice3A_80 {offsets = [0, 16], sizes = [10000, 1], strides = [1, 1]} : vector<10000x32xf32> to vector<10000x1xf32>
    %max3A = arith.constant 1.000000e+00 : f32
    %max3A_82 = vector.broadcast %max3A : f32 to vector<10000x1xf32>
    %max3A_83 = arith.maximumf %slice3A_81, %max3A_82 : vector<10000x1xf32>
    %get3A_84 = arith.constant 0 : index
    %get3A_85 = arith.constant 0 : index
    %get3A_86 = vector.load %arg0[%get3A_84, %get3A_85] : memref<10000x16xf32, #tpu.memory_space<vmem>>, vector<10000x16xf32>
    %slice3A_87 = vector.extract_strided_slice %slice3A_80 {offsets = [0, 0], sizes = [10000, 16], strides = [1, 1]} : vector<10000x32xf32> to vector<10000x16xf32>
    %div3A_88 = vector.broadcast %max3A_83 : vector<10000x1xf32> to vector<10000x16xf32>
    %div3A_89 = arith.divf %slice3A_87, %div3A_88 : vector<10000x16xf32>
    %add3A_90 = arith.addf %get3A_86, %div3A_89 : vector<10000x16xf32>
    %max3A_91 = arith.constant 0.000000e+00 : f32
    %max3A_92 = vector.broadcast %max3A_91 : f32 to vector<10000x16xf32>
    %max3A_93 = arith.maximumf %add3A_90, %max3A_92 : vector<10000x16xf32>
    %get3A_94 = arith.constant 0 : index
    %get3A_95 = arith.constant 0 : index
    %get3A_96 = vector.load %arg4[%get3A_94, %get3A_95] : memref<16x128xf32, #tpu.memory_space<vmem>>, vector<16x128xf32>
    %dot_general3A_97 = arith.constant dense<0.000000e+00> : vector<10000x128xf32>
    %dot_general3A_98 = tpu.matmul %max3A_93, %get3A_96, %dot_general3A_97 {dimension_numbers = #tpu.dot_dimension_numbers<[1], [0], [0], [1], [0, 0, 1, 1], [], []>, transpose_lhs_hint = false} : vector<10000x16xf32>, vector<16x128xf32>, vector<10000x128xf32> -> vector<10000x128xf32>
    %iota3A_99 = tpu.iota {dimensions = array<i32: 0>} : vector<8x128xi32>
    %iota3A_100 = tpu.iota {dimensions = array<i32: 1>} : vector<8x128xi32>
    %jit3A_101 = arith.constant 16 : i32
    %div3A_102 = vector.broadcast %jit3A_101 : i32 to vector<8x128xi32>
    %div3A_103 = arith.divsi %iota3A_100, %div3A_102 : vector<8x128xi32>
    %sign3A_104 = arith.constant 0 : i32
    %sign3A_105 = vector.broadcast %sign3A_104 : i32 to vector<8x128xi32>
    %sign3A_106 = arith.cmpi sgt, %iota3A_100, %sign3A_105 : vector<8x128xi32>
    %sign3A_107 = arith.extui %sign3A_106 : vector<8x128xi1> to vector<8x128xi32>
    %sign3A_108 = arith.constant 0 : i32
    %sign3A_109 = vector.broadcast %sign3A_108 : i32 to vector<8x128xi32>
    %sign3A_110 = arith.cmpi slt, %iota3A_100, %sign3A_109 : vector<8x128xi32>
    %sign3A_111 = arith.extui %sign3A_110 : vector<8x128xi1> to vector<8x128xi32>
    %sign3A_112 = arith.subi %sign3A_107, %sign3A_111 : vector<8x128xi32>
    %sign3A_113 = arith.constant 0 : i32
    %sign3A_114 = arith.cmpi sgt, %jit3A_101, %sign3A_113 : i32
    %sign3A_115 = arith.extui %sign3A_114 : i1 to i32
    %sign3A_116 = arith.constant 0 : i32
    %sign3A_117 = arith.cmpi slt, %jit3A_101, %sign3A_116 : i32
    %sign3A_118 = arith.extui %sign3A_117 : i1 to i32
    %sign3A_119 = arith.subi %sign3A_115, %sign3A_118 : i32
    %ne3A_120 = vector.broadcast %sign3A_119 : i32 to vector<8x128xi32>
    %ne3A_121 = arith.cmpi ne, %sign3A_112, %ne3A_120 : vector<8x128xi32>
    %rem3A_122 = vector.broadcast %jit3A_101 : i32 to vector<8x128xi32>
    %rem3A_123 = arith.remsi %iota3A_100, %rem3A_122 : vector<8x128xi32>
    %ne3A_124 = arith.constant 0 : i32
    %ne3A_125 = vector.broadcast %ne3A_124 : i32 to vector<8x128xi32>
    %ne3A_126 = arith.cmpi ne, %rem3A_123, %ne3A_125 : vector<8x128xi32>
    %and3A_127 = arith.andi %ne3A_121, %ne3A_126 : vector<8x128xi1>
    %sub3A_128 = arith.constant 1 : i32
    %sub3A_129 = vector.broadcast %sub3A_128 : i32 to vector<8x128xi32>
    %sub3A_130 = arith.subi %div3A_103, %sub3A_129 : vector<8x128xi32>
    %select_n3A_131 = arith.select %and3A_127, %sub3A_130, %div3A_103 : vector<8x128xi1>, vector<8x128xi32>
    %eq3A_132 = arith.cmpi eq, %iota3A_99, %select_n3A_131 : vector<8x128xi32>
    %convert_element_type3A_133 = arith.extui %eq3A_132 : vector<8x128xi1> to vector<8x128xi32>
    %convert_element_type3A_134 = arith.sitofp %convert_element_type3A_133 : vector<8x128xi32> to vector<8x128xf32>
    %reshape3A_135 = vector.shape_cast %dot_general3A_98 : vector<10000x128xf32> to vector<1250x8x128xf32>
    %broadcast_in_dim3A_136 = vector.shape_cast %convert_element_type3A_134 : vector<8x128xf32> to vector<1x8x128xf32>
    %mul3A = vector.broadcast %broadcast_in_dim3A_136 : vector<1x8x128xf32> to vector<1250x8x128xf32>
    %mul3A_137 = arith.mulf %reshape3A_135, %mul3A : vector<1250x8x128xf32>
    %slice3A_138 = vector.extract_strided_slice %mul3A_137 {offsets = [0, 0, 0], sizes = [1250, 1, 128], strides = [1, 1, 1]} : vector<1250x8x128xf32> to vector<1250x1x128xf32>
    %squeeze3A = vector.shape_cast %slice3A_138 : vector<1250x1x128xf32> to vector<1250x128xf32>
    %slice3A_139 = vector.extract_strided_slice %mul3A_137 {offsets = [0, 1, 0], sizes = [1250, 1, 128], strides = [1, 1, 1]} : vector<1250x8x128xf32> to vector<1250x1x128xf32>
    %squeeze3A_140 = vector.shape_cast %slice3A_139 : vector<1250x1x128xf32> to vector<1250x128xf32>
    %add3A_141 = arith.addf %squeeze3A, %squeeze3A_140 : vector<1250x128xf32>
    %slice3A_142 = vector.extract_strided_slice %mul3A_137 {offsets = [0, 2, 0], sizes = [1250, 1, 128], strides = [1, 1, 1]} : vector<1250x8x128xf32> to vector<1250x1x128xf32>
    %squeeze3A_143 = vector.shape_cast %slice3A_142 : vector<1250x1x128xf32> to vector<1250x128xf32>
    %add3A_144 = arith.addf %add3A_141, %squeeze3A_143 : vector<1250x128xf32>
    %slice3A_145 = vector.extract_strided_slice %mul3A_137 {offsets = [0, 3, 0], sizes = [1250, 1, 128], strides = [1, 1, 1]} : vector<1250x8x128xf32> to vector<1250x1x128xf32>
    %squeeze3A_146 = vector.shape_cast %slice3A_145 : vector<1250x1x128xf32> to vector<1250x128xf32>
    %add3A_147 = arith.addf %add3A_144, %squeeze3A_146 : vector<1250x128xf32>
    %slice3A_148 = vector.extract_strided_slice %mul3A_137 {offsets = [0, 4, 0], sizes = [1250, 1, 128], strides = [1, 1, 1]} : vector<1250x8x128xf32> to vector<1250x1x128xf32>
    %squeeze3A_149 = vector.shape_cast %slice3A_148 : vector<1250x1x128xf32> to vector<1250x128xf32>
    %add3A_150 = arith.addf %add3A_147, %squeeze3A_149 : vector<1250x128xf32>
    %slice3A_151 = vector.extract_strided_slice %mul3A_137 {offsets = [0, 5, 0], sizes = [1250, 1, 128], strides = [1, 1, 1]} : vector<1250x8x128xf32> to vector<1250x1x128xf32>
    %squeeze3A_152 = vector.shape_cast %slice3A_151 : vector<1250x1x128xf32> to vector<1250x128xf32>
    %add3A_153 = arith.addf %add3A_150, %squeeze3A_152 : vector<1250x128xf32>
    %slice3A_154 = vector.extract_strided_slice %mul3A_137 {offsets = [0, 6, 0], sizes = [1250, 1, 128], strides = [1, 1, 1]} : vector<1250x8x128xf32> to vector<1250x1x128xf32>
    %squeeze3A_155 = vector.shape_cast %slice3A_154 : vector<1250x1x128xf32> to vector<1250x128xf32>
    %add3A_156 = arith.addf %add3A_153, %squeeze3A_155 : vector<1250x128xf32>
    %slice3A_157 = vector.extract_strided_slice %mul3A_137 {offsets = [0, 7, 0], sizes = [1250, 1, 128], strides = [1, 1, 1]} : vector<1250x8x128xf32> to vector<1250x1x128xf32>
    %squeeze3A_158 = vector.shape_cast %slice3A_157 : vector<1250x1x128xf32> to vector<1250x128xf32>
    %add3A_159 = arith.addf %add3A_156, %squeeze3A_158 : vector<1250x128xf32>
    %swap3A = arith.constant 0 : index
    %swap3A_160 = arith.constant 0 : index
    %swap3A_161 = vector.load %arg5[%swap3A, %swap3A_160] : memref<1250x128xf32, #tpu.memory_space<vmem>>, vector<1250x128xf32>
    tpu.vector_store %arg5[%swap3A, %swap3A_160], %add3A_159 {strides = array<i32>} : memref<1250x128xf32, #tpu.memory_space<vmem>>, vector<1250x128xf32>,
    %get3A_162 = arith.constant 0 : index
    %get3A_163 = arith.constant 0 : index
    %get3A_164 = vector.load %arg2[%get3A_162, %get3A_163] : memref<40x16xf32, #tpu.memory_space<vmem>>, vector<40x16xf32>
    %dot_general3A_165 = arith.constant dense<0.000000e+00> : vector<40x10000xf32>
    %dot_general3A_166 = tpu.matmul %get3A_164, %max3A_93, %dot_general3A_165 {dimension_numbers = #tpu.dot_dimension_numbers<[1], [1], [0], [0], [0, 0, 1, 0], [], []>, transpose_lhs_hint = false} : vector<40x16xf32>, vector<10000x16xf32>, vector<40x10000xf32> -> vector<40x10000xf32>
    %get3A_167 = arith.constant 0 : index
    %get3A_168 = arith.constant 0 : index
    %get3A_169 = vector.load %arg3[%get3A_167, %get3A_168] : memref<40x1xf32, #tpu.memory_space<vmem>>, vector<40x1xf32>
    %add3A_170 = vector.broadcast %get3A_169 : vector<40x1xf32> to vector<40x10000xf32>
    %add3A_171 = arith.addf %dot_general3A_166, %add3A_170 : vector<40x10000xf32>
    %swap3A_172 = arith.constant 0 : index
    %swap3A_173 = arith.constant 0 : index
    %swap3A_174 = vector.load %arg6[%swap3A_172, %swap3A_173] : memref<40x10000xf32, #tpu.memory_space<vmem>>, vector<40x10000xf32>
    tpu.vector_store %arg6[%swap3A_172, %swap3A_173], %add3A_171 {strides = array<i32>} : memref<40x10000xf32, #tpu.memory_space<vmem>>, vector<40x10000xf32>,
    return
  }
}

module attributes {stable_mosaic.version = 14 : i64} {
  func.func @_tc_out_body(%arg0: memref<40x10000xf32, #tpu.memory_space<vmem>>, %arg1: memref<2528x128xf32, #tpu.memory_space<vmem>>, %arg2: memref<5056x128xf32, #tpu.memory_space<vmem>>, %arg3: memref<40x16xf32, #tpu.memory_space<vmem>>, %arg4: memref<1x128xf32, #tpu.memory_space<vmem>>, %arg5: memref<40x10000xf32, #tpu.memory_space<vmem>>) attributes {dimension_semantics = [], scalar_prefetch = 0 : i64, scratch_operands = 0 : i64, tpu.core_type = #tpu.core_type<tc>} {
    %get3A = arith.constant 0 : index
    %get3A_0 = arith.constant 0 : index
    %get3A_1 = vector.load %arg2[%get3A, %get3A_0] : memref<5056x128xf32, #tpu.memory_space<vmem>>, vector<5056x128xf32>
    %slice3A = vector.extract_strided_slice %get3A_1 {offsets = [0, 0], sizes = [2528, 128], strides = [1, 1]} : vector<5056x128xf32> to vector<2528x128xf32>
    %slice3A_2 = vector.extract_strided_slice %get3A_1 {offsets = [2528, 0], sizes = [2528, 128], strides = [1, 1]} : vector<5056x128xf32> to vector<2528x128xf32>
    %add3A = arith.addf %slice3A, %slice3A_2 : vector<2528x128xf32>
    %broadcast_in_dim3A = vector.shape_cast %add3A : vector<2528x128xf32> to vector<2528x1x128xf32>
    %broadcast_in_dim3A_3 = vector.shape_cast %broadcast_in_dim3A : vector<2528x1x128xf32> to vector<2528x1x128xf32>
    %broadcast_in_dim3A_4 = vector.broadcast %broadcast_in_dim3A_3 : vector<2528x1x128xf32> to vector<2528x4x128xf32>
    %reshape3A = vector.shape_cast %broadcast_in_dim3A_4 : vector<2528x4x128xf32> to vector<10112x128xf32>
    %iota3A = tpu.iota {dimensions = array<i32: 0>} : vector<10112x128xi32>
    %jit3A = arith.constant 4 : i32
    %eq3A = arith.constant 0 : i32
    %eq3A_5 = arith.cmpi eq, %jit3A, %eq3A : i32
    %jit3A_6 = arith.constant 1 : i32
    %select_n3A = arith.select %eq3A_5, %jit3A_6, %jit3A : i32
    %rem3A = vector.broadcast %select_n3A : i32 to vector<10112x128xi32>
    %rem3A_7 = arith.remsi %iota3A, %rem3A : vector<10112x128xi32>
    %ne3A = arith.constant 0 : i32
    %ne3A_8 = vector.broadcast %ne3A : i32 to vector<10112x128xi32>
    %ne3A_9 = arith.cmpi ne, %rem3A_7, %ne3A_8 : vector<10112x128xi32>
    %lt3A = arith.constant 0 : i32
    %lt3A_10 = vector.broadcast %lt3A : i32 to vector<10112x128xi32>
    %lt3A_11 = arith.cmpi slt, %rem3A_7, %lt3A_10 : vector<10112x128xi32>
    %lt3A_12 = arith.constant 0 : i32
    %lt3A_13 = arith.cmpi slt, %select_n3A, %lt3A_12 : i32
    %ne3A_14 = vector.broadcast %lt3A_13 : i1 to vector<10112x128xi1>
    %ne3A_15 = vector.broadcast %ne3A_14 : vector<10112x128xi1> to vector<10112x128xi1>
    %ne3A_16 = arith.xori %lt3A_11, %ne3A_15 : vector<10112x128xi1>
    %and3A = arith.andi %ne3A_16, %ne3A_9 : vector<10112x128xi1>
    %add3A_17 = vector.broadcast %select_n3A : i32 to vector<10112x128xi32>
    %add3A_18 = arith.addi %rem3A_7, %add3A_17 : vector<10112x128xi32>
    %select_n3A_19 = arith.select %and3A, %add3A_18, %rem3A_7 : vector<10112x128xi1>, vector<10112x128xi32>
    %iota3A_20 = tpu.iota {dimensions = array<i32: 1>} : vector<10112x128xi32>
    %jit3A_21 = arith.constant 32 : i32
    %div3A = vector.broadcast %jit3A_21 : i32 to vector<10112x128xi32>
    %div3A_22 = arith.divsi %iota3A_20, %div3A : vector<10112x128xi32>
    %sign3A = arith.constant 0 : i32
    %sign3A_23 = vector.broadcast %sign3A : i32 to vector<10112x128xi32>
    %sign3A_24 = arith.cmpi sgt, %iota3A_20, %sign3A_23 : vector<10112x128xi32>
    %sign3A_25 = arith.extui %sign3A_24 : vector<10112x128xi1> to vector<10112x128xi32>
    %sign3A_26 = arith.constant 0 : i32
    %sign3A_27 = vector.broadcast %sign3A_26 : i32 to vector<10112x128xi32>
    %sign3A_28 = arith.cmpi slt, %iota3A_20, %sign3A_27 : vector<10112x128xi32>
    %sign3A_29 = arith.extui %sign3A_28 : vector<10112x128xi1> to vector<10112x128xi32>
    %sign3A_30 = arith.subi %sign3A_25, %sign3A_29 : vector<10112x128xi32>
    %sign3A_31 = arith.constant 0 : i32
    %sign3A_32 = arith.cmpi sgt, %jit3A_21, %sign3A_31 : i32
    %sign3A_33 = arith.extui %sign3A_32 : i1 to i32
    %sign3A_34 = arith.constant 0 : i32
    %sign3A_35 = arith.cmpi slt, %jit3A_21, %sign3A_34 : i32
    %sign3A_36 = arith.extui %sign3A_35 : i1 to i32
    %sign3A_37 = arith.subi %sign3A_33, %sign3A_36 : i32
    %ne3A_38 = vector.broadcast %sign3A_37 : i32 to vector<10112x128xi32>
    %ne3A_39 = arith.cmpi ne, %sign3A_30, %ne3A_38 : vector<10112x128xi32>
    %rem3A_40 = vector.broadcast %jit3A_21 : i32 to vector<10112x128xi32>
    %rem3A_41 = arith.remsi %iota3A_20, %rem3A_40 : vector<10112x128xi32>
    %ne3A_42 = arith.constant 0 : i32
    %ne3A_43 = vector.broadcast %ne3A_42 : i32 to vector<10112x128xi32>
    %ne3A_44 = arith.cmpi ne, %rem3A_41, %ne3A_43 : vector<10112x128xi32>
    %and3A_45 = arith.andi %ne3A_39, %ne3A_44 : vector<10112x128xi1>
    %sub3A = arith.constant 1 : i32
    %sub3A_46 = vector.broadcast %sub3A : i32 to vector<10112x128xi32>
    %sub3A_47 = arith.subi %div3A_22, %sub3A_46 : vector<10112x128xi32>
    %select_n3A_48 = arith.select %and3A_45, %sub3A_47, %div3A_22 : vector<10112x128xi1>, vector<10112x128xi32>
    %eq3A_49 = arith.cmpi eq, %select_n3A_19, %select_n3A_48 : vector<10112x128xi32>
    %jit3A_50 = arith.constant 0.000000e+00 : f32
    %broadcast_in_dim3A_51 = vector.broadcast %jit3A_50 : f32 to vector<10112x128xf32>
    %select_n3A_52 = arith.select %eq3A_49, %reshape3A, %broadcast_in_dim3A_51 : vector<10112x128xi1>, vector<10112x128xf32>
    %get3A_53 = arith.constant 0 : index
    %get3A_54 = arith.constant 0 : index
    %get3A_55 = vector.load %arg4[%get3A_53, %get3A_54] : memref<1x128xf32, #tpu.memory_space<vmem>>, vector<1x128xf32>
    %dot_general3A = arith.constant dense<0.000000e+00> : vector<1x10112xf32>
    %dot_general3A_56 = tpu.matmul %get3A_55, %select_n3A_52, %dot_general3A {dimension_numbers = #tpu.dot_dimension_numbers<[1], [1], [0], [0], [0, 0, 1, 0], [], []>, transpose_lhs_hint = false} : vector<1x128xf32>, vector<10112x128xf32>, vector<1x10112xf32> -> vector<1x10112xf32>
    %slice3A_57 = vector.extract_strided_slice %dot_general3A_56 {offsets = [0, 0], sizes = [1, 10000], strides = [1, 1]} : vector<1x10112xf32> to vector<1x10000xf32>
    %max3A = arith.constant 1.000000e+00 : f32
    %max3A_58 = vector.broadcast %max3A : f32 to vector<1x10000xf32>
    %max3A_59 = arith.maximumf %slice3A_57, %max3A_58 : vector<1x10000xf32>
    %get3A_60 = arith.constant 0 : index
    %get3A_61 = arith.constant 0 : index
    %get3A_62 = vector.load %arg1[%get3A_60, %get3A_61] : memref<2528x128xf32, #tpu.memory_space<vmem>>, vector<2528x128xf32>
    %slice3A_63 = vector.extract_strided_slice %get3A_62 {offsets = [0, 0], sizes = [1264, 128], strides = [1, 1]} : vector<2528x128xf32> to vector<1264x128xf32>
    %slice3A_64 = vector.extract_strided_slice %get3A_62 {offsets = [1264, 0], sizes = [1264, 128], strides = [1, 1]} : vector<2528x128xf32> to vector<1264x128xf32>
    %add3A_65 = arith.addf %slice3A_63, %slice3A_64 : vector<1264x128xf32>
    %broadcast_in_dim3A_66 = vector.shape_cast %add3A_65 : vector<1264x128xf32> to vector<1264x1x128xf32>
    %broadcast_in_dim3A_67 = vector.shape_cast %broadcast_in_dim3A_66 : vector<1264x1x128xf32> to vector<1264x1x128xf32>
    %broadcast_in_dim3A_68 = vector.broadcast %broadcast_in_dim3A_67 : vector<1264x1x128xf32> to vector<1264x8x128xf32>
    %reshape3A_69 = vector.shape_cast %broadcast_in_dim3A_68 : vector<1264x8x128xf32> to vector<10112x128xf32>
    %iota3A_70 = tpu.iota {dimensions = array<i32: 0>} : vector<10112x128xi32>
    %jit3A_71 = arith.constant 8 : i32
    %eq3A_72 = arith.constant 0 : i32
    %eq3A_73 = arith.cmpi eq, %jit3A_71, %eq3A_72 : i32
    %jit3A_74 = arith.constant 1 : i32
    %select_n3A_75 = arith.select %eq3A_73, %jit3A_74, %jit3A_71 : i32
    %rem3A_76 = vector.broadcast %select_n3A_75 : i32 to vector<10112x128xi32>
    %rem3A_77 = arith.remsi %iota3A_70, %rem3A_76 : vector<10112x128xi32>
    %ne3A_78 = arith.constant 0 : i32
    %ne3A_79 = vector.broadcast %ne3A_78 : i32 to vector<10112x128xi32>
    %ne3A_80 = arith.cmpi ne, %rem3A_77, %ne3A_79 : vector<10112x128xi32>
    %lt3A_81 = arith.constant 0 : i32
    %lt3A_82 = vector.broadcast %lt3A_81 : i32 to vector<10112x128xi32>
    %lt3A_83 = arith.cmpi slt, %rem3A_77, %lt3A_82 : vector<10112x128xi32>
    %lt3A_84 = arith.constant 0 : i32
    %lt3A_85 = arith.cmpi slt, %select_n3A_75, %lt3A_84 : i32
    %ne3A_86 = vector.broadcast %lt3A_85 : i1 to vector<10112x128xi1>
    %ne3A_87 = vector.broadcast %ne3A_86 : vector<10112x128xi1> to vector<10112x128xi1>
    %ne3A_88 = arith.xori %lt3A_83, %ne3A_87 : vector<10112x128xi1>
    %and3A_89 = arith.andi %ne3A_88, %ne3A_80 : vector<10112x128xi1>
    %add3A_90 = vector.broadcast %select_n3A_75 : i32 to vector<10112x128xi32>
    %add3A_91 = arith.addi %rem3A_77, %add3A_90 : vector<10112x128xi32>
    %select_n3A_92 = arith.select %and3A_89, %add3A_91, %rem3A_77 : vector<10112x128xi1>, vector<10112x128xi32>
    %iota3A_93 = tpu.iota {dimensions = array<i32: 1>} : vector<10112x128xi32>
    %jit3A_94 = arith.constant 16 : i32
    %div3A_95 = vector.broadcast %jit3A_94 : i32 to vector<10112x128xi32>
    %div3A_96 = arith.divsi %iota3A_93, %div3A_95 : vector<10112x128xi32>
    %sign3A_97 = arith.constant 0 : i32
    %sign3A_98 = vector.broadcast %sign3A_97 : i32 to vector<10112x128xi32>
    %sign3A_99 = arith.cmpi sgt, %iota3A_93, %sign3A_98 : vector<10112x128xi32>
    %sign3A_100 = arith.extui %sign3A_99 : vector<10112x128xi1> to vector<10112x128xi32>
    %sign3A_101 = arith.constant 0 : i32
    %sign3A_102 = vector.broadcast %sign3A_101 : i32 to vector<10112x128xi32>
    %sign3A_103 = arith.cmpi slt, %iota3A_93, %sign3A_102 : vector<10112x128xi32>
    %sign3A_104 = arith.extui %sign3A_103 : vector<10112x128xi1> to vector<10112x128xi32>
    %sign3A_105 = arith.subi %sign3A_100, %sign3A_104 : vector<10112x128xi32>
    %sign3A_106 = arith.constant 0 : i32
    %sign3A_107 = arith.cmpi sgt, %jit3A_94, %sign3A_106 : i32
    %sign3A_108 = arith.extui %sign3A_107 : i1 to i32
    %sign3A_109 = arith.constant 0 : i32
    %sign3A_110 = arith.cmpi slt, %jit3A_94, %sign3A_109 : i32
    %sign3A_111 = arith.extui %sign3A_110 : i1 to i32
    %sign3A_112 = arith.subi %sign3A_108, %sign3A_111 : i32
    %ne3A_113 = vector.broadcast %sign3A_112 : i32 to vector<10112x128xi32>
    %ne3A_114 = arith.cmpi ne, %sign3A_105, %ne3A_113 : vector<10112x128xi32>
    %rem3A_115 = vector.broadcast %jit3A_94 : i32 to vector<10112x128xi32>
    %rem3A_116 = arith.remsi %iota3A_93, %rem3A_115 : vector<10112x128xi32>
    %ne3A_117 = arith.constant 0 : i32
    %ne3A_118 = vector.broadcast %ne3A_117 : i32 to vector<10112x128xi32>
    %ne3A_119 = arith.cmpi ne, %rem3A_116, %ne3A_118 : vector<10112x128xi32>
    %and3A_120 = arith.andi %ne3A_114, %ne3A_119 : vector<10112x128xi1>
    %sub3A_121 = arith.constant 1 : i32
    %sub3A_122 = vector.broadcast %sub3A_121 : i32 to vector<10112x128xi32>
    %sub3A_123 = arith.subi %div3A_96, %sub3A_122 : vector<10112x128xi32>
    %select_n3A_124 = arith.select %and3A_120, %sub3A_123, %div3A_96 : vector<10112x128xi1>, vector<10112x128xi32>
    %eq3A_125 = arith.cmpi eq, %select_n3A_92, %select_n3A_124 : vector<10112x128xi32>
    %jit3A_126 = arith.constant 0.000000e+00 : f32
    %broadcast_in_dim3A_127 = vector.broadcast %jit3A_126 : f32 to vector<10112x128xf32>
    %select_n3A_128 = arith.select %eq3A_125, %reshape3A_69, %broadcast_in_dim3A_127 : vector<10112x128xi1>, vector<10112x128xf32>
    %iota3A_129 = tpu.iota {dimensions = array<i32: 0>} : vector<128x16xi32>
    %jit3A_130 = arith.constant 16 : i32
    %eq3A_131 = arith.constant 0 : i32
    %eq3A_132 = arith.cmpi eq, %jit3A_130, %eq3A_131 : i32
    %jit3A_133 = arith.constant 1 : i32
    %select_n3A_134 = arith.select %eq3A_132, %jit3A_133, %jit3A_130 : i32
    %rem3A_135 = vector.broadcast %select_n3A_134 : i32 to vector<128x16xi32>
    %rem3A_136 = arith.remsi %iota3A_129, %rem3A_135 : vector<128x16xi32>
    %ne3A_137 = arith.constant 0 : i32
    %ne3A_138 = vector.broadcast %ne3A_137 : i32 to vector<128x16xi32>
    %ne3A_139 = arith.cmpi ne, %rem3A_136, %ne3A_138 : vector<128x16xi32>
    %lt3A_140 = arith.constant 0 : i32
    %lt3A_141 = vector.broadcast %lt3A_140 : i32 to vector<128x16xi32>
    %lt3A_142 = arith.cmpi slt, %rem3A_136, %lt3A_141 : vector<128x16xi32>
    %lt3A_143 = arith.constant 0 : i32
    %lt3A_144 = arith.cmpi slt, %select_n3A_134, %lt3A_143 : i32
    %ne3A_145 = vector.broadcast %lt3A_144 : i1 to vector<128x16xi1>
    %ne3A_146 = vector.broadcast %ne3A_145 : vector<128x16xi1> to vector<128x16xi1>
    %ne3A_147 = arith.xori %lt3A_142, %ne3A_146 : vector<128x16xi1>
    %and3A_148 = arith.andi %ne3A_147, %ne3A_139 : vector<128x16xi1>
    %add3A_149 = vector.broadcast %select_n3A_134 : i32 to vector<128x16xi32>
    %add3A_150 = arith.addi %rem3A_136, %add3A_149 : vector<128x16xi32>
    %select_n3A_151 = arith.select %and3A_148, %add3A_150, %rem3A_136 : vector<128x16xi1>, vector<128x16xi32>
    %iota3A_152 = tpu.iota {dimensions = array<i32: 1>} : vector<128x16xi32>
    %eq3A_153 = arith.cmpi eq, %select_n3A_151, %iota3A_152 : vector<128x16xi32>
    %convert_element_type3A = arith.extui %eq3A_153 : vector<128x16xi1> to vector<128x16xi32>
    %convert_element_type3A_154 = arith.sitofp %convert_element_type3A : vector<128x16xi32> to vector<128x16xf32>
    %dot_general3A_155 = arith.constant dense<0.000000e+00> : vector<16x10112xf32>
    %dot_general3A_156 = tpu.matmul %convert_element_type3A_154, %select_n3A_128, %dot_general3A_155 {dimension_numbers = #tpu.dot_dimension_numbers<[0], [1], [1], [0], [0, 1, 1, 0], [], []>, transpose_lhs_hint = false} : vector<128x16xf32>, vector<10112x128xf32>, vector<16x10112xf32> -> vector<16x10112xf32>
    %slice3A_157 = vector.extract_strided_slice %dot_general3A_156 {offsets = [0, 0], sizes = [16, 10000], strides = [1, 1]} : vector<16x10112xf32> to vector<16x10000xf32>
    %get3A_158 = arith.constant 0 : index
    %get3A_159 = arith.constant 0 : index
    %get3A_160 = vector.load %arg0[%get3A_158, %get3A_159] : memref<40x10000xf32, #tpu.memory_space<vmem>>, vector<40x10000xf32>
    %get3A_161 = arith.constant 0 : index
    %get3A_162 = arith.constant 0 : index
    %get3A_163 = vector.load %arg3[%get3A_161, %get3A_162] : memref<40x16xf32, #tpu.memory_space<vmem>>, vector<40x16xf32>
    %dot_general3A_164 = arith.constant dense<0.000000e+00> : vector<40x10000xf32>
    %dot_general3A_165 = tpu.matmul %get3A_163, %slice3A_157, %dot_general3A_164 {dimension_numbers = #tpu.dot_dimension_numbers<[1], [0], [0], [1], [0, 0, 1, 1], [], []>, transpose_lhs_hint = false} : vector<40x16xf32>, vector<16x10000xf32>, vector<40x10000xf32> -> vector<40x10000xf32>
    %div3A_166 = vector.broadcast %max3A_59 : vector<1x10000xf32> to vector<40x10000xf32>
    %div3A_167 = arith.divf %dot_general3A_165, %div3A_166 : vector<40x10000xf32>
    %add3A_168 = arith.addf %get3A_160, %div3A_167 : vector<40x10000xf32>
    %swap3A = arith.constant 0 : index
    %swap3A_169 = arith.constant 0 : index
    %swap3A_170 = vector.load %arg5[%swap3A, %swap3A_169] : memref<40x10000xf32, #tpu.memory_space<vmem>>, vector<40x10000xf32>
    tpu.vector_store %arg5[%swap3A, %swap3A_169], %add3A_168 {strides = array<i32>} : memref<40x10000xf32, #tpu.memory_space<vmem>>, vector<40x10000xf32>,
    return
  }
}

</mosaic_0001>

<sc_bundles>
// kernel: kernel.10.cloned.1.call-start
scs
__scs_entry_jumppad:
0x0: {  	(pc) =	sbr.rel $0x88, $3  }
0x1: {  	(tag) =	ssettag $0x0;
	lr =	simm.s32 $0x1  }
0x2: {  	[smem:$0x3F99] =	sst lr;
	_ =	strace $0xD0000000  }
0x3: {  	_ = 	snop  }
0x4: {  	_ = 	snop  }
0x5: {  	_ = 	snop  }
0x6: {  	_ = 	snop  }
0x7: {  	_ = 	snop  }
__scs_overlays_trampoline_lowered:
0x8: {  	[smem:$0x3FA8] =	sst s0  }
0x9: {  	[smem:$0x3FA9] =	sst s1  }
0xa: {  	[smem:$0x3FAA] =	sst s2  }
0xb: {  	[smem:$0x3FAB] =	sst s3  }
0xc: {  	[smem:$0x3FAC] =	sst s4  }
0xd: {  	[smem:$0x3FAD] =	sst s5  }
0xe: {  	[smem:$0x3FAE] =	sst s6  }
0xf: {  	[smem:$0x3FAF] =	sst s7  }
0x10: {  	[smem:$0x3FB0] =	sst s8  }
0x11: {  	[smem:$0x3FB1] =	sst s9;
	s0 =	simm.s32 @!p0 $0x0  }
0x12: {  	s1 =	sld [smem:$0x3F97];
	s0 =	simm.s32 @p0 $0x1  }
0x13: {  	[smem:$0x3FB2] =	sst s0;
	s0 =	simm.s32 @!p1 $0x0  }
0x14: {  	s2 =	sld [smem:$0x3F96];
	s0 =	simm.s32 @p1 $0x1  }
0x15: {  	[smem:$0x3FB3] =	sst s0;
	s0 =	simm.s32 @!p2 $0x0  }
0x16: {  	s3 =	sld [smem:$0x3FDB];
	s0 =	simm.s32 @p2 $0x1  }
0x17: {  	s4 =	simm.s32 $0x1BF5;
	[smem:$0x3FB5] =	sst s0  }
0x18: {  	s0 =	sld [smem:$0x3F98];
	_ =	swait.ge [sflag:s4], $0x0  }
0x19: {  	s7 =	sld [smem:$0x3F99]  }
0x1a: {  	s8 =	sadd.s32 $0xFFFFE003, lr  }
0x1b: {  	s9 =	sadd.s32 $0xFFFFFEF7, lr;
	s5 =	simm.s32 $0xFFFFFFFF;
	p2 =	slt.u32 s8, $0xFFFFF086  }
0x1c: {  	p1 =	slt.u32 s9, $0xF7A;
	s5 =	simm.s32 @!p2 $0x0  }
0x1d: {  	s5 =	simm.s32 @p1 $0x1;
	p0 =	seq.s32 s7, s2  }
0x1e: {  	s7 =	smul.u32 @!p0 $0xF7A, s2;
	p2 =	seq.s32 @!p0 s5, $0x0  }
0x1f: {  	s9 =	smul.u32 $0xF7A, s1;
	s8 =	simm.s32 @!p0 $0x1BF5;
	p2 =	por !p2, p0  }
0x20: {  	[sflag:s8] =	ssyncset.s32 @!p0 $0xFFFFF086;
	s6 =	sadd.s32 @!p0 s3, s7;
	s7 =	simm.s32 @!p0 $0x108  }
0x21: {  	s3 =	sadd.s32 s3, s9;
	s6 =	sadd.s32 @!p0 $0x88, s6;
	s7 =	simm.s32 @p2 $0x1082  }
0x22: {  	[simem:s7], [sflag:s8] =	dma.local @!p0 [hbm:s6], $0xF7A  }
0x23: {  	s9 =	sor.u32 $0xD0000000, s2;
	s6 =	simm.s32 $0x108;
	_ =	swait.ge @!p0 [sflag:s8], $0x0  }
0x24: {  	s3 =	sadd.s32 $0x88, s3;
	s6 =	simm.s32 @!p1 $0x1082;
	[sflag:s4] =	ssyncset.s32 $0xFFFFF086  }
0x25: {  	[simem:s6], [sflag:s4] =	dma.local [hbm:s3], $0xF7A  }
0x26: {  	[smem:$0x3F99] =	sst s1;
	(tag) =	ssettag s2;
	_ =	strace s9  }
0x27: {  	s1 =	sld [smem:$0x3FA9]  }
0x28: {  	s2 =	sld [smem:$0x3FAA]  }
0x29: {  	s4 =	sld [smem:$0x3FAC]  }
0x2a: {  	p0 =	seq.s32 s5, $0x0;
	s5 =	sld [smem:$0x3FAD]  }
0x2b: {  	s6 =	sld [smem:$0x3FAE]  }
0x2c: {  	s7 =	sld [smem:$0x3FAF]  }
0x2d: {  	s3 =	simm.s32 $0x108;
	s8 =	sld [smem:$0x3FB0]  }
0x2e: {  	s3 =	simm.s32 @!p0 $0x1082;
	s9 =	sld [smem:$0x3FB1]  }
0x2f: {  	lr =	sadd.s32 s0, s3;
	s0 =	sld [smem:$0x3FA8]  }
0x30: {  	s3 =	sld [smem:$0x3FAB]  }
0x31: {  	[smem:$0x3FB4] =	sst s10  }
0x32: {  	s10 =	sld [smem:$0x3FB2];
	_ =	sdelay $0x3  }
0x33: {  	p0 =	seq.s32 s10, $0x1;
	s10 =	sld [smem:$0x3FB4];
	_ =	sdelay $0x3  }
0x34: {  	[smem:$0x3FB4] =	sst s10  }
0x35: {  	s10 =	sld [smem:$0x3FB3];
	_ =	sdelay $0x3  }
0x36: {  	p1 =	seq.s32 s10, $0x1;
	s10 =	sld [smem:$0x3FB4];
	_ =	sdelay $0x3  }
0x37: {  	[smem:$0x3FB4] =	sst s10  }
0x38: {  	s10 =	sld [smem:$0x3FB5]  }
0x39: {  	_ = 	snop;
	(pc) =	sbr.ind lr, $3  }
0x3a: {  	_ = 	snop  }
0x3b: {  	_ = 	snop  }
0x3c: {  	p2 =	seq.s32 s10, $0x1;
	s10 =	sld [smem:$0x3FB4]  }
0x3d: {  	_ =	shalt  }
0x3e: {  	_ =	shalt  }
0x3f: {  	_ =	shalt  }
0x40: {  	_ =	shalt  }
0x41: {  	_ =	shalt  }
0x42: {  	_ =	shalt  }
0x43: {  	_ =	shalt  }
0x44: {  	_ =	shalt  }
0x45: {  	_ =	shalt  }
0x46: {  	_ =	shalt  }
0x47: {  	_ =	shalt  }
0x48: {  	_ =	shalt  }
0x49: {  	_ =	shalt  }
0x4a: {  	_ =	shalt  }
0x4b: {  	_ =	shalt  }
0x4c: {  	_ =	shalt  }
0x4d: {  	_ =	shalt  }
0x4e: {  	_ =	shalt  }
0x4f: {  	_ =	shalt  }
0x50: {  	_ =	shalt  }
0x51: {  	_ =	shalt  }
0x52: {  	_ =	shalt  }
0x53: {  	_ =	shalt  }
0x54: {  	_ =	shalt  }
0x55: {  	_ =	shalt  }
0x56: {  	_ =	shalt  }
0x57: {  	_ =	shalt  }
0x58: {  	_ =	shalt  }
0x59: {  	_ =	shalt  }
0x5a: {  	_ =	shalt  }
0x5b: {  	_ =	shalt  }
0x5c: {  	_ =	shalt  }
0x5d: {  	_ =	shalt  }
0x5e: {  	_ =	shalt  }
0x5f: {  	_ =	shalt  }
0x60: {  	_ =	shalt  }
0x61: {  	_ =	shalt  }
0x62: {  	_ =	shalt  }
0x63: {  	_ =	shalt  }
0x64: {  	_ =	shalt  }
0x65: {  	_ =	shalt  }
0x66: {  	_ =	shalt  }
0x67: {  	_ =	shalt  }
0x68: {  	_ =	shalt  }
0x69: {  	_ =	shalt  }
0x6a: {  	_ =	shalt  }
0x6b: {  	_ =	shalt  }
0x6c: {  	_ =	shalt  }
0x6d: {  	_ =	shalt  }
0x6e: {  	_ =	shalt  }
0x6f: {  	_ =	shalt  }
0x70: {  	_ =	shalt  }
0x71: {  	_ =	shalt  }
0x72: {  	_ =	shalt  }
0x73: {  	_ =	shalt  }
0x74: {  	_ =	shalt  }
0x75: {  	_ =	shalt  }
0x76: {  	_ =	shalt  }
0x77: {  	_ =	shalt  }
0x78: {  	_ =	shalt  }
0x79: {  	_ =	shalt  }
0x7a: {  	_ =	shalt  }
0x7b: {  	_ =	shalt  }
0x7c: {  	_ =	shalt  }
0x7d: {  	_ =	shalt  }
0x7e: {  	_ =	shalt  }
0x7f: {  	_ =	shalt  }
0x80: {  	_ =	shalt  }
0x81: {  	_ =	shalt  }
0x82: {  	_ =	shalt  }
0x83: {  	_ =	shalt  }
0x84: {  	_ =	shalt  }
0x85: {  	_ =	shalt  }
0x86: {  	_ =	shalt  }
0x87: {  	_ =	shalt  }
.Lfunc_end0:
.L_simem_size_0:
called_computation.1_lowered:
.L_overlay_start_0:
0x88: {  	s2 =	sld [smem:$0x3FD9]  }
0x89: {  	s3 =	sld [smem:$0x3FFE];
	_ =	sdelay $0x1  }
0x8a: {  	s1 =	srdreg.scid  }
0x8b: {  	s0 =	sand.u32 $0x1, s1  }
0x8c: {  	s17 =	sshll.u32 s0, $0xA;
	s2 =	sadd.s32 s3, s2  }
0x8d: {  	s2 =	sadd.s32 s2, s17  }
0x8e: {  	[smem:$0x3FC0] =	sst s2  }
0x8f: {  	_ = 	snop  }
0x90: {  	s2 =	sld [smem:$0x3FD0];
	(tm) =	ssettm $0x1  }
0x91: {  	s18 =	sld [smem:$0x3FFB];
	_ =	sdelay $0x3  }
0x92: {  	_ =	strace s18  }
0x93: {  	s3 =	sld [smem:$0x3FFC];
	_ =	sdelay $0x3  }
0x94: {  	_ =	strace s3  }
0x95: {  	s3 =	sld [smem:$0x3FFD];
	_ =	sdelay $0x3  }
0x96: {  	_ =	strace s3  }
0x97: {  	_ =	strace $0x8FFFFFFF  }
0x98: {  	s19 =	sld [smem:$0x3FDB];
	_ =	sdelay $0x1  }
0x99: {  	s4 =	simm.s32 $_scs_section_size  }
0x9a: {  	s5 =	simm.s32 $_size__tile_overlayer_lowered;
	s6 =	simm.s32 $_tile_overlayer_lowered  }
0x9b: {  	s22 =	simm.s32 $0x1BFF;
	s21 =	sshll.u32 s6, $0x1;
	s3 =	sadd.s32 s4, s19  }
0x9c: {  	s7 =	simm.s32 $0x0;
	s20 =	sshll.u32 s5, $0x1;
	s5 =	sadd.s32 s21, s3  }
0x9d: {  	[timem:s7], [sflag:s22] =	dma.local [hbm:s5], s20  }
0x9e: {  	_ =	swait.ge [sflag:s22], s20  }
0x9f: {  	s4 =	ssub.s32 $0x0, s20;
	[sflag:s22] =	ssyncset.done $0x0  }
0xa0: {  	[sflag:s22] =	ssyncadd.s32 s4;
	_ =	sdelay $0x1  }
0xa1: {  	s23 =	simm.s32 $0x1B8B  }
0xa2: {  	_ =	swait.ge [sflag:s23], $0x1  }
0xa3: {  	[sflag:s23] =	ssyncset.done $0x0  }
0xa4: {  	s25 =	simm.s32 $0x1B8E;
	s24 =	sld [smem:$0x3FFE];
	[sflag:s23] =	ssyncadd.s32 $0xFFFFFFFF  }
0xa5: {  	s26 =	simm.s32 $execute0_lowered;
	[smem:$0x3FD2] =	sst s25  }
0xa6: {  	s5 =	sshll.u32 s26, $0x1;
	_ =	strace $0x80000049;
	[dreg:$0x1] =	wrdreg $0xFFFFFFFF  }
0xa7: {  	s28 =	simm.s32 $_size_execute0_lowered;
	s3 =	sadd.s32 s3, s5;
	[dreg:$0x0] =	wrdreg $0x0  }
0xa8: {  	s5 =	sshll.u32 s28, $0x1;
	[dreg:$0x2] =	wrdreg s3  }
0xa9: {  	[dreg:$0x3] =	wrdreg s5  }
0xaa: {  	[dreg:$0x4] =	wrdreg $0xC0  }
0xab: {  	_ =	task [dreg:s7], $0x5FFFF  }
0xac: {  	[dreg:$0x1] =	wrdreg $0xFFFFFFFF  }
0xad: {  	[dreg:$0x0] =	wrdreg $0x60  }
0xae: {  	[dreg:$0x2] =	wrdreg s24  }
0xaf: {  	[dreg:$0x3] =	wrdreg s2  }
0xb0: {  	[dreg:$0x4] =	wrdreg $0xB7800  }
0xb1: {  	[dreg:$0x5] =	wrdreg $0x9  }
0xb2: {  	_ =	task.clear_ibuf [dreg:s7], $0x6FFFF;
	_ =	strace $0x90000049  }
0xb3: {  	s29 =	simm.s32 $0x9;
	_ =	strace $0x8000004B  }
0xb4: {  	_ =	swait.ge [sflag:s29], $0x1  }
0xb5: {  	[sflag:s29] =	ssyncadd.s32 $0xFFFFFFFF  }
0xb6: {  	_ =	strace $0x9000004B  }
0xb7: {  	_ =	sfence  }
0xb8: {  	s30 =	sld [smem:$0x0];
	_ =	sdelay $0x2  }
0xb9: {  	s31 =	sshll.u32 s1, $0xD;
	s1 =	sshrl.u32 s1, $0x2  }
0xba: {  	s3 =	sand.u32 $0x4000, s31;
	s1 =	sadd.s32 s1, s30  }
0xbb: {  	s0 =	sor.u32 s3, s0;
	s1 =	sshll.u32 s1, $0x11  }
0xbc: {  	s0 =	sor.u32 s1, s0  }
0xbd: {  	s0 =	sadd.s32 $0x8F2B, s0  }
0xbe: {  	[sflag:s0] =	ssyncadd.remote.s32 $0x1  }
0xbf: {  	_ =	sfence.sel $0xFFFF  }
0xc0: {  	[dreg:$0x0] =	wrdreg $0xFFFFFFFF;
	(pc) =	sbr.abs _section_cstart, $3  }
0xc1: {  	[dreg:$0x1] =	wrdreg $0xFFFFFFFF  }
0xc2: {  	_ =	task.clear_ibuf [dreg:s7], $0x2FFFF;
	_ =	strace $0x9FFFFFFF  }
0xc3: {  	(tm) =	ssettm $0x7FFFFFFF  }
tec
execute0_lowered:
.L_overlay_start_1:
0x0: {  	(tag) =	ssettag $0x1  }
0x1: {  	s0 =	srdreg.scid;
	s1 =	rddreg [dreg:$0x0]  }
0x2: {  	s6 =	stileid.u32;
	s3 =	rddreg [dreg:$0x1]  }
0x3: {  	s11 =	simm.s32 $0x0;
	s12 =	simm.s32 $0x9000;
	s14 =	simm.s32 $0x80  }
0x4: {  	s15 =	simm.s32 $0x5000;
	s16 =	simm.s32 $0x5800;
	s18 =	simm.s32 $0x6000  }
0x5: {  	s20 =	simm.s32 $0x6800;
	s22 =	simm.s32 $0x7000;
	s24 =	simm.s32 $0x7800  }
0x6: {  	s29 =	simm.s32 $0x8800;
	s30 =	simm.s32 $0x1;
	s31 =	simm.s32 $0x2  }
0x7: {  	s13 =	simm.s32 $0x5;
	s17 =	simm.s32 $0x6;
	s19 =	simm.s32 $0x7  }
0x8: {  	s21 =	simm.s32 $0x8;
	s23 =	simm.s32 $0x9;
	s25 =	simm.s32 $0xA  }
0x9: {  	s28 =	simm.s32 $0xB;
	s0 =	sand.u32 $0x1, s0;
	s2 =	sshll.u32 s6, $0x1  }
0xa: {  	s6 =	smul.u32 $0x2780, s6;
	[smem:$0x7FF] =	sst s11;
	s4 =	sor.u32 s0, s2  }
0xb: {  	s2 =	rddreg [dreg:$0x2];
	s7 =	smul.u32 $0x27800, s0;
	_ =	strace $0x8000004A  }
0xc: {  	s0 =	ssub.s32 $0x2, s0;
	s5 =	smul.u32 $0x500, s4;
	s4 =	sadd.s32 $0xB000, s1  }
0xd: {  	s9 =	sshrl.u32 s6, $0x3;
	s10 =	sshrl.u32 s0, $0x1;
	s7 =	sadd.s32 s6, s7  }
0xe: {  	s9 =	sadd.s32 s9, s1;
	s0 =	ssub.s32 s0, s10;
	s6 =	sadd.s32 s6, s2  }
0xf: {  	s10 =	simm.s32 $0x10;
	s8 =	sadd.s32 s5, s1;
	s7 =	sshrl.u32 s7, $0x3  }
0x10: {  	s26 =	sadd.s32 $0x10000, s9;
	[dreg:$0x5] =	wrdreg s6;
	s3 =	sadd.s32 s3, s5  }
0x11: {  	s0 =	smax.u32 s0, $0x1;
	s9 =	simm.s32 $0xF;
	[dreg:$0x4] =	wrdreg s26  }
0x12: {  	s6 =	simm.s32 $0x0;
	s1 =	sadd.s32 s7, s1;
	[dreg:$0x6] =	wrdreg s3  }
0x13: {  	s5 =	sadd.s32 $0x1000, s8;
	[dreg:$0x9] =	wrdreg s0;
	s26 =	simm.s32 $0x8000  }
0x14: {  	s0 =	simm.s32 $0x4;
	s7 =	simm.s32 $0xD;
	[dreg:$0xa] =	wrdreg s6  }
0x15: {  	s8 =	simm.s32 $0xE;
	[dreg:$0x7] =	wrdreg s5;
	s1 =	sadd.s32 $0x15000, s1  }
0x16: {  	s5 =	simm.s32 $0xC;
	[dreg:$0x8] =	wrdreg s1;
	s1 =	simm.s32 $0x3  }
.LBB2_1:
0x17: {  	s6 =	simm.s32 $0x11;
	s3 =	rddreg [dreg:$0x4]  }
0x18: {  	[tilespmem:s12], [sflag:$0x11] =	stream.linear.gather [hbm4b:s3+s11], $0x2780, $0x38;
	[tilespmem:$0xDF00] =	vst v63  }
0x19: {  	_ =	swait.ge [sflag:s6], $0x2780  }
0x1a: {  	[sflag:s6] =	ssyncset.done $0x0  }
0x1b: {  	s3 =	rddreg [dreg:$0x5];
	[sflag:s6] =	ssyncadd.s32 $0xFFFFD880  }
0x1c: {  	[spmem:s3] =	stream.linear.scatter [tilespmem:s12], [sflag:$0x11], $0x2780, $0x38;
	[tilespmem:$0xDF00] =	vst v63  }
0x1d: {  	_ =	swait.ge [sflag:s6], $0x2780  }
0x1e: {  	[sflag:s6] =	ssyncset.done $0x0  }
0x1f: {  	[sflag:s6] =	ssyncadd.s32 $0xFFFFD880  }
0x20: {  	[bflag:$0x0] =	sbarrier.arrive $0xFFFF  }
0x21: {  	s12 =	rddreg [dreg:$0x6]  }
0x22: {  	[tilespmem:s11], [sflag:$0x11] =	stream.linear.gather [hbm4b:s12+s11], $0x2800, $0x38;
	[tilespmem:$0xDF00] =	vst v63  }
0x23: {  	_ =	swait.ge [sflag:s6], $0x2800  }
0x24: {  	[sflag:s6] =	ssyncset.done $0x0  }
0x25: {  	s12 =	simm.s32 $0x2800;
	s3 =	rddreg [dreg:$0x7];
	[sflag:s6] =	ssyncadd.s32 $0xFFFFD800  }
0x26: {  	[tilespmem:s12], [sflag:$0x11] =	stream.linear.gather [hbm4b:s3+s11], $0x2800, $0x38;
	[tilespmem:$0xDF00] =	vst v63  }
0x27: {  	_ =	swait.ge [sflag:s6], $0x2800  }
0x28: {  	[sflag:s6] =	ssyncset.done $0x0  }
0x29: {  	[sflag:s6] =	ssyncadd.s32 $0xFFFFD800  }
0x2a: {  	[tilespmem:s15], [sflag:$0x1] =	stream.indirect.gather [hbm4b:s4+s14], $0x10, s11, s14, $0xb8;
	[tilespmem:$0xDF00] =	vst v63  }
0x2b: {  	_ = 	snop  }
0x2c: {  	[tilespmem:s16], [sflag:$0x2] =	stream.indirect.gather [hbm4b:s4+s14], $0x10, s14, s14, $0xb8;
	[tilespmem:$0xDF00] =	vst v63  }
0x2d: {  	s6 =	simm.s32 $0x100  }
0x2e: {  	[tilespmem:s18], [sflag:$0x3] =	stream.indirect.gather [hbm4b:s4+s14], $0x10, s6, s14, $0xb8;
	[tilespmem:$0xDF00] =	vst v63  }
0x2f: {  	s11 =	simm.s32 $0x180  }
0x30: {  	[tilespmem:s20], [sflag:$0x4] =	stream.indirect.gather [hbm4b:s4+s14], $0x10, s11, s14, $0xb8;
	[tilespmem:$0xDF00] =	vst v63  }
0x31: {  	s12 =	simm.s32 $0x200  }
0x32: {  	[tilespmem:s22], [sflag:$0x5] =	stream.indirect.gather [hbm4b:s4+s14], $0x10, s12, s14, $0xb8;
	[tilespmem:$0xDF00] =	vst v63  }
0x33: {  	s6 =	simm.s32 $0x280  }
0x34: {  	[tilespmem:s24], [sflag:$0x6] =	stream.indirect.gather [hbm4b:s4+s14], $0x10, s6, s14, $0xb8;
	[tilespmem:$0xDF00] =	vst v63  }
0x35: {  	s11 =	simm.s32 $0x300  }
0x36: {  	[tilespmem:s26], [sflag:$0x7] =	stream.indirect.gather [hbm4b:s4+s14], $0x10, s11, s14, $0xb8;
	[tilespmem:$0xDF00] =	vst v63  }
0x37: {  	s12 =	simm.s32 $0x380  }
0x38: {  	[tilespmem:s29], [sflag:$0x8] =	stream.indirect.gather [hbm4b:s4+s14], $0x10, s12, s14, $0xb8;
	[tilespmem:$0xDF00] =	vst v63  }
0x39: {  	_ =	swait.ge [sflag:s30], $0x800  }
0x3a: {  	[sflag:s30] =	ssyncset.done $0x0  }
0x3b: {  	s6 =	simm.s32 $0x2800;
	[sflag:s30] =	ssyncadd.s32 $0xFFFFF800  }
0x3c: {  	[spmem:s2] =	stream.indirect.scatter.add.f32 [tilespmem:s15], [sflag:$0x9], $0x10, s6, s14, $0xb8;
	[tilespmem:$0xDF00] =	vst v63  }
0x3d: {  	_ =	swait.ge [sflag:s31], $0x800  }
0x3e: {  	[sflag:s31] =	ssyncset.done $0x0  }
0x3f: {  	s11 =	simm.s32 $0x2880;
	[sflag:s31] =	ssyncadd.s32 $0xFFFFF800  }
0x40: {  	[spmem:s2] =	stream.indirect.scatter.add.f32 [tilespmem:s16], [sflag:$0xA], $0x10, s11, s14, $0xb8;
	[tilespmem:$0xDF00] =	vst v63  }
0x41: {  	_ =	swait.ge [sflag:s1], $0x800  }
0x42: {  	[sflag:s1] =	ssyncset.done $0x0  }
0x43: {  	s12 =	simm.s32 $0x2900;
	[sflag:s1] =	ssyncadd.s32 $0xFFFFF800  }
0x44: {  	[spmem:s2] =	stream.indirect.scatter.add.f32 [tilespmem:s18], [sflag:$0xB], $0x10, s12, s14, $0xb8;
	[tilespmem:$0xDF00] =	vst v63  }
0x45: {  	_ =	swait.ge [sflag:s0], $0x800  }
0x46: {  	[sflag:s0] =	ssyncset.done $0x0  }
0x47: {  	s6 =	simm.s32 $0x2980;
	[sflag:s0] =	ssyncadd.s32 $0xFFFFF800  }
0x48: {  	[spmem:s2] =	stream.indirect.scatter.add.f32 [tilespmem:s20], [sflag:$0xC], $0x10, s6, s14, $0xb8;
	[tilespmem:$0xDF00] =	vst v63  }
0x49: {  	_ =	swait.ge [sflag:s13], $0x800  }
0x4a: {  	[sflag:s13] =	ssyncset.done $0x0  }
0x4b: {  	s11 =	simm.s32 $0x2A00;
	[sflag:s13] =	ssyncadd.s32 $0xFFFFF800  }
0x4c: {  	[spmem:s2] =	stream.indirect.scatter.add.f32 [tilespmem:s22], [sflag:$0xD], $0x10, s11, s14, $0xb8;
	[tilespmem:$0xDF00] =	vst v63  }
0x4d: {  	_ =	swait.ge [sflag:s17], $0x800  }
0x4e: {  	[sflag:s17] =	ssyncset.done $0x0  }
0x4f: {  	s12 =	simm.s32 $0x2A80;
	[sflag:s17] =	ssyncadd.s32 $0xFFFFF800  }
0x50: {  	[spmem:s2] =	stream.indirect.scatter.add.f32 [tilespmem:s24], [sflag:$0xE], $0x10, s12, s14, $0xb8;
	[tilespmem:$0xDF00] =	vst v63  }
0x51: {  	_ =	swait.ge [sflag:s19], $0x800  }
0x52: {  	[sflag:s19] =	ssyncset.done $0x0  }
0x53: {  	s6 =	simm.s32 $0x2B00;
	[sflag:s19] =	ssyncadd.s32 $0xFFFFF800  }
0x54: {  	[spmem:s2] =	stream.indirect.scatter.add.f32 [tilespmem:s26], [sflag:$0xF], $0x10, s6, s14, $0xb8;
	[tilespmem:$0xDF00] =	vst v63  }
0x55: {  	_ =	swait.ge [sflag:s21], $0x800  }
0x56: {  	[sflag:s21] =	ssyncset.done $0x0  }
0x57: {  	s11 =	simm.s32 $0x2B80;
	[sflag:s21] =	ssyncadd.s32 $0xFFFFF800  }
0x58: {  	[spmem:s2] =	stream.indirect.scatter.add.f32 [tilespmem:s29], [sflag:$0x10], $0x10, s11, s14, $0xb8;
	[tilespmem:$0xDF00] =	vst v63  }
0x59: {  	_ =	swait.ge [sflag:s23], $0x800  }
0x5a: {  	[sflag:s23] =	ssyncset.done $0x0  }
0x5b: {  	s12 =	simm.s32 $0x400;
	[sflag:s23] =	ssyncadd.s32 $0xFFFFF800  }
0x5c: {  	[tilespmem:s15], [sflag:$0x1] =	stream.indirect.gather [hbm4b:s4+s14], $0x10, s12, s14, $0xb8;
	[tilespmem:$0xDF00] =	vst v63  }
0x5d: {  	_ =	swait.ge [sflag:s25], $0x800  }
0x5e: {  	[sflag:s25] =	ssyncset.done $0x0  }
0x5f: {  	s6 =	simm.s32 $0x480;
	[sflag:s25] =	ssyncadd.s32 $0xFFFFF800  }
0x60: {  	[tilespmem:s16], [sflag:$0x2] =	stream.indirect.gather [hbm4b:s4+s14], $0x10, s6, s14, $0xb8;
	[tilespmem:$0xDF00] =	vst v63  }
0x61: {  	_ =	swait.ge [sflag:s28], $0x800  }
0x62: {  	[sflag:s28] =	ssyncset.done $0x0  }
0x63: {  	s11 =	simm.s32 $0x500;
	[sflag:s28] =	ssyncadd.s32 $0xFFFFF800  }
0x64: {  	[tilespmem:s18], [sflag:$0x3] =	stream.indirect.gather [hbm4b:s4+s14], $0x10, s11, s14, $0xb8;
	[tilespmem:$0xDF00] =	vst v63  }
0x65: {  	_ =	swait.ge [sflag:s5], $0x800  }
0x66: {  	[sflag:s5] =	ssyncset.done $0x0  }
0x67: {  	s12 =	simm.s32 $0x580;
	[sflag:s5] =	ssyncadd.s32 $0xFFFFF800  }
0x68: {  	[tilespmem:s20], [sflag:$0x4] =	stream.indirect.gather [hbm4b:s4+s14], $0x10, s12, s14, $0xb8;
	[tilespmem:$0xDF00] =	vst v63  }
0x69: {  	_ =	swait.ge [sflag:s7], $0x800  }
0x6a: {  	[sflag:s7] =	ssyncset.done $0x0  }
0x6b: {  	s6 =	simm.s32 $0x600;
	[sflag:s7] =	ssyncadd.s32 $0xFFFFF800  }
0x6c: {  	[tilespmem:s22], [sflag:$0x5] =	stream.indirect.gather [hbm4b:s4+s14], $0x10, s6, s14, $0xb8;
	[tilespmem:$0xDF00] =	vst v63  }
0x6d: {  	_ =	swait.ge [sflag:s8], $0x800  }
0x6e: {  	[sflag:s8] =	ssyncset.done $0x0  }
0x6f: {  	s11 =	simm.s32 $0x680;
	[sflag:s8] =	ssyncadd.s32 $0xFFFFF800  }
0x70: {  	[tilespmem:s24], [sflag:$0x6] =	stream.indirect.gather [hbm4b:s4+s14], $0x10, s11, s14, $0xb8;
	[tilespmem:$0xDF00] =	vst v63  }
0x71: {  	_ =	swait.ge [sflag:s9], $0x800  }
0x72: {  	[sflag:s9] =	ssyncset.done $0x0  }
0x73: {  	s12 =	simm.s32 $0x700;
	[sflag:s9] =	ssyncadd.s32 $0xFFFFF800  }
0x74: {  	[tilespmem:s26], [sflag:$0x7] =	stream.indirect.gather [hbm4b:s4+s14], $0x10, s12, s14, $0xb8;
	[tilespmem:$0xDF00] =	vst v63  }
0x75: {  	_ =	swait.ge [sflag:s10], $0x800  }
0x76: {  	[sflag:s10] =	ssyncset.done $0x0  }
0x77: {  	s3 =	simm.s32 $0x780;
	s11 =	simm.s32 $0x1000;
	[sflag:s10] =	ssyncadd.s32 $0xFFFFF800  }
.LBB2_2:
0x78: {  	[tilespmem:s29], [sflag:$0x8] =	stream.indirect.gather [hbm4b:s4+s14], $0x10, s3, s14, $0xb8;
	[tilespmem:$0xDF00] =	vst v63  }
0x79: {  	s3 =	smov.u32 s11  }
0x7a: {  	p0 =	sne.s32 s11, $0x8000;
	s11 =	sadd.s32 $0x1000, s11;
	_ =	swait.ge [sflag:s30], $0x800  }
0x7b: {  	s3 =	sshra.s32 s3, $0x2;
	[sflag:s30] =	ssyncset.done $0x0  }
0x7c: {  	s6 =	sadd.s32 $0x2800, s3;
	[sflag:s30] =	ssyncadd.s32 $0xFFFFF800  }
0x7d: {  	[spmem:s2] =	stream.indirect.scatter.add.f32 [tilespmem:s15], [sflag:$0x9], $0x10, s6, s14, $0xb8;
	[tilespmem:$0xDF00] =	vst v63  }
0x7e: {  	_ =	swait.ge [sflag:s31], $0x800  }
0x7f: {  	[sflag:s31] =	ssyncset.done $0x0  }
0x80: {  	s6 =	sadd.s32 $0x2880, s3;
	[sflag:s31] =	ssyncadd.s32 $0xFFFFF800  }
0x81: {  	[spmem:s2] =	stream.indirect.scatter.add.f32 [tilespmem:s16], [sflag:$0xA], $0x10, s6, s14, $0xb8;
	[tilespmem:$0xDF00] =	vst v63  }
0x82: {  	_ =	swait.ge [sflag:s1], $0x800  }
0x83: {  	[sflag:s1] =	ssyncset.done $0x0  }
0x84: {  	s6 =	sadd.s32 $0x2900, s3;
	[sflag:s1] =	ssyncadd.s32 $0xFFFFF800  }
0x85: {  	[spmem:s2] =	stream.indirect.scatter.add.f32 [tilespmem:s18], [sflag:$0xB], $0x10, s6, s14, $0xb8;
	[tilespmem:$0xDF00] =	vst v63  }
0x86: {  	_ =	swait.ge [sflag:s0], $0x800  }
0x87: {  	[sflag:s0] =	ssyncset.done $0x0  }
0x88: {  	s6 =	sadd.s32 $0x2980, s3;
	[sflag:s0] =	ssyncadd.s32 $0xFFFFF800  }
0x89: {  	[spmem:s2] =	stream.indirect.scatter.add.f32 [tilespmem:s20], [sflag:$0xC], $0x10, s6, s14, $0xb8;
	[tilespmem:$0xDF00] =	vst v63  }
0x8a: {  	_ =	swait.ge [sflag:s13], $0x800  }
0x8b: {  	[sflag:s13] =	ssyncset.done $0x0  }
0x8c: {  	s6 =	sadd.s32 $0x2A00, s3;
	[sflag:s13] =	ssyncadd.s32 $0xFFFFF800  }
0x8d: {  	[spmem:s2] =	stream.indirect.scatter.add.f32 [tilespmem:s22], [sflag:$0xD], $0x10, s6, s14, $0xb8;
	[tilespmem:$0xDF00] =	vst v63  }
0x8e: {  	_ =	swait.ge [sflag:s17], $0x800  }
0x8f: {  	[sflag:s17] =	ssyncset.done $0x0  }
0x90: {  	s6 =	sadd.s32 $0x2A80, s3;
	[sflag:s17] =	ssyncadd.s32 $0xFFFFF800  }
0x91: {  	[spmem:s2] =	stream.indirect.scatter.add.f32 [tilespmem:s24], [sflag:$0xE], $0x10, s6, s14, $0xb8;
	[tilespmem:$0xDF00] =	vst v63  }
0x92: {  	_ =	swait.ge [sflag:s19], $0x800  }
0x93: {  	[sflag:s19] =	ssyncset.done $0x0  }
0x94: {  	s6 =	sadd.s32 $0x2B00, s3;
	[sflag:s19] =	ssyncadd.s32 $0xFFFFF800  }
0x95: {  	[spmem:s2] =	stream.indirect.scatter.add.f32 [tilespmem:s26], [sflag:$0xF], $0x10, s6, s14, $0xb8;
	[tilespmem:$0xDF00] =	vst v63  }
0x96: {  	_ =	swait.ge [sflag:s21], $0x800  }
0x97: {  	[sflag:s21] =	ssyncset.done $0x0  }
0x98: {  	s6 =	sadd.s32 $0x2B80, s3;
	[sflag:s21] =	ssyncadd.s32 $0xFFFFF800  }
0x99: {  	[spmem:s2] =	stream.indirect.scatter.add.f32 [tilespmem:s29], [sflag:$0x10], $0x10, s6, s14, $0xb8;
	[tilespmem:$0xDF00] =	vst v63  }
0x9a: {  	_ =	swait.ge [sflag:s23], $0x800  }
0x9b: {  	[sflag:s23] =	ssyncset.done $0x0  }
0x9c: {  	s6 =	sadd.s32 $0x400, s3;
	[sflag:s23] =	ssyncadd.s32 $0xFFFFF800  }
0x9d: {  	[tilespmem:s15], [sflag:$0x1] =	stream.indirect.gather [hbm4b:s4+s14], $0x10, s6, s14, $0xb8;
	[tilespmem:$0xDF00] =	vst v63  }
0x9e: {  	_ =	swait.ge [sflag:s25], $0x800  }
0x9f: {  	[sflag:s25] =	ssyncset.done $0x0  }
0xa0: {  	s6 =	sadd.s32 $0x480, s3;
	[sflag:s25] =	ssyncadd.s32 $0xFFFFF800  }
0xa1: {  	[tilespmem:s16], [sflag:$0x2] =	stream.indirect.gather [hbm4b:s4+s14], $0x10, s6, s14, $0xb8;
	[tilespmem:$0xDF00] =	vst v63  }
0xa2: {  	_ =	swait.ge [sflag:s28], $0x800  }
0xa3: {  	[sflag:s28] =	ssyncset.done $0x0  }
0xa4: {  	s6 =	sadd.s32 $0x500, s3;
	[sflag:s28] =	ssyncadd.s32 $0xFFFFF800  }
0xa5: {  	[tilespmem:s18], [sflag:$0x3] =	stream.indirect.gather [hbm4b:s4+s14], $0x10, s6, s14, $0xb8;
	[tilespmem:$0xDF00] =	vst v63  }
0xa6: {  	_ =	swait.ge [sflag:s5], $0x800  }
0xa7: {  	[sflag:s5] =	ssyncset.done $0x0  }
0xa8: {  	s6 =	sadd.s32 $0x580, s3;
	[sflag:s5] =	ssyncadd.s32 $0xFFFFF800  }
0xa9: {  	[tilespmem:s20], [sflag:$0x4] =	stream.indirect.gather [hbm4b:s4+s14], $0x10, s6, s14, $0xb8;
	[tilespmem:$0xDF00] =	vst v63  }
0xaa: {  	_ =	swait.ge [sflag:s7], $0x800  }
0xab: {  	[sflag:s7] =	ssyncset.done $0x0  }
0xac: {  	s6 =	sadd.s32 $0x600, s3;
	[sflag:s7] =	ssyncadd.s32 $0xFFFFF800  }
0xad: {  	[tilespmem:s22], [sflag:$0x5] =	stream.indirect.gather [hbm4b:s4+s14], $0x10, s6, s14, $0xb8;
	[tilespmem:$0xDF00] =	vst v63  }
0xae: {  	_ =	swait.ge [sflag:s8], $0x800  }
0xaf: {  	[sflag:s8] =	ssyncset.done $0x0  }
0xb0: {  	s6 =	sadd.s32 $0x680, s3;
	[sflag:s8] =	ssyncadd.s32 $0xFFFFF800  }
0xb1: {  	[tilespmem:s24], [sflag:$0x6] =	stream.indirect.gather [hbm4b:s4+s14], $0x10, s6, s14, $0xb8;
	[tilespmem:$0xDF00] =	vst v63  }
0xb2: {  	_ =	swait.ge [sflag:s9], $0x800  }
0xb3: {  	[sflag:s9] =	ssyncset.done $0x0  }
.Ltmp0:
0xb4: {  	s6 =	sadd.s32 $0x700, s3;
	[sflag:s9] =	ssyncadd.s32 $0xFFFFF800;
	(pc) =	sbr.rel @p0 .LBB2_2-.Ltmp0, $4  }
0xb5: {  	[tilespmem:s26], [sflag:$0x7] =	stream.indirect.gather [hbm4b:s4+s14], $0x10, s6, s14, $0xb8;
	[tilespmem:$0xDF00] =	vst v63  }
0xb6: {  	_ =	swait.ge [sflag:s10], $0x800  }
0xb7: {  	[sflag:s10] =	ssyncset.done $0x0  }
0xb8: {  	s3 =	sadd.s32 $0x780, s3;
	[sflag:s10] =	ssyncadd.s32 $0xFFFFF800  }
0xb9: {  	[tilespmem:s29], [sflag:$0x8] =	stream.indirect.gather [hbm4b:s4+s14], $0x10, s3, s14, $0xb8;
	[tilespmem:$0xDF00] =	vst v63  }
0xba: {  	_ =	swait.ge [sflag:s30], $0x800  }
0xbb: {  	[sflag:s30] =	ssyncset.done $0x0  }
0xbc: {  	s12 =	simm.s32 $0x4C00;
	[sflag:s30] =	ssyncadd.s32 $0xFFFFF800  }
0xbd: {  	[spmem:s2] =	stream.indirect.scatter.add.f32 [tilespmem:s15], [sflag:$0x9], $0x10, s12, s14, $0xb8;
	[tilespmem:$0xDF00] =	vst v63  }
0xbe: {  	_ =	swait.ge [sflag:s31], $0x800  }
0xbf: {  	[sflag:s31] =	ssyncset.done $0x0  }
0xc0: {  	s6 =	simm.s32 $0x4C80;
	[sflag:s31] =	ssyncadd.s32 $0xFFFFF800  }
0xc1: {  	[spmem:s2] =	stream.indirect.scatter.add.f32 [tilespmem:s16], [sflag:$0xA], $0x10, s6, s14, $0xb8;
	[tilespmem:$0xDF00] =	vst v63  }
0xc2: {  	_ =	swait.ge [sflag:s1], $0x800  }
0xc3: {  	[sflag:s1] =	ssyncset.done $0x0  }
0xc4: {  	s11 =	simm.s32 $0x4D00;
	[sflag:s1] =	ssyncadd.s32 $0xFFFFF800  }
0xc5: {  	[spmem:s2] =	stream.indirect.scatter.add.f32 [tilespmem:s18], [sflag:$0xB], $0x10, s11, s14, $0xb8;
	[tilespmem:$0xDF00] =	vst v63  }
0xc6: {  	_ =	swait.ge [sflag:s0], $0x800  }
0xc7: {  	[sflag:s0] =	ssyncset.done $0x0  }
0xc8: {  	s12 =	simm.s32 $0x4D80;
	[sflag:s0] =	ssyncadd.s32 $0xFFFFF800  }
0xc9: {  	[spmem:s2] =	stream.indirect.scatter.add.f32 [tilespmem:s20], [sflag:$0xC], $0x10, s12, s14, $0xb8;
	[tilespmem:$0xDF00] =	vst v63  }
0xca: {  	_ =	swait.ge [sflag:s13], $0x800  }
0xcb: {  	[sflag:s13] =	ssyncset.done $0x0  }
0xcc: {  	s6 =	simm.s32 $0x4E00;
	[sflag:s13] =	ssyncadd.s32 $0xFFFFF800  }
0xcd: {  	[spmem:s2] =	stream.indirect.scatter.add.f32 [tilespmem:s22], [sflag:$0xD], $0x10, s6, s14, $0xb8;
	[tilespmem:$0xDF00] =	vst v63  }
0xce: {  	_ =	swait.ge [sflag:s17], $0x800  }
0xcf: {  	[sflag:s17] =	ssyncset.done $0x0  }
0xd0: {  	s11 =	simm.s32 $0x4E80;
	[sflag:s17] =	ssyncadd.s32 $0xFFFFF800  }
0xd1: {  	[spmem:s2] =	stream.indirect.scatter.add.f32 [tilespmem:s24], [sflag:$0xE], $0x10, s11, s14, $0xb8;
	[tilespmem:$0xDF00] =	vst v63  }
0xd2: {  	_ =	swait.ge [sflag:s19], $0x800  }
0xd3: {  	[sflag:s19] =	ssyncset.done $0x0  }
0xd4: {  	s12 =	simm.s32 $0x4F00;
	[sflag:s19] =	ssyncadd.s32 $0xFFFFF800  }
0xd5: {  	[spmem:s2] =	stream.indirect.scatter.add.f32 [tilespmem:s26], [sflag:$0xF], $0x10, s12, s14, $0xb8;
	[tilespmem:$0xDF00] =	vst v63  }
0xd6: {  	_ =	swait.ge [sflag:s21], $0x800  }
0xd7: {  	[sflag:s21] =	ssyncset.done $0x0  }
0xd8: {  	s6 =	simm.s32 $0x4F80;
	[sflag:s21] =	ssyncadd.s32 $0xFFFFF800  }
0xd9: {  	[spmem:s2] =	stream.indirect.scatter.add.f32 [tilespmem:s29], [sflag:$0x10], $0x10, s6, s14, $0xb8;
	[tilespmem:$0xDF00] =	vst v63  }
0xda: {  	_ =	swait.ge [sflag:s23], $0x800  }
0xdb: {  	[sflag:s23] =	ssyncset.done $0x0  }
0xdc: {  	[sflag:s23] =	ssyncadd.s32 $0xFFFFF800  }
0xdd: {  	_ =	swait.ge [sflag:s25], $0x800  }
0xde: {  	[sflag:s25] =	ssyncset.done $0x0  }
0xdf: {  	[sflag:s25] =	ssyncadd.s32 $0xFFFFF800  }
0xe0: {  	_ =	swait.ge [sflag:s28], $0x800  }
0xe1: {  	[sflag:s28] =	ssyncset.done $0x0  }
0xe2: {  	[sflag:s28] =	ssyncadd.s32 $0xFFFFF800  }
0xe3: {  	_ =	swait.ge [sflag:s5], $0x800  }
0xe4: {  	[sflag:s5] =	ssyncset.done $0x0  }
0xe5: {  	[sflag:s5] =	ssyncadd.s32 $0xFFFFF800  }
0xe6: {  	_ =	swait.ge [sflag:s7], $0x800  }
0xe7: {  	[sflag:s7] =	ssyncset.done $0x0  }
0xe8: {  	[sflag:s7] =	ssyncadd.s32 $0xFFFFF800  }
0xe9: {  	_ =	swait.ge [sflag:s8], $0x800  }
0xea: {  	[sflag:s8] =	ssyncset.done $0x0  }
0xeb: {  	[sflag:s8] =	ssyncadd.s32 $0xFFFFF800  }
0xec: {  	_ =	swait.ge [sflag:s9], $0x800  }
0xed: {  	[sflag:s9] =	ssyncset.done $0x0  }
0xee: {  	[sflag:s9] =	ssyncadd.s32 $0xFFFFF800  }
0xef: {  	_ =	swait.ge [sflag:s10], $0x800  }
0xf0: {  	[sflag:s10] =	ssyncset.done $0x0  }
0xf1: {  	[sflag:s10] =	ssyncadd.s32 $0xFFFFF800  }
0xf2: {  	[bflag:$0x0] =	sbarrier.arrive $0xFFFF  }
0xf3: {  	s12 =	simm.s32 $0x9000;
	s6 =	simm.s32 $0x11;
	s11 =	rddreg [dreg:$0x5]  }
0xf4: {  	[tilespmem:s12], [sflag:$0x11] =	stream.linear.gather [spmem:s11], $0x2780, $0x38;
	[tilespmem:$0xDF00] =	vst v63  }
0xf5: {  	_ =	swait.ge [sflag:s6], $0x2780  }
0xf6: {  	[sflag:s6] =	ssyncset.done $0x0  }
0xf7: {  	s11 =	simm.s32 $0x0;
	s3 =	rddreg [dreg:$0x8];
	[sflag:s6] =	ssyncadd.s32 $0xFFFFD880  }
0xf8: {  	[hbm4b:s3+s11] =	stream.linear.scatter [tilespmem:s12], [sflag:$0x11], $0x2780, $0x38;
	[tilespmem:$0xDF00] =	vst v63  }
0xf9: {  	_ =	swait.ge [sflag:s6], $0x2780  }
0xfa: {  	s3 =	rddreg [dreg:$0xa]  }
0xfb: {  	[sflag:s6] =	ssyncset.done $0x0;
	s6 =	rddreg [dreg:$0x9];
	s11 =	sadd.s32 $0x1, s3  }
0xfc: {  	p0 =	sne.s32 s11, s6  }
.Ltmp1:
0xfd: {  	_ = 	snop;
	(pc) =	sbr.rel @p0 .LBB2_1-.Ltmp1, $3  }
0xfe: {  	_ =	sdelay $0x1  }
0xff: {  	s6 =	simm.s32 $0x11  }
0x100: {  	[dreg:$0xa] =	wrdreg s11;
	s11 =	simm.s32 $0x0;
	[sflag:s6] =	ssyncadd.s32 $0xFFFFD880  }
0x101: {  	_ =	sfence.sel $0x180000  }
0x102: {  	[bflag:$0x0] =	sbarrier.arrive $0xFFFF  }
0x103: {  	_ =	strace $0x9000004A  }
0x104: {  	s0 =	stileid.u32;
	[bflag:$0x2] =	sbarrier.arrive $0xFFFF  }
0x105: {  	p0 =	sne.s32 s0, $0x0;
	s0 =	rddreg [dreg:$0x3]  }
0x106: {  	s0 =	sadd.s32 @!p0 $0x100000, s0  }
0x107: {  	[sflag:s0] =	ssyncadd.tile.s32 @!p0 $0x1;
	_ =	shalt  }
.Lfunc_end2:
_tile_overlayer_lowered:
.L_overlay_start_2:
0x108: {  	(tag) =	ssettag $0x2  }
0x109: {  	s0 =	rddreg [dreg:$0x0];
	s2 =	stileid.u32  }
0x10a: {  	s1 =	rddreg [dreg:$0x1];
	p0 =	sne.s32 s2, $0x0  }
0x10b: {  	s3 =	rddreg [dreg:$0x2];
	[bflag:$0x3] =	sbarrier.arrive $0xFFFF;
	s2 =	simm.s32 @!p0 $0x1C11  }
0x10c: {  	[timem:s3], [sflag:s2] =	dma.local @!p0 [hbm:s0], s1  }
0x10d: {  	s0 =	simm.s32 @!p0 $0x11  }
0x10e: {  	_ =	swait.ge @!p0 [sflag:s0], s1  }
0x10f: {  	s1 =	ssub.s32 @!p0 $0x0, s1;
	[sflag:s0] =	ssyncset.done @!p0 $0x0  }
0x110: {  	[sflag:s0] =	ssyncadd.s32 @!p0 s1  }
0x111: {  	[bflag:$0x3] =	sbarrier.arrive $0xFFFF  }
0x112: {  	_ =	shalt  }

// kernel: kernel.7.cloned.1.call-start
scs
__scs_entry_jumppad:
0x0: {  	(pc) =	sbr.rel $0x88, $3  }
0x1: {  	(tag) =	ssettag $0x0;
	lr =	simm.s32 $0x1  }
0x2: {  	[smem:$0x3F99] =	sst lr;
	_ =	strace $0xD0000000  }
0x3: {  	_ = 	snop  }
0x4: {  	_ = 	snop  }
0x5: {  	_ = 	snop  }
0x6: {  	_ = 	snop  }
0x7: {  	_ = 	snop  }
__scs_overlays_trampoline_lowered:
0x8: {  	[smem:$0x3FA8] =	sst s0  }
0x9: {  	[smem:$0x3FA9] =	sst s1  }
0xa: {  	[smem:$0x3FAA] =	sst s2  }
0xb: {  	[smem:$0x3FAB] =	sst s3  }
0xc: {  	[smem:$0x3FAC] =	sst s4  }
0xd: {  	[smem:$0x3FAD] =	sst s5  }
0xe: {  	[smem:$0x3FAE] =	sst s6  }
0xf: {  	[smem:$0x3FAF] =	sst s7  }
0x10: {  	[smem:$0x3FB0] =	sst s8  }
0x11: {  	[smem:$0x3FB1] =	sst s9;
	s0 =	simm.s32 @!p0 $0x0  }
0x12: {  	s1 =	sld [smem:$0x3F97];
	s0 =	simm.s32 @p0 $0x1  }
0x13: {  	[smem:$0x3FB2] =	sst s0;
	s0 =	simm.s32 @!p1 $0x0  }
0x14: {  	s2 =	sld [smem:$0x3F96];
	s0 =	simm.s32 @p1 $0x1  }
0x15: {  	[smem:$0x3FB3] =	sst s0;
	s0 =	simm.s32 @!p2 $0x0  }
0x16: {  	s3 =	sld [smem:$0x3FDB];
	s0 =	simm.s32 @p2 $0x1  }
0x17: {  	s4 =	simm.s32 $0x1BF5;
	[smem:$0x3FB5] =	sst s0  }
0x18: {  	s0 =	sld [smem:$0x3F98];
	_ =	swait.ge [sflag:s4], $0x0  }
0x19: {  	s7 =	sld [smem:$0x3F99]  }
0x1a: {  	s8 =	sadd.s32 $0xFFFFE003, lr  }
0x1b: {  	s9 =	sadd.s32 $0xFFFFFEF7, lr;
	s5 =	simm.s32 $0xFFFFFFFF;
	p2 =	slt.u32 s8, $0xFFFFF086  }
0x1c: {  	p1 =	slt.u32 s9, $0xF7A;
	s5 =	simm.s32 @!p2 $0x0  }
0x1d: {  	s5 =	simm.s32 @p1 $0x1;
	p0 =	seq.s32 s7, s2  }
0x1e: {  	s7 =	smul.u32 @!p0 $0xF7A, s2;
	p2 =	seq.s32 @!p0 s5, $0x0  }
0x1f: {  	s9 =	smul.u32 $0xF7A, s1;
	s8 =	simm.s32 @!p0 $0x1BF5;
	p2 =	por !p2, p0  }
0x20: {  	[sflag:s8] =	ssyncset.s32 @!p0 $0xFFFFF086;
	s6 =	sadd.s32 @!p0 s3, s7;
	s7 =	simm.s32 @!p0 $0x108  }
0x21: {  	s3 =	sadd.s32 s3, s9;
	s6 =	sadd.s32 @!p0 $0x88, s6;
	s7 =	simm.s32 @p2 $0x1082  }
0x22: {  	[simem:s7], [sflag:s8] =	dma.local @!p0 [hbm:s6], $0xF7A  }
0x23: {  	s9 =	sor.u32 $0xD0000000, s2;
	s6 =	simm.s32 $0x108;
	_ =	swait.ge @!p0 [sflag:s8], $0x0  }
0x24: {  	s3 =	sadd.s32 $0x88, s3;
	s6 =	simm.s32 @!p1 $0x1082;
	[sflag:s4] =	ssyncset.s32 $0xFFFFF086  }
0x25: {  	[simem:s6], [sflag:s4] =	dma.local [hbm:s3], $0xF7A  }
0x26: {  	[smem:$0x3F99] =	sst s1;
	(tag) =	ssettag s2;
	_ =	strace s9  }
0x27: {  	s1 =	sld [smem:$0x3FA9]  }
0x28: {  	s2 =	sld [smem:$0x3FAA]  }
0x29: {  	s4 =	sld [smem:$0x3FAC]  }
0x2a: {  	p0 =	seq.s32 s5, $0x0;
	s5 =	sld [smem:$0x3FAD]  }
0x2b: {  	s6 =	sld [smem:$0x3FAE]  }
0x2c: {  	s7 =	sld [smem:$0x3FAF]  }
0x2d: {  	s3 =	simm.s32 $0x108;
	s8 =	sld [smem:$0x3FB0]  }
0x2e: {  	s3 =	simm.s32 @!p0 $0x1082;
	s9 =	sld [smem:$0x3FB1]  }
0x2f: {  	lr =	sadd.s32 s0, s3;
	s0 =	sld [smem:$0x3FA8]  }
0x30: {  	s3 =	sld [smem:$0x3FAB]  }
0x31: {  	[smem:$0x3FB4] =	sst s10  }
0x32: {  	s10 =	sld [smem:$0x3FB2];
	_ =	sdelay $0x3  }
0x33: {  	p0 =	seq.s32 s10, $0x1;
	s10 =	sld [smem:$0x3FB4];
	_ =	sdelay $0x3  }
0x34: {  	[smem:$0x3FB4] =	sst s10  }
0x35: {  	s10 =	sld [smem:$0x3FB3];
	_ =	sdelay $0x3  }
0x36: {  	p1 =	seq.s32 s10, $0x1;
	s10 =	sld [smem:$0x3FB4];
	_ =	sdelay $0x3  }
0x37: {  	[smem:$0x3FB4] =	sst s10  }
0x38: {  	s10 =	sld [smem:$0x3FB5]  }
0x39: {  	_ = 	snop;
	(pc) =	sbr.ind lr, $3  }
0x3a: {  	_ = 	snop  }
0x3b: {  	_ = 	snop  }
0x3c: {  	p2 =	seq.s32 s10, $0x1;
	s10 =	sld [smem:$0x3FB4]  }
0x3d: {  	_ =	shalt  }
0x3e: {  	_ =	shalt  }
0x3f: {  	_ =	shalt  }
0x40: {  	_ =	shalt  }
0x41: {  	_ =	shalt  }
0x42: {  	_ =	shalt  }
0x43: {  	_ =	shalt  }
0x44: {  	_ =	shalt  }
0x45: {  	_ =	shalt  }
0x46: {  	_ =	shalt  }
0x47: {  	_ =	shalt  }
0x48: {  	_ =	shalt  }
0x49: {  	_ =	shalt  }
0x4a: {  	_ =	shalt  }
0x4b: {  	_ =	shalt  }
0x4c: {  	_ =	shalt  }
0x4d: {  	_ =	shalt  }
0x4e: {  	_ =	shalt  }
0x4f: {  	_ =	shalt  }
0x50: {  	_ =	shalt  }
0x51: {  	_ =	shalt  }
0x52: {  	_ =	shalt  }
0x53: {  	_ =	shalt  }
0x54: {  	_ =	shalt  }
0x55: {  	_ =	shalt  }
0x56: {  	_ =	shalt  }
0x57: {  	_ =	shalt  }
0x58: {  	_ =	shalt  }
0x59: {  	_ =	shalt  }
0x5a: {  	_ =	shalt  }
0x5b: {  	_ =	shalt  }
0x5c: {  	_ =	shalt  }
0x5d: {  	_ =	shalt  }
0x5e: {  	_ =	shalt  }
0x5f: {  	_ =	shalt  }
0x60: {  	_ =	shalt  }
0x61: {  	_ =	shalt  }
0x62: {  	_ =	shalt  }
0x63: {  	_ =	shalt  }
0x64: {  	_ =	shalt  }
0x65: {  	_ =	shalt  }
0x66: {  	_ =	shalt  }
0x67: {  	_ =	shalt  }
0x68: {  	_ =	shalt  }
0x69: {  	_ =	shalt  }
0x6a: {  	_ =	shalt  }
0x6b: {  	_ =	shalt  }
0x6c: {  	_ =	shalt  }
0x6d: {  	_ =	shalt  }
0x6e: {  	_ =	shalt  }
0x6f: {  	_ =	shalt  }
0x70: {  	_ =	shalt  }
0x71: {  	_ =	shalt  }
0x72: {  	_ =	shalt  }
0x73: {  	_ =	shalt  }
0x74: {  	_ =	shalt  }
0x75: {  	_ =	shalt  }
0x76: {  	_ =	shalt  }
0x77: {  	_ =	shalt  }
0x78: {  	_ =	shalt  }
0x79: {  	_ =	shalt  }
0x7a: {  	_ =	shalt  }
0x7b: {  	_ =	shalt  }
0x7c: {  	_ =	shalt  }
0x7d: {  	_ =	shalt  }
0x7e: {  	_ =	shalt  }
0x7f: {  	_ =	shalt  }
0x80: {  	_ =	shalt  }
0x81: {  	_ =	shalt  }
0x82: {  	_ =	shalt  }
0x83: {  	_ =	shalt  }
0x84: {  	_ =	shalt  }
0x85: {  	_ =	shalt  }
0x86: {  	_ =	shalt  }
0x87: {  	_ =	shalt  }
.Lfunc_end0:
.L_simem_size_0:
called_computation_lowered:
.L_overlay_start_0:
0x88: {  	s2 =	sld [smem:$0x3FD9]  }
0x89: {  	s3 =	sld [smem:$0x3FFE];
	_ =	sdelay $0x1  }
0x8a: {  	s1 =	srdreg.scid  }
0x8b: {  	s0 =	sand.u32 $0x1, s1  }
0x8c: {  	s17 =	sshll.u32 s0, $0xA;
	s2 =	sadd.s32 s3, s2  }
0x8d: {  	s2 =	sadd.s32 s2, s17  }
0x8e: {  	[smem:$0x3FC0] =	sst s2  }
0x8f: {  	_ = 	snop  }
0x90: {  	s2 =	sld [smem:$0x3FD0];
	(tm) =	ssettm $0x1  }
0x91: {  	s18 =	sld [smem:$0x3FFB];
	_ =	sdelay $0x3  }
0x92: {  	_ =	strace s18  }
0x93: {  	s3 =	sld [smem:$0x3FFC];
	_ =	sdelay $0x3  }
0x94: {  	_ =	strace s3  }
0x95: {  	s3 =	sld [smem:$0x3FFD];
	_ =	sdelay $0x3  }
0x96: {  	_ =	strace s3  }
0x97: {  	_ =	strace $0x8FFFFFFF  }
0x98: {  	s19 =	sld [smem:$0x3FDB];
	_ =	sdelay $0x1  }
0x99: {  	s4 =	simm.s32 $_scs_section_size  }
0x9a: {  	s5 =	simm.s32 $_size__tile_overlayer_lowered;
	s6 =	simm.s32 $_tile_overlayer_lowered  }
0x9b: {  	s22 =	simm.s32 $0x1BFF;
	s21 =	sshll.u32 s6, $0x1;
	s3 =	sadd.s32 s4, s19  }
0x9c: {  	s7 =	simm.s32 $0x0;
	s20 =	sshll.u32 s5, $0x1;
	s5 =	sadd.s32 s21, s3  }
0x9d: {  	[timem:s7], [sflag:s22] =	dma.local [hbm:s5], s20  }
0x9e: {  	_ =	swait.ge [sflag:s22], s20  }
0x9f: {  	s4 =	ssub.s32 $0x0, s20;
	[sflag:s22] =	ssyncset.done $0x0  }
0xa0: {  	[sflag:s22] =	ssyncadd.s32 s4;
	_ =	sdelay $0x1  }
0xa1: {  	s23 =	simm.s32 $0x1B8B  }
0xa2: {  	_ =	swait.ge [sflag:s23], $0x1  }
0xa3: {  	[sflag:s23] =	ssyncset.done $0x0  }
0xa4: {  	s25 =	simm.s32 $0x1B8E;
	s24 =	sld [smem:$0x3FFE];
	[sflag:s23] =	ssyncadd.s32 $0xFFFFFFFF  }
0xa5: {  	s26 =	simm.s32 $execute0_lowered;
	[smem:$0x3FD2] =	sst s25  }
0xa6: {  	s5 =	sshll.u32 s26, $0x1;
	_ =	strace $0x80000046;
	[dreg:$0x1] =	wrdreg $0xFFFFFFFF  }
0xa7: {  	s28 =	simm.s32 $_size_execute0_lowered;
	s3 =	sadd.s32 s3, s5;
	[dreg:$0x0] =	wrdreg $0x0  }
0xa8: {  	s5 =	sshll.u32 s28, $0x1;
	[dreg:$0x2] =	wrdreg s3  }
0xa9: {  	[dreg:$0x3] =	wrdreg s5  }
0xaa: {  	[dreg:$0x4] =	wrdreg $0xC0  }
0xab: {  	_ =	task [dreg:s7], $0x5FFFF  }
0xac: {  	[dreg:$0x1] =	wrdreg $0xFFFFFFFF  }
0xad: {  	[dreg:$0x0] =	wrdreg $0x60  }
0xae: {  	[dreg:$0x2] =	wrdreg s24  }
0xaf: {  	[dreg:$0x3] =	wrdreg s2  }
0xb0: {  	[dreg:$0x4] =	wrdreg $0x11F000  }
0xb1: {  	[dreg:$0x5] =	wrdreg $0x9  }
0xb2: {  	_ =	task.clear_ibuf [dreg:s7], $0x6FFFF;
	_ =	strace $0x90000046  }
0xb3: {  	s29 =	simm.s32 $0x9;
	_ =	strace $0x80000048  }
0xb4: {  	_ =	swait.ge [sflag:s29], $0x1  }
0xb5: {  	[sflag:s29] =	ssyncadd.s32 $0xFFFFFFFF  }
0xb6: {  	_ =	strace $0x90000048  }
0xb7: {  	_ =	sfence  }
0xb8: {  	s30 =	sld [smem:$0x0];
	_ =	sdelay $0x2  }
0xb9: {  	s31 =	sshll.u32 s1, $0xD;
	s1 =	sshrl.u32 s1, $0x2  }
0xba: {  	s3 =	sand.u32 $0x4000, s31;
	s1 =	sadd.s32 s1, s30  }
0xbb: {  	s0 =	sor.u32 s3, s0;
	s1 =	sshll.u32 s1, $0x11  }
0xbc: {  	s0 =	sor.u32 s1, s0  }
0xbd: {  	s0 =	sadd.s32 $0x8F2B, s0  }
0xbe: {  	[sflag:s0] =	ssyncadd.remote.s32 $0x1  }
0xbf: {  	_ =	sfence.sel $0xFFFF  }
0xc0: {  	[dreg:$0x0] =	wrdreg $0xFFFFFFFF;
	(pc) =	sbr.abs _section_cstart, $3  }
0xc1: {  	[dreg:$0x1] =	wrdreg $0xFFFFFFFF  }
0xc2: {  	_ =	task.clear_ibuf [dreg:s7], $0x2FFFF;
	_ =	strace $0x9FFFFFFF  }
0xc3: {  	(tm) =	ssettm $0x7FFFFFFF  }
tec
execute0_lowered:
.L_overlay_start_1:
0x0: {  	(tag) =	ssettag $0x1  }
0x1: {  	s0 =	srdreg.scid;
	s1 =	rddreg [dreg:$0x0]  }
0x2: {  	s6 =	stileid.u32;
	s3 =	rddreg [dreg:$0x1]  }
0x3: {  	s11 =	simm.s32 $0x0;
	s12 =	simm.s32 $0xD000;
	s14 =	simm.s32 $0x80  }
0x4: {  	s15 =	simm.s32 $0x5000;
	s16 =	simm.s32 $0x6000;
	s18 =	simm.s32 $0x7000  }
0x5: {  	s20 =	simm.s32 $0x8000;
	s22 =	simm.s32 $0x9000;
	s24 =	simm.s32 $0xA000  }
0x6: {  	s29 =	simm.s32 $0xC000;
	s30 =	simm.s32 $0x1;
	s31 =	simm.s32 $0x2  }
0x7: {  	s13 =	simm.s32 $0x5;
	s17 =	simm.s32 $0x6;
	s19 =	simm.s32 $0x7  }
0x8: {  	s21 =	simm.s32 $0x8;
	s23 =	simm.s32 $0x9;
	s25 =	simm.s32 $0xA  }
0x9: {  	s28 =	simm.s32 $0xB;
	s0 =	sand.u32 $0x1, s0;
	s2 =	sshll.u32 s6, $0x1  }
0xa: {  	s6 =	smul.u32 $0x4F00, s6;
	[smem:$0x7FF] =	sst s11;
	s4 =	sor.u32 s0, s2  }
0xb: {  	s2 =	rddreg [dreg:$0x2];
	s7 =	smul.u32 $0x4F000, s0;
	_ =	strace $0x80000047  }
0xc: {  	s0 =	ssub.s32 $0x2, s0;
	s5 =	smul.u32 $0x500, s4;
	s4 =	sadd.s32 $0xB000, s1  }
0xd: {  	s9 =	sshrl.u32 s6, $0x3;
	s10 =	sshrl.u32 s0, $0x1;
	s7 =	sadd.s32 s6, s7  }
0xe: {  	s9 =	sadd.s32 s9, s1;
	s0 =	ssub.s32 s0, s10;
	s6 =	sadd.s32 s6, s2  }
0xf: {  	s10 =	simm.s32 $0x10;
	s8 =	sadd.s32 s5, s1;
	s7 =	sshrl.u32 s7, $0x3  }
0x10: {  	s26 =	sadd.s32 $0x14E00, s9;
	[dreg:$0x5] =	wrdreg s6;
	s3 =	sadd.s32 s3, s5  }
0x11: {  	s0 =	smax.u32 s0, $0x1;
	s9 =	simm.s32 $0xF;
	[dreg:$0x4] =	wrdreg s26  }
0x12: {  	s6 =	simm.s32 $0x0;
	s1 =	sadd.s32 s7, s1;
	[dreg:$0x6] =	wrdreg s3  }
0x13: {  	s5 =	sadd.s32 $0x1000, s8;
	[dreg:$0x9] =	wrdreg s0;
	s26 =	simm.s32 $0xB000  }
0x14: {  	s0 =	simm.s32 $0x4;
	s7 =	simm.s32 $0xD;
	[dreg:$0xa] =	wrdreg s6  }
0x15: {  	s8 =	simm.s32 $0xE;
	[dreg:$0x7] =	wrdreg s5;
	s1 =	sadd.s32 $0x1EC00, s1  }
0x16: {  	s5 =	simm.s32 $0xC;
	[dreg:$0x8] =	wrdreg s1;
	s1 =	simm.s32 $0x3  }
.LBB2_1:
0x17: {  	s6 =	simm.s32 $0x11;
	s3 =	rddreg [dreg:$0x4]  }
0x18: {  	[tilespmem:s12], [sflag:$0x11] =	stream.linear.gather [hbm4b:s3+s11], $0x4F00, $0x38;
	[tilespmem:$0x16E00] =	vst v63  }
0x19: {  	_ =	swait.ge [sflag:s6], $0x4F00  }
0x1a: {  	[sflag:s6] =	ssyncset.done $0x0  }
0x1b: {  	s3 =	rddreg [dreg:$0x5];
	[sflag:s6] =	ssyncadd.s32 $0xFFFFB100  }
0x1c: {  	[spmem:s3] =	stream.linear.scatter [tilespmem:s12], [sflag:$0x11], $0x4F00, $0x38;
	[tilespmem:$0x16E00] =	vst v63  }
0x1d: {  	_ =	swait.ge [sflag:s6], $0x4F00  }
0x1e: {  	[sflag:s6] =	ssyncset.done $0x0  }
0x1f: {  	[sflag:s6] =	ssyncadd.s32 $0xFFFFB100  }
0x20: {  	[bflag:$0x0] =	sbarrier.arrive $0xFFFF  }
0x21: {  	s12 =	rddreg [dreg:$0x6]  }
0x22: {  	[tilespmem:s11], [sflag:$0x11] =	stream.linear.gather [hbm4b:s12+s11], $0x2800, $0x38;
	[tilespmem:$0x16E00] =	vst v63  }
0x23: {  	_ =	swait.ge [sflag:s6], $0x2800  }
0x24: {  	[sflag:s6] =	ssyncset.done $0x0  }
0x25: {  	s12 =	simm.s32 $0x2800;
	s3 =	rddreg [dreg:$0x7];
	[sflag:s6] =	ssyncadd.s32 $0xFFFFD800  }
0x26: {  	[tilespmem:s12], [sflag:$0x11] =	stream.linear.gather [hbm4b:s3+s11], $0x2800, $0x38;
	[tilespmem:$0x16E00] =	vst v63  }
0x27: {  	_ =	swait.ge [sflag:s6], $0x2800  }
0x28: {  	[sflag:s6] =	ssyncset.done $0x0  }
0x29: {  	[sflag:s6] =	ssyncadd.s32 $0xFFFFD800  }
0x2a: {  	[tilespmem:s15], [sflag:$0x1] =	stream.indirect.gather [hbm4b:s4+s14], $0x20, s11, s14, $0xb8;
	[tilespmem:$0x16E00] =	vst v63  }
0x2b: {  	_ = 	snop  }
0x2c: {  	[tilespmem:s16], [sflag:$0x2] =	stream.indirect.gather [hbm4b:s4+s14], $0x20, s14, s14, $0xb8;
	[tilespmem:$0x16E00] =	vst v63  }
0x2d: {  	s6 =	simm.s32 $0x100  }
0x2e: {  	[tilespmem:s18], [sflag:$0x3] =	stream.indirect.gather [hbm4b:s4+s14], $0x20, s6, s14, $0xb8;
	[tilespmem:$0x16E00] =	vst v63  }
0x2f: {  	s11 =	simm.s32 $0x180  }
0x30: {  	[tilespmem:s20], [sflag:$0x4] =	stream.indirect.gather [hbm4b:s4+s14], $0x20, s11, s14, $0xb8;
	[tilespmem:$0x16E00] =	vst v63  }
0x31: {  	s12 =	simm.s32 $0x200  }
0x32: {  	[tilespmem:s22], [sflag:$0x5] =	stream.indirect.gather [hbm4b:s4+s14], $0x20, s12, s14, $0xb8;
	[tilespmem:$0x16E00] =	vst v63  }
0x33: {  	s6 =	simm.s32 $0x280  }
0x34: {  	[tilespmem:s24], [sflag:$0x6] =	stream.indirect.gather [hbm4b:s4+s14], $0x20, s6, s14, $0xb8;
	[tilespmem:$0x16E00] =	vst v63  }
0x35: {  	s11 =	simm.s32 $0x300  }
0x36: {  	[tilespmem:s26], [sflag:$0x7] =	stream.indirect.gather [hbm4b:s4+s14], $0x20, s11, s14, $0xb8;
	[tilespmem:$0x16E00] =	vst v63  }
0x37: {  	s12 =	simm.s32 $0x380  }
0x38: {  	[tilespmem:s29], [sflag:$0x8] =	stream.indirect.gather [hbm4b:s4+s14], $0x20, s12, s14, $0xb8;
	[tilespmem:$0x16E00] =	vst v63  }
0x39: {  	_ =	swait.ge [sflag:s30], $0x1000  }
0x3a: {  	[sflag:s30] =	ssyncset.done $0x0  }
0x3b: {  	s6 =	simm.s32 $0x2800;
	[sflag:s30] =	ssyncadd.s32 $0xFFFFF000  }
0x3c: {  	[spmem:s2] =	stream.indirect.scatter.add.f32 [tilespmem:s15], [sflag:$0x9], $0x20, s6, s14, $0xb8;
	[tilespmem:$0x16E00] =	vst v63  }
0x3d: {  	_ =	swait.ge [sflag:s31], $0x1000  }
0x3e: {  	[sflag:s31] =	ssyncset.done $0x0  }
0x3f: {  	s11 =	simm.s32 $0x2880;
	[sflag:s31] =	ssyncadd.s32 $0xFFFFF000  }
0x40: {  	[spmem:s2] =	stream.indirect.scatter.add.f32 [tilespmem:s16], [sflag:$0xA], $0x20, s11, s14, $0xb8;
	[tilespmem:$0x16E00] =	vst v63  }
0x41: {  	_ =	swait.ge [sflag:s1], $0x1000  }
0x42: {  	[sflag:s1] =	ssyncset.done $0x0  }
0x43: {  	s12 =	simm.s32 $0x2900;
	[sflag:s1] =	ssyncadd.s32 $0xFFFFF000  }
0x44: {  	[spmem:s2] =	stream.indirect.scatter.add.f32 [tilespmem:s18], [sflag:$0xB], $0x20, s12, s14, $0xb8;
	[tilespmem:$0x16E00] =	vst v63  }
0x45: {  	_ =	swait.ge [sflag:s0], $0x1000  }
0x46: {  	[sflag:s0] =	ssyncset.done $0x0  }
0x47: {  	s6 =	simm.s32 $0x2980;
	[sflag:s0] =	ssyncadd.s32 $0xFFFFF000  }
0x48: {  	[spmem:s2] =	stream.indirect.scatter.add.f32 [tilespmem:s20], [sflag:$0xC], $0x20, s6, s14, $0xb8;
	[tilespmem:$0x16E00] =	vst v63  }
0x49: {  	_ =	swait.ge [sflag:s13], $0x1000  }
0x4a: {  	[sflag:s13] =	ssyncset.done $0x0  }
0x4b: {  	s11 =	simm.s32 $0x2A00;
	[sflag:s13] =	ssyncadd.s32 $0xFFFFF000  }
0x4c: {  	[spmem:s2] =	stream.indirect.scatter.add.f32 [tilespmem:s22], [sflag:$0xD], $0x20, s11, s14, $0xb8;
	[tilespmem:$0x16E00] =	vst v63  }
0x4d: {  	_ =	swait.ge [sflag:s17], $0x1000  }
0x4e: {  	[sflag:s17] =	ssyncset.done $0x0  }
0x4f: {  	s12 =	simm.s32 $0x2A80;
	[sflag:s17] =	ssyncadd.s32 $0xFFFFF000  }
0x50: {  	[spmem:s2] =	stream.indirect.scatter.add.f32 [tilespmem:s24], [sflag:$0xE], $0x20, s12, s14, $0xb8;
	[tilespmem:$0x16E00] =	vst v63  }
0x51: {  	_ =	swait.ge [sflag:s19], $0x1000  }
0x52: {  	[sflag:s19] =	ssyncset.done $0x0  }
0x53: {  	s6 =	simm.s32 $0x2B00;
	[sflag:s19] =	ssyncadd.s32 $0xFFFFF000  }
0x54: {  	[spmem:s2] =	stream.indirect.scatter.add.f32 [tilespmem:s26], [sflag:$0xF], $0x20, s6, s14, $0xb8;
	[tilespmem:$0x16E00] =	vst v63  }
0x55: {  	_ =	swait.ge [sflag:s21], $0x1000  }
0x56: {  	[sflag:s21] =	ssyncset.done $0x0  }
0x57: {  	s11 =	simm.s32 $0x2B80;
	[sflag:s21] =	ssyncadd.s32 $0xFFFFF000  }
0x58: {  	[spmem:s2] =	stream.indirect.scatter.add.f32 [tilespmem:s29], [sflag:$0x10], $0x20, s11, s14, $0xb8;
	[tilespmem:$0x16E00] =	vst v63  }
0x59: {  	_ =	swait.ge [sflag:s23], $0x1000  }
0x5a: {  	[sflag:s23] =	ssyncset.done $0x0  }
0x5b: {  	s12 =	simm.s32 $0x400;
	[sflag:s23] =	ssyncadd.s32 $0xFFFFF000  }
0x5c: {  	[tilespmem:s15], [sflag:$0x1] =	stream.indirect.gather [hbm4b:s4+s14], $0x20, s12, s14, $0xb8;
	[tilespmem:$0x16E00] =	vst v63  }
0x5d: {  	_ =	swait.ge [sflag:s25], $0x1000  }
0x5e: {  	[sflag:s25] =	ssyncset.done $0x0  }
0x5f: {  	s6 =	simm.s32 $0x480;
	[sflag:s25] =	ssyncadd.s32 $0xFFFFF000  }
0x60: {  	[tilespmem:s16], [sflag:$0x2] =	stream.indirect.gather [hbm4b:s4+s14], $0x20, s6, s14, $0xb8;
	[tilespmem:$0x16E00] =	vst v63  }
0x61: {  	_ =	swait.ge [sflag:s28], $0x1000  }
0x62: {  	[sflag:s28] =	ssyncset.done $0x0  }
0x63: {  	s11 =	simm.s32 $0x500;
	[sflag:s28] =	ssyncadd.s32 $0xFFFFF000  }
0x64: {  	[tilespmem:s18], [sflag:$0x3] =	stream.indirect.gather [hbm4b:s4+s14], $0x20, s11, s14, $0xb8;
	[tilespmem:$0x16E00] =	vst v63  }
0x65: {  	_ =	swait.ge [sflag:s5], $0x1000  }
0x66: {  	[sflag:s5] =	ssyncset.done $0x0  }
0x67: {  	s12 =	simm.s32 $0x580;
	[sflag:s5] =	ssyncadd.s32 $0xFFFFF000  }
0x68: {  	[tilespmem:s20], [sflag:$0x4] =	stream.indirect.gather [hbm4b:s4+s14], $0x20, s12, s14, $0xb8;
	[tilespmem:$0x16E00] =	vst v63  }
0x69: {  	_ =	swait.ge [sflag:s7], $0x1000  }
0x6a: {  	[sflag:s7] =	ssyncset.done $0x0  }
0x6b: {  	s6 =	simm.s32 $0x600;
	[sflag:s7] =	ssyncadd.s32 $0xFFFFF000  }
0x6c: {  	[tilespmem:s22], [sflag:$0x5] =	stream.indirect.gather [hbm4b:s4+s14], $0x20, s6, s14, $0xb8;
	[tilespmem:$0x16E00] =	vst v63  }
0x6d: {  	_ =	swait.ge [sflag:s8], $0x1000  }
0x6e: {  	[sflag:s8] =	ssyncset.done $0x0  }
0x6f: {  	s11 =	simm.s32 $0x680;
	[sflag:s8] =	ssyncadd.s32 $0xFFFFF000  }
0x70: {  	[tilespmem:s24], [sflag:$0x6] =	stream.indirect.gather [hbm4b:s4+s14], $0x20, s11, s14, $0xb8;
	[tilespmem:$0x16E00] =	vst v63  }
0x71: {  	_ =	swait.ge [sflag:s9], $0x1000  }
0x72: {  	[sflag:s9] =	ssyncset.done $0x0  }
0x73: {  	s12 =	simm.s32 $0x700;
	[sflag:s9] =	ssyncadd.s32 $0xFFFFF000  }
0x74: {  	[tilespmem:s26], [sflag:$0x7] =	stream.indirect.gather [hbm4b:s4+s14], $0x20, s12, s14, $0xb8;
	[tilespmem:$0x16E00] =	vst v63  }
0x75: {  	_ =	swait.ge [sflag:s10], $0x1000  }
0x76: {  	[sflag:s10] =	ssyncset.done $0x0  }
0x77: {  	s3 =	simm.s32 $0x780;
	s11 =	simm.s32 $0x1000;
	[sflag:s10] =	ssyncadd.s32 $0xFFFFF000  }
.LBB2_2:
0x78: {  	[tilespmem:s29], [sflag:$0x8] =	stream.indirect.gather [hbm4b:s4+s14], $0x20, s3, s14, $0xb8;
	[tilespmem:$0x16E00] =	vst v63  }
0x79: {  	s3 =	smov.u32 s11  }
0x7a: {  	p0 =	sne.s32 s11, $0x8000;
	s11 =	sadd.s32 $0x1000, s11;
	_ =	swait.ge [sflag:s30], $0x1000  }
0x7b: {  	s3 =	sshra.s32 s3, $0x2;
	[sflag:s30] =	ssyncset.done $0x0  }
0x7c: {  	s6 =	sadd.s32 $0x2800, s3;
	[sflag:s30] =	ssyncadd.s32 $0xFFFFF000  }
0x7d: {  	[spmem:s2] =	stream.indirect.scatter.add.f32 [tilespmem:s15], [sflag:$0x9], $0x20, s6, s14, $0xb8;
	[tilespmem:$0x16E00] =	vst v63  }
0x7e: {  	_ =	swait.ge [sflag:s31], $0x1000  }
0x7f: {  	[sflag:s31] =	ssyncset.done $0x0  }
0x80: {  	s6 =	sadd.s32 $0x2880, s3;
	[sflag:s31] =	ssyncadd.s32 $0xFFFFF000  }
0x81: {  	[spmem:s2] =	stream.indirect.scatter.add.f32 [tilespmem:s16], [sflag:$0xA], $0x20, s6, s14, $0xb8;
	[tilespmem:$0x16E00] =	vst v63  }
0x82: {  	_ =	swait.ge [sflag:s1], $0x1000  }
0x83: {  	[sflag:s1] =	ssyncset.done $0x0  }
0x84: {  	s6 =	sadd.s32 $0x2900, s3;
	[sflag:s1] =	ssyncadd.s32 $0xFFFFF000  }
0x85: {  	[spmem:s2] =	stream.indirect.scatter.add.f32 [tilespmem:s18], [sflag:$0xB], $0x20, s6, s14, $0xb8;
	[tilespmem:$0x16E00] =	vst v63  }
0x86: {  	_ =	swait.ge [sflag:s0], $0x1000  }
0x87: {  	[sflag:s0] =	ssyncset.done $0x0  }
0x88: {  	s6 =	sadd.s32 $0x2980, s3;
	[sflag:s0] =	ssyncadd.s32 $0xFFFFF000  }
0x89: {  	[spmem:s2] =	stream.indirect.scatter.add.f32 [tilespmem:s20], [sflag:$0xC], $0x20, s6, s14, $0xb8;
	[tilespmem:$0x16E00] =	vst v63  }
0x8a: {  	_ =	swait.ge [sflag:s13], $0x1000  }
0x8b: {  	[sflag:s13] =	ssyncset.done $0x0  }
0x8c: {  	s6 =	sadd.s32 $0x2A00, s3;
	[sflag:s13] =	ssyncadd.s32 $0xFFFFF000  }
0x8d: {  	[spmem:s2] =	stream.indirect.scatter.add.f32 [tilespmem:s22], [sflag:$0xD], $0x20, s6, s14, $0xb8;
	[tilespmem:$0x16E00] =	vst v63  }
0x8e: {  	_ =	swait.ge [sflag:s17], $0x1000  }
0x8f: {  	[sflag:s17] =	ssyncset.done $0x0  }
0x90: {  	s6 =	sadd.s32 $0x2A80, s3;
	[sflag:s17] =	ssyncadd.s32 $0xFFFFF000  }
0x91: {  	[spmem:s2] =	stream.indirect.scatter.add.f32 [tilespmem:s24], [sflag:$0xE], $0x20, s6, s14, $0xb8;
	[tilespmem:$0x16E00] =	vst v63  }
0x92: {  	_ =	swait.ge [sflag:s19], $0x1000  }
0x93: {  	[sflag:s19] =	ssyncset.done $0x0  }
0x94: {  	s6 =	sadd.s32 $0x2B00, s3;
	[sflag:s19] =	ssyncadd.s32 $0xFFFFF000  }
0x95: {  	[spmem:s2] =	stream.indirect.scatter.add.f32 [tilespmem:s26], [sflag:$0xF], $0x20, s6, s14, $0xb8;
	[tilespmem:$0x16E00] =	vst v63  }
0x96: {  	_ =	swait.ge [sflag:s21], $0x1000  }
0x97: {  	[sflag:s21] =	ssyncset.done $0x0  }
0x98: {  	s6 =	sadd.s32 $0x2B80, s3;
	[sflag:s21] =	ssyncadd.s32 $0xFFFFF000  }
0x99: {  	[spmem:s2] =	stream.indirect.scatter.add.f32 [tilespmem:s29], [sflag:$0x10], $0x20, s6, s14, $0xb8;
	[tilespmem:$0x16E00] =	vst v63  }
0x9a: {  	_ =	swait.ge [sflag:s23], $0x1000  }
0x9b: {  	[sflag:s23] =	ssyncset.done $0x0  }
0x9c: {  	s6 =	sadd.s32 $0x400, s3;
	[sflag:s23] =	ssyncadd.s32 $0xFFFFF000  }
0x9d: {  	[tilespmem:s15], [sflag:$0x1] =	stream.indirect.gather [hbm4b:s4+s14], $0x20, s6, s14, $0xb8;
	[tilespmem:$0x16E00] =	vst v63  }
0x9e: {  	_ =	swait.ge [sflag:s25], $0x1000  }
0x9f: {  	[sflag:s25] =	ssyncset.done $0x0  }
0xa0: {  	s6 =	sadd.s32 $0x480, s3;
	[sflag:s25] =	ssyncadd.s32 $0xFFFFF000  }
0xa1: {  	[tilespmem:s16], [sflag:$0x2] =	stream.indirect.gather [hbm4b:s4+s14], $0x20, s6, s14, $0xb8;
	[tilespmem:$0x16E00] =	vst v63  }
0xa2: {  	_ =	swait.ge [sflag:s28], $0x1000  }
0xa3: {  	[sflag:s28] =	ssyncset.done $0x0  }
0xa4: {  	s6 =	sadd.s32 $0x500, s3;
	[sflag:s28] =	ssyncadd.s32 $0xFFFFF000  }
0xa5: {  	[tilespmem:s18], [sflag:$0x3] =	stream.indirect.gather [hbm4b:s4+s14], $0x20, s6, s14, $0xb8;
	[tilespmem:$0x16E00] =	vst v63  }
0xa6: {  	_ =	swait.ge [sflag:s5], $0x1000  }
0xa7: {  	[sflag:s5] =	ssyncset.done $0x0  }
0xa8: {  	s6 =	sadd.s32 $0x580, s3;
	[sflag:s5] =	ssyncadd.s32 $0xFFFFF000  }
0xa9: {  	[tilespmem:s20], [sflag:$0x4] =	stream.indirect.gather [hbm4b:s4+s14], $0x20, s6, s14, $0xb8;
	[tilespmem:$0x16E00] =	vst v63  }
0xaa: {  	_ =	swait.ge [sflag:s7], $0x1000  }
0xab: {  	[sflag:s7] =	ssyncset.done $0x0  }
0xac: {  	s6 =	sadd.s32 $0x600, s3;
	[sflag:s7] =	ssyncadd.s32 $0xFFFFF000  }
0xad: {  	[tilespmem:s22], [sflag:$0x5] =	stream.indirect.gather [hbm4b:s4+s14], $0x20, s6, s14, $0xb8;
	[tilespmem:$0x16E00] =	vst v63  }
0xae: {  	_ =	swait.ge [sflag:s8], $0x1000  }
0xaf: {  	[sflag:s8] =	ssyncset.done $0x0  }
0xb0: {  	s6 =	sadd.s32 $0x680, s3;
	[sflag:s8] =	ssyncadd.s32 $0xFFFFF000  }
0xb1: {  	[tilespmem:s24], [sflag:$0x6] =	stream.indirect.gather [hbm4b:s4+s14], $0x20, s6, s14, $0xb8;
	[tilespmem:$0x16E00] =	vst v63  }
0xb2: {  	_ =	swait.ge [sflag:s9], $0x1000  }
0xb3: {  	[sflag:s9] =	ssyncset.done $0x0  }
.Ltmp0:
0xb4: {  	s6 =	sadd.s32 $0x700, s3;
	[sflag:s9] =	ssyncadd.s32 $0xFFFFF000;
	(pc) =	sbr.rel @p0 .LBB2_2-.Ltmp0, $4  }
0xb5: {  	[tilespmem:s26], [sflag:$0x7] =	stream.indirect.gather [hbm4b:s4+s14], $0x20, s6, s14, $0xb8;
	[tilespmem:$0x16E00] =	vst v63  }
0xb6: {  	_ =	swait.ge [sflag:s10], $0x1000  }
0xb7: {  	[sflag:s10] =	ssyncset.done $0x0  }
0xb8: {  	s3 =	sadd.s32 $0x780, s3;
	[sflag:s10] =	ssyncadd.s32 $0xFFFFF000  }
0xb9: {  	[tilespmem:s29], [sflag:$0x8] =	stream.indirect.gather [hbm4b:s4+s14], $0x20, s3, s14, $0xb8;
	[tilespmem:$0x16E00] =	vst v63  }
0xba: {  	_ =	swait.ge [sflag:s30], $0x1000  }
0xbb: {  	[sflag:s30] =	ssyncset.done $0x0  }
0xbc: {  	s12 =	simm.s32 $0x4C00;
	[sflag:s30] =	ssyncadd.s32 $0xFFFFF000  }
0xbd: {  	[spmem:s2] =	stream.indirect.scatter.add.f32 [tilespmem:s15], [sflag:$0x9], $0x20, s12, s14, $0xb8;
	[tilespmem:$0x16E00] =	vst v63  }
0xbe: {  	_ =	swait.ge [sflag:s31], $0x1000  }
0xbf: {  	[sflag:s31] =	ssyncset.done $0x0  }
0xc0: {  	s6 =	simm.s32 $0x4C80;
	[sflag:s31] =	ssyncadd.s32 $0xFFFFF000  }
0xc1: {  	[spmem:s2] =	stream.indirect.scatter.add.f32 [tilespmem:s16], [sflag:$0xA], $0x20, s6, s14, $0xb8;
	[tilespmem:$0x16E00] =	vst v63  }
0xc2: {  	_ =	swait.ge [sflag:s1], $0x1000  }
0xc3: {  	[sflag:s1] =	ssyncset.done $0x0  }
0xc4: {  	s11 =	simm.s32 $0x4D00;
	[sflag:s1] =	ssyncadd.s32 $0xFFFFF000  }
0xc5: {  	[spmem:s2] =	stream.indirect.scatter.add.f32 [tilespmem:s18], [sflag:$0xB], $0x20, s11, s14, $0xb8;
	[tilespmem:$0x16E00] =	vst v63  }
0xc6: {  	_ =	swait.ge [sflag:s0], $0x1000  }
0xc7: {  	[sflag:s0] =	ssyncset.done $0x0  }
0xc8: {  	s12 =	simm.s32 $0x4D80;
	[sflag:s0] =	ssyncadd.s32 $0xFFFFF000  }
0xc9: {  	[spmem:s2] =	stream.indirect.scatter.add.f32 [tilespmem:s20], [sflag:$0xC], $0x20, s12, s14, $0xb8;
	[tilespmem:$0x16E00] =	vst v63  }
0xca: {  	_ =	swait.ge [sflag:s13], $0x1000  }
0xcb: {  	[sflag:s13] =	ssyncset.done $0x0  }
0xcc: {  	s6 =	simm.s32 $0x4E00;
	[sflag:s13] =	ssyncadd.s32 $0xFFFFF000  }
0xcd: {  	[spmem:s2] =	stream.indirect.scatter.add.f32 [tilespmem:s22], [sflag:$0xD], $0x20, s6, s14, $0xb8;
	[tilespmem:$0x16E00] =	vst v63  }
0xce: {  	_ =	swait.ge [sflag:s17], $0x1000  }
0xcf: {  	[sflag:s17] =	ssyncset.done $0x0  }
0xd0: {  	s11 =	simm.s32 $0x4E80;
	[sflag:s17] =	ssyncadd.s32 $0xFFFFF000  }
0xd1: {  	[spmem:s2] =	stream.indirect.scatter.add.f32 [tilespmem:s24], [sflag:$0xE], $0x20, s11, s14, $0xb8;
	[tilespmem:$0x16E00] =	vst v63  }
0xd2: {  	_ =	swait.ge [sflag:s19], $0x1000  }
0xd3: {  	[sflag:s19] =	ssyncset.done $0x0  }
0xd4: {  	s12 =	simm.s32 $0x4F00;
	[sflag:s19] =	ssyncadd.s32 $0xFFFFF000  }
0xd5: {  	[spmem:s2] =	stream.indirect.scatter.add.f32 [tilespmem:s26], [sflag:$0xF], $0x20, s12, s14, $0xb8;
	[tilespmem:$0x16E00] =	vst v63  }
0xd6: {  	_ =	swait.ge [sflag:s21], $0x1000  }
0xd7: {  	[sflag:s21] =	ssyncset.done $0x0  }
0xd8: {  	s6 =	simm.s32 $0x4F80;
	[sflag:s21] =	ssyncadd.s32 $0xFFFFF000  }
0xd9: {  	[spmem:s2] =	stream.indirect.scatter.add.f32 [tilespmem:s29], [sflag:$0x10], $0x20, s6, s14, $0xb8;
	[tilespmem:$0x16E00] =	vst v63  }
0xda: {  	_ =	swait.ge [sflag:s23], $0x1000  }
0xdb: {  	[sflag:s23] =	ssyncset.done $0x0  }
0xdc: {  	[sflag:s23] =	ssyncadd.s32 $0xFFFFF000  }
0xdd: {  	_ =	swait.ge [sflag:s25], $0x1000  }
0xde: {  	[sflag:s25] =	ssyncset.done $0x0  }
0xdf: {  	[sflag:s25] =	ssyncadd.s32 $0xFFFFF000  }
0xe0: {  	_ =	swait.ge [sflag:s28], $0x1000  }
0xe1: {  	[sflag:s28] =	ssyncset.done $0x0  }
0xe2: {  	[sflag:s28] =	ssyncadd.s32 $0xFFFFF000  }
0xe3: {  	_ =	swait.ge [sflag:s5], $0x1000  }
0xe4: {  	[sflag:s5] =	ssyncset.done $0x0  }
0xe5: {  	[sflag:s5] =	ssyncadd.s32 $0xFFFFF000  }
0xe6: {  	_ =	swait.ge [sflag:s7], $0x1000  }
0xe7: {  	[sflag:s7] =	ssyncset.done $0x0  }
0xe8: {  	[sflag:s7] =	ssyncadd.s32 $0xFFFFF000  }
0xe9: {  	_ =	swait.ge [sflag:s8], $0x1000  }
0xea: {  	[sflag:s8] =	ssyncset.done $0x0  }
0xeb: {  	[sflag:s8] =	ssyncadd.s32 $0xFFFFF000  }
0xec: {  	_ =	swait.ge [sflag:s9], $0x1000  }
0xed: {  	[sflag:s9] =	ssyncset.done $0x0  }
0xee: {  	[sflag:s9] =	ssyncadd.s32 $0xFFFFF000  }
0xef: {  	_ =	swait.ge [sflag:s10], $0x1000  }
0xf0: {  	[sflag:s10] =	ssyncset.done $0x0  }
0xf1: {  	[sflag:s10] =	ssyncadd.s32 $0xFFFFF000  }
0xf2: {  	[bflag:$0x0] =	sbarrier.arrive $0xFFFF  }
0xf3: {  	s12 =	simm.s32 $0xD000;
	s6 =	simm.s32 $0x11;
	s11 =	rddreg [dreg:$0x5]  }
0xf4: {  	[tilespmem:s12], [sflag:$0x11] =	stream.linear.gather [spmem:s11], $0x4F00, $0x38;
	[tilespmem:$0x16E00] =	vst v63  }
0xf5: {  	_ =	swait.ge [sflag:s6], $0x4F00  }
0xf6: {  	[sflag:s6] =	ssyncset.done $0x0  }
0xf7: {  	s11 =	simm.s32 $0x0;
	s3 =	rddreg [dreg:$0x8];
	[sflag:s6] =	ssyncadd.s32 $0xFFFFB100  }
0xf8: {  	[hbm4b:s3+s11] =	stream.linear.scatter [tilespmem:s12], [sflag:$0x11], $0x4F00, $0x38;
	[tilespmem:$0x16E00] =	vst v63  }
0xf9: {  	_ =	swait.ge [sflag:s6], $0x4F00  }
0xfa: {  	s3 =	rddreg [dreg:$0xa]  }
0xfb: {  	[sflag:s6] =	ssyncset.done $0x0;
	s6 =	rddreg [dreg:$0x9];
	s11 =	sadd.s32 $0x1, s3  }
0xfc: {  	p0 =	sne.s32 s11, s6  }
.Ltmp1:
0xfd: {  	_ = 	snop;
	(pc) =	sbr.rel @p0 .LBB2_1-.Ltmp1, $3  }
0xfe: {  	_ =	sdelay $0x1  }
0xff: {  	s6 =	simm.s32 $0x11  }
0x100: {  	[dreg:$0xa] =	wrdreg s11;
	s11 =	simm.s32 $0x0;
	[sflag:s6] =	ssyncadd.s32 $0xFFFFB100  }
0x101: {  	_ =	sfence.sel $0x180000  }
0x102: {  	[bflag:$0x0] =	sbarrier.arrive $0xFFFF  }
0x103: {  	_ =	strace $0x90000047  }
0x104: {  	s0 =	stileid.u32;
	[bflag:$0x2] =	sbarrier.arrive $0xFFFF  }
0x105: {  	p0 =	sne.s32 s0, $0x0;
	s0 =	rddreg [dreg:$0x3]  }
0x106: {  	s0 =	sadd.s32 @!p0 $0x100000, s0  }
0x107: {  	[sflag:s0] =	ssyncadd.tile.s32 @!p0 $0x1;
	_ =	shalt  }
.Lfunc_end2:
_tile_overlayer_lowered:
.L_overlay_start_2:
0x108: {  	(tag) =	ssettag $0x2  }
0x109: {  	s0 =	rddreg [dreg:$0x0];
	s2 =	stileid.u32  }
0x10a: {  	s1 =	rddreg [dreg:$0x1];
	p0 =	sne.s32 s2, $0x0  }
0x10b: {  	s3 =	rddreg [dreg:$0x2];
	[bflag:$0x3] =	sbarrier.arrive $0xFFFF;
	s2 =	simm.s32 @!p0 $0x1C11  }
0x10c: {  	[timem:s3], [sflag:s2] =	dma.local @!p0 [hbm:s0], s1  }
0x10d: {  	s0 =	simm.s32 @!p0 $0x11  }
0x10e: {  	_ =	swait.ge @!p0 [sflag:s0], s1  }
0x10f: {  	s1 =	ssub.s32 @!p0 $0x0, s1;
	[sflag:s0] =	ssyncset.done @!p0 $0x0  }
0x110: {  	[sflag:s0] =	ssyncadd.s32 @!p0 s1  }
0x111: {  	[bflag:$0x3] =	sbarrier.arrive $0xFFFF  }
0x112: {  	_ =	shalt  }

</sc_bundles>
